<compile_context>
chip_gen: v7x
topology: tpu7x:2x2x1
jax: 0.10.2.dev20260603
libtpu: 0.0.44.dev20260713+nightly
codegen_flags: <defaults>
</compile_context>

<pallas_src>
import functools

import jax
import jax.numpy as jnp
from jax import lax
from jax.experimental import pallas as pl
from jax.experimental.pallas import tpu as pltpu
from jax.experimental.pallas import tpu_sc as plsc

N = 1048576
NT = 32
E = N // NT
L = 16
NB = 32768
NBT = NB // NT
WIN1 = 2048
WIN5 = 16384
WINCAP = WIN5 + 32
WBUF = WIN5 + 128
GPAD = N + WBUF + 128
EPS = 1e-7

_mesh = plsc.VectorSubcoreMesh(core_axis_name="c", subcore_axis_name="s")


def _wid():
  return lax.axis_index("s") * 2 + lax.axis_index("c")


def _iota16():
  return lax.iota(jnp.int32, L)


def _bcast(v, l):
  return jnp.take_along_axis(v, jnp.full((L,), l, jnp.int32), axis=0)


def _sload(ref, i):
  return ref[0, pl.ds(i, L)][0]


@functools.partial(
    pl.kernel,
    out_type=jax.ShapeDtypeStruct((NT, NB), jnp.int32),
    mesh=_mesh,
    compiler_params=pltpu.CompilerParams(needs_layout_passes=False),
    scratch_types=[
        pltpu.VMEM((WIN1,), jnp.float32),
        pltpu.VMEM((NB,), jnp.int32),
    ],
)
def _p1(t_hbm, cnt_out, twin, hist):
  wid = _wid()

  def zero(i, _):
    hist[pl.ds(i * L, L)] = jnp.zeros((L,), jnp.int32)
    return 0

  lax.fori_loop(0, NB // L, zero, 0)

  def win(wi, _):
    base = wid * E + wi * WIN1
    pltpu.sync_copy(t_hbm.at[pl.ds(base, WIN1)], twin)

    def vreg(vi, _):
      t = twin[pl.ds(vi * L, L)]
      b = (t * jnp.float32(NB)).astype(jnp.int32)
      occ, last = plsc.scan_count(b)
      cur = plsc.load_gather(hist, [b])
      plsc.store_scatter(hist, [b], cur + occ, mask=last)
      return 0

    lax.fori_loop(0, WIN1 // L, vreg, 0)
    return 0

  lax.fori_loop(0, E // WIN1, win, 0)
  pltpu.sync_copy(hist, cnt_out.at[wid])


def _cs(x, axis):
  n = x.shape[axis]
  s = 1
  while s < n:
    shifted = lax.slice_in_dim(x, 0, n - s, axis=axis)
    if axis == 0:
      pad = jnp.zeros((s,) + x.shape[1:], x.dtype)
    else:
      pad = jnp.zeros(x.shape[:1] + (s,), x.dtype)
    x = x + jnp.concatenate([pad, shifted], axis=axis)
    s *= 2
  return x


def _p2_body(cnt_ref, base_ref, seg_ref):
  cnt = cnt_ref[...].astype(jnp.float32)
  chunkpre = _cs(cnt, 0) - cnt
  cc = jnp.sum(cnt, axis=0)
  R, C = NB // 128, 128
  y = cc.reshape(R, C)
  rowincl = _cs(y, 1)
  rowsum = rowincl[:, C - 1:C]
  rowoff = _cs(rowsum, 0) - rowsum
  gs = (rowincl - y + rowoff).reshape(1, NB)
  base_ref[...] = (gs + chunkpre).astype(jnp.int32)
  seg_ref[...] = jnp.concatenate(
      [gs.astype(jnp.int32), jnp.full((1, 128), N, jnp.int32)], axis=1)


def _p2(cnths):
  return pl.pallas_call(
      _p2_body,
      out_shape=[
          jax.ShapeDtypeStruct((NT, NB), jnp.int32),
          jax.ShapeDtypeStruct((1, NB + 128), jnp.int32),
      ],
  )(cnths)


@functools.partial(
    pl.kernel,
    out_type=[
        jax.ShapeDtypeStruct((GPAD,), jnp.float32),
        jax.ShapeDtypeStruct((GPAD,), jnp.float32),
        jax.ShapeDtypeStruct((GPAD,), jnp.int32),
    ],
    mesh=_mesh,
    compiler_params=pltpu.CompilerParams(needs_layout_passes=False),
    scratch_types=[
        pltpu.VMEM((WIN1,), jnp.float32),
        pltpu.VMEM((WIN1,), jnp.float32),
        pltpu.VMEM((NB,), jnp.int32),
        pltpu.VMEM((WIN1,), jnp.int32),
        pltpu.VMEM((WIN1,), jnp.float32),
        pltpu.VMEM((WIN1,), jnp.float32),
        pltpu.VMEM((WIN1,), jnp.int32),
        pltpu.VMEM((3 * WIN1,), jnp.float32),
        pltpu.SemaphoreType.DMA,
    ],
)
def _p3(t_hbm, p_hbm, base_hbm, gt, gw, gi,
        twin, pwin, cur, posb, tb, wb, ib, dumv, sem):
  wid = _wid()
  pltpu.sync_copy(base_hbm.at[wid], cur)
  nrow = WIN1 // 128

  def win(wi, _):
    off = wid * E + wi * WIN1
    pltpu.sync_copy(t_hbm.at[pl.ds(off, WIN1)], twin)
    pltpu.sync_copy(p_hbm.at[pl.ds(off, WIN1)], pwin)

    def vreg(vi, _):
      t = twin[pl.ds(vi * L, L)]
      p = pwin[pl.ds(vi * L, L)]
      b = (t * jnp.float32(NB)).astype(jnp.int32)
      occ, last = plsc.scan_count(b)
      c0 = plsc.load_gather(cur, [b])
      pos = c0 + occ - 1
      plsc.store_scatter(cur, [b], pos + 1, mask=last)
      posb[pl.ds(vi * L, L)] = pos
      tb[pl.ds(vi * L, L)] = t
      wb[pl.ds(vi * L, L)] = jnp.exp(p)
      ib[pl.ds(vi * L, L)] = off + vi * L + _iota16()
      return 0

    lax.fori_loop(0, WIN1 // L, vreg, 0)

    pltpu.async_copy(tb, gt.at[posb], sem)
    pltpu.async_copy(wb, gw.at[posb], sem)
    pltpu.async_copy(ib, gi.at[posb], sem)
    pltpu.make_async_copy(t_hbm.at[pl.ds(0, 3 * WIN1)], dumv, sem).wait()
    return 0

  lax.fori_loop(0, E // WIN1, win, 0)


@functools.partial(
    pl.kernel,
    out_type=jax.ShapeDtypeStruct((NT, L), jnp.float32),
    mesh=_mesh,
    compiler_params=pltpu.CompilerParams(needs_layout_passes=False),
    scratch_types=[
        pltpu.VMEM((WIN1,), jnp.float32),
        pltpu.VMEM((L,), jnp.float32),
        pltpu.VMEM((1, 128), jnp.int32),
        pltpu.VMEM((1, 128), jnp.int32),
    ],
)
def _p4(gw_hbm, seg_hbm, ts_out, wwin, accv, sma, smb):
  wid = _wid()
  pltpu.sync_copy(seg_hbm.at[pl.ds(0, 1), pl.ds(wid * NBT, 128)], sma)
  pltpu.sync_copy(seg_hbm.at[pl.ds(0, 1), pl.ds((wid + 1) * NBT, 128)], smb)
  lo = sma[0, pl.ds(0, L)][0]
  hi = smb[0, pl.ds(0, L)][0]
  start = pl.multiple_of(lax.bitwise_and(lo, jnp.int32(-16)), 16)
  nwin = (hi - start + WIN1 - 1) // WIN1

  def win(wi, acc):
    pltpu.sync_copy(gw_hbm.at[pl.ds(start + wi * WIN1, WIN1)], wwin)

    def vreg(vi, acc):
      w = wwin[pl.ds(vi * L, L)]
      pos = start + wi * WIN1 + vi * L + _iota16()
      ok = (pos >= lo) & (pos < hi)
      return acc + jnp.where(ok, w, jnp.float32(0.0))

    return lax.fori_loop(0, WIN1 // L, vreg, acc)

  acc = lax.fori_loop(0, nwin, win, jnp.zeros((L,), jnp.float32))
  accv[...] = acc
  pltpu.sync_copy(accv, ts_out.at[wid])


@functools.partial(
    pl.kernel,
    out_type=jax.ShapeDtypeStruct((GPAD,), jnp.float32),
    mesh=_mesh,
    compiler_params=pltpu.CompilerParams(needs_layout_passes=False),
    scratch_types=[
        pltpu.VMEM((WBUF,), jnp.float32),
        pltpu.VMEM((WBUF,), jnp.float32),
        pltpu.VMEM((WBUF,), jnp.int32),
        pltpu.VMEM((WBUF + 128,), jnp.float32),
        pltpu.VMEM((WBUF + 128,), jnp.int32),
        pltpu.VMEM((WBUF + 128,), jnp.float32),
        pltpu.VMEM((NT, L), jnp.float32),
        pltpu.VMEM((1, NBT + 128), jnp.int32),
        pltpu.SemaphoreType.DMA,
    ],
)
def _p5(gt_hbm, gw_hbm, gi_hbm, seg_hbm, ts_hbm, s_out,
        tw, ww, iw, sval, sidx, dumv, tsv, seg, sem):
  wid = _wid()
  pltpu.sync_copy(
      seg_hbm.at[pl.ds(0, 1), pl.ds(wid * NBT, NBT + 128)], seg)
  pltpu.sync_copy(ts_hbm, tsv)

  def addrow(i, a):
    return a + tsv[i]

  carry = jnp.sum(lax.fori_loop(0, wid, addrow, jnp.zeros((L,), jnp.float32)))
  wtot = jnp.sum(lax.fori_loop(0, NT, addrow, jnp.zeros((L,), jnp.float32)))
  nrow = WBUF // 128 + 1
  iota = _iota16()

  def outer_cond(st):
    kk, _ = st
    return kk < NBT

  def outer_body(st):
    kk_entry, r0 = st
    s0 = _sload(seg, kk_entry)
    ws = pl.multiple_of(lax.bitwise_and(s0, jnp.int32(-16)), 16)
    pltpu.sync_copy(gt_hbm.at[pl.ds(ws, WBUF)], tw)
    pltpu.sync_copy(gw_hbm.at[pl.ds(ws, WBUF)], ww)
    pltpu.sync_copy(gi_hbm.at[pl.ds(ws, WBUF)], iw)

    def dmp(q, _):
      flat = q * L + iota
      sidx[pl.ds(q * L, L)] = N + 16 + lax.bitwise_and(flat, 16383)
      return 0

    lax.fori_loop(0, (WBUF + 128) // L, dmp, 0)

    def inner_cond(st2):
      kk, _ = st2
      return (kk < NBT) & (
          (kk == kk_entry) | (_sload(seg, kk + 1) - ws <= WINCAP))

    def inner_body(st2):
      kk, r = st2
      s = _sload(seg, kk)
      e = _sload(seg, kk + 1)
      o = s - ws
      kcnt = jnp.minimum(e - s, WINCAP - o)
      nj = (kcnt + L - 1) // L
      oa = lax.bitwise_and(o, jnp.int32(-16))
      ni = (o - oa + kcnt + L - 1) // L

      def jsum(jj, a):
        w = ww[pl.ds(o + jj * L, L)]
        ok = (jj * L + iota) < kcnt
        return a + jnp.where(ok, w, jnp.float32(0.0))

      sb = jnp.sum(lax.fori_loop(0, nj, jsum, jnp.zeros((L,), jnp.float32)))
      sbase = wtot - (r + sb)

      def iloop(ii, _):
        io = oa + ii * L
        ti = tw[pl.ds(io, L)]
        ai = iw[pl.ds(io, L)]
        posi = io + iota
        vi = (posi >= o) & (posi < o + kcnt)

        def jloop(jj, acc):
          jo = o + jj * L
          tj = tw[pl.ds(jo, L)]
          aj = iw[pl.ds(jo, L)]
          wj = ww[pl.ds(jo, L)]
          wjv = jnp.where((jj * L + iota) < kcnt, wj, jnp.float32(0.0))
          for l in range(L):
            tb = _bcast(tj, l)
            ab = _bcast(aj, l)
            wb = _bcast(wjv, l)
            m = (tb > ti) | ((tb == ti) & (ab <= ai))
            acc = acc + jnp.where(m, wb, jnp.float32(0.0))
          return acc

        acc = lax.fori_loop(0, nj, jloop, jnp.zeros((L,), jnp.float32))
        oldv = sval[pl.ds(io, L)]
        oldi = sidx[pl.ds(io, L)]
        sval[pl.ds(io, L)] = jnp.where(vi, sbase + acc, oldv)
        sidx[pl.ds(io, L)] = jnp.where(vi, ai, oldi)
        return 0

      lax.fori_loop(0, ni, iloop, 0)
      return kk + 1, r + sb

    kk2, r2 = lax.while_loop(inner_cond, inner_body, (kk_entry, r0))

    pltpu.async_copy(sval, s_out.at[sidx], sem)
    pltpu.make_async_copy(
        gt_hbm.at[pl.ds(0, WBUF + 128)], dumv, sem).wait()
    return kk2, r2

  lax.while_loop(outer_cond, outer_body, (jnp.int32(0), carry))


def _p6_body(p_ref, c_ref, s_ref, nl_ref, ev_ref, loss_ref):
  i = pl.program_id(0)
  p = p_ref[...]
  c = c_ref[...]
  s = s_ref[...]
  contrib = c * (p - jnp.log(s + jnp.float32(EPS)))
  psum = jnp.sum(contrib)
  esum = jnp.sum(c)

  @pl.when(i == 0)
  def _():
    nl_ref[...] = psum.reshape(1, 1)
    ev_ref[...] = esum.reshape(1, 1)

  @pl.when(i != 0)
  def _():
    nl_ref[...] += psum.reshape(1, 1)
    ev_ref[...] += esum.reshape(1, 1)

  @pl.when(i == pl.num_programs(0) - 1)
  def _():
    loss_ref[...] = -nl_ref[...] / (ev_ref[...] + jnp.float32(EPS))


def _p6(p2d, c2d, s2d):
  g = 8
  rows = p2d.shape[0] // g
  bs = pl.BlockSpec((rows, p2d.shape[1]), lambda i: (i, 0))
  os = pl.BlockSpec((1, 1), lambda i: (0, 0))
  return pl.pallas_call(
      _p6_body,
      grid=(g,),
      in_specs=[bs, bs, bs],
      out_specs=[os, os, os],
      out_shape=[jax.ShapeDtypeStruct((1, 1), jnp.float32)] * 3,
  )(p2d, c2d, s2d)


def kernel(predictions, event_times, censored):
  cnths = _p1(event_times)
  base, seg = _p2(cnths)
  gt, gw, gi = _p3(event_times, predictions, base)
  ts = _p4(gw, seg)
  s_full = _p5(gt, gw, gi, seg, ts)
  shape2 = (512, 2048)
  _, _, loss = _p6(
      predictions.reshape(shape2),
      censored.reshape(shape2),
      s_full[:N].reshape(shape2),
  )
  return loss[0, 0]

# --- scband reference (transcript-rebuilt; emitter-appended) ---
"""Pipeline reference for scband-cox-loss-24550033064398 (READ-ONLY COPY).

The authoritative reference and input builder live on the scoring server;
editing this copy changes nothing except your own understanding.
"""

import jax, jax.numpy as jnp
import numpy as np

N = 1048576

def setup_inputs(seed: int = 0) -> dict:
    key = jax.random.key(seed)
    k1, k2, k3 = jax.random.split(key, 3)
    predictions = jax.random.normal(k1, (N,), dtype=jnp.float32)
    event_times = jax.random.uniform(k2, (N,), dtype=jnp.float32)
    censored = (jax.random.uniform(k3, (N,)) < 0.5).astype(jnp.float32)
    return {"predictions": predictions, "event_times": event_times, "censored": censored}

def reference(predictions, event_times, censored):
    epsilon = 1e-07
    # torch.sort(event_times, descending=True) -> indices
    indices = jnp.argsort(-event_times)
    p = jnp.take(predictions, indices)
    c = jnp.take(censored, indices)
    risk_scores = jnp.exp(p)
    cumulative_risk_scores = jnp.cumsum(risk_scores, axis=0)
    log_risk = jnp.log(cumulative_risk_scores + epsilon)
    uncensored_likelihood = p - log_risk
    censored_likelihood = uncensored_likelihood * c
    neg_likelihood = -jnp.sum(censored_likelihood)
    num_events = jnp.sum(c)
    loss = neg_likelihood / (num_events + epsilon)
    return loss

if __name__ == "__main__":
    import jax
    _d = setup_inputs()
    print(jax.jit(kernel)(*tuple(_d.values())))

</pallas_src>

<mosaic_0001>
#map = affine_map<(d0, d1) -> (0)>
#map1 = affine_map<(d0, d1) -> (0, 0)>
module attributes {stable_mosaic.version = 14 : i64} {
  func.func @_p3(%arg0: i32, %arg1: i32, %arg2: memref<1048576xf32, #tpu.memory_space<hbm>>, %arg3: memref<1048576xf32, #tpu.memory_space<hbm>>, %arg4: memref<32x32768xi32, #tpu.memory_space<hbm>>, %arg5: memref<1065216xf32, #tpu.memory_space<hbm>>, %arg6: memref<1065216xf32, #tpu.memory_space<hbm>>, %arg7: memref<1065216xi32, #tpu.memory_space<hbm>>, %arg8: memref<2048xf32, #tpu.memory_space<vmem>>, %arg9: memref<2048xf32, #tpu.memory_space<vmem>>, %arg10: memref<32768xi32, #tpu.memory_space<vmem>>, %arg11: memref<2048xi32, #tpu.memory_space<vmem>>, %arg12: memref<2048xf32, #tpu.memory_space<vmem>>, %arg13: memref<2048xf32, #tpu.memory_space<vmem>>, %arg14: memref<2048xi32, #tpu.memory_space<vmem>>, %arg15: memref<6144xf32, #tpu.memory_space<vmem>>, %arg16: memref<!tpu.dma_semaphore, #tpu.memory_space<semaphore_mem>>) attributes {dimension_semantics = [#tpu.dimension_semantics<core_parallel>, #tpu.dimension_semantics<subcore_parallel>], iteration_bounds = array<i64: 2, 16>, scalar_prefetch = 0 : i64, scratch_operands = 9 : i64, tpu.core_type = #tpu.core_type<sc_vector_subcore>, window_params = [{transform_indices = #map}, {transform_indices = #map}, {transform_indices = #map1}, {transform_indices = #map}, {transform_indices = #map}, {transform_indices = #map}]} {
    %mul3A = arith.constant 2 : i32
    %mul3A_0 = arith.muli %arg1, %mul3A : i32
    %add3A = arith.addi %mul3A_0, %arg0 : i32
    "tpu.region"() ({
      %run_scoped3A = tpu.sem_alloc : memref<!tpu.dma_semaphore, #tpu.memory_space<semaphore_mem>>
      %dma_start3A = arith.constant 0 : i32
      %dma_start3A_7 = tpu.memref_slice %arg4[%add3A, %dma_start3A] : memref<32x32768xi32, #tpu.memory_space<hbm>> -> memref<1x32768xi32, #tpu.memory_space<hbm>>
      %dma_start3A_8 = tpu.memref_squeeze %dma_start3A_7 : memref<1x32768xi32, #tpu.memory_space<hbm>> -> memref<32768xi32, #tpu.memory_space<hbm>>
      %dma_start3A_9 = arith.constant 0 : i32
      %dma_start3A_10 = tpu.memref_slice %arg4[%add3A, %dma_start3A_9] : memref<32x32768xi32, #tpu.memory_space<hbm>> -> memref<1x32768xi32, #tpu.memory_space<hbm>>
      %dma_start3A_11 = tpu.memref_squeeze %dma_start3A_10 : memref<1x32768xi32, #tpu.memory_space<hbm>> -> memref<32768xi32, #tpu.memory_space<hbm>>
      tpu.enqueue_dma source(%dma_start3A_11 : memref<32768xi32, #tpu.memory_space<hbm>>) target(%arg10 : memref<32768xi32, #tpu.memory_space<vmem>>) target_semaphore(%run_scoped3A : memref<!tpu.dma_semaphore, #tpu.memory_space<semaphore_mem>>)
      %dma_wait3A = arith.constant 0 : i32
      %dma_wait3A_12 = tpu.memref_slice %arg4[%add3A, %dma_wait3A] : memref<32x32768xi32, #tpu.memory_space<hbm>> -> memref<1x32768xi32, #tpu.memory_space<hbm>>
      %dma_wait3A_13 = tpu.memref_squeeze %dma_wait3A_12 : memref<1x32768xi32, #tpu.memory_space<hbm>> -> memref<32768xi32, #tpu.memory_space<hbm>>
      %dma_wait3A_14 = arith.constant 0 : i32
      %dma_wait3A_15 = tpu.memref_slice %arg4[%add3A, %dma_wait3A_14] : memref<32x32768xi32, #tpu.memory_space<hbm>> -> memref<1x32768xi32, #tpu.memory_space<hbm>>
      %dma_wait3A_16 = tpu.memref_squeeze %dma_wait3A_15 : memref<1x32768xi32, #tpu.memory_space<hbm>> -> memref<32768xi32, #tpu.memory_space<hbm>>
      tpu.wait_dma2 semaphore(%run_scoped3A : memref<!tpu.dma_semaphore, #tpu.memory_space<semaphore_mem>>) src(%dma_wait3A_16 : memref<32768xi32, #tpu.memory_space<hbm>>) dst(%arg10 : memref<32768xi32, #tpu.memory_space<vmem>>)
      tpu.yield
    }) : () -> ()
    %scan3A = arith.constant 0 : i32
    %scan3A_1 = arith.constant 0 : i32
    %scan3A_2 = arith.constant 16 : i32
    %scan3A_3 = arith.addi %scan3A_1, %scan3A_2 : i32
    %scan3A_4 = arith.constant 1 : i32
    %scan3A_5 = scf.for %scan3A_7 = %scan3A_1 to %scan3A_3 step %scan3A_4 iter_args(%scan3A_8 = %scan3A) -> (i32)  : i32 {
      %mul3A_9 = arith.constant 32768 : i32
      %mul3A_10 = arith.muli %add3A, %mul3A_9 : i32
      %mul3A_11 = arith.constant 2048 : i32
      %mul3A_12 = arith.muli %scan3A_7, %mul3A_11 : i32
      %add3A_13 = arith.addi %mul3A_10, %mul3A_12 : i32
      "tpu.region"() ({
        %run_scoped3A = tpu.sem_alloc : memref<!tpu.dma_semaphore, #tpu.memory_space<semaphore_mem>>
        %dma_start3A_30 = tpu.memref_slice %arg2[%add3A_13] : memref<1048576xf32, #tpu.memory_space<hbm>> -> memref<2048xf32, #tpu.memory_space<hbm>>
        %dma_start3A_31 = tpu.memref_slice %arg2[%add3A_13] : memref<1048576xf32, #tpu.memory_space<hbm>> -> memref<2048xf32, #tpu.memory_space<hbm>>
        tpu.enqueue_dma source(%dma_start3A_31 : memref<2048xf32, #tpu.memory_space<hbm>>) target(%arg8 : memref<2048xf32, #tpu.memory_space<vmem>>) target_semaphore(%run_scoped3A : memref<!tpu.dma_semaphore, #tpu.memory_space<semaphore_mem>>)
        %dma_wait3A_32 = tpu.memref_slice %arg2[%add3A_13] : memref<1048576xf32, #tpu.memory_space<hbm>> -> memref<2048xf32, #tpu.memory_space<hbm>>
        %dma_wait3A_33 = tpu.memref_slice %arg2[%add3A_13] : memref<1048576xf32, #tpu.memory_space<hbm>> -> memref<2048xf32, #tpu.memory_space<hbm>>
        tpu.wait_dma2 semaphore(%run_scoped3A : memref<!tpu.dma_semaphore, #tpu.memory_space<semaphore_mem>>) src(%dma_wait3A_33 : memref<2048xf32, #tpu.memory_space<hbm>>) dst(%arg8 : memref<2048xf32, #tpu.memory_space<vmem>>)
        tpu.yield
      }) : () -> ()
      "tpu.region"() ({
        %run_scoped3A = tpu.sem_alloc : memref<!tpu.dma_semaphore, #tpu.memory_space<semaphore_mem>>
        %dma_start3A_30 = tpu.memref_slice %arg3[%add3A_13] : memref<1048576xf32, #tpu.memory_space<hbm>> -> memref<2048xf32, #tpu.memory_space<hbm>>
        %dma_start3A_31 = tpu.memref_slice %arg3[%add3A_13] : memref<1048576xf32, #tpu.memory_space<hbm>> -> memref<2048xf32, #tpu.memory_space<hbm>>
        tpu.enqueue_dma source(%dma_start3A_31 : memref<2048xf32, #tpu.memory_space<hbm>>) target(%arg9 : memref<2048xf32, #tpu.memory_space<vmem>>) target_semaphore(%run_scoped3A : memref<!tpu.dma_semaphore, #tpu.memory_space<semaphore_mem>>)
        %dma_wait3A_32 = tpu.memref_slice %arg3[%add3A_13] : memref<1048576xf32, #tpu.memory_space<hbm>> -> memref<2048xf32, #tpu.memory_space<hbm>>
        %dma_wait3A_33 = tpu.memref_slice %arg3[%add3A_13] : memref<1048576xf32, #tpu.memory_space<hbm>> -> memref<2048xf32, #tpu.memory_space<hbm>>
        tpu.wait_dma2 semaphore(%run_scoped3A : memref<!tpu.dma_semaphore, #tpu.memory_space<semaphore_mem>>) src(%dma_wait3A_33 : memref<2048xf32, #tpu.memory_space<hbm>>) dst(%arg9 : memref<2048xf32, #tpu.memory_space<vmem>>)
        tpu.yield
      }) : () -> ()
      %scan3A_14 = arith.constant 0 : i32
      %scan3A_15 = arith.constant 0 : i32
      %scan3A_16 = arith.constant 128 : i32
      %scan3A_17 = arith.addi %scan3A_15, %scan3A_16 : i32
      %scan3A_18 = arith.constant 1 : i32
      %scan3A_19 = scf.for %scan3A_30 = %scan3A_15 to %scan3A_17 step %scan3A_18 iter_args(%scan3A_31 = %scan3A_14) -> (i32)  : i32 {
        %mul3A_32 = arith.constant 16 : i32
        %mul3A_33 = arith.muli %scan3A_30, %mul3A_32 : i32
        %get3A = arith.index_cast %mul3A_33 : i32 to index
        %get3A_34 = tpu.vector_load %arg8[%get3A] {strides = array<i32>} : memref<2048xf32, #tpu.memory_space<vmem>>, vector<16xf32>,
        %mul3A_35 = arith.constant 16 : i32
        %mul3A_36 = arith.muli %scan3A_30, %mul3A_35 : i32
        %get3A_37 = arith.index_cast %mul3A_36 : i32 to index
        %get3A_38 = tpu.vector_load %arg9[%get3A_37] {strides = array<i32>} : memref<2048xf32, #tpu.memory_space<vmem>>, vector<16xf32>,
        %mul3A_39 = arith.constant 3.276800e+04 : f32
        %mul3A_40 = vector.broadcast %mul3A_39 : f32 to vector<16xf32>
        %mul3A_41 = arith.mulf %get3A_34, %mul3A_40 : vector<16xf32>
        %convert_element_type3A = arith.fptosi %mul3A_41 : vector<16xf32> to vector<16xi32>
        %broadcast_in_dim3A = arith.constant true
        %broadcast_in_dim3A_42 = vector.broadcast %broadcast_in_dim3A : i1 to vector<16xi1>
        %unique3A, %unique3A_43 = tpu.scan_count mask(%broadcast_in_dim3A_42 : vector<16xi1>) value(%convert_element_type3A : vector<16xi32>) : vector<16xi1>, vector<16xi32>
        %gather3A = tpu.vector_load_idx %arg10[%convert_element_type3A] : memref<32768xi32, #tpu.memory_space<vmem>>[vector<16xi32>], vector<16xi32>,
        %add3A_44 = arith.addi %gather3A, %unique3A_43 : vector<16xi32>
        %sub3A = arith.constant 1 : i32
        %sub3A_45 = vector.broadcast %sub3A : i32 to vector<16xi32>
        %sub3A_46 = arith.subi %add3A_44, %sub3A_45 : vector<16xi32>
        %add3A_47 = arith.constant 1 : i32
        %add3A_48 = vector.broadcast %add3A_47 : i32 to vector<16xi32>
        %add3A_49 = arith.addi %sub3A_46, %add3A_48 : vector<16xi32>
        tpu.vector_store_idx %arg10[%convert_element_type3A], %add3A_49 masked %unique3A : memref<32768xi32, #tpu.memory_space<vmem>>[vector<16xi32>], vector<16xi32>, vector<16xi1>
        %mul3A_50 = arith.constant 16 : i32
        %mul3A_51 = arith.muli %scan3A_30, %mul3A_50 : i32
        %swap3A = arith.index_cast %mul3A_51 : i32 to index
        %swap3A_52 = tpu.vector_load %arg11[%swap3A] {strides = array<i32>} : memref<2048xi32, #tpu.memory_space<vmem>>, vector<16xi32>,
        tpu.vector_store %arg11[%swap3A], %sub3A_46 {strides = array<i32>} : memref<2048xi32, #tpu.memory_space<vmem>>, vector<16xi32>,
        %mul3A_53 = arith.constant 16 : i32
        %mul3A_54 = arith.muli %scan3A_30, %mul3A_53 : i32
        %swap3A_55 = arith.index_cast %mul3A_54 : i32 to index
        %swap3A_56 = tpu.vector_load %arg12[%swap3A_55] {strides = array<i32>} : memref<2048xf32, #tpu.memory_space<vmem>>, vector<16xf32>,
        tpu.vector_store %arg12[%swap3A_55], %get3A_34 {strides = array<i32>} : memref<2048xf32, #tpu.memory_space<vmem>>, vector<16xf32>,
        %exp3A = math.exp %get3A_38 : vector<16xf32>
        %mul3A_57 = arith.constant 16 : i32
        %mul3A_58 = arith.muli %scan3A_30, %mul3A_57 : i32
        %swap3A_59 = arith.index_cast %mul3A_58 : i32 to index
        %swap3A_60 = tpu.vector_load %arg13[%swap3A_59] {strides = array<i32>} : memref<2048xf32, #tpu.memory_space<vmem>>, vector<16xf32>,
        tpu.vector_store %arg13[%swap3A_59], %exp3A {strides = array<i32>} : memref<2048xf32, #tpu.memory_space<vmem>>, vector<16xf32>,
        %mul3A_61 = arith.constant 16 : i32
        %mul3A_62 = arith.muli %scan3A_30, %mul3A_61 : i32
        %add3A_63 = arith.addi %add3A_13, %mul3A_62 : i32
        %iota3A = tpu.iota {dimensions = array<i32: 0>} : vector<16xi32>
        %add3A_64 = vector.broadcast %add3A_63 : i32 to vector<16xi32>
        %add3A_65 = arith.addi %add3A_64, %iota3A : vector<16xi32>
        %mul3A_66 = arith.constant 16 : i32
        %mul3A_67 = arith.muli %scan3A_30, %mul3A_66 : i32
        %swap3A_68 = arith.index_cast %mul3A_67 : i32 to index
        %swap3A_69 = tpu.vector_load %arg14[%swap3A_68] {strides = array<i32>} : memref<2048xi32, #tpu.memory_space<vmem>>, vector<16xi32>,
        tpu.vector_store %arg14[%swap3A_68], %add3A_65 {strides = array<i32>} : memref<2048xi32, #tpu.memory_space<vmem>>, vector<16xi32>,
        %scan3A_70 = arith.constant 0 : i32
        scf.yield %scan3A_70 : i32
      }
      %scan3A_20 = arith.constant 128 : i32
      %dma_start3A = arith.constant 0 : i32
      %dma_start3A_21 = tpu.memref_slice %arg5[%dma_start3A] : memref<1065216xf32, #tpu.memory_space<hbm>> -> memref<1065216xf32, #tpu.memory_space<hbm>>
      tpu.enqueue_indirect_dma source(%arg12 : memref<2048xf32, #tpu.memory_space<vmem>>) target(%dma_start3A_21 : memref<1065216xf32, #tpu.memory_space<hbm>>) offsets(%arg11 : memref<2048xi32, #tpu.memory_space<vmem>>) semaphore(%arg16 : memref<!tpu.dma_semaphore, #tpu.memory_space<semaphore_mem>>)
      %dma_start3A_22 = arith.constant 0 : i32
      %dma_start3A_23 = tpu.memref_slice %arg6[%dma_start3A_22] : memref<1065216xf32, #tpu.memory_space<hbm>> -> memref<1065216xf32, #tpu.memory_space<hbm>>
      tpu.enqueue_indirect_dma source(%arg13 : memref<2048xf32, #tpu.memory_space<vmem>>) target(%dma_start3A_23 : memref<1065216xf32, #tpu.memory_space<hbm>>) offsets(%arg11 : memref<2048xi32, #tpu.memory_space<vmem>>) semaphore(%arg16 : memref<!tpu.dma_semaphore, #tpu.memory_space<semaphore_mem>>)
      %dma_start3A_24 = arith.constant 0 : i32
      %dma_start3A_25 = tpu.memref_slice %arg7[%dma_start3A_24] : memref<1065216xi32, #tpu.memory_space<hbm>> -> memref<1065216xi32, #tpu.memory_space<hbm>>
      tpu.enqueue_indirect_dma source(%arg14 : memref<2048xi32, #tpu.memory_space<vmem>>) target(%dma_start3A_25 : memref<1065216xi32, #tpu.memory_space<hbm>>) offsets(%arg11 : memref<2048xi32, #tpu.memory_space<vmem>>) semaphore(%arg16 : memref<!tpu.dma_semaphore, #tpu.memory_space<semaphore_mem>>)
      %dma_wait3A = arith.constant 0 : i32
      %dma_wait3A_26 = tpu.memref_slice %arg2[%dma_wait3A] : memref<1048576xf32, #tpu.memory_space<hbm>> -> memref<6144xf32, #tpu.memory_space<hbm>>
      %dma_wait3A_27 = arith.constant 0 : i32
      %dma_wait3A_28 = tpu.memref_slice %arg2[%dma_wait3A_27] : memref<1048576xf32, #tpu.memory_space<hbm>> -> memref<6144xf32, #tpu.memory_space<hbm>>
      tpu.wait_dma2 semaphore(%arg16 : memref<!tpu.dma_semaphore, #tpu.memory_space<semaphore_mem>>) src(%dma_wait3A_28 : memref<6144xf32, #tpu.memory_space<hbm>>) dst(%arg15 : memref<6144xf32, #tpu.memory_space<vmem>>)
      %scan3A_29 = arith.constant 0 : i32
      scf.yield %scan3A_29 : i32
    }
    %scan3A_6 = arith.constant 16 : i32
    return
  }
}

#map = affine_map<(d0, d1) -> (0)>
#map1 = affine_map<(d0, d1) -> (0, 0)>
module attributes {stable_mosaic.version = 14 : i64} {
  func.func @_p4(%arg0: i32, %arg1: i32, %arg2: memref<1065216xf32, #tpu.memory_space<hbm>>, %arg3: memref<1x32896xi32, #tpu.memory_space<hbm>>, %arg4: memref<32x16xf32, #tpu.memory_space<hbm>>, %arg5: memref<2048xf32, #tpu.memory_space<vmem>>, %arg6: memref<16xf32, #tpu.memory_space<vmem>>, %arg7: memref<1x128xi32, #tpu.memory_space<vmem>>, %arg8: memref<1x128xi32, #tpu.memory_space<vmem>>) attributes {dimension_semantics = [#tpu.dimension_semantics<core_parallel>, #tpu.dimension_semantics<subcore_parallel>], iteration_bounds = array<i64: 2, 16>, scalar_prefetch = 0 : i64, scratch_operands = 4 : i64, tpu.core_type = #tpu.core_type<sc_vector_subcore>, window_params = [{transform_indices = #map}, {transform_indices = #map1}, {transform_indices = #map1}]} {
    %mul3A = arith.constant 2 : i32
    %mul3A_0 = arith.muli %arg1, %mul3A : i32
    %add3A = arith.addi %mul3A_0, %arg0 : i32
    %mul3A_1 = arith.constant 1024 : i32
    %mul3A_2 = arith.muli %add3A, %mul3A_1 : i32
    "tpu.region"() ({
      %run_scoped3A = tpu.sem_alloc : memref<!tpu.dma_semaphore, #tpu.memory_space<semaphore_mem>>
      %dma_start3A = arith.constant 0 : i32
      %dma_start3A_51 = tpu.memref_slice %arg3[%dma_start3A, %mul3A_2] : memref<1x32896xi32, #tpu.memory_space<hbm>> -> memref<1x128xi32, #tpu.memory_space<hbm>>
      %dma_start3A_52 = arith.constant 0 : i32
      %dma_start3A_53 = tpu.memref_slice %arg3[%dma_start3A_52, %mul3A_2] : memref<1x32896xi32, #tpu.memory_space<hbm>> -> memref<1x128xi32, #tpu.memory_space<hbm>>
      tpu.enqueue_dma source(%dma_start3A_53 : memref<1x128xi32, #tpu.memory_space<hbm>>) target(%arg7 : memref<1x128xi32, #tpu.memory_space<vmem>>) target_semaphore(%run_scoped3A : memref<!tpu.dma_semaphore, #tpu.memory_space<semaphore_mem>>)
      %dma_wait3A = arith.constant 0 : i32
      %dma_wait3A_54 = tpu.memref_slice %arg3[%dma_wait3A, %mul3A_2] : memref<1x32896xi32, #tpu.memory_space<hbm>> -> memref<1x128xi32, #tpu.memory_space<hbm>>
      %dma_wait3A_55 = arith.constant 0 : i32
      %dma_wait3A_56 = tpu.memref_slice %arg3[%dma_wait3A_55, %mul3A_2] : memref<1x32896xi32, #tpu.memory_space<hbm>> -> memref<1x128xi32, #tpu.memory_space<hbm>>
      tpu.wait_dma2 semaphore(%run_scoped3A : memref<!tpu.dma_semaphore, #tpu.memory_space<semaphore_mem>>) src(%dma_wait3A_56 : memref<1x128xi32, #tpu.memory_space<hbm>>) dst(%arg7 : memref<1x128xi32, #tpu.memory_space<vmem>>)
      tpu.yield
    }) : () -> ()
    %add3A_3 = arith.constant 1 : i32
    %add3A_4 = arith.addi %add3A, %add3A_3 : i32
    %mul3A_5 = arith.constant 1024 : i32
    %mul3A_6 = arith.muli %add3A_4, %mul3A_5 : i32
    "tpu.region"() ({
      %run_scoped3A = tpu.sem_alloc : memref<!tpu.dma_semaphore, #tpu.memory_space<semaphore_mem>>
      %dma_start3A = arith.constant 0 : i32
      %dma_start3A_51 = tpu.memref_slice %arg3[%dma_start3A, %mul3A_6] : memref<1x32896xi32, #tpu.memory_space<hbm>> -> memref<1x128xi32, #tpu.memory_space<hbm>>
      %dma_start3A_52 = arith.constant 0 : i32
      %dma_start3A_53 = tpu.memref_slice %arg3[%dma_start3A_52, %mul3A_6] : memref<1x32896xi32, #tpu.memory_space<hbm>> -> memref<1x128xi32, #tpu.memory_space<hbm>>
      tpu.enqueue_dma source(%dma_start3A_53 : memref<1x128xi32, #tpu.memory_space<hbm>>) target(%arg8 : memref<1x128xi32, #tpu.memory_space<vmem>>) target_semaphore(%run_scoped3A : memref<!tpu.dma_semaphore, #tpu.memory_space<semaphore_mem>>)
      %dma_wait3A = arith.constant 0 : i32
      %dma_wait3A_54 = tpu.memref_slice %arg3[%dma_wait3A, %mul3A_6] : memref<1x32896xi32, #tpu.memory_space<hbm>> -> memref<1x128xi32, #tpu.memory_space<hbm>>
      %dma_wait3A_55 = arith.constant 0 : i32
      %dma_wait3A_56 = tpu.memref_slice %arg3[%dma_wait3A_55, %mul3A_6] : memref<1x32896xi32, #tpu.memory_space<hbm>> -> memref<1x128xi32, #tpu.memory_space<hbm>>
      tpu.wait_dma2 semaphore(%run_scoped3A : memref<!tpu.dma_semaphore, #tpu.memory_space<semaphore_mem>>) src(%dma_wait3A_56 : memref<1x128xi32, #tpu.memory_space<hbm>>) dst(%arg8 : memref<1x128xi32, #tpu.memory_space<vmem>>)
      tpu.yield
    }) : () -> ()
    %get3A = arith.constant 0 : i32
    %get3A_7 = arith.index_cast %get3A : i32 to index
    %get3A_8 = arith.constant 0 : index
    %get3A_9 = tpu.vector_load %arg7[%get3A_7, %get3A_8] {strides = array<i32>} : memref<1x128xi32, #tpu.memory_space<vmem>>, vector<16xi32>,
    %slice3A = vector.extract_strided_slice %get3A_9 {offsets = [0], sizes = [1], strides = [1]} : vector<16xi32> to vector<1xi32>
    %squeeze3A = vector.extract %slice3A[0] : i32 from vector<1xi32>
    %get3A_10 = arith.constant 0 : i32
    %get3A_11 = arith.index_cast %get3A_10 : i32 to index
    %get3A_12 = arith.constant 0 : index
    %get3A_13 = tpu.vector_load %arg8[%get3A_11, %get3A_12] {strides = array<i32>} : memref<1x128xi32, #tpu.memory_space<vmem>>, vector<16xi32>,
    %slice3A_14 = vector.extract_strided_slice %get3A_13 {offsets = [0], sizes = [1], strides = [1]} : vector<16xi32> to vector<1xi32>
    %squeeze3A_15 = vector.extract %slice3A_14[0] : i32 from vector<1xi32>
    %and3A = arith.constant -16 : i32
    %and3A_16 = arith.andi %squeeze3A, %and3A : i32
    %multiple_of3A = tpu.assume_multiple %and3A_16, 16 : i32
    %sub3A = arith.subi %squeeze3A_15, %multiple_of3A : i32
    %add3A_17 = arith.constant 2048 : i32
    %add3A_18 = arith.addi %sub3A, %add3A_17 : i32
    %sub3A_19 = arith.constant 1 : i32
    %sub3A_20 = arith.subi %add3A_18, %sub3A_19 : i32
    %jit3A = arith.constant 2048 : i32
    %div3A = arith.divsi %sub3A_20, %jit3A : i32
    %sign3A = arith.constant 0 : i32
    %sign3A_21 = arith.cmpi sgt, %sub3A_20, %sign3A : i32
    %sign3A_22 = arith.extui %sign3A_21 : i1 to i32
    %sign3A_23 = arith.constant 0 : i32
    %sign3A_24 = arith.cmpi slt, %sub3A_20, %sign3A_23 : i32
    %sign3A_25 = arith.extui %sign3A_24 : i1 to i32
    %sign3A_26 = arith.subi %sign3A_22, %sign3A_25 : i32
    %sign3A_27 = arith.constant 0 : i32
    %sign3A_28 = arith.cmpi sgt, %jit3A, %sign3A_27 : i32
    %sign3A_29 = arith.extui %sign3A_28 : i1 to i32
    %sign3A_30 = arith.constant 0 : i32
    %sign3A_31 = arith.cmpi slt, %jit3A, %sign3A_30 : i32
    %sign3A_32 = arith.extui %sign3A_31 : i1 to i32
    %sign3A_33 = arith.subi %sign3A_29, %sign3A_32 : i32
    %ne3A = arith.cmpi ne, %sign3A_26, %sign3A_33 : i32
    %rem3A = arith.remsi %sub3A_20, %jit3A : i32
    %ne3A_34 = arith.constant 0 : i32
    %ne3A_35 = arith.cmpi ne, %rem3A, %ne3A_34 : i32
    %and3A_36 = arith.andi %ne3A, %ne3A_35 : i1
    %sub3A_37 = arith.constant 1 : i32
    %sub3A_38 = arith.subi %div3A, %sub3A_37 : i32
    %select_n3A = arith.select %and3A_36, %sub3A_38, %div3A : i32
    %broadcast_in_dim3A = arith.constant 0.000000e+00 : f32
    %broadcast_in_dim3A_39 = vector.broadcast %broadcast_in_dim3A : f32 to vector<16xf32>
    %while3A = arith.constant 0 : i32
    %while3A_40 = arith.subi %select_n3A, %while3A : i32
    %while3A_41 = arith.addi %while3A, %while3A_40 : i32
    %while3A_42 = arith.constant 1 : i32
    %while3A_43 = arith.divsi %while3A_40, %while3A_42 : i32
    %while3A_44 = arith.muli %while3A_43, %while3A_42 : i32
    %while3A_45 = arith.addi %while3A, %while3A_44 : i32
    %while3A_46 = arith.constant 1 : i32
    %while3A_47 = scf.for %while3A_51 = %while3A to %while3A_45 step %while3A_46 iter_args(%while3A_52 = %broadcast_in_dim3A_39) -> (vector<16xf32>)  : i32 {
      %mul3A_53 = arith.constant 2048 : i32
      %mul3A_54 = arith.muli %while3A_51, %mul3A_53 : i32
      %add3A_55 = arith.addi %multiple_of3A, %mul3A_54 : i32
      "tpu.region"() ({
        %run_scoped3A = tpu.sem_alloc : memref<!tpu.dma_semaphore, #tpu.memory_space<semaphore_mem>>
        %dma_start3A = tpu.memref_slice %arg2[%add3A_55] : memref<1065216xf32, #tpu.memory_space<hbm>> -> memref<2048xf32, #tpu.memory_space<hbm>>
        %dma_start3A_61 = tpu.memref_slice %arg2[%add3A_55] : memref<1065216xf32, #tpu.memory_space<hbm>> -> memref<2048xf32, #tpu.memory_space<hbm>>
        tpu.enqueue_dma source(%dma_start3A_61 : memref<2048xf32, #tpu.memory_space<hbm>>) target(%arg5 : memref<2048xf32, #tpu.memory_space<vmem>>) target_semaphore(%run_scoped3A : memref<!tpu.dma_semaphore, #tpu.memory_space<semaphore_mem>>)
        %dma_wait3A = tpu.memref_slice %arg2[%add3A_55] : memref<1065216xf32, #tpu.memory_space<hbm>> -> memref<2048xf32, #tpu.memory_space<hbm>>
        %dma_wait3A_62 = tpu.memref_slice %arg2[%add3A_55] : memref<1065216xf32, #tpu.memory_space<hbm>> -> memref<2048xf32, #tpu.memory_space<hbm>>
        tpu.wait_dma2 semaphore(%run_scoped3A : memref<!tpu.dma_semaphore, #tpu.memory_space<semaphore_mem>>) src(%dma_wait3A_62 : memref<2048xf32, #tpu.memory_space<hbm>>) dst(%arg5 : memref<2048xf32, #tpu.memory_space<vmem>>)
        tpu.yield
      }) : () -> ()
      %scan3A = arith.constant 0 : i32
      %scan3A_56 = arith.constant 128 : i32
      %scan3A_57 = arith.addi %scan3A, %scan3A_56 : i32
      %scan3A_58 = arith.constant 1 : i32
      %scan3A_59 = scf.for %scan3A_61 = %scan3A to %scan3A_57 step %scan3A_58 iter_args(%scan3A_62 = %while3A_52) -> (vector<16xf32>)  : i32 {
        %mul3A_63 = arith.constant 16 : i32
        %mul3A_64 = arith.muli %scan3A_61, %mul3A_63 : i32
        %get3A_65 = arith.index_cast %mul3A_64 : i32 to index
        %get3A_66 = tpu.vector_load %arg5[%get3A_65] {strides = array<i32>} : memref<2048xf32, #tpu.memory_space<vmem>>, vector<16xf32>,
        %mul3A_67 = arith.constant 2048 : i32
        %mul3A_68 = arith.muli %while3A_51, %mul3A_67 : i32
        %add3A_69 = arith.addi %multiple_of3A, %mul3A_68 : i32
        %mul3A_70 = arith.constant 16 : i32
        %mul3A_71 = arith.muli %scan3A_61, %mul3A_70 : i32
        %add3A_72 = arith.addi %add3A_69, %mul3A_71 : i32
        %iota3A = tpu.iota {dimensions = array<i32: 0>} : vector<16xi32>
        %add3A_73 = vector.broadcast %add3A_72 : i32 to vector<16xi32>
        %add3A_74 = arith.addi %add3A_73, %iota3A : vector<16xi32>
        %ge3A = vector.broadcast %squeeze3A : i32 to vector<16xi32>
        %ge3A_75 = arith.cmpi sge, %add3A_74, %ge3A : vector<16xi32>
        %lt3A = vector.broadcast %squeeze3A_15 : i32 to vector<16xi32>
        %lt3A_76 = arith.cmpi slt, %add3A_74, %lt3A : vector<16xi32>
        %and3A_77 = arith.andi %ge3A_75, %lt3A_76 : vector<16xi1>
        %jit3A_78 = arith.constant 0.000000e+00 : f32
        %broadcast_in_dim3A_79 = vector.broadcast %jit3A_78 : f32 to vector<16xf32>
        %select_n3A_80 = arith.select %and3A_77, %get3A_66, %broadcast_in_dim3A_79 : vector<16xi1>, vector<16xf32>
        %add3A_81 = arith.addf %scan3A_62, %select_n3A_80 : vector<16xf32>
        scf.yield %add3A_81 : vector<16xf32>
      }
      %scan3A_60 = arith.constant 128 : i32
      scf.yield %scan3A_59 : vector<16xf32>
    }
    %while3A_48 = arith.constant 1 : i32
    %while3A_49 = scf.for %while3A_51 = %while3A_45 to %while3A_41 step %while3A_48 iter_args(%while3A_52 = %while3A_47) -> (vector<16xf32>)  : i32 {
      %mul3A_53 = arith.constant 2048 : i32
      %mul3A_54 = arith.muli %while3A_51, %mul3A_53 : i32
      %add3A_55 = arith.addi %multiple_of3A, %mul3A_54 : i32
      "tpu.region"() ({
        %run_scoped3A = tpu.sem_alloc : memref<!tpu.dma_semaphore, #tpu.memory_space<semaphore_mem>>
        %dma_start3A = tpu.memref_slice %arg2[%add3A_55] : memref<1065216xf32, #tpu.memory_space<hbm>> -> memref<2048xf32, #tpu.memory_space<hbm>>
        %dma_start3A_61 = tpu.memref_slice %arg2[%add3A_55] : memref<1065216xf32, #tpu.memory_space<hbm>> -> memref<2048xf32, #tpu.memory_space<hbm>>
        tpu.enqueue_dma source(%dma_start3A_61 : memref<2048xf32, #tpu.memory_space<hbm>>) target(%arg5 : memref<2048xf32, #tpu.memory_space<vmem>>) target_semaphore(%run_scoped3A : memref<!tpu.dma_semaphore, #tpu.memory_space<semaphore_mem>>)
        %dma_wait3A = tpu.memref_slice %arg2[%add3A_55] : memref<1065216xf32, #tpu.memory_space<hbm>> -> memref<2048xf32, #tpu.memory_space<hbm>>
        %dma_wait3A_62 = tpu.memref_slice %arg2[%add3A_55] : memref<1065216xf32, #tpu.memory_space<hbm>> -> memref<2048xf32, #tpu.memory_space<hbm>>
        tpu.wait_dma2 semaphore(%run_scoped3A : memref<!tpu.dma_semaphore, #tpu.memory_space<semaphore_mem>>) src(%dma_wait3A_62 : memref<2048xf32, #tpu.memory_space<hbm>>) dst(%arg5 : memref<2048xf32, #tpu.memory_space<vmem>>)
        tpu.yield
      }) : () -> ()
      %scan3A = arith.constant 0 : i32
      %scan3A_56 = arith.constant 128 : i32
      %scan3A_57 = arith.addi %scan3A, %scan3A_56 : i32
      %scan3A_58 = arith.constant 1 : i32
      %scan3A_59 = scf.for %scan3A_61 = %scan3A to %scan3A_57 step %scan3A_58 iter_args(%scan3A_62 = %while3A_52) -> (vector<16xf32>)  : i32 {
        %mul3A_63 = arith.constant 16 : i32
        %mul3A_64 = arith.muli %scan3A_61, %mul3A_63 : i32
        %get3A_65 = arith.index_cast %mul3A_64 : i32 to index
        %get3A_66 = tpu.vector_load %arg5[%get3A_65] {strides = array<i32>} : memref<2048xf32, #tpu.memory_space<vmem>>, vector<16xf32>,
        %mul3A_67 = arith.constant 2048 : i32
        %mul3A_68 = arith.muli %while3A_51, %mul3A_67 : i32
        %add3A_69 = arith.addi %multiple_of3A, %mul3A_68 : i32
        %mul3A_70 = arith.constant 16 : i32
        %mul3A_71 = arith.muli %scan3A_61, %mul3A_70 : i32
        %add3A_72 = arith.addi %add3A_69, %mul3A_71 : i32
        %iota3A = tpu.iota {dimensions = array<i32: 0>} : vector<16xi32>
        %add3A_73 = vector.broadcast %add3A_72 : i32 to vector<16xi32>
        %add3A_74 = arith.addi %add3A_73, %iota3A : vector<16xi32>
        %ge3A = vector.broadcast %squeeze3A : i32 to vector<16xi32>
        %ge3A_75 = arith.cmpi sge, %add3A_74, %ge3A : vector<16xi32>
        %lt3A = vector.broadcast %squeeze3A_15 : i32 to vector<16xi32>
        %lt3A_76 = arith.cmpi slt, %add3A_74, %lt3A : vector<16xi32>
        %and3A_77 = arith.andi %ge3A_75, %lt3A_76 : vector<16xi1>
        %jit3A_78 = arith.constant 0.000000e+00 : f32
        %broadcast_in_dim3A_79 = vector.broadcast %jit3A_78 : f32 to vector<16xf32>
        %select_n3A_80 = arith.select %and3A_77, %get3A_66, %broadcast_in_dim3A_79 : vector<16xi1>, vector<16xf32>
        %add3A_81 = arith.addf %scan3A_62, %select_n3A_80 : vector<16xf32>
        scf.yield %add3A_81 : vector<16xf32>
      }
      %scan3A_60 = arith.constant 128 : i32
      scf.yield %scan3A_59 : vector<16xf32>
    }
    %swap3A = arith.constant 0 : index
    %swap3A_50 = tpu.vector_load %arg6[%swap3A] {strides = array<i32>} : memref<16xf32, #tpu.memory_space<vmem>>, vector<16xf32>,
    tpu.vector_store %arg6[%swap3A], %while3A_49 {strides = array<i32>} : memref<16xf32, #tpu.memory_space<vmem>>, vector<16xf32>,
    "tpu.region"() ({
      %run_scoped3A = tpu.sem_alloc : memref<!tpu.dma_semaphore, #tpu.memory_space<semaphore_mem>>
      %dma_start3A = arith.constant 0 : i32
      %dma_start3A_51 = tpu.memref_slice %arg4[%add3A, %dma_start3A] : memref<32x16xf32, #tpu.memory_space<hbm>> -> memref<1x16xf32, #tpu.memory_space<hbm>>
      %dma_start3A_52 = tpu.memref_squeeze %dma_start3A_51 : memref<1x16xf32, #tpu.memory_space<hbm>> -> memref<16xf32, #tpu.memory_space<hbm>>
      %dma_start3A_53 = arith.constant 0 : i32
      %dma_start3A_54 = tpu.memref_slice %arg4[%add3A, %dma_start3A_53] : memref<32x16xf32, #tpu.memory_space<hbm>> -> memref<1x16xf32, #tpu.memory_space<hbm>>
      %dma_start3A_55 = tpu.memref_squeeze %dma_start3A_54 : memref<1x16xf32, #tpu.memory_space<hbm>> -> memref<16xf32, #tpu.memory_space<hbm>>
      tpu.enqueue_dma source(%arg6 : memref<16xf32, #tpu.memory_space<vmem>>) target(%dma_start3A_55 : memref<16xf32, #tpu.memory_space<hbm>>) target_semaphore(%run_scoped3A : memref<!tpu.dma_semaphore, #tpu.memory_space<semaphore_mem>>)
      %dma_wait3A = arith.constant 0 : i32
      %dma_wait3A_56 = tpu.memref_slice %arg4[%add3A, %dma_wait3A] : memref<32x16xf32, #tpu.memory_space<hbm>> -> memref<1x16xf32, #tpu.memory_space<hbm>>
      %dma_wait3A_57 = tpu.memref_squeeze %dma_wait3A_56 : memref<1x16xf32, #tpu.memory_space<hbm>> -> memref<16xf32, #tpu.memory_space<hbm>>
      %dma_wait3A_58 = arith.constant 0 : i32
      %dma_wait3A_59 = tpu.memref_slice %arg4[%add3A, %dma_wait3A_58] : memref<32x16xf32, #tpu.memory_space<hbm>> -> memref<1x16xf32, #tpu.memory_space<hbm>>
      %dma_wait3A_60 = tpu.memref_squeeze %dma_wait3A_59 : memref<1x16xf32, #tpu.memory_space<hbm>> -> memref<16xf32, #tpu.memory_space<hbm>>
      tpu.wait_dma2 semaphore(%run_scoped3A : memref<!tpu.dma_semaphore, #tpu.memory_space<semaphore_mem>>) src(%arg6 : memref<16xf32, #tpu.memory_space<vmem>>) dst(%dma_wait3A_60 : memref<16xf32, #tpu.memory_space<hbm>>)
      tpu.yield
    }) : () -> ()
    return
  }
}

#map = affine_map<(d0, d1) -> (0)>
#map1 = affine_map<(d0, d1) -> (0, 0)>
module attributes {stable_mosaic.version = 14 : i64} {
  func.func @_p1(%arg0: i32, %arg1: i32, %arg2: memref<1048576xf32, #tpu.memory_space<hbm>>, %arg3: memref<32x32768xi32, #tpu.memory_space<hbm>>, %arg4: memref<2048xf32, #tpu.memory_space<vmem>>, %arg5: memref<32768xi32, #tpu.memory_space<vmem>>) attributes {dimension_semantics = [#tpu.dimension_semantics<core_parallel>, #tpu.dimension_semantics<subcore_parallel>], iteration_bounds = array<i64: 2, 16>, scalar_prefetch = 0 : i64, scratch_operands = 2 : i64, tpu.core_type = #tpu.core_type<sc_vector_subcore>, window_params = [{transform_indices = #map}, {transform_indices = #map1}]} {
    %mul3A = arith.constant 2 : i32
    %mul3A_0 = arith.muli %arg1, %mul3A : i32
    %add3A = arith.addi %mul3A_0, %arg0 : i32
    %scan3A = arith.constant 0 : i32
    %scan3A_1 = arith.constant 0 : i32
    %scan3A_2 = arith.constant 2048 : i32
    %scan3A_3 = arith.addi %scan3A_1, %scan3A_2 : i32
    %scan3A_4 = arith.constant 1 : i32
    %scan3A_5 = scf.for %scan3A_14 = %scan3A_1 to %scan3A_3 step %scan3A_4 iter_args(%scan3A_15 = %scan3A) -> (i32)  : i32 {
      %broadcast_in_dim3A = arith.constant 0 : i32
      %broadcast_in_dim3A_16 = vector.broadcast %broadcast_in_dim3A : i32 to vector<16xi32>
      %mul3A_17 = arith.constant 16 : i32
      %mul3A_18 = arith.muli %scan3A_14, %mul3A_17 : i32
      %swap3A = arith.index_cast %mul3A_18 : i32 to index
      %swap3A_19 = tpu.vector_load %arg5[%swap3A] {strides = array<i32>} : memref<32768xi32, #tpu.memory_space<vmem>>, vector<16xi32>,
      tpu.vector_store %arg5[%swap3A], %broadcast_in_dim3A_16 {strides = array<i32>} : memref<32768xi32, #tpu.memory_space<vmem>>, vector<16xi32>,
      %scan3A_20 = arith.constant 0 : i32
      scf.yield %scan3A_20 : i32
    }
    %scan3A_6 = arith.constant 2048 : i32
    %scan3A_7 = arith.constant 0 : i32
    %scan3A_8 = arith.constant 0 : i32
    %scan3A_9 = arith.constant 16 : i32
    %scan3A_10 = arith.addi %scan3A_8, %scan3A_9 : i32
    %scan3A_11 = arith.constant 1 : i32
    %scan3A_12 = scf.for %scan3A_14 = %scan3A_8 to %scan3A_10 step %scan3A_11 iter_args(%scan3A_15 = %scan3A_7) -> (i32)  : i32 {
      %mul3A_16 = arith.constant 32768 : i32
      %mul3A_17 = arith.muli %add3A, %mul3A_16 : i32
      %mul3A_18 = arith.constant 2048 : i32
      %mul3A_19 = arith.muli %scan3A_14, %mul3A_18 : i32
      %add3A_20 = arith.addi %mul3A_17, %mul3A_19 : i32
      "tpu.region"() ({
        %run_scoped3A = tpu.sem_alloc : memref<!tpu.dma_semaphore, #tpu.memory_space<semaphore_mem>>
        %dma_start3A = tpu.memref_slice %arg2[%add3A_20] : memref<1048576xf32, #tpu.memory_space<hbm>> -> memref<2048xf32, #tpu.memory_space<hbm>>
        %dma_start3A_29 = tpu.memref_slice %arg2[%add3A_20] : memref<1048576xf32, #tpu.memory_space<hbm>> -> memref<2048xf32, #tpu.memory_space<hbm>>
        tpu.enqueue_dma source(%dma_start3A_29 : memref<2048xf32, #tpu.memory_space<hbm>>) target(%arg4 : memref<2048xf32, #tpu.memory_space<vmem>>) target_semaphore(%run_scoped3A : memref<!tpu.dma_semaphore, #tpu.memory_space<semaphore_mem>>)
        %dma_wait3A = tpu.memref_slice %arg2[%add3A_20] : memref<1048576xf32, #tpu.memory_space<hbm>> -> memref<2048xf32, #tpu.memory_space<hbm>>
        %dma_wait3A_30 = tpu.memref_slice %arg2[%add3A_20] : memref<1048576xf32, #tpu.memory_space<hbm>> -> memref<2048xf32, #tpu.memory_space<hbm>>
        tpu.wait_dma2 semaphore(%run_scoped3A : memref<!tpu.dma_semaphore, #tpu.memory_space<semaphore_mem>>) src(%dma_wait3A_30 : memref<2048xf32, #tpu.memory_space<hbm>>) dst(%arg4 : memref<2048xf32, #tpu.memory_space<vmem>>)
        tpu.yield
      }) : () -> ()
      %scan3A_21 = arith.constant 0 : i32
      %scan3A_22 = arith.constant 0 : i32
      %scan3A_23 = arith.constant 128 : i32
      %scan3A_24 = arith.addi %scan3A_22, %scan3A_23 : i32
      %scan3A_25 = arith.constant 1 : i32
      %scan3A_26 = scf.for %scan3A_29 = %scan3A_22 to %scan3A_24 step %scan3A_25 iter_args(%scan3A_30 = %scan3A_21) -> (i32)  : i32 {
        %mul3A_31 = arith.constant 16 : i32
        %mul3A_32 = arith.muli %scan3A_29, %mul3A_31 : i32
        %get3A = arith.index_cast %mul3A_32 : i32 to index
        %get3A_33 = tpu.vector_load %arg4[%get3A] {strides = array<i32>} : memref<2048xf32, #tpu.memory_space<vmem>>, vector<16xf32>,
        %mul3A_34 = arith.constant 3.276800e+04 : f32
        %mul3A_35 = vector.broadcast %mul3A_34 : f32 to vector<16xf32>
        %mul3A_36 = arith.mulf %get3A_33, %mul3A_35 : vector<16xf32>
        %convert_element_type3A = arith.fptosi %mul3A_36 : vector<16xf32> to vector<16xi32>
        %broadcast_in_dim3A = arith.constant true
        %broadcast_in_dim3A_37 = vector.broadcast %broadcast_in_dim3A : i1 to vector<16xi1>
        %unique3A, %unique3A_38 = tpu.scan_count mask(%broadcast_in_dim3A_37 : vector<16xi1>) value(%convert_element_type3A : vector<16xi32>) : vector<16xi1>, vector<16xi32>
        %gather3A = tpu.vector_load_idx %arg5[%convert_element_type3A] : memref<32768xi32, #tpu.memory_space<vmem>>[vector<16xi32>], vector<16xi32>,
        %add3A_39 = arith.addi %gather3A, %unique3A_38 : vector<16xi32>
        tpu.vector_store_idx %arg5[%convert_element_type3A], %add3A_39 masked %unique3A : memref<32768xi32, #tpu.memory_space<vmem>>[vector<16xi32>], vector<16xi32>, vector<16xi1>
        %scan3A_40 = arith.constant 0 : i32
        scf.yield %scan3A_40 : i32
      }
      %scan3A_27 = arith.constant 128 : i32
      %scan3A_28 = arith.constant 0 : i32
      scf.yield %scan3A_28 : i32
    }
    %scan3A_13 = arith.constant 16 : i32
    "tpu.region"() ({
      %run_scoped3A = tpu.sem_alloc : memref<!tpu.dma_semaphore, #tpu.memory_space<semaphore_mem>>
      %dma_start3A = arith.constant 0 : i32
      %dma_start3A_14 = tpu.memref_slice %arg3[%add3A, %dma_start3A] : memref<32x32768xi32, #tpu.memory_space<hbm>> -> memref<1x32768xi32, #tpu.memory_space<hbm>>
      %dma_start3A_15 = tpu.memref_squeeze %dma_start3A_14 : memref<1x32768xi32, #tpu.memory_space<hbm>> -> memref<32768xi32, #tpu.memory_space<hbm>>
      %dma_start3A_16 = arith.constant 0 : i32
      %dma_start3A_17 = tpu.memref_slice %arg3[%add3A, %dma_start3A_16] : memref<32x32768xi32, #tpu.memory_space<hbm>> -> memref<1x32768xi32, #tpu.memory_space<hbm>>
      %dma_start3A_18 = tpu.memref_squeeze %dma_start3A_17 : memref<1x32768xi32, #tpu.memory_space<hbm>> -> memref<32768xi32, #tpu.memory_space<hbm>>
      tpu.enqueue_dma source(%arg5 : memref<32768xi32, #tpu.memory_space<vmem>>) target(%dma_start3A_18 : memref<32768xi32, #tpu.memory_space<hbm>>) target_semaphore(%run_scoped3A : memref<!tpu.dma_semaphore, #tpu.memory_space<semaphore_mem>>)
      %dma_wait3A = arith.constant 0 : i32
      %dma_wait3A_19 = tpu.memref_slice %arg3[%add3A, %dma_wait3A] : memref<32x32768xi32, #tpu.memory_space<hbm>> -> memref<1x32768xi32, #tpu.memory_space<hbm>>
      %dma_wait3A_20 = tpu.memref_squeeze %dma_wait3A_19 : memref<1x32768xi32, #tpu.memory_space<hbm>> -> memref<32768xi32, #tpu.memory_space<hbm>>
      %dma_wait3A_21 = arith.constant 0 : i32
      %dma_wait3A_22 = tpu.memref_slice %arg3[%add3A, %dma_wait3A_21] : memref<32x32768xi32, #tpu.memory_space<hbm>> -> memref<1x32768xi32, #tpu.memory_space<hbm>>
      %dma_wait3A_23 = tpu.memref_squeeze %dma_wait3A_22 : memref<1x32768xi32, #tpu.memory_space<hbm>> -> memref<32768xi32, #tpu.memory_space<hbm>>
      tpu.wait_dma2 semaphore(%run_scoped3A : memref<!tpu.dma_semaphore, #tpu.memory_space<semaphore_mem>>) src(%arg5 : memref<32768xi32, #tpu.memory_space<vmem>>) dst(%dma_wait3A_23 : memref<32768xi32, #tpu.memory_space<hbm>>)
      tpu.yield
    }) : () -> ()
    return
  }
}

#map = affine_map<(d0, d1) -> (0)>
#map1 = affine_map<(d0, d1) -> (0, 0)>
module attributes {stable_mosaic.version = 14 : i64} {
  func.func @_p5(%arg0: i32, %arg1: i32, %arg2: memref<1065216xf32, #tpu.memory_space<hbm>>, %arg3: memref<1065216xf32, #tpu.memory_space<hbm>>, %arg4: memref<1065216xi32, #tpu.memory_space<hbm>>, %arg5: memref<1x32896xi32, #tpu.memory_space<hbm>>, %arg6: memref<32x16xf32, #tpu.memory_space<hbm>>, %arg7: memref<1065216xf32, #tpu.memory_space<hbm>>, %arg8: memref<16512xf32, #tpu.memory_space<vmem>>, %arg9: memref<16512xf32, #tpu.memory_space<vmem>>, %arg10: memref<16512xi32, #tpu.memory_space<vmem>>, %arg11: memref<16640xf32, #tpu.memory_space<vmem>>, %arg12: memref<16640xi32, #tpu.memory_space<vmem>>, %arg13: memref<16640xf32, #tpu.memory_space<vmem>>, %arg14: memref<32x16xf32, #tpu.memory_space<vmem>>, %arg15: memref<1x1152xi32, #tpu.memory_space<vmem>>, %arg16: memref<!tpu.dma_semaphore, #tpu.memory_space<semaphore_mem>>) attributes {dimension_semantics = [#tpu.dimension_semantics<core_parallel>, #tpu.dimension_semantics<subcore_parallel>], iteration_bounds = array<i64: 2, 16>, scalar_prefetch = 0 : i64, scratch_operands = 9 : i64, tpu.core_type = #tpu.core_type<sc_vector_subcore>, window_params = [{transform_indices = #map}, {transform_indices = #map}, {transform_indices = #map}, {transform_indices = #map1}, {transform_indices = #map1}, {transform_indices = #map}]} {
    %mul3A = arith.constant 2 : i32
    %mul3A_0 = arith.muli %arg1, %mul3A : i32
    %add3A = arith.addi %mul3A_0, %arg0 : i32
    %mul3A_1 = arith.constant 1024 : i32
    %mul3A_2 = arith.muli %add3A, %mul3A_1 : i32
    "tpu.region"() ({
      %run_scoped3A = tpu.sem_alloc : memref<!tpu.dma_semaphore, #tpu.memory_space<semaphore_mem>>
      %dma_start3A = arith.constant 0 : i32
      %dma_start3A_30 = tpu.memref_slice %arg5[%dma_start3A, %mul3A_2] : memref<1x32896xi32, #tpu.memory_space<hbm>> -> memref<1x1152xi32, #tpu.memory_space<hbm>>
      %dma_start3A_31 = arith.constant 0 : i32
      %dma_start3A_32 = tpu.memref_slice %arg5[%dma_start3A_31, %mul3A_2] : memref<1x32896xi32, #tpu.memory_space<hbm>> -> memref<1x1152xi32, #tpu.memory_space<hbm>>
      tpu.enqueue_dma source(%dma_start3A_32 : memref<1x1152xi32, #tpu.memory_space<hbm>>) target(%arg15 : memref<1x1152xi32, #tpu.memory_space<vmem>>) target_semaphore(%run_scoped3A : memref<!tpu.dma_semaphore, #tpu.memory_space<semaphore_mem>>)
      %dma_wait3A = arith.constant 0 : i32
      %dma_wait3A_33 = tpu.memref_slice %arg5[%dma_wait3A, %mul3A_2] : memref<1x32896xi32, #tpu.memory_space<hbm>> -> memref<1x1152xi32, #tpu.memory_space<hbm>>
      %dma_wait3A_34 = arith.constant 0 : i32
      %dma_wait3A_35 = tpu.memref_slice %arg5[%dma_wait3A_34, %mul3A_2] : memref<1x32896xi32, #tpu.memory_space<hbm>> -> memref<1x1152xi32, #tpu.memory_space<hbm>>
      tpu.wait_dma2 semaphore(%run_scoped3A : memref<!tpu.dma_semaphore, #tpu.memory_space<semaphore_mem>>) src(%dma_wait3A_35 : memref<1x1152xi32, #tpu.memory_space<hbm>>) dst(%arg15 : memref<1x1152xi32, #tpu.memory_space<vmem>>)
      tpu.yield
    }) : () -> ()
    "tpu.region"() ({
      %run_scoped3A = tpu.sem_alloc : memref<!tpu.dma_semaphore, #tpu.memory_space<semaphore_mem>>
      tpu.enqueue_dma source(%arg6 : memref<32x16xf32, #tpu.memory_space<hbm>>) target(%arg14 : memref<32x16xf32, #tpu.memory_space<vmem>>) target_semaphore(%run_scoped3A : memref<!tpu.dma_semaphore, #tpu.memory_space<semaphore_mem>>)
      tpu.wait_dma2 semaphore(%run_scoped3A : memref<!tpu.dma_semaphore, #tpu.memory_space<semaphore_mem>>) src(%arg6 : memref<32x16xf32, #tpu.memory_space<hbm>>) dst(%arg14 : memref<32x16xf32, #tpu.memory_space<vmem>>)
      tpu.yield
    }) : () -> ()
    %broadcast_in_dim3A = arith.constant 0.000000e+00 : f32
    %broadcast_in_dim3A_3 = vector.broadcast %broadcast_in_dim3A : f32 to vector<16xf32>
    %while3A = arith.constant 0 : i32
    %while3A_4 = arith.subi %add3A, %while3A : i32
    %while3A_5 = arith.addi %while3A, %while3A_4 : i32
    %while3A_6 = arith.constant 1 : i32
    %while3A_7 = arith.divsi %while3A_4, %while3A_6 : i32
    %while3A_8 = arith.muli %while3A_7, %while3A_6 : i32
    %while3A_9 = arith.addi %while3A, %while3A_8 : i32
    %while3A_10 = arith.constant 1 : i32
    %while3A_11 = scf.for %while3A_30 = %while3A to %while3A_9 step %while3A_10 iter_args(%while3A_31 = %broadcast_in_dim3A_3) -> (vector<16xf32>)  : i32 {
      %get3A = arith.index_cast %while3A_30 : i32 to index
      %get3A_32 = arith.constant 0 : index
      %get3A_33 = tpu.vector_load %arg14[%get3A, %get3A_32] {strides = array<i32>} : memref<32x16xf32, #tpu.memory_space<vmem>>, vector<16xf32>,
      %add3A_34 = arith.addf %while3A_31, %get3A_33 : vector<16xf32>
      scf.yield %add3A_34 : vector<16xf32>
    }
    %while3A_12 = arith.constant 1 : i32
    %while3A_13 = scf.for %while3A_30 = %while3A_9 to %while3A_5 step %while3A_12 iter_args(%while3A_31 = %while3A_11) -> (vector<16xf32>)  : i32 {
      %get3A = arith.index_cast %while3A_30 : i32 to index
      %get3A_32 = arith.constant 0 : index
      %get3A_33 = tpu.vector_load %arg14[%get3A, %get3A_32] {strides = array<i32>} : memref<32x16xf32, #tpu.memory_space<vmem>>, vector<16xf32>,
      %add3A_34 = arith.addf %while3A_31, %get3A_33 : vector<16xf32>
      scf.yield %add3A_34 : vector<16xf32>
    }
    %reduce_sum3A = arith.constant true
    %reduce_sum3A_14 = vector.broadcast %reduce_sum3A : i1 to vector<16xi1>
    %reduce_sum3A_15 = tpu.scan <sum>, %while3A_13 masked %reduce_sum3A_14 : vector<16xf32>, vector<16xi1> -> vector<16xf32>
    %reduce_sum3A_16 = vector.extract %reduce_sum3A_15[15] : f32 from vector<16xf32>
    %broadcast_in_dim3A_17 = arith.constant 0.000000e+00 : f32
    %broadcast_in_dim3A_18 = vector.broadcast %broadcast_in_dim3A_17 : f32 to vector<16xf32>
    %scan3A = arith.constant 0 : i32
    %scan3A_19 = arith.constant 32 : i32
    %scan3A_20 = arith.addi %scan3A, %scan3A_19 : i32
    %scan3A_21 = arith.constant 1 : i32
    %scan3A_22 = scf.for %scan3A_30 = %scan3A to %scan3A_20 step %scan3A_21 iter_args(%scan3A_31 = %broadcast_in_dim3A_18) -> (vector<16xf32>)  : i32 {
      %get3A = arith.index_cast %scan3A_30 : i32 to index
      %get3A_32 = arith.constant 0 : index
      %get3A_33 = tpu.vector_load %arg14[%get3A, %get3A_32] {strides = array<i32>} : memref<32x16xf32, #tpu.memory_space<vmem>>, vector<16xf32>,
      %add3A_34 = arith.addf %scan3A_31, %get3A_33 : vector<16xf32>
      scf.yield %add3A_34 : vector<16xf32>
    }
    %scan3A_23 = arith.constant 32 : i32
    %reduce_sum3A_24 = arith.constant true
    %reduce_sum3A_25 = vector.broadcast %reduce_sum3A_24 : i1 to vector<16xi1>
    %reduce_sum3A_26 = tpu.scan <sum>, %scan3A_22 masked %reduce_sum3A_25 : vector<16xf32>, vector<16xi1> -> vector<16xf32>
    %reduce_sum3A_27 = vector.extract %reduce_sum3A_26[15] : f32 from vector<16xf32>
    %iota3A = tpu.iota {dimensions = array<i32: 0>} : vector<16xi32>
    %while3A_28 = arith.constant 0 : i32
    %while3A_29:2 = scf.while (%while3A_30 = %while3A_28, %while3A_31 = %reduce_sum3A_16) : (i32, f32) -> (i32, f32) {
      %lt3A = arith.constant 1024 : i32
      %lt3A_32 = arith.cmpi slt, %while3A_30, %lt3A : i32
      scf.condition(%lt3A_32) %while3A_30, %while3A_31 : i32, f32
    } do {
    ^bb0(%while3A_30: i32, %while3A_31: f32):
      %get3A = arith.constant 0 : i32
      %get3A_32 = arith.index_cast %get3A : i32 to index
      %get3A_33 = arith.index_cast %while3A_30 : i32 to index
      %get3A_34 = tpu.vector_load %arg15[%get3A_32, %get3A_33] {strides = array<i32>} : memref<1x1152xi32, #tpu.memory_space<vmem>>, vector<16xi32>,
      %slice3A = vector.extract_strided_slice %get3A_34 {offsets = [0], sizes = [1], strides = [1]} : vector<16xi32> to vector<1xi32>
      %squeeze3A = vector.extract %slice3A[0] : i32 from vector<1xi32>
      %and3A = arith.constant -16 : i32
      %and3A_35 = arith.andi %squeeze3A, %and3A : i32
      %multiple_of3A = tpu.assume_multiple %and3A_35, 16 : i32
      "tpu.region"() ({
        %run_scoped3A = tpu.sem_alloc : memref<!tpu.dma_semaphore, #tpu.memory_space<semaphore_mem>>
        %dma_start3A_48 = tpu.memref_slice %arg2[%multiple_of3A] : memref<1065216xf32, #tpu.memory_space<hbm>> -> memref<16512xf32, #tpu.memory_space<hbm>>
        %dma_start3A_49 = tpu.memref_slice %arg2[%multiple_of3A] : memref<1065216xf32, #tpu.memory_space<hbm>> -> memref<16512xf32, #tpu.memory_space<hbm>>
        tpu.enqueue_dma source(%dma_start3A_49 : memref<16512xf32, #tpu.memory_space<hbm>>) target(%arg8 : memref<16512xf32, #tpu.memory_space<vmem>>) target_semaphore(%run_scoped3A : memref<!tpu.dma_semaphore, #tpu.memory_space<semaphore_mem>>)
        %dma_wait3A_50 = tpu.memref_slice %arg2[%multiple_of3A] : memref<1065216xf32, #tpu.memory_space<hbm>> -> memref<16512xf32, #tpu.memory_space<hbm>>
        %dma_wait3A_51 = tpu.memref_slice %arg2[%multiple_of3A] : memref<1065216xf32, #tpu.memory_space<hbm>> -> memref<16512xf32, #tpu.memory_space<hbm>>
        tpu.wait_dma2 semaphore(%run_scoped3A : memref<!tpu.dma_semaphore, #tpu.memory_space<semaphore_mem>>) src(%dma_wait3A_51 : memref<16512xf32, #tpu.memory_space<hbm>>) dst(%arg8 : memref<16512xf32, #tpu.memory_space<vmem>>)
        tpu.yield
      }) : () -> ()
      "tpu.region"() ({
        %run_scoped3A = tpu.sem_alloc : memref<!tpu.dma_semaphore, #tpu.memory_space<semaphore_mem>>
        %dma_start3A_48 = tpu.memref_slice %arg3[%multiple_of3A] : memref<1065216xf32, #tpu.memory_space<hbm>> -> memref<16512xf32, #tpu.memory_space<hbm>>
        %dma_start3A_49 = tpu.memref_slice %arg3[%multiple_of3A] : memref<1065216xf32, #tpu.memory_space<hbm>> -> memref<16512xf32, #tpu.memory_space<hbm>>
        tpu.enqueue_dma source(%dma_start3A_49 : memref<16512xf32, #tpu.memory_space<hbm>>) target(%arg9 : memref<16512xf32, #tpu.memory_space<vmem>>) target_semaphore(%run_scoped3A : memref<!tpu.dma_semaphore, #tpu.memory_space<semaphore_mem>>)
        %dma_wait3A_50 = tpu.memref_slice %arg3[%multiple_of3A] : memref<1065216xf32, #tpu.memory_space<hbm>> -> memref<16512xf32, #tpu.memory_space<hbm>>
        %dma_wait3A_51 = tpu.memref_slice %arg3[%multiple_of3A] : memref<1065216xf32, #tpu.memory_space<hbm>> -> memref<16512xf32, #tpu.memory_space<hbm>>
        tpu.wait_dma2 semaphore(%run_scoped3A : memref<!tpu.dma_semaphore, #tpu.memory_space<semaphore_mem>>) src(%dma_wait3A_51 : memref<16512xf32, #tpu.memory_space<hbm>>) dst(%arg9 : memref<16512xf32, #tpu.memory_space<vmem>>)
        tpu.yield
      }) : () -> ()
      "tpu.region"() ({
        %run_scoped3A = tpu.sem_alloc : memref<!tpu.dma_semaphore, #tpu.memory_space<semaphore_mem>>
        %dma_start3A_48 = tpu.memref_slice %arg4[%multiple_of3A] : memref<1065216xi32, #tpu.memory_space<hbm>> -> memref<16512xi32, #tpu.memory_space<hbm>>
        %dma_start3A_49 = tpu.memref_slice %arg4[%multiple_of3A] : memref<1065216xi32, #tpu.memory_space<hbm>> -> memref<16512xi32, #tpu.memory_space<hbm>>
        tpu.enqueue_dma source(%dma_start3A_49 : memref<16512xi32, #tpu.memory_space<hbm>>) target(%arg10 : memref<16512xi32, #tpu.memory_space<vmem>>) target_semaphore(%run_scoped3A : memref<!tpu.dma_semaphore, #tpu.memory_space<semaphore_mem>>)
        %dma_wait3A_50 = tpu.memref_slice %arg4[%multiple_of3A] : memref<1065216xi32, #tpu.memory_space<hbm>> -> memref<16512xi32, #tpu.memory_space<hbm>>
        %dma_wait3A_51 = tpu.memref_slice %arg4[%multiple_of3A] : memref<1065216xi32, #tpu.memory_space<hbm>> -> memref<16512xi32, #tpu.memory_space<hbm>>
        tpu.wait_dma2 semaphore(%run_scoped3A : memref<!tpu.dma_semaphore, #tpu.memory_space<semaphore_mem>>) src(%dma_wait3A_51 : memref<16512xi32, #tpu.memory_space<hbm>>) dst(%arg10 : memref<16512xi32, #tpu.memory_space<vmem>>)
        tpu.yield
      }) : () -> ()
      %scan3A_36 = arith.constant 0 : i32
      %scan3A_37 = arith.constant 0 : i32
      %scan3A_38 = arith.constant 1040 : i32
      %scan3A_39 = arith.addi %scan3A_37, %scan3A_38 : i32
      %scan3A_40 = arith.constant 1 : i32
      %scan3A_41 = scf.for %scan3A_48 = %scan3A_37 to %scan3A_39 step %scan3A_40 iter_args(%scan3A_49 = %scan3A_36) -> (i32)  : i32 {
        %mul3A_50 = arith.constant 16 : i32
        %mul3A_51 = arith.muli %scan3A_48, %mul3A_50 : i32
        %add3A_52 = vector.broadcast %mul3A_51 : i32 to vector<16xi32>
        %add3A_53 = arith.addi %add3A_52, %iota3A : vector<16xi32>
        %and3A_54 = arith.constant 16383 : i32
        %and3A_55 = vector.broadcast %and3A_54 : i32 to vector<16xi32>
        %and3A_56 = arith.andi %add3A_53, %and3A_55 : vector<16xi32>
        %add3A_57 = arith.constant 1048592 : i32
        %add3A_58 = vector.broadcast %add3A_57 : i32 to vector<16xi32>
        %add3A_59 = arith.addi %add3A_58, %and3A_56 : vector<16xi32>
        %mul3A_60 = arith.constant 16 : i32
        %mul3A_61 = arith.muli %scan3A_48, %mul3A_60 : i32
        %swap3A = arith.index_cast %mul3A_61 : i32 to index
        %swap3A_62 = tpu.vector_load %arg12[%swap3A] {strides = array<i32>} : memref<16640xi32, #tpu.memory_space<vmem>>, vector<16xi32>,
        tpu.vector_store %arg12[%swap3A], %add3A_59 {strides = array<i32>} : memref<16640xi32, #tpu.memory_space<vmem>>, vector<16xi32>,
        %scan3A_63 = arith.constant 0 : i32
        scf.yield %scan3A_63 : i32
      }
      %scan3A_42 = arith.constant 1040 : i32
      %while3A_43:2 = scf.while (%while3A_48 = %while3A_30, %while3A_49 = %while3A_31) : (i32, f32) -> (i32, f32) {
        %lt3A = arith.constant 1024 : i32
        %lt3A_50 = arith.cmpi slt, %while3A_48, %lt3A : i32
        %eq3A = arith.cmpi eq, %while3A_48, %while3A_30 : i32
        %add3A_51 = arith.constant 1 : i32
        %add3A_52 = arith.addi %while3A_48, %add3A_51 : i32
        %get3A_53 = arith.constant 0 : i32
        %get3A_54 = arith.index_cast %get3A_53 : i32 to index
        %get3A_55 = arith.index_cast %add3A_52 : i32 to index
        %get3A_56 = tpu.vector_load %arg15[%get3A_54, %get3A_55] {strides = array<i32>} : memref<1x1152xi32, #tpu.memory_space<vmem>>, vector<16xi32>,
        %slice3A_57 = vector.extract_strided_slice %get3A_56 {offsets = [0], sizes = [1], strides = [1]} : vector<16xi32> to vector<1xi32>
        %squeeze3A_58 = vector.extract %slice3A_57[0] : i32 from vector<1xi32>
        %sub3A = arith.subi %squeeze3A_58, %multiple_of3A : i32
        %le3A = arith.constant 16416 : i32
        %le3A_59 = arith.cmpi sle, %sub3A, %le3A : i32
        %or3A = arith.ori %eq3A, %le3A_59 : i1
        %and3A_60 = arith.andi %lt3A_50, %or3A : i1
        scf.condition(%and3A_60) %while3A_48, %while3A_49 : i32, f32
      } do {
      ^bb0(%while3A_48: i32, %while3A_49: f32):
        %get3A_50 = arith.constant 0 : i32
        %get3A_51 = arith.index_cast %get3A_50 : i32 to index
        %get3A_52 = arith.index_cast %while3A_48 : i32 to index
        %get3A_53 = tpu.vector_load %arg15[%get3A_51, %get3A_52] {strides = array<i32>} : memref<1x1152xi32, #tpu.memory_space<vmem>>, vector<16xi32>,
        %slice3A_54 = vector.extract_strided_slice %get3A_53 {offsets = [0], sizes = [1], strides = [1]} : vector<16xi32> to vector<1xi32>
        %squeeze3A_55 = vector.extract %slice3A_54[0] : i32 from vector<1xi32>
        %add3A_56 = arith.constant 1 : i32
        %add3A_57 = arith.addi %while3A_48, %add3A_56 : i32
        %get3A_58 = arith.constant 0 : i32
        %get3A_59 = arith.index_cast %get3A_58 : i32 to index
        %get3A_60 = arith.index_cast %add3A_57 : i32 to index
        %get3A_61 = tpu.vector_load %arg15[%get3A_59, %get3A_60] {strides = array<i32>} : memref<1x1152xi32, #tpu.memory_space<vmem>>, vector<16xi32>,
        %slice3A_62 = vector.extract_strided_slice %get3A_61 {offsets = [0], sizes = [1], strides = [1]} : vector<16xi32> to vector<1xi32>
        %squeeze3A_63 = vector.extract %slice3A_62[0] : i32 from vector<1xi32>
        %sub3A = arith.subi %squeeze3A_55, %multiple_of3A : i32
        %sub3A_64 = arith.subi %squeeze3A_63, %squeeze3A_55 : i32
        %sub3A_65 = arith.constant 16416 : i32
        %sub3A_66 = arith.subi %sub3A_65, %sub3A : i32
        %min3A = arith.minsi %sub3A_64, %sub3A_66 : i32
        %add3A_67 = arith.constant 16 : i32
        %add3A_68 = arith.addi %min3A, %add3A_67 : i32
        %sub3A_69 = arith.constant 1 : i32
        %sub3A_70 = arith.subi %add3A_68, %sub3A_69 : i32
        %jit3A = arith.constant 16 : i32
        %div3A = arith.divsi %sub3A_70, %jit3A : i32
        %sign3A = arith.constant 0 : i32
        %sign3A_71 = arith.cmpi sgt, %sub3A_70, %sign3A : i32
        %sign3A_72 = arith.extui %sign3A_71 : i1 to i32
        %sign3A_73 = arith.constant 0 : i32
        %sign3A_74 = arith.cmpi slt, %sub3A_70, %sign3A_73 : i32
        %sign3A_75 = arith.extui %sign3A_74 : i1 to i32
        %sign3A_76 = arith.subi %sign3A_72, %sign3A_75 : i32
        %sign3A_77 = arith.constant 0 : i32
        %sign3A_78 = arith.cmpi sgt, %jit3A, %sign3A_77 : i32
        %sign3A_79 = arith.extui %sign3A_78 : i1 to i32
        %sign3A_80 = arith.constant 0 : i32
        %sign3A_81 = arith.cmpi slt, %jit3A, %sign3A_80 : i32
        %sign3A_82 = arith.extui %sign3A_81 : i1 to i32
        %sign3A_83 = arith.subi %sign3A_79, %sign3A_82 : i32
        %ne3A = arith.cmpi ne, %sign3A_76, %sign3A_83 : i32
        %rem3A = arith.remsi %sub3A_70, %jit3A : i32
        %ne3A_84 = arith.constant 0 : i32
        %ne3A_85 = arith.cmpi ne, %rem3A, %ne3A_84 : i32
        %and3A_86 = arith.andi %ne3A, %ne3A_85 : i1
        %sub3A_87 = arith.constant 1 : i32
        %sub3A_88 = arith.subi %div3A, %sub3A_87 : i32
        %select_n3A = arith.select %and3A_86, %sub3A_88, %div3A : i32
        %and3A_89 = arith.constant -16 : i32
        %and3A_90 = arith.andi %sub3A, %and3A_89 : i32
        %sub3A_91 = arith.subi %sub3A, %and3A_90 : i32
        %add3A_92 = arith.addi %sub3A_91, %min3A : i32
        %add3A_93 = arith.constant 16 : i32
        %add3A_94 = arith.addi %add3A_92, %add3A_93 : i32
        %sub3A_95 = arith.constant 1 : i32
        %sub3A_96 = arith.subi %add3A_94, %sub3A_95 : i32
        %jit3A_97 = arith.constant 16 : i32
        %div3A_98 = arith.divsi %sub3A_96, %jit3A_97 : i32
        %sign3A_99 = arith.constant 0 : i32
        %sign3A_100 = arith.cmpi sgt, %sub3A_96, %sign3A_99 : i32
        %sign3A_101 = arith.extui %sign3A_100 : i1 to i32
        %sign3A_102 = arith.constant 0 : i32
        %sign3A_103 = arith.cmpi slt, %sub3A_96, %sign3A_102 : i32
        %sign3A_104 = arith.extui %sign3A_103 : i1 to i32
        %sign3A_105 = arith.subi %sign3A_101, %sign3A_104 : i32
        %sign3A_106 = arith.constant 0 : i32
        %sign3A_107 = arith.cmpi sgt, %jit3A_97, %sign3A_106 : i32
        %sign3A_108 = arith.extui %sign3A_107 : i1 to i32
        %sign3A_109 = arith.constant 0 : i32
        %sign3A_110 = arith.cmpi slt, %jit3A_97, %sign3A_109 : i32
        %sign3A_111 = arith.extui %sign3A_110 : i1 to i32
        %sign3A_112 = arith.subi %sign3A_108, %sign3A_111 : i32
        %ne3A_113 = arith.cmpi ne, %sign3A_105, %sign3A_112 : i32
        %rem3A_114 = arith.remsi %sub3A_96, %jit3A_97 : i32
        %ne3A_115 = arith.constant 0 : i32
        %ne3A_116 = arith.cmpi ne, %rem3A_114, %ne3A_115 : i32
        %and3A_117 = arith.andi %ne3A_113, %ne3A_116 : i1
        %sub3A_118 = arith.constant 1 : i32
        %sub3A_119 = arith.subi %div3A_98, %sub3A_118 : i32
        %select_n3A_120 = arith.select %and3A_117, %sub3A_119, %div3A_98 : i32
        %broadcast_in_dim3A_121 = arith.constant 0.000000e+00 : f32
        %broadcast_in_dim3A_122 = vector.broadcast %broadcast_in_dim3A_121 : f32 to vector<16xf32>
        %while3A_123 = arith.constant 0 : i32
        %while3A_124 = arith.subi %select_n3A, %while3A_123 : i32
        %while3A_125 = arith.addi %while3A_123, %while3A_124 : i32
        %while3A_126 = arith.constant 1 : i32
        %while3A_127 = arith.divsi %while3A_124, %while3A_126 : i32
        %while3A_128 = arith.muli %while3A_127, %while3A_126 : i32
        %while3A_129 = arith.addi %while3A_123, %while3A_128 : i32
        %while3A_130 = arith.constant 1 : i32
        %while3A_131 = scf.for %while3A_155 = %while3A_123 to %while3A_129 step %while3A_130 iter_args(%while3A_156 = %broadcast_in_dim3A_122) -> (vector<16xf32>)  : i32 {
          %mul3A_157 = arith.constant 16 : i32
          %mul3A_158 = arith.muli %while3A_155, %mul3A_157 : i32
          %add3A_159 = arith.addi %sub3A, %mul3A_158 : i32
          %get3A_160 = arith.index_cast %add3A_159 : i32 to index
          %get3A_161 = tpu.vector_load %arg9[%get3A_160] {strides = array<i32>} : memref<16512xf32, #tpu.memory_space<vmem>>, vector<16xf32>,
          %mul3A_162 = arith.constant 16 : i32
          %mul3A_163 = arith.muli %while3A_155, %mul3A_162 : i32
          %add3A_164 = vector.broadcast %mul3A_163 : i32 to vector<16xi32>
          %add3A_165 = arith.addi %add3A_164, %iota3A : vector<16xi32>
          %lt3A = vector.broadcast %min3A : i32 to vector<16xi32>
          %lt3A_166 = arith.cmpi slt, %add3A_165, %lt3A : vector<16xi32>
          %jit3A_167 = arith.constant 0.000000e+00 : f32
          %broadcast_in_dim3A_168 = vector.broadcast %jit3A_167 : f32 to vector<16xf32>
          %select_n3A_169 = arith.select %lt3A_166, %get3A_161, %broadcast_in_dim3A_168 : vector<16xi1>, vector<16xf32>
          %add3A_170 = arith.addf %while3A_156, %select_n3A_169 : vector<16xf32>
          scf.yield %add3A_170 : vector<16xf32>
        }
        %while3A_132 = arith.constant 1 : i32
        %while3A_133 = scf.for %while3A_155 = %while3A_129 to %while3A_125 step %while3A_132 iter_args(%while3A_156 = %while3A_131) -> (vector<16xf32>)  : i32 {
          %mul3A_157 = arith.constant 16 : i32
          %mul3A_158 = arith.muli %while3A_155, %mul3A_157 : i32
          %add3A_159 = arith.addi %sub3A, %mul3A_158 : i32
          %get3A_160 = arith.index_cast %add3A_159 : i32 to index
          %get3A_161 = tpu.vector_load %arg9[%get3A_160] {strides = array<i32>} : memref<16512xf32, #tpu.memory_space<vmem>>, vector<16xf32>,
          %mul3A_162 = arith.constant 16 : i32
          %mul3A_163 = arith.muli %while3A_155, %mul3A_162 : i32
          %add3A_164 = vector.broadcast %mul3A_163 : i32 to vector<16xi32>
          %add3A_165 = arith.addi %add3A_164, %iota3A : vector<16xi32>
          %lt3A = vector.broadcast %min3A : i32 to vector<16xi32>
          %lt3A_166 = arith.cmpi slt, %add3A_165, %lt3A : vector<16xi32>
          %jit3A_167 = arith.constant 0.000000e+00 : f32
          %broadcast_in_dim3A_168 = vector.broadcast %jit3A_167 : f32 to vector<16xf32>
          %select_n3A_169 = arith.select %lt3A_166, %get3A_161, %broadcast_in_dim3A_168 : vector<16xi1>, vector<16xf32>
          %add3A_170 = arith.addf %while3A_156, %select_n3A_169 : vector<16xf32>
          scf.yield %add3A_170 : vector<16xf32>
        }
        %reduce_sum3A_134 = arith.constant true
        %reduce_sum3A_135 = vector.broadcast %reduce_sum3A_134 : i1 to vector<16xi1>
        %reduce_sum3A_136 = tpu.scan <sum>, %while3A_133 masked %reduce_sum3A_135 : vector<16xf32>, vector<16xi1> -> vector<16xf32>
        %reduce_sum3A_137 = vector.extract %reduce_sum3A_136[15] : f32 from vector<16xf32>
        %add3A_138 = arith.addf %while3A_49, %reduce_sum3A_137 : f32
        %sub3A_139 = arith.subf %reduce_sum3A_27, %add3A_138 : f32
        %while3A_140 = arith.constant 0 : i32
        %while3A_141 = arith.constant 0 : i32
        %while3A_142 = arith.subi %select_n3A_120, %while3A_140 : i32
        %while3A_143 = arith.addi %while3A_140, %while3A_142 : i32
        %while3A_144 = arith.constant 1 : i32
        %while3A_145 = arith.divsi %while3A_142, %while3A_144 : i32
        %while3A_146 = arith.muli %while3A_145, %while3A_144 : i32
        %while3A_147 = arith.addi %while3A_140, %while3A_146 : i32
        %while3A_148 = arith.constant 1 : i32
        %while3A_149 = scf.for %while3A_155 = %while3A_140 to %while3A_147 step %while3A_148 iter_args(%while3A_156 = %while3A_141) -> (i32)  : i32 {
          %mul3A_157 = arith.constant 16 : i32
          %mul3A_158 = arith.muli %while3A_155, %mul3A_157 : i32
          %add3A_159 = arith.addi %and3A_90, %mul3A_158 : i32
          %get3A_160 = arith.index_cast %add3A_159 : i32 to index
          %get3A_161 = tpu.vector_load %arg8[%get3A_160] {strides = array<i32>} : memref<16512xf32, #tpu.memory_space<vmem>>, vector<16xf32>,
          %get3A_162 = arith.index_cast %add3A_159 : i32 to index
          %get3A_163 = tpu.vector_load %arg10[%get3A_162] {strides = array<i32>} : memref<16512xi32, #tpu.memory_space<vmem>>, vector<16xi32>,
          %add3A_164 = vector.broadcast %add3A_159 : i32 to vector<16xi32>
          %add3A_165 = arith.addi %add3A_164, %iota3A : vector<16xi32>
          %ge3A = vector.broadcast %sub3A : i32 to vector<16xi32>
          %ge3A_166 = arith.cmpi sge, %add3A_165, %ge3A : vector<16xi32>
          %add3A_167 = arith.addi %sub3A, %min3A : i32
          %lt3A = vector.broadcast %add3A_167 : i32 to vector<16xi32>
          %lt3A_168 = arith.cmpi slt, %add3A_165, %lt3A : vector<16xi32>
          %and3A_169 = arith.andi %ge3A_166, %lt3A_168 : vector<16xi1>
          %broadcast_in_dim3A_170 = arith.constant 0.000000e+00 : f32
          %broadcast_in_dim3A_171 = vector.broadcast %broadcast_in_dim3A_170 : f32 to vector<16xf32>
          %while3A_172 = arith.constant 0 : i32
          %while3A_173 = arith.subi %select_n3A, %while3A_172 : i32
          %while3A_174 = arith.addi %while3A_172, %while3A_173 : i32
          %while3A_175 = arith.constant 1 : i32
          %while3A_176 = arith.divsi %while3A_173, %while3A_175 : i32
          %while3A_177 = arith.muli %while3A_176, %while3A_175 : i32
          %while3A_178 = arith.addi %while3A_172, %while3A_177 : i32
          %while3A_179 = arith.constant 1 : i32
          %while3A_180 = scf.for %while3A_195 = %while3A_172 to %while3A_178 step %while3A_179 iter_args(%while3A_196 = %broadcast_in_dim3A_171) -> (vector<16xf32>)  : i32 {
            %mul3A_197 = arith.constant 16 : i32
            %mul3A_198 = arith.muli %while3A_195, %mul3A_197 : i32
            %add3A_199 = arith.addi %sub3A, %mul3A_198 : i32
            %get3A_200 = arith.index_cast %add3A_199 : i32 to index
            %get3A_201 = tpu.vector_load %arg8[%get3A_200] {strides = array<i32>} : memref<16512xf32, #tpu.memory_space<vmem>>, vector<16xf32>,
            %get3A_202 = arith.index_cast %add3A_199 : i32 to index
            %get3A_203 = tpu.vector_load %arg10[%get3A_202] {strides = array<i32>} : memref<16512xi32, #tpu.memory_space<vmem>>, vector<16xi32>,
            %get3A_204 = arith.index_cast %add3A_199 : i32 to index
            %get3A_205 = tpu.vector_load %arg9[%get3A_204] {strides = array<i32>} : memref<16512xf32, #tpu.memory_space<vmem>>, vector<16xf32>,
            %mul3A_206 = arith.constant 16 : i32
            %mul3A_207 = arith.muli %while3A_195, %mul3A_206 : i32
            %add3A_208 = vector.broadcast %mul3A_207 : i32 to vector<16xi32>
            %add3A_209 = arith.addi %add3A_208, %iota3A : vector<16xi32>
            %lt3A_210 = vector.broadcast %min3A : i32 to vector<16xi32>
            %lt3A_211 = arith.cmpi slt, %add3A_209, %lt3A_210 : vector<16xi32>
            %jit3A_212 = arith.constant 0.000000e+00 : f32
            %broadcast_in_dim3A_213 = vector.broadcast %jit3A_212 : f32 to vector<16xf32>
            %select_n3A_214 = arith.select %lt3A_211, %get3A_205, %broadcast_in_dim3A_213 : vector<16xi1>, vector<16xf32>
            %broadcast_in_dim3A_215 = arith.constant 0 : i32
            %broadcast_in_dim3A_216 = vector.broadcast %broadcast_in_dim3A_215 : i32 to vector<16xi32>
            %lt3A_217 = arith.constant 0 : i32
            %lt3A_218 = vector.broadcast %lt3A_217 : i32 to vector<16xi32>
            %lt3A_219 = arith.cmpi slt, %broadcast_in_dim3A_216, %lt3A_218 : vector<16xi32>
            %add3A_220 = arith.constant 16 : i32
            %add3A_221 = vector.broadcast %add3A_220 : i32 to vector<16xi32>
            %add3A_222 = arith.addi %broadcast_in_dim3A_216, %add3A_221 : vector<16xi32>
            %select_n3A_223 = arith.select %lt3A_219, %add3A_222, %broadcast_in_dim3A_216 : vector<16xi1>, vector<16xi32>
            %reshape3A = vector.shape_cast %select_n3A_223 : vector<16xi32> to vector<16x1xi32>
            %gather3A = vector.shape_cast %reshape3A : vector<16x1xi32> to vector<16xi32>
            %gather3A_224 = tpu.dynamic_gather %get3A_201[%gather3A] in [0] : vector<16xf32>, vector<16xi32> -> vector<16xf32>
            %broadcast_in_dim3A_225 = arith.constant 0 : i32
            %broadcast_in_dim3A_226 = vector.broadcast %broadcast_in_dim3A_225 : i32 to vector<16xi32>
            %lt3A_227 = arith.constant 0 : i32
            %lt3A_228 = vector.broadcast %lt3A_227 : i32 to vector<16xi32>
            %lt3A_229 = arith.cmpi slt, %broadcast_in_dim3A_226, %lt3A_228 : vector<16xi32>
            %add3A_230 = arith.constant 16 : i32
            %add3A_231 = vector.broadcast %add3A_230 : i32 to vector<16xi32>
            %add3A_232 = arith.addi %broadcast_in_dim3A_226, %add3A_231 : vector<16xi32>
            %select_n3A_233 = arith.select %lt3A_229, %add3A_232, %broadcast_in_dim3A_226 : vector<16xi1>, vector<16xi32>
            %reshape3A_234 = vector.shape_cast %select_n3A_233 : vector<16xi32> to vector<16x1xi32>
            %gather3A_235 = vector.shape_cast %reshape3A_234 : vector<16x1xi32> to vector<16xi32>
            %gather3A_236 = tpu.dynamic_gather %get3A_203[%gather3A_235] in [0] : vector<16xi32>, vector<16xi32> -> vector<16xi32>
            %broadcast_in_dim3A_237 = arith.constant 0 : i32
            %broadcast_in_dim3A_238 = vector.broadcast %broadcast_in_dim3A_237 : i32 to vector<16xi32>
            %lt3A_239 = arith.constant 0 : i32
            %lt3A_240 = vector.broadcast %lt3A_239 : i32 to vector<16xi32>
            %lt3A_241 = arith.cmpi slt, %broadcast_in_dim3A_238, %lt3A_240 : vector<16xi32>
            %add3A_242 = arith.constant 16 : i32
            %add3A_243 = vector.broadcast %add3A_242 : i32 to vector<16xi32>
            %add3A_244 = arith.addi %broadcast_in_dim3A_238, %add3A_243 : vector<16xi32>
            %select_n3A_245 = arith.select %lt3A_241, %add3A_244, %broadcast_in_dim3A_238 : vector<16xi1>, vector<16xi32>
            %reshape3A_246 = vector.shape_cast %select_n3A_245 : vector<16xi32> to vector<16x1xi32>
            %gather3A_247 = vector.shape_cast %reshape3A_246 : vector<16x1xi32> to vector<16xi32>
            %gather3A_248 = tpu.dynamic_gather %select_n3A_214[%gather3A_247] in [0] : vector<16xf32>, vector<16xi32> -> vector<16xf32>
            %gt3A = arith.cmpf ogt, %gather3A_224, %get3A_161 : vector<16xf32>
            %eq3A = arith.cmpf oeq, %gather3A_224, %get3A_161 : vector<16xf32>
            %le3A = arith.cmpi sle, %gather3A_236, %get3A_163 : vector<16xi32>
            %and3A_249 = arith.andi %eq3A, %le3A : vector<16xi1>
            %or3A = arith.ori %gt3A, %and3A_249 : vector<16xi1>
            %jit3A_250 = arith.constant 0.000000e+00 : f32
            %broadcast_in_dim3A_251 = vector.broadcast %jit3A_250 : f32 to vector<16xf32>
            %select_n3A_252 = arith.select %or3A, %gather3A_248, %broadcast_in_dim3A_251 : vector<16xi1>, vector<16xf32>
            %add3A_253 = arith.addf %while3A_196, %select_n3A_252 : vector<16xf32>
            %broadcast_in_dim3A_254 = arith.constant 1 : i32
            %broadcast_in_dim3A_255 = vector.broadcast %broadcast_in_dim3A_254 : i32 to vector<16xi32>
            %lt3A_256 = arith.constant 0 : i32
            %lt3A_257 = vector.broadcast %lt3A_256 : i32 to vector<16xi32>
            %lt3A_258 = arith.cmpi slt, %broadcast_in_dim3A_255, %lt3A_257 : vector<16xi32>
            %add3A_259 = arith.constant 16 : i32
            %add3A_260 = vector.broadcast %add3A_259 : i32 to vector<16xi32>
            %add3A_261 = arith.addi %broadcast_in_dim3A_255, %add3A_260 : vector<16xi32>
            %select_n3A_262 = arith.select %lt3A_258, %add3A_261, %broadcast_in_dim3A_255 : vector<16xi1>, vector<16xi32>
            %reshape3A_263 = vector.shape_cast %select_n3A_262 : vector<16xi32> to vector<16x1xi32>
            %gather3A_264 = vector.shape_cast %reshape3A_263 : vector<16x1xi32> to vector<16xi32>
            %gather3A_265 = tpu.dynamic_gather %get3A_201[%gather3A_264] in [0] : vector<16xf32>, vector<16xi32> -> vector<16xf32>
            %broadcast_in_dim3A_266 = arith.constant 1 : i32
            %broadcast_in_dim3A_267 = vector.broadcast %broadcast_in_dim3A_266 : i32 to vector<16xi32>
            %lt3A_268 = arith.constant 0 : i32
            %lt3A_269 = vector.broadcast %lt3A_268 : i32 to vector<16xi32>
            %lt3A_270 = arith.cmpi slt, %broadcast_in_dim3A_267, %lt3A_269 : vector<16xi32>
            %add3A_271 = arith.constant 16 : i32
            %add3A_272 = vector.broadcast %add3A_271 : i32 to vector<16xi32>
            %add3A_273 = arith.addi %broadcast_in_dim3A_267, %add3A_272 : vector<16xi32>
            %select_n3A_274 = arith.select %lt3A_270, %add3A_273, %broadcast_in_dim3A_267 : vector<16xi1>, vector<16xi32>
            %reshape3A_275 = vector.shape_cast %select_n3A_274 : vector<16xi32> to vector<16x1xi32>
            %gather3A_276 = vector.shape_cast %reshape3A_275 : vector<16x1xi32> to vector<16xi32>
            %gather3A_277 = tpu.dynamic_gather %get3A_203[%gather3A_276] in [0] : vector<16xi32>, vector<16xi32> -> vector<16xi32>
            %broadcast_in_dim3A_278 = arith.constant 1 : i32
            %broadcast_in_dim3A_279 = vector.broadcast %broadcast_in_dim3A_278 : i32 to vector<16xi32>
            %lt3A_280 = arith.constant 0 : i32
            %lt3A_281 = vector.broadcast %lt3A_280 : i32 to vector<16xi32>
            %lt3A_282 = arith.cmpi slt, %broadcast_in_dim3A_279, %lt3A_281 : vector<16xi32>
            %add3A_283 = arith.constant 16 : i32
            %add3A_284 = vector.broadcast %add3A_283 : i32 to vector<16xi32>
            %add3A_285 = arith.addi %broadcast_in_dim3A_279, %add3A_284 : vector<16xi32>
            %select_n3A_286 = arith.select %lt3A_282, %add3A_285, %broadcast_in_dim3A_279 : vector<16xi1>, vector<16xi32>
            %reshape3A_287 = vector.shape_cast %select_n3A_286 : vector<16xi32> to vector<16x1xi32>
            %gather3A_288 = vector.shape_cast %reshape3A_287 : vector<16x1xi32> to vector<16xi32>
            %gather3A_289 = tpu.dynamic_gather %select_n3A_214[%gather3A_288] in [0] : vector<16xf32>, vector<16xi32> -> vector<16xf32>
            %gt3A_290 = arith.cmpf ogt, %gather3A_265, %get3A_161 : vector<16xf32>
            %eq3A_291 = arith.cmpf oeq, %gather3A_265, %get3A_161 : vector<16xf32>
            %le3A_292 = arith.cmpi sle, %gather3A_277, %get3A_163 : vector<16xi32>
            %and3A_293 = arith.andi %eq3A_291, %le3A_292 : vector<16xi1>
            %or3A_294 = arith.ori %gt3A_290, %and3A_293 : vector<16xi1>
            %jit3A_295 = arith.constant 0.000000e+00 : f32
            %broadcast_in_dim3A_296 = vector.broadcast %jit3A_295 : f32 to vector<16xf32>
            %select_n3A_297 = arith.select %or3A_294, %gather3A_289, %broadcast_in_dim3A_296 : vector<16xi1>, vector<16xf32>
            %add3A_298 = arith.addf %add3A_253, %select_n3A_297 : vector<16xf32>
            %broadcast_in_dim3A_299 = arith.constant 2 : i32
            %broadcast_in_dim3A_300 = vector.broadcast %broadcast_in_dim3A_299 : i32 to vector<16xi32>
            %lt3A_301 = arith.constant 0 : i32
            %lt3A_302 = vector.broadcast %lt3A_301 : i32 to vector<16xi32>
            %lt3A_303 = arith.cmpi slt, %broadcast_in_dim3A_300, %lt3A_302 : vector<16xi32>
            %add3A_304 = arith.constant 16 : i32
            %add3A_305 = vector.broadcast %add3A_304 : i32 to vector<16xi32>
            %add3A_306 = arith.addi %broadcast_in_dim3A_300, %add3A_305 : vector<16xi32>
            %select_n3A_307 = arith.select %lt3A_303, %add3A_306, %broadcast_in_dim3A_300 : vector<16xi1>, vector<16xi32>
            %reshape3A_308 = vector.shape_cast %select_n3A_307 : vector<16xi32> to vector<16x1xi32>
            %gather3A_309 = vector.shape_cast %reshape3A_308 : vector<16x1xi32> to vector<16xi32>
            %gather3A_310 = tpu.dynamic_gather %get3A_201[%gather3A_309] in [0] : vector<16xf32>, vector<16xi32> -> vector<16xf32>
            %broadcast_in_dim3A_311 = arith.constant 2 : i32
            %broadcast_in_dim3A_312 = vector.broadcast %broadcast_in_dim3A_311 : i32 to vector<16xi32>
            %lt3A_313 = arith.constant 0 : i32
            %lt3A_314 = vector.broadcast %lt3A_313 : i32 to vector<16xi32>
            %lt3A_315 = arith.cmpi slt, %broadcast_in_dim3A_312, %lt3A_314 : vector<16xi32>
            %add3A_316 = arith.constant 16 : i32
            %add3A_317 = vector.broadcast %add3A_316 : i32 to vector<16xi32>
            %add3A_318 = arith.addi %broadcast_in_dim3A_312, %add3A_317 : vector<16xi32>
            %select_n3A_319 = arith.select %lt3A_315, %add3A_318, %broadcast_in_dim3A_312 : vector<16xi1>, vector<16xi32>
            %reshape3A_320 = vector.shape_cast %select_n3A_319 : vector<16xi32> to vector<16x1xi32>
            %gather3A_321 = vector.shape_cast %reshape3A_320 : vector<16x1xi32> to vector<16xi32>
            %gather3A_322 = tpu.dynamic_gather %get3A_203[%gather3A_321] in [0] : vector<16xi32>, vector<16xi32> -> vector<16xi32>
            %broadcast_in_dim3A_323 = arith.constant 2 : i32
            %broadcast_in_dim3A_324 = vector.broadcast %broadcast_in_dim3A_323 : i32 to vector<16xi32>
            %lt3A_325 = arith.constant 0 : i32
            %lt3A_326 = vector.broadcast %lt3A_325 : i32 to vector<16xi32>
            %lt3A_327 = arith.cmpi slt, %broadcast_in_dim3A_324, %lt3A_326 : vector<16xi32>
            %add3A_328 = arith.constant 16 : i32
            %add3A_329 = vector.broadcast %add3A_328 : i32 to vector<16xi32>
            %add3A_330 = arith.addi %broadcast_in_dim3A_324, %add3A_329 : vector<16xi32>
            %select_n3A_331 = arith.select %lt3A_327, %add3A_330, %broadcast_in_dim3A_324 : vector<16xi1>, vector<16xi32>
            %reshape3A_332 = vector.shape_cast %select_n3A_331 : vector<16xi32> to vector<16x1xi32>
            %gather3A_333 = vector.shape_cast %reshape3A_332 : vector<16x1xi32> to vector<16xi32>
            %gather3A_334 = tpu.dynamic_gather %select_n3A_214[%gather3A_333] in [0] : vector<16xf32>, vector<16xi32> -> vector<16xf32>
            %gt3A_335 = arith.cmpf ogt, %gather3A_310, %get3A_161 : vector<16xf32>
            %eq3A_336 = arith.cmpf oeq, %gather3A_310, %get3A_161 : vector<16xf32>
            %le3A_337 = arith.cmpi sle, %gather3A_322, %get3A_163 : vector<16xi32>
            %and3A_338 = arith.andi %eq3A_336, %le3A_337 : vector<16xi1>
            %or3A_339 = arith.ori %gt3A_335, %and3A_338 : vector<16xi1>
            %jit3A_340 = arith.constant 0.000000e+00 : f32
            %broadcast_in_dim3A_341 = vector.broadcast %jit3A_340 : f32 to vector<16xf32>
            %select_n3A_342 = arith.select %or3A_339, %gather3A_334, %broadcast_in_dim3A_341 : vector<16xi1>, vector<16xf32>
            %add3A_343 = arith.addf %add3A_298, %select_n3A_342 : vector<16xf32>
            %broadcast_in_dim3A_344 = arith.constant 3 : i32
            %broadcast_in_dim3A_345 = vector.broadcast %broadcast_in_dim3A_344 : i32 to vector<16xi32>
            %lt3A_346 = arith.constant 0 : i32
            %lt3A_347 = vector.broadcast %lt3A_346 : i32 to vector<16xi32>
            %lt3A_348 = arith.cmpi slt, %broadcast_in_dim3A_345, %lt3A_347 : vector<16xi32>
            %add3A_349 = arith.constant 16 : i32
            %add3A_350 = vector.broadcast %add3A_349 : i32 to vector<16xi32>
            %add3A_351 = arith.addi %broadcast_in_dim3A_345, %add3A_350 : vector<16xi32>
            %select_n3A_352 = arith.select %lt3A_348, %add3A_351, %broadcast_in_dim3A_345 : vector<16xi1>, vector<16xi32>
            %reshape3A_353 = vector.shape_cast %select_n3A_352 : vector<16xi32> to vector<16x1xi32>
            %gather3A_354 = vector.shape_cast %reshape3A_353 : vector<16x1xi32> to vector<16xi32>
            %gather3A_355 = tpu.dynamic_gather %get3A_201[%gather3A_354] in [0] : vector<16xf32>, vector<16xi32> -> vector<16xf32>
            %broadcast_in_dim3A_356 = arith.constant 3 : i32
            %broadcast_in_dim3A_357 = vector.broadcast %broadcast_in_dim3A_356 : i32 to vector<16xi32>
            %lt3A_358 = arith.constant 0 : i32
            %lt3A_359 = vector.broadcast %lt3A_358 : i32 to vector<16xi32>
            %lt3A_360 = arith.cmpi slt, %broadcast_in_dim3A_357, %lt3A_359 : vector<16xi32>
            %add3A_361 = arith.constant 16 : i32
            %add3A_362 = vector.broadcast %add3A_361 : i32 to vector<16xi32>
            %add3A_363 = arith.addi %broadcast_in_dim3A_357, %add3A_362 : vector<16xi32>
            %select_n3A_364 = arith.select %lt3A_360, %add3A_363, %broadcast_in_dim3A_357 : vector<16xi1>, vector<16xi32>
            %reshape3A_365 = vector.shape_cast %select_n3A_364 : vector<16xi32> to vector<16x1xi32>
            %gather3A_366 = vector.shape_cast %reshape3A_365 : vector<16x1xi32> to vector<16xi32>
            %gather3A_367 = tpu.dynamic_gather %get3A_203[%gather3A_366] in [0] : vector<16xi32>, vector<16xi32> -> vector<16xi32>
            %broadcast_in_dim3A_368 = arith.constant 3 : i32
            %broadcast_in_dim3A_369 = vector.broadcast %broadcast_in_dim3A_368 : i32 to vector<16xi32>
            %lt3A_370 = arith.constant 0 : i32
            %lt3A_371 = vector.broadcast %lt3A_370 : i32 to vector<16xi32>
            %lt3A_372 = arith.cmpi slt, %broadcast_in_dim3A_369, %lt3A_371 : vector<16xi32>
            %add3A_373 = arith.constant 16 : i32
            %add3A_374 = vector.broadcast %add3A_373 : i32 to vector<16xi32>
            %add3A_375 = arith.addi %broadcast_in_dim3A_369, %add3A_374 : vector<16xi32>
            %select_n3A_376 = arith.select %lt3A_372, %add3A_375, %broadcast_in_dim3A_369 : vector<16xi1>, vector<16xi32>
            %reshape3A_377 = vector.shape_cast %select_n3A_376 : vector<16xi32> to vector<16x1xi32>
            %gather3A_378 = vector.shape_cast %reshape3A_377 : vector<16x1xi32> to vector<16xi32>
            %gather3A_379 = tpu.dynamic_gather %select_n3A_214[%gather3A_378] in [0] : vector<16xf32>, vector<16xi32> -> vector<16xf32>
            %gt3A_380 = arith.cmpf ogt, %gather3A_355, %get3A_161 : vector<16xf32>
            %eq3A_381 = arith.cmpf oeq, %gather3A_355, %get3A_161 : vector<16xf32>
            %le3A_382 = arith.cmpi sle, %gather3A_367, %get3A_163 : vector<16xi32>
            %and3A_383 = arith.andi %eq3A_381, %le3A_382 : vector<16xi1>
            %or3A_384 = arith.ori %gt3A_380, %and3A_383 : vector<16xi1>
            %jit3A_385 = arith.constant 0.000000e+00 : f32
            %broadcast_in_dim3A_386 = vector.broadcast %jit3A_385 : f32 to vector<16xf32>
            %select_n3A_387 = arith.select %or3A_384, %gather3A_379, %broadcast_in_dim3A_386 : vector<16xi1>, vector<16xf32>
            %add3A_388 = arith.addf %add3A_343, %select_n3A_387 : vector<16xf32>
            %broadcast_in_dim3A_389 = arith.constant 4 : i32
            %broadcast_in_dim3A_390 = vector.broadcast %broadcast_in_dim3A_389 : i32 to vector<16xi32>
            %lt3A_391 = arith.constant 0 : i32
            %lt3A_392 = vector.broadcast %lt3A_391 : i32 to vector<16xi32>
            %lt3A_393 = arith.cmpi slt, %broadcast_in_dim3A_390, %lt3A_392 : vector<16xi32>
            %add3A_394 = arith.constant 16 : i32
            %add3A_395 = vector.broadcast %add3A_394 : i32 to vector<16xi32>
            %add3A_396 = arith.addi %broadcast_in_dim3A_390, %add3A_395 : vector<16xi32>
            %select_n3A_397 = arith.select %lt3A_393, %add3A_396, %broadcast_in_dim3A_390 : vector<16xi1>, vector<16xi32>
            %reshape3A_398 = vector.shape_cast %select_n3A_397 : vector<16xi32> to vector<16x1xi32>
            %gather3A_399 = vector.shape_cast %reshape3A_398 : vector<16x1xi32> to vector<16xi32>
            %gather3A_400 = tpu.dynamic_gather %get3A_201[%gather3A_399] in [0] : vector<16xf32>, vector<16xi32> -> vector<16xf32>
            %broadcast_in_dim3A_401 = arith.constant 4 : i32
            %broadcast_in_dim3A_402 = vector.broadcast %broadcast_in_dim3A_401 : i32 to vector<16xi32>
            %lt3A_403 = arith.constant 0 : i32
            %lt3A_404 = vector.broadcast %lt3A_403 : i32 to vector<16xi32>
            %lt3A_405 = arith.cmpi slt, %broadcast_in_dim3A_402, %lt3A_404 : vector<16xi32>
            %add3A_406 = arith.constant 16 : i32
            %add3A_407 = vector.broadcast %add3A_406 : i32 to vector<16xi32>
            %add3A_408 = arith.addi %broadcast_in_dim3A_402, %add3A_407 : vector<16xi32>
            %select_n3A_409 = arith.select %lt3A_405, %add3A_408, %broadcast_in_dim3A_402 : vector<16xi1>, vector<16xi32>
            %reshape3A_410 = vector.shape_cast %select_n3A_409 : vector<16xi32> to vector<16x1xi32>
            %gather3A_411 = vector.shape_cast %reshape3A_410 : vector<16x1xi32> to vector<16xi32>
            %gather3A_412 = tpu.dynamic_gather %get3A_203[%gather3A_411] in [0] : vector<16xi32>, vector<16xi32> -> vector<16xi32>
            %broadcast_in_dim3A_413 = arith.constant 4 : i32
            %broadcast_in_dim3A_414 = vector.broadcast %broadcast_in_dim3A_413 : i32 to vector<16xi32>
            %lt3A_415 = arith.constant 0 : i32
            %lt3A_416 = vector.broadcast %lt3A_415 : i32 to vector<16xi32>
            %lt3A_417 = arith.cmpi slt, %broadcast_in_dim3A_414, %lt3A_416 : vector<16xi32>
            %add3A_418 = arith.constant 16 : i32
            %add3A_419 = vector.broadcast %add3A_418 : i32 to vector<16xi32>
            %add3A_420 = arith.addi %broadcast_in_dim3A_414, %add3A_419 : vector<16xi32>
            %select_n3A_421 = arith.select %lt3A_417, %add3A_420, %broadcast_in_dim3A_414 : vector<16xi1>, vector<16xi32>
            %reshape3A_422 = vector.shape_cast %select_n3A_421 : vector<16xi32> to vector<16x1xi32>
            %gather3A_423 = vector.shape_cast %reshape3A_422 : vector<16x1xi32> to vector<16xi32>
            %gather3A_424 = tpu.dynamic_gather %select_n3A_214[%gather3A_423] in [0] : vector<16xf32>, vector<16xi32> -> vector<16xf32>
            %gt3A_425 = arith.cmpf ogt, %gather3A_400, %get3A_161 : vector<16xf32>
            %eq3A_426 = arith.cmpf oeq, %gather3A_400, %get3A_161 : vector<16xf32>
            %le3A_427 = arith.cmpi sle, %gather3A_412, %get3A_163 : vector<16xi32>
            %and3A_428 = arith.andi %eq3A_426, %le3A_427 : vector<16xi1>
            %or3A_429 = arith.ori %gt3A_425, %and3A_428 : vector<16xi1>
            %jit3A_430 = arith.constant 0.000000e+00 : f32
            %broadcast_in_dim3A_431 = vector.broadcast %jit3A_430 : f32 to vector<16xf32>
            %select_n3A_432 = arith.select %or3A_429, %gather3A_424, %broadcast_in_dim3A_431 : vector<16xi1>, vector<16xf32>
            %add3A_433 = arith.addf %add3A_388, %select_n3A_432 : vector<16xf32>
            %broadcast_in_dim3A_434 = arith.constant 5 : i32
            %broadcast_in_dim3A_435 = vector.broadcast %broadcast_in_dim3A_434 : i32 to vector<16xi32>
            %lt3A_436 = arith.constant 0 : i32
            %lt3A_437 = vector.broadcast %lt3A_436 : i32 to vector<16xi32>
            %lt3A_438 = arith.cmpi slt, %broadcast_in_dim3A_435, %lt3A_437 : vector<16xi32>
            %add3A_439 = arith.constant 16 : i32
            %add3A_440 = vector.broadcast %add3A_439 : i32 to vector<16xi32>
            %add3A_441 = arith.addi %broadcast_in_dim3A_435, %add3A_440 : vector<16xi32>
            %select_n3A_442 = arith.select %lt3A_438, %add3A_441, %broadcast_in_dim3A_435 : vector<16xi1>, vector<16xi32>
            %reshape3A_443 = vector.shape_cast %select_n3A_442 : vector<16xi32> to vector<16x1xi32>
            %gather3A_444 = vector.shape_cast %reshape3A_443 : vector<16x1xi32> to vector<16xi32>
            %gather3A_445 = tpu.dynamic_gather %get3A_201[%gather3A_444] in [0] : vector<16xf32>, vector<16xi32> -> vector<16xf32>
            %broadcast_in_dim3A_446 = arith.constant 5 : i32
            %broadcast_in_dim3A_447 = vector.broadcast %broadcast_in_dim3A_446 : i32 to vector<16xi32>
            %lt3A_448 = arith.constant 0 : i32
            %lt3A_449 = vector.broadcast %lt3A_448 : i32 to vector<16xi32>
            %lt3A_450 = arith.cmpi slt, %broadcast_in_dim3A_447, %lt3A_449 : vector<16xi32>
            %add3A_451 = arith.constant 16 : i32
            %add3A_452 = vector.broadcast %add3A_451 : i32 to vector<16xi32>
            %add3A_453 = arith.addi %broadcast_in_dim3A_447, %add3A_452 : vector<16xi32>
            %select_n3A_454 = arith.select %lt3A_450, %add3A_453, %broadcast_in_dim3A_447 : vector<16xi1>, vector<16xi32>
            %reshape3A_455 = vector.shape_cast %select_n3A_454 : vector<16xi32> to vector<16x1xi32>
            %gather3A_456 = vector.shape_cast %reshape3A_455 : vector<16x1xi32> to vector<16xi32>
            %gather3A_457 = tpu.dynamic_gather %get3A_203[%gather3A_456] in [0] : vector<16xi32>, vector<16xi32> -> vector<16xi32>
            %broadcast_in_dim3A_458 = arith.constant 5 : i32
            %broadcast_in_dim3A_459 = vector.broadcast %broadcast_in_dim3A_458 : i32 to vector<16xi32>
            %lt3A_460 = arith.constant 0 : i32
            %lt3A_461 = vector.broadcast %lt3A_460 : i32 to vector<16xi32>
            %lt3A_462 = arith.cmpi slt, %broadcast_in_dim3A_459, %lt3A_461 : vector<16xi32>
            %add3A_463 = arith.constant 16 : i32
            %add3A_464 = vector.broadcast %add3A_463 : i32 to vector<16xi32>
            %add3A_465 = arith.addi %broadcast_in_dim3A_459, %add3A_464 : vector<16xi32>
            %select_n3A_466 = arith.select %lt3A_462, %add3A_465, %broadcast_in_dim3A_459 : vector<16xi1>, vector<16xi32>
            %reshape3A_467 = vector.shape_cast %select_n3A_466 : vector<16xi32> to vector<16x1xi32>
            %gather3A_468 = vector.shape_cast %reshape3A_467 : vector<16x1xi32> to vector<16xi32>
            %gather3A_469 = tpu.dynamic_gather %select_n3A_214[%gather3A_468] in [0] : vector<16xf32>, vector<16xi32> -> vector<16xf32>
            %gt3A_470 = arith.cmpf ogt, %gather3A_445, %get3A_161 : vector<16xf32>
            %eq3A_471 = arith.cmpf oeq, %gather3A_445, %get3A_161 : vector<16xf32>
            %le3A_472 = arith.cmpi sle, %gather3A_457, %get3A_163 : vector<16xi32>
            %and3A_473 = arith.andi %eq3A_471, %le3A_472 : vector<16xi1>
            %or3A_474 = arith.ori %gt3A_470, %and3A_473 : vector<16xi1>
            %jit3A_475 = arith.constant 0.000000e+00 : f32
            %broadcast_in_dim3A_476 = vector.broadcast %jit3A_475 : f32 to vector<16xf32>
            %select_n3A_477 = arith.select %or3A_474, %gather3A_469, %broadcast_in_dim3A_476 : vector<16xi1>, vector<16xf32>
            %add3A_478 = arith.addf %add3A_433, %select_n3A_477 : vector<16xf32>
            %broadcast_in_dim3A_479 = arith.constant 6 : i32
            %broadcast_in_dim3A_480 = vector.broadcast %broadcast_in_dim3A_479 : i32 to vector<16xi32>
            %lt3A_481 = arith.constant 0 : i32
            %lt3A_482 = vector.broadcast %lt3A_481 : i32 to vector<16xi32>
            %lt3A_483 = arith.cmpi slt, %broadcast_in_dim3A_480, %lt3A_482 : vector<16xi32>
            %add3A_484 = arith.constant 16 : i32
            %add3A_485 = vector.broadcast %add3A_484 : i32 to vector<16xi32>
            %add3A_486 = arith.addi %broadcast_in_dim3A_480, %add3A_485 : vector<16xi32>
            %select_n3A_487 = arith.select %lt3A_483, %add3A_486, %broadcast_in_dim3A_480 : vector<16xi1>, vector<16xi32>
            %reshape3A_488 = vector.shape_cast %select_n3A_487 : vector<16xi32> to vector<16x1xi32>
            %gather3A_489 = vector.shape_cast %reshape3A_488 : vector<16x1xi32> to vector<16xi32>
            %gather3A_490 = tpu.dynamic_gather %get3A_201[%gather3A_489] in [0] : vector<16xf32>, vector<16xi32> -> vector<16xf32>
            %broadcast_in_dim3A_491 = arith.constant 6 : i32
            %broadcast_in_dim3A_492 = vector.broadcast %broadcast_in_dim3A_491 : i32 to vector<16xi32>
            %lt3A_493 = arith.constant 0 : i32
            %lt3A_494 = vector.broadcast %lt3A_493 : i32 to vector<16xi32>
            %lt3A_495 = arith.cmpi slt, %broadcast_in_dim3A_492, %lt3A_494 : vector<16xi32>
            %add3A_496 = arith.constant 16 : i32
            %add3A_497 = vector.broadcast %add3A_496 : i32 to vector<16xi32>
            %add3A_498 = arith.addi %broadcast_in_dim3A_492, %add3A_497 : vector<16xi32>
            %select_n3A_499 = arith.select %lt3A_495, %add3A_498, %broadcast_in_dim3A_492 : vector<16xi1>, vector<16xi32>
            %reshape3A_500 = vector.shape_cast %select_n3A_499 : vector<16xi32> to vector<16x1xi32>
            %gather3A_501 = vector.shape_cast %reshape3A_500 : vector<16x1xi32> to vector<16xi32>
            %gather3A_502 = tpu.dynamic_gather %get3A_203[%gather3A_501] in [0] : vector<16xi32>, vector<16xi32> -> vector<16xi32>
            %broadcast_in_dim3A_503 = arith.constant 6 : i32
            %broadcast_in_dim3A_504 = vector.broadcast %broadcast_in_dim3A_503 : i32 to vector<16xi32>
            %lt3A_505 = arith.constant 0 : i32
            %lt3A_506 = vector.broadcast %lt3A_505 : i32 to vector<16xi32>
            %lt3A_507 = arith.cmpi slt, %broadcast_in_dim3A_504, %lt3A_506 : vector<16xi32>
            %add3A_508 = arith.constant 16 : i32
            %add3A_509 = vector.broadcast %add3A_508 : i32 to vector<16xi32>
            %add3A_510 = arith.addi %broadcast_in_dim3A_504, %add3A_509 : vector<16xi32>
            %select_n3A_511 = arith.select %lt3A_507, %add3A_510, %broadcast_in_dim3A_504 : vector<16xi1>, vector<16xi32>
            %reshape3A_512 = vector.shape_cast %select_n3A_511 : vector<16xi32> to vector<16x1xi32>
            %gather3A_513 = vector.shape_cast %reshape3A_512 : vector<16x1xi32> to vector<16xi32>
            %gather3A_514 = tpu.dynamic_gather %select_n3A_214[%gather3A_513] in [0] : vector<16xf32>, vector<16xi32> -> vector<16xf32>
            %gt3A_515 = arith.cmpf ogt, %gather3A_490, %get3A_161 : vector<16xf32>
            %eq3A_516 = arith.cmpf oeq, %gather3A_490, %get3A_161 : vector<16xf32>
            %le3A_517 = arith.cmpi sle, %gather3A_502, %get3A_163 : vector<16xi32>
            %and3A_518 = arith.andi %eq3A_516, %le3A_517 : vector<16xi1>
            %or3A_519 = arith.ori %gt3A_515, %and3A_518 : vector<16xi1>
            %jit3A_520 = arith.constant 0.000000e+00 : f32
            %broadcast_in_dim3A_521 = vector.broadcast %jit3A_520 : f32 to vector<16xf32>
            %select_n3A_522 = arith.select %or3A_519, %gather3A_514, %broadcast_in_dim3A_521 : vector<16xi1>, vector<16xf32>
            %add3A_523 = arith.addf %add3A_478, %select_n3A_522 : vector<16xf32>
            %broadcast_in_dim3A_524 = arith.constant 7 : i32
            %broadcast_in_dim3A_525 = vector.broadcast %broadcast_in_dim3A_524 : i32 to vector<16xi32>
            %lt3A_526 = arith.constant 0 : i32
            %lt3A_527 = vector.broadcast %lt3A_526 : i32 to vector<16xi32>
            %lt3A_528 = arith.cmpi slt, %broadcast_in_dim3A_525, %lt3A_527 : vector<16xi32>
            %add3A_529 = arith.constant 16 : i32
            %add3A_530 = vector.broadcast %add3A_529 : i32 to vector<16xi32>
            %add3A_531 = arith.addi %broadcast_in_dim3A_525, %add3A_530 : vector<16xi32>
            %select_n3A_532 = arith.select %lt3A_528, %add3A_531, %broadcast_in_dim3A_525 : vector<16xi1>, vector<16xi32>
            %reshape3A_533 = vector.shape_cast %select_n3A_532 : vector<16xi32> to vector<16x1xi32>
            %gather3A_534 = vector.shape_cast %reshape3A_533 : vector<16x1xi32> to vector<16xi32>
            %gather3A_535 = tpu.dynamic_gather %get3A_201[%gather3A_534] in [0] : vector<16xf32>, vector<16xi32> -> vector<16xf32>
            %broadcast_in_dim3A_536 = arith.constant 7 : i32
            %broadcast_in_dim3A_537 = vector.broadcast %broadcast_in_dim3A_536 : i32 to vector<16xi32>
            %lt3A_538 = arith.constant 0 : i32
            %lt3A_539 = vector.broadcast %lt3A_538 : i32 to vector<16xi32>
            %lt3A_540 = arith.cmpi slt, %broadcast_in_dim3A_537, %lt3A_539 : vector<16xi32>
            %add3A_541 = arith.constant 16 : i32
            %add3A_542 = vector.broadcast %add3A_541 : i32 to vector<16xi32>
            %add3A_543 = arith.addi %broadcast_in_dim3A_537, %add3A_542 : vector<16xi32>
            %select_n3A_544 = arith.select %lt3A_540, %add3A_543, %broadcast_in_dim3A_537 : vector<16xi1>, vector<16xi32>
            %reshape3A_545 = vector.shape_cast %select_n3A_544 : vector<16xi32> to vector<16x1xi32>
            %gather3A_546 = vector.shape_cast %reshape3A_545 : vector<16x1xi32> to vector<16xi32>
            %gather3A_547 = tpu.dynamic_gather %get3A_203[%gather3A_546] in [0] : vector<16xi32>, vector<16xi32> -> vector<16xi32>
            %broadcast_in_dim3A_548 = arith.constant 7 : i32
            %broadcast_in_dim3A_549 = vector.broadcast %broadcast_in_dim3A_548 : i32 to vector<16xi32>
            %lt3A_550 = arith.constant 0 : i32
            %lt3A_551 = vector.broadcast %lt3A_550 : i32 to vector<16xi32>
            %lt3A_552 = arith.cmpi slt, %broadcast_in_dim3A_549, %lt3A_551 : vector<16xi32>
            %add3A_553 = arith.constant 16 : i32
            %add3A_554 = vector.broadcast %add3A_553 : i32 to vector<16xi32>
            %add3A_555 = arith.addi %broadcast_in_dim3A_549, %add3A_554 : vector<16xi32>
            %select_n3A_556 = arith.select %lt3A_552, %add3A_555, %broadcast_in_dim3A_549 : vector<16xi1>, vector<16xi32>
            %reshape3A_557 = vector.shape_cast %select_n3A_556 : vector<16xi32> to vector<16x1xi32>
            %gather3A_558 = vector.shape_cast %reshape3A_557 : vector<16x1xi32> to vector<16xi32>
            %gather3A_559 = tpu.dynamic_gather %select_n3A_214[%gather3A_558] in [0] : vector<16xf32>, vector<16xi32> -> vector<16xf32>
            %gt3A_560 = arith.cmpf ogt, %gather3A_535, %get3A_161 : vector<16xf32>
            %eq3A_561 = arith.cmpf oeq, %gather3A_535, %get3A_161 : vector<16xf32>
            %le3A_562 = arith.cmpi sle, %gather3A_547, %get3A_163 : vector<16xi32>
            %and3A_563 = arith.andi %eq3A_561, %le3A_562 : vector<16xi1>
            %or3A_564 = arith.ori %gt3A_560, %and3A_563 : vector<16xi1>
            %jit3A_565 = arith.constant 0.000000e+00 : f32
            %broadcast_in_dim3A_566 = vector.broadcast %jit3A_565 : f32 to vector<16xf32>
            %select_n3A_567 = arith.select %or3A_564, %gather3A_559, %broadcast_in_dim3A_566 : vector<16xi1>, vector<16xf32>
            %add3A_568 = arith.addf %add3A_523, %select_n3A_567 : vector<16xf32>
            %broadcast_in_dim3A_569 = arith.constant 8 : i32
            %broadcast_in_dim3A_570 = vector.broadcast %broadcast_in_dim3A_569 : i32 to vector<16xi32>
            %lt3A_571 = arith.constant 0 : i32
            %lt3A_572 = vector.broadcast %lt3A_571 : i32 to vector<16xi32>
            %lt3A_573 = arith.cmpi slt, %broadcast_in_dim3A_570, %lt3A_572 : vector<16xi32>
            %add3A_574 = arith.constant 16 : i32
            %add3A_575 = vector.broadcast %add3A_574 : i32 to vector<16xi32>
            %add3A_576 = arith.addi %broadcast_in_dim3A_570, %add3A_575 : vector<16xi32>
            %select_n3A_577 = arith.select %lt3A_573, %add3A_576, %broadcast_in_dim3A_570 : vector<16xi1>, vector<16xi32>
            %reshape3A_578 = vector.shape_cast %select_n3A_577 : vector<16xi32> to vector<16x1xi32>
            %gather3A_579 = vector.shape_cast %reshape3A_578 : vector<16x1xi32> to vector<16xi32>
            %gather3A_580 = tpu.dynamic_gather %get3A_201[%gather3A_579] in [0] : vector<16xf32>, vector<16xi32> -> vector<16xf32>
            %broadcast_in_dim3A_581 = arith.constant 8 : i32
            %broadcast_in_dim3A_582 = vector.broadcast %broadcast_in_dim3A_581 : i32 to vector<16xi32>
            %lt3A_583 = arith.constant 0 : i32
            %lt3A_584 = vector.broadcast %lt3A_583 : i32 to vector<16xi32>
            %lt3A_585 = arith.cmpi slt, %broadcast_in_dim3A_582, %lt3A_584 : vector<16xi32>
            %add3A_586 = arith.constant 16 : i32
            %add3A_587 = vector.broadcast %add3A_586 : i32 to vector<16xi32>
            %add3A_588 = arith.addi %broadcast_in_dim3A_582, %add3A_587 : vector<16xi32>
            %select_n3A_589 = arith.select %lt3A_585, %add3A_588, %broadcast_in_dim3A_582 : vector<16xi1>, vector<16xi32>
            %reshape3A_590 = vector.shape_cast %select_n3A_589 : vector<16xi32> to vector<16x1xi32>
            %gather3A_591 = vector.shape_cast %reshape3A_590 : vector<16x1xi32> to vector<16xi32>
            %gather3A_592 = tpu.dynamic_gather %get3A_203[%gather3A_591] in [0] : vector<16xi32>, vector<16xi32> -> vector<16xi32>
            %broadcast_in_dim3A_593 = arith.constant 8 : i32
            %broadcast_in_dim3A_594 = vector.broadcast %broadcast_in_dim3A_593 : i32 to vector<16xi32>
            %lt3A_595 = arith.constant 0 : i32
            %lt3A_596 = vector.broadcast %lt3A_595 : i32 to vector<16xi32>
            %lt3A_597 = arith.cmpi slt, %broadcast_in_dim3A_594, %lt3A_596 : vector<16xi32>
            %add3A_598 = arith.constant 16 : i32
            %add3A_599 = vector.broadcast %add3A_598 : i32 to vector<16xi32>
            %add3A_600 = arith.addi %broadcast_in_dim3A_594, %add3A_599 : vector<16xi32>
            %select_n3A_601 = arith.select %lt3A_597, %add3A_600, %broadcast_in_dim3A_594 : vector<16xi1>, vector<16xi32>
            %reshape3A_602 = vector.shape_cast %select_n3A_601 : vector<16xi32> to vector<16x1xi32>
            %gather3A_603 = vector.shape_cast %reshape3A_602 : vector<16x1xi32> to vector<16xi32>
            %gather3A_604 = tpu.dynamic_gather %select_n3A_214[%gather3A_603] in [0] : vector<16xf32>, vector<16xi32> -> vector<16xf32>
            %gt3A_605 = arith.cmpf ogt, %gather3A_580, %get3A_161 : vector<16xf32>
            %eq3A_606 = arith.cmpf oeq, %gather3A_580, %get3A_161 : vector<16xf32>
            %le3A_607 = arith.cmpi sle, %gather3A_592, %get3A_163 : vector<16xi32>
            %and3A_608 = arith.andi %eq3A_606, %le3A_607 : vector<16xi1>
            %or3A_609 = arith.ori %gt3A_605, %and3A_608 : vector<16xi1>
            %jit3A_610 = arith.constant 0.000000e+00 : f32
            %broadcast_in_dim3A_611 = vector.broadcast %jit3A_610 : f32 to vector<16xf32>
            %select_n3A_612 = arith.select %or3A_609, %gather3A_604, %broadcast_in_dim3A_611 : vector<16xi1>, vector<16xf32>
            %add3A_613 = arith.addf %add3A_568, %select_n3A_612 : vector<16xf32>
            %broadcast_in_dim3A_614 = arith.constant 9 : i32
            %broadcast_in_dim3A_615 = vector.broadcast %broadcast_in_dim3A_614 : i32 to vector<16xi32>
            %lt3A_616 = arith.constant 0 : i32
            %lt3A_617 = vector.broadcast %lt3A_616 : i32 to vector<16xi32>
            %lt3A_618 = arith.cmpi slt, %broadcast_in_dim3A_615, %lt3A_617 : vector<16xi32>
            %add3A_619 = arith.constant 16 : i32
            %add3A_620 = vector.broadcast %add3A_619 : i32 to vector<16xi32>
            %add3A_621 = arith.addi %broadcast_in_dim3A_615, %add3A_620 : vector<16xi32>
            %select_n3A_622 = arith.select %lt3A_618, %add3A_621, %broadcast_in_dim3A_615 : vector<16xi1>, vector<16xi32>
            %reshape3A_623 = vector.shape_cast %select_n3A_622 : vector<16xi32> to vector<16x1xi32>
            %gather3A_624 = vector.shape_cast %reshape3A_623 : vector<16x1xi32> to vector<16xi32>
            %gather3A_625 = tpu.dynamic_gather %get3A_201[%gather3A_624] in [0] : vector<16xf32>, vector<16xi32> -> vector<16xf32>
            %broadcast_in_dim3A_626 = arith.constant 9 : i32
            %broadcast_in_dim3A_627 = vector.broadcast %broadcast_in_dim3A_626 : i32 to vector<16xi32>
            %lt3A_628 = arith.constant 0 : i32
            %lt3A_629 = vector.broadcast %lt3A_628 : i32 to vector<16xi32>
            %lt3A_630 = arith.cmpi slt, %broadcast_in_dim3A_627, %lt3A_629 : vector<16xi32>
            %add3A_631 = arith.constant 16 : i32
            %add3A_632 = vector.broadcast %add3A_631 : i32 to vector<16xi32>
            %add3A_633 = arith.addi %broadcast_in_dim3A_627, %add3A_632 : vector<16xi32>
            %select_n3A_634 = arith.select %lt3A_630, %add3A_633, %broadcast_in_dim3A_627 : vector<16xi1>, vector<16xi32>
            %reshape3A_635 = vector.shape_cast %select_n3A_634 : vector<16xi32> to vector<16x1xi32>
            %gather3A_636 = vector.shape_cast %reshape3A_635 : vector<16x1xi32> to vector<16xi32>
            %gather3A_637 = tpu.dynamic_gather %get3A_203[%gather3A_636] in [0] : vector<16xi32>, vector<16xi32> -> vector<16xi32>
            %broadcast_in_dim3A_638 = arith.constant 9 : i32
            %broadcast_in_dim3A_639 = vector.broadcast %broadcast_in_dim3A_638 : i32 to vector<16xi32>
            %lt3A_640 = arith.constant 0 : i32
            %lt3A_641 = vector.broadcast %lt3A_640 : i32 to vector<16xi32>
            %lt3A_642 = arith.cmpi slt, %broadcast_in_dim3A_639, %lt3A_641 : vector<16xi32>
            %add3A_643 = arith.constant 16 : i32
            %add3A_644 = vector.broadcast %add3A_643 : i32 to vector<16xi32>
            %add3A_645 = arith.addi %broadcast_in_dim3A_639, %add3A_644 : vector<16xi32>
            %select_n3A_646 = arith.select %lt3A_642, %add3A_645, %broadcast_in_dim3A_639 : vector<16xi1>, vector<16xi32>
            %reshape3A_647 = vector.shape_cast %select_n3A_646 : vector<16xi32> to vector<16x1xi32>
            %gather3A_648 = vector.shape_cast %reshape3A_647 : vector<16x1xi32> to vector<16xi32>
            %gather3A_649 = tpu.dynamic_gather %select_n3A_214[%gather3A_648] in [0] : vector<16xf32>, vector<16xi32> -> vector<16xf32>
            %gt3A_650 = arith.cmpf ogt, %gather3A_625, %get3A_161 : vector<16xf32>
            %eq3A_651 = arith.cmpf oeq, %gather3A_625, %get3A_161 : vector<16xf32>
            %le3A_652 = arith.cmpi sle, %gather3A_637, %get3A_163 : vector<16xi32>
            %and3A_653 = arith.andi %eq3A_651, %le3A_652 : vector<16xi1>
            %or3A_654 = arith.ori %gt3A_650, %and3A_653 : vector<16xi1>
            %jit3A_655 = arith.constant 0.000000e+00 : f32
            %broadcast_in_dim3A_656 = vector.broadcast %jit3A_655 : f32 to vector<16xf32>
            %select_n3A_657 = arith.select %or3A_654, %gather3A_649, %broadcast_in_dim3A_656 : vector<16xi1>, vector<16xf32>
            %add3A_658 = arith.addf %add3A_613, %select_n3A_657 : vector<16xf32>
            %broadcast_in_dim3A_659 = arith.constant 10 : i32
            %broadcast_in_dim3A_660 = vector.broadcast %broadcast_in_dim3A_659 : i32 to vector<16xi32>
            %lt3A_661 = arith.constant 0 : i32
            %lt3A_662 = vector.broadcast %lt3A_661 : i32 to vector<16xi32>
            %lt3A_663 = arith.cmpi slt, %broadcast_in_dim3A_660, %lt3A_662 : vector<16xi32>
            %add3A_664 = arith.constant 16 : i32
            %add3A_665 = vector.broadcast %add3A_664 : i32 to vector<16xi32>
            %add3A_666 = arith.addi %broadcast_in_dim3A_660, %add3A_665 : vector<16xi32>
            %select_n3A_667 = arith.select %lt3A_663, %add3A_666, %broadcast_in_dim3A_660 : vector<16xi1>, vector<16xi32>
            %reshape3A_668 = vector.shape_cast %select_n3A_667 : vector<16xi32> to vector<16x1xi32>
            %gather3A_669 = vector.shape_cast %reshape3A_668 : vector<16x1xi32> to vector<16xi32>
            %gather3A_670 = tpu.dynamic_gather %get3A_201[%gather3A_669] in [0] : vector<16xf32>, vector<16xi32> -> vector<16xf32>
            %broadcast_in_dim3A_671 = arith.constant 10 : i32
            %broadcast_in_dim3A_672 = vector.broadcast %broadcast_in_dim3A_671 : i32 to vector<16xi32>
            %lt3A_673 = arith.constant 0 : i32
            %lt3A_674 = vector.broadcast %lt3A_673 : i32 to vector<16xi32>
            %lt3A_675 = arith.cmpi slt, %broadcast_in_dim3A_672, %lt3A_674 : vector<16xi32>
            %add3A_676 = arith.constant 16 : i32
            %add3A_677 = vector.broadcast %add3A_676 : i32 to vector<16xi32>
            %add3A_678 = arith.addi %broadcast_in_dim3A_672, %add3A_677 : vector<16xi32>
            %select_n3A_679 = arith.select %lt3A_675, %add3A_678, %broadcast_in_dim3A_672 : vector<16xi1>, vector<16xi32>
            %reshape3A_680 = vector.shape_cast %select_n3A_679 : vector<16xi32> to vector<16x1xi32>
            %gather3A_681 = vector.shape_cast %reshape3A_680 : vector<16x1xi32> to vector<16xi32>
            %gather3A_682 = tpu.dynamic_gather %get3A_203[%gather3A_681] in [0] : vector<16xi32>, vector<16xi32> -> vector<16xi32>
            %broadcast_in_dim3A_683 = arith.constant 10 : i32
            %broadcast_in_dim3A_684 = vector.broadcast %broadcast_in_dim3A_683 : i32 to vector<16xi32>
            %lt3A_685 = arith.constant 0 : i32
            %lt3A_686 = vector.broadcast %lt3A_685 : i32 to vector<16xi32>
            %lt3A_687 = arith.cmpi slt, %broadcast_in_dim3A_684, %lt3A_686 : vector<16xi32>
            %add3A_688 = arith.constant 16 : i32
            %add3A_689 = vector.broadcast %add3A_688 : i32 to vector<16xi32>
            %add3A_690 = arith.addi %broadcast_in_dim3A_684, %add3A_689 : vector<16xi32>
            %select_n3A_691 = arith.select %lt3A_687, %add3A_690, %broadcast_in_dim3A_684 : vector<16xi1>, vector<16xi32>
            %reshape3A_692 = vector.shape_cast %select_n3A_691 : vector<16xi32> to vector<16x1xi32>
            %gather3A_693 = vector.shape_cast %reshape3A_692 : vector<16x1xi32> to vector<16xi32>
            %gather3A_694 = tpu.dynamic_gather %select_n3A_214[%gather3A_693] in [0] : vector<16xf32>, vector<16xi32> -> vector<16xf32>
            %gt3A_695 = arith.cmpf ogt, %gather3A_670, %get3A_161 : vector<16xf32>
            %eq3A_696 = arith.cmpf oeq, %gather3A_670, %get3A_161 : vector<16xf32>
            %le3A_697 = arith.cmpi sle, %gather3A_682, %get3A_163 : vector<16xi32>
            %and3A_698 = arith.andi %eq3A_696, %le3A_697 : vector<16xi1>
            %or3A_699 = arith.ori %gt3A_695, %and3A_698 : vector<16xi1>
            %jit3A_700 = arith.constant 0.000000e+00 : f32
            %broadcast_in_dim3A_701 = vector.broadcast %jit3A_700 : f32 to vector<16xf32>
            %select_n3A_702 = arith.select %or3A_699, %gather3A_694, %broadcast_in_dim3A_701 : vector<16xi1>, vector<16xf32>
            %add3A_703 = arith.addf %add3A_658, %select_n3A_702 : vector<16xf32>
            %broadcast_in_dim3A_704 = arith.constant 11 : i32
            %broadcast_in_dim3A_705 = vector.broadcast %broadcast_in_dim3A_704 : i32 to vector<16xi32>
            %lt3A_706 = arith.constant 0 : i32
            %lt3A_707 = vector.broadcast %lt3A_706 : i32 to vector<16xi32>
            %lt3A_708 = arith.cmpi slt, %broadcast_in_dim3A_705, %lt3A_707 : vector<16xi32>
            %add3A_709 = arith.constant 16 : i32
            %add3A_710 = vector.broadcast %add3A_709 : i32 to vector<16xi32>
            %add3A_711 = arith.addi %broadcast_in_dim3A_705, %add3A_710 : vector<16xi32>
            %select_n3A_712 = arith.select %lt3A_708, %add3A_711, %broadcast_in_dim3A_705 : vector<16xi1>, vector<16xi32>
            %reshape3A_713 = vector.shape_cast %select_n3A_712 : vector<16xi32> to vector<16x1xi32>
            %gather3A_714 = vector.shape_cast %reshape3A_713 : vector<16x1xi32> to vector<16xi32>
            %gather3A_715 = tpu.dynamic_gather %get3A_201[%gather3A_714] in [0] : vector<16xf32>, vector<16xi32> -> vector<16xf32>
            %broadcast_in_dim3A_716 = arith.constant 11 : i32
            %broadcast_in_dim3A_717 = vector.broadcast %broadcast_in_dim3A_716 : i32 to vector<16xi32>
            %lt3A_718 = arith.constant 0 : i32
            %lt3A_719 = vector.broadcast %lt3A_718 : i32 to vector<16xi32>
            %lt3A_720 = arith.cmpi slt, %broadcast_in_dim3A_717, %lt3A_719 : vector<16xi32>
            %add3A_721 = arith.constant 16 : i32
            %add3A_722 = vector.broadcast %add3A_721 : i32 to vector<16xi32>
            %add3A_723 = arith.addi %broadcast_in_dim3A_717, %add3A_722 : vector<16xi32>
            %select_n3A_724 = arith.select %lt3A_720, %add3A_723, %broadcast_in_dim3A_717 : vector<16xi1>, vector<16xi32>
            %reshape3A_725 = vector.shape_cast %select_n3A_724 : vector<16xi32> to vector<16x1xi32>
            %gather3A_726 = vector.shape_cast %reshape3A_725 : vector<16x1xi32> to vector<16xi32>
            %gather3A_727 = tpu.dynamic_gather %get3A_203[%gather3A_726] in [0] : vector<16xi32>, vector<16xi32> -> vector<16xi32>
            %broadcast_in_dim3A_728 = arith.constant 11 : i32
            %broadcast_in_dim3A_729 = vector.broadcast %broadcast_in_dim3A_728 : i32 to vector<16xi32>
            %lt3A_730 = arith.constant 0 : i32
            %lt3A_731 = vector.broadcast %lt3A_730 : i32 to vector<16xi32>
            %lt3A_732 = arith.cmpi slt, %broadcast_in_dim3A_729, %lt3A_731 : vector<16xi32>
            %add3A_733 = arith.constant 16 : i32
            %add3A_734 = vector.broadcast %add3A_733 : i32 to vector<16xi32>
            %add3A_735 = arith.addi %broadcast_in_dim3A_729, %add3A_734 : vector<16xi32>
            %select_n3A_736 = arith.select %lt3A_732, %add3A_735, %broadcast_in_dim3A_729 : vector<16xi1>, vector<16xi32>
            %reshape3A_737 = vector.shape_cast %select_n3A_736 : vector<16xi32> to vector<16x1xi32>
            %gather3A_738 = vector.shape_cast %reshape3A_737 : vector<16x1xi32> to vector<16xi32>
            %gather3A_739 = tpu.dynamic_gather %select_n3A_214[%gather3A_738] in [0] : vector<16xf32>, vector<16xi32> -> vector<16xf32>
            %gt3A_740 = arith.cmpf ogt, %gather3A_715, %get3A_161 : vector<16xf32>
            %eq3A_741 = arith.cmpf oeq, %gather3A_715, %get3A_161 : vector<16xf32>
            %le3A_742 = arith.cmpi sle, %gather3A_727, %get3A_163 : vector<16xi32>
            %and3A_743 = arith.andi %eq3A_741, %le3A_742 : vector<16xi1>
            %or3A_744 = arith.ori %gt3A_740, %and3A_743 : vector<16xi1>
            %jit3A_745 = arith.constant 0.000000e+00 : f32
            %broadcast_in_dim3A_746 = vector.broadcast %jit3A_745 : f32 to vector<16xf32>
            %select_n3A_747 = arith.select %or3A_744, %gather3A_739, %broadcast_in_dim3A_746 : vector<16xi1>, vector<16xf32>
            %add3A_748 = arith.addf %add3A_703, %select_n3A_747 : vector<16xf32>
            %broadcast_in_dim3A_749 = arith.constant 12 : i32
            %broadcast_in_dim3A_750 = vector.broadcast %broadcast_in_dim3A_749 : i32 to vector<16xi32>
            %lt3A_751 = arith.constant 0 : i32
            %lt3A_752 = vector.broadcast %lt3A_751 : i32 to vector<16xi32>
            %lt3A_753 = arith.cmpi slt, %broadcast_in_dim3A_750, %lt3A_752 : vector<16xi32>
            %add3A_754 = arith.constant 16 : i32
            %add3A_755 = vector.broadcast %add3A_754 : i32 to vector<16xi32>
            %add3A_756 = arith.addi %broadcast_in_dim3A_750, %add3A_755 : vector<16xi32>
            %select_n3A_757 = arith.select %lt3A_753, %add3A_756, %broadcast_in_dim3A_750 : vector<16xi1>, vector<16xi32>
            %reshape3A_758 = vector.shape_cast %select_n3A_757 : vector<16xi32> to vector<16x1xi32>
            %gather3A_759 = vector.shape_cast %reshape3A_758 : vector<16x1xi32> to vector<16xi32>
            %gather3A_760 = tpu.dynamic_gather %get3A_201[%gather3A_759] in [0] : vector<16xf32>, vector<16xi32> -> vector<16xf32>
            %broadcast_in_dim3A_761 = arith.constant 12 : i32
            %broadcast_in_dim3A_762 = vector.broadcast %broadcast_in_dim3A_761 : i32 to vector<16xi32>
            %lt3A_763 = arith.constant 0 : i32
            %lt3A_764 = vector.broadcast %lt3A_763 : i32 to vector<16xi32>
            %lt3A_765 = arith.cmpi slt, %broadcast_in_dim3A_762, %lt3A_764 : vector<16xi32>
            %add3A_766 = arith.constant 16 : i32
            %add3A_767 = vector.broadcast %add3A_766 : i32 to vector<16xi32>
            %add3A_768 = arith.addi %broadcast_in_dim3A_762, %add3A_767 : vector<16xi32>
            %select_n3A_769 = arith.select %lt3A_765, %add3A_768, %broadcast_in_dim3A_762 : vector<16xi1>, vector<16xi32>
            %reshape3A_770 = vector.shape_cast %select_n3A_769 : vector<16xi32> to vector<16x1xi32>
            %gather3A_771 = vector.shape_cast %reshape3A_770 : vector<16x1xi32> to vector<16xi32>
            %gather3A_772 = tpu.dynamic_gather %get3A_203[%gather3A_771] in [0] : vector<16xi32>, vector<16xi32> -> vector<16xi32>
            %broadcast_in_dim3A_773 = arith.constant 12 : i32
            %broadcast_in_dim3A_774 = vector.broadcast %broadcast_in_dim3A_773 : i32 to vector<16xi32>
            %lt3A_775 = arith.constant 0 : i32
            %lt3A_776 = vector.broadcast %lt3A_775 : i32 to vector<16xi32>
            %lt3A_777 = arith.cmpi slt, %broadcast_in_dim3A_774, %lt3A_776 : vector<16xi32>
            %add3A_778 = arith.constant 16 : i32
            %add3A_779 = vector.broadcast %add3A_778 : i32 to vector<16xi32>
            %add3A_780 = arith.addi %broadcast_in_dim3A_774, %add3A_779 : vector<16xi32>
            %select_n3A_781 = arith.select %lt3A_777, %add3A_780, %broadcast_in_dim3A_774 : vector<16xi1>, vector<16xi32>
            %reshape3A_782 = vector.shape_cast %select_n3A_781 : vector<16xi32> to vector<16x1xi32>
            %gather3A_783 = vector.shape_cast %reshape3A_782 : vector<16x1xi32> to vector<16xi32>
            %gather3A_784 = tpu.dynamic_gather %select_n3A_214[%gather3A_783] in [0] : vector<16xf32>, vector<16xi32> -> vector<16xf32>
            %gt3A_785 = arith.cmpf ogt, %gather3A_760, %get3A_161 : vector<16xf32>
            %eq3A_786 = arith.cmpf oeq, %gather3A_760, %get3A_161 : vector<16xf32>
            %le3A_787 = arith.cmpi sle, %gather3A_772, %get3A_163 : vector<16xi32>
            %and3A_788 = arith.andi %eq3A_786, %le3A_787 : vector<16xi1>
            %or3A_789 = arith.ori %gt3A_785, %and3A_788 : vector<16xi1>
            %jit3A_790 = arith.constant 0.000000e+00 : f32
            %broadcast_in_dim3A_791 = vector.broadcast %jit3A_790 : f32 to vector<16xf32>
            %select_n3A_792 = arith.select %or3A_789, %gather3A_784, %broadcast_in_dim3A_791 : vector<16xi1>, vector<16xf32>
            %add3A_793 = arith.addf %add3A_748, %select_n3A_792 : vector<16xf32>
            %broadcast_in_dim3A_794 = arith.constant 13 : i32
            %broadcast_in_dim3A_795 = vector.broadcast %broadcast_in_dim3A_794 : i32 to vector<16xi32>
            %lt3A_796 = arith.constant 0 : i32
            %lt3A_797 = vector.broadcast %lt3A_796 : i32 to vector<16xi32>
            %lt3A_798 = arith.cmpi slt, %broadcast_in_dim3A_795, %lt3A_797 : vector<16xi32>
            %add3A_799 = arith.constant 16 : i32
            %add3A_800 = vector.broadcast %add3A_799 : i32 to vector<16xi32>
            %add3A_801 = arith.addi %broadcast_in_dim3A_795, %add3A_800 : vector<16xi32>
            %select_n3A_802 = arith.select %lt3A_798, %add3A_801, %broadcast_in_dim3A_795 : vector<16xi1>, vector<16xi32>
            %reshape3A_803 = vector.shape_cast %select_n3A_802 : vector<16xi32> to vector<16x1xi32>
            %gather3A_804 = vector.shape_cast %reshape3A_803 : vector<16x1xi32> to vector<16xi32>
            %gather3A_805 = tpu.dynamic_gather %get3A_201[%gather3A_804] in [0] : vector<16xf32>, vector<16xi32> -> vector<16xf32>
            %broadcast_in_dim3A_806 = arith.constant 13 : i32
            %broadcast_in_dim3A_807 = vector.broadcast %broadcast_in_dim3A_806 : i32 to vector<16xi32>
            %lt3A_808 = arith.constant 0 : i32
            %lt3A_809 = vector.broadcast %lt3A_808 : i32 to vector<16xi32>
            %lt3A_810 = arith.cmpi slt, %broadcast_in_dim3A_807, %lt3A_809 : vector<16xi32>
            %add3A_811 = arith.constant 16 : i32
            %add3A_812 = vector.broadcast %add3A_811 : i32 to vector<16xi32>
            %add3A_813 = arith.addi %broadcast_in_dim3A_807, %add3A_812 : vector<16xi32>
            %select_n3A_814 = arith.select %lt3A_810, %add3A_813, %broadcast_in_dim3A_807 : vector<16xi1>, vector<16xi32>
            %reshape3A_815 = vector.shape_cast %select_n3A_814 : vector<16xi32> to vector<16x1xi32>
            %gather3A_816 = vector.shape_cast %reshape3A_815 : vector<16x1xi32> to vector<16xi32>
            %gather3A_817 = tpu.dynamic_gather %get3A_203[%gather3A_816] in [0] : vector<16xi32>, vector<16xi32> -> vector<16xi32>
            %broadcast_in_dim3A_818 = arith.constant 13 : i32
            %broadcast_in_dim3A_819 = vector.broadcast %broadcast_in_dim3A_818 : i32 to vector<16xi32>
            %lt3A_820 = arith.constant 0 : i32
            %lt3A_821 = vector.broadcast %lt3A_820 : i32 to vector<16xi32>
            %lt3A_822 = arith.cmpi slt, %broadcast_in_dim3A_819, %lt3A_821 : vector<16xi32>
            %add3A_823 = arith.constant 16 : i32
            %add3A_824 = vector.broadcast %add3A_823 : i32 to vector<16xi32>
            %add3A_825 = arith.addi %broadcast_in_dim3A_819, %add3A_824 : vector<16xi32>
            %select_n3A_826 = arith.select %lt3A_822, %add3A_825, %broadcast_in_dim3A_819 : vector<16xi1>, vector<16xi32>
            %reshape3A_827 = vector.shape_cast %select_n3A_826 : vector<16xi32> to vector<16x1xi32>
            %gather3A_828 = vector.shape_cast %reshape3A_827 : vector<16x1xi32> to vector<16xi32>
            %gather3A_829 = tpu.dynamic_gather %select_n3A_214[%gather3A_828] in [0] : vector<16xf32>, vector<16xi32> -> vector<16xf32>
            %gt3A_830 = arith.cmpf ogt, %gather3A_805, %get3A_161 : vector<16xf32>
            %eq3A_831 = arith.cmpf oeq, %gather3A_805, %get3A_161 : vector<16xf32>
            %le3A_832 = arith.cmpi sle, %gather3A_817, %get3A_163 : vector<16xi32>
            %and3A_833 = arith.andi %eq3A_831, %le3A_832 : vector<16xi1>
            %or3A_834 = arith.ori %gt3A_830, %and3A_833 : vector<16xi1>
            %jit3A_835 = arith.constant 0.000000e+00 : f32
            %broadcast_in_dim3A_836 = vector.broadcast %jit3A_835 : f32 to vector<16xf32>
            %select_n3A_837 = arith.select %or3A_834, %gather3A_829, %broadcast_in_dim3A_836 : vector<16xi1>, vector<16xf32>
            %add3A_838 = arith.addf %add3A_793, %select_n3A_837 : vector<16xf32>
            %broadcast_in_dim3A_839 = arith.constant 14 : i32
            %broadcast_in_dim3A_840 = vector.broadcast %broadcast_in_dim3A_839 : i32 to vector<16xi32>
            %lt3A_841 = arith.constant 0 : i32
            %lt3A_842 = vector.broadcast %lt3A_841 : i32 to vector<16xi32>
            %lt3A_843 = arith.cmpi slt, %broadcast_in_dim3A_840, %lt3A_842 : vector<16xi32>
            %add3A_844 = arith.constant 16 : i32
            %add3A_845 = vector.broadcast %add3A_844 : i32 to vector<16xi32>
            %add3A_846 = arith.addi %broadcast_in_dim3A_840, %add3A_845 : vector<16xi32>
            %select_n3A_847 = arith.select %lt3A_843, %add3A_846, %broadcast_in_dim3A_840 : vector<16xi1>, vector<16xi32>
            %reshape3A_848 = vector.shape_cast %select_n3A_847 : vector<16xi32> to vector<16x1xi32>
            %gather3A_849 = vector.shape_cast %reshape3A_848 : vector<16x1xi32> to vector<16xi32>
            %gather3A_850 = tpu.dynamic_gather %get3A_201[%gather3A_849] in [0] : vector<16xf32>, vector<16xi32> -> vector<16xf32>
            %broadcast_in_dim3A_851 = arith.constant 14 : i32
            %broadcast_in_dim3A_852 = vector.broadcast %broadcast_in_dim3A_851 : i32 to vector<16xi32>
            %lt3A_853 = arith.constant 0 : i32
            %lt3A_854 = vector.broadcast %lt3A_853 : i32 to vector<16xi32>
            %lt3A_855 = arith.cmpi slt, %broadcast_in_dim3A_852, %lt3A_854 : vector<16xi32>
            %add3A_856 = arith.constant 16 : i32
            %add3A_857 = vector.broadcast %add3A_856 : i32 to vector<16xi32>
            %add3A_858 = arith.addi %broadcast_in_dim3A_852, %add3A_857 : vector<16xi32>
            %select_n3A_859 = arith.select %lt3A_855, %add3A_858, %broadcast_in_dim3A_852 : vector<16xi1>, vector<16xi32>
            %reshape3A_860 = vector.shape_cast %select_n3A_859 : vector<16xi32> to vector<16x1xi32>
            %gather3A_861 = vector.shape_cast %reshape3A_860 : vector<16x1xi32> to vector<16xi32>
            %gather3A_862 = tpu.dynamic_gather %get3A_203[%gather3A_861] in [0] : vector<16xi32>, vector<16xi32> -> vector<16xi32>
            %broadcast_in_dim3A_863 = arith.constant 14 : i32
            %broadcast_in_dim3A_864 = vector.broadcast %broadcast_in_dim3A_863 : i32 to vector<16xi32>
            %lt3A_865 = arith.constant 0 : i32
            %lt3A_866 = vector.broadcast %lt3A_865 : i32 to vector<16xi32>
            %lt3A_867 = arith.cmpi slt, %broadcast_in_dim3A_864, %lt3A_866 : vector<16xi32>
            %add3A_868 = arith.constant 16 : i32
            %add3A_869 = vector.broadcast %add3A_868 : i32 to vector<16xi32>
            %add3A_870 = arith.addi %broadcast_in_dim3A_864, %add3A_869 : vector<16xi32>
            %select_n3A_871 = arith.select %lt3A_867, %add3A_870, %broadcast_in_dim3A_864 : vector<16xi1>, vector<16xi32>
            %reshape3A_872 = vector.shape_cast %select_n3A_871 : vector<16xi32> to vector<16x1xi32>
            %gather3A_873 = vector.shape_cast %reshape3A_872 : vector<16x1xi32> to vector<16xi32>
            %gather3A_874 = tpu.dynamic_gather %select_n3A_214[%gather3A_873] in [0] : vector<16xf32>, vector<16xi32> -> vector<16xf32>
            %gt3A_875 = arith.cmpf ogt, %gather3A_850, %get3A_161 : vector<16xf32>
            %eq3A_876 = arith.cmpf oeq, %gather3A_850, %get3A_161 : vector<16xf32>
            %le3A_877 = arith.cmpi sle, %gather3A_862, %get3A_163 : vector<16xi32>
            %and3A_878 = arith.andi %eq3A_876, %le3A_877 : vector<16xi1>
            %or3A_879 = arith.ori %gt3A_875, %and3A_878 : vector<16xi1>
            %jit3A_880 = arith.constant 0.000000e+00 : f32
            %broadcast_in_dim3A_881 = vector.broadcast %jit3A_880 : f32 to vector<16xf32>
            %select_n3A_882 = arith.select %or3A_879, %gather3A_874, %broadcast_in_dim3A_881 : vector<16xi1>, vector<16xf32>
            %add3A_883 = arith.addf %add3A_838, %select_n3A_882 : vector<16xf32>
            %broadcast_in_dim3A_884 = arith.constant 15 : i32
            %broadcast_in_dim3A_885 = vector.broadcast %broadcast_in_dim3A_884 : i32 to vector<16xi32>
            %lt3A_886 = arith.constant 0 : i32
            %lt3A_887 = vector.broadcast %lt3A_886 : i32 to vector<16xi32>
            %lt3A_888 = arith.cmpi slt, %broadcast_in_dim3A_885, %lt3A_887 : vector<16xi32>
            %add3A_889 = arith.constant 16 : i32
            %add3A_890 = vector.broadcast %add3A_889 : i32 to vector<16xi32>
            %add3A_891 = arith.addi %broadcast_in_dim3A_885, %add3A_890 : vector<16xi32>
            %select_n3A_892 = arith.select %lt3A_888, %add3A_891, %broadcast_in_dim3A_885 : vector<16xi1>, vector<16xi32>
            %reshape3A_893 = vector.shape_cast %select_n3A_892 : vector<16xi32> to vector<16x1xi32>
            %gather3A_894 = vector.shape_cast %reshape3A_893 : vector<16x1xi32> to vector<16xi32>
            %gather3A_895 = tpu.dynamic_gather %get3A_201[%gather3A_894] in [0] : vector<16xf32>, vector<16xi32> -> vector<16xf32>
            %broadcast_in_dim3A_896 = arith.constant 15 : i32
            %broadcast_in_dim3A_897 = vector.broadcast %broadcast_in_dim3A_896 : i32 to vector<16xi32>
            %lt3A_898 = arith.constant 0 : i32
            %lt3A_899 = vector.broadcast %lt3A_898 : i32 to vector<16xi32>
            %lt3A_900 = arith.cmpi slt, %broadcast_in_dim3A_897, %lt3A_899 : vector<16xi32>
            %add3A_901 = arith.constant 16 : i32
            %add3A_902 = vector.broadcast %add3A_901 : i32 to vector<16xi32>
            %add3A_903 = arith.addi %broadcast_in_dim3A_897, %add3A_902 : vector<16xi32>
            %select_n3A_904 = arith.select %lt3A_900, %add3A_903, %broadcast_in_dim3A_897 : vector<16xi1>, vector<16xi32>
            %reshape3A_905 = vector.shape_cast %select_n3A_904 : vector<16xi32> to vector<16x1xi32>
            %gather3A_906 = vector.shape_cast %reshape3A_905 : vector<16x1xi32> to vector<16xi32>
            %gather3A_907 = tpu.dynamic_gather %get3A_203[%gather3A_906] in [0] : vector<16xi32>, vector<16xi32> -> vector<16xi32>
            %broadcast_in_dim3A_908 = arith.constant 15 : i32
            %broadcast_in_dim3A_909 = vector.broadcast %broadcast_in_dim3A_908 : i32 to vector<16xi32>
            %lt3A_910 = arith.constant 0 : i32
            %lt3A_911 = vector.broadcast %lt3A_910 : i32 to vector<16xi32>
            %lt3A_912 = arith.cmpi slt, %broadcast_in_dim3A_909, %lt3A_911 : vector<16xi32>
            %add3A_913 = arith.constant 16 : i32
            %add3A_914 = vector.broadcast %add3A_913 : i32 to vector<16xi32>
            %add3A_915 = arith.addi %broadcast_in_dim3A_909, %add3A_914 : vector<16xi32>
            %select_n3A_916 = arith.select %lt3A_912, %add3A_915, %broadcast_in_dim3A_909 : vector<16xi1>, vector<16xi32>
            %reshape3A_917 = vector.shape_cast %select_n3A_916 : vector<16xi32> to vector<16x1xi32>
            %gather3A_918 = vector.shape_cast %reshape3A_917 : vector<16x1xi32> to vector<16xi32>
            %gather3A_919 = tpu.dynamic_gather %select_n3A_214[%gather3A_918] in [0] : vector<16xf32>, vector<16xi32> -> vector<16xf32>
            %gt3A_920 = arith.cmpf ogt, %gather3A_895, %get3A_161 : vector<16xf32>
            %eq3A_921 = arith.cmpf oeq, %gather3A_895, %get3A_161 : vector<16xf32>
            %le3A_922 = arith.cmpi sle, %gather3A_907, %get3A_163 : vector<16xi32>
            %and3A_923 = arith.andi %eq3A_921, %le3A_922 : vector<16xi1>
            %or3A_924 = arith.ori %gt3A_920, %and3A_923 : vector<16xi1>
            %jit3A_925 = arith.constant 0.000000e+00 : f32
            %broadcast_in_dim3A_926 = vector.broadcast %jit3A_925 : f32 to vector<16xf32>
            %select_n3A_927 = arith.select %or3A_924, %gather3A_919, %broadcast_in_dim3A_926 : vector<16xi1>, vector<16xf32>
            %add3A_928 = arith.addf %add3A_883, %select_n3A_927 : vector<16xf32>
            scf.yield %add3A_928 : vector<16xf32>
          }
          %while3A_181 = arith.constant 1 : i32
          %while3A_182 = scf.for %while3A_195 = %while3A_178 to %while3A_174 step %while3A_181 iter_args(%while3A_196 = %while3A_180) -> (vector<16xf32>)  : i32 {
            %mul3A_197 = arith.constant 16 : i32
            %mul3A_198 = arith.muli %while3A_195, %mul3A_197 : i32
            %add3A_199 = arith.addi %sub3A, %mul3A_198 : i32
            %get3A_200 = arith.index_cast %add3A_199 : i32 to index
            %get3A_201 = tpu.vector_load %arg8[%get3A_200] {strides = array<i32>} : memref<16512xf32, #tpu.memory_space<vmem>>, vector<16xf32>,
            %get3A_202 = arith.index_cast %add3A_199 : i32 to index
            %get3A_203 = tpu.vector_load %arg10[%get3A_202] {strides = array<i32>} : memref<16512xi32, #tpu.memory_space<vmem>>, vector<16xi32>,
            %get3A_204 = arith.index_cast %add3A_199 : i32 to index
            %get3A_205 = tpu.vector_load %arg9[%get3A_204] {strides = array<i32>} : memref<16512xf32, #tpu.memory_space<vmem>>, vector<16xf32>,
            %mul3A_206 = arith.constant 16 : i32
            %mul3A_207 = arith.muli %while3A_195, %mul3A_206 : i32
            %add3A_208 = vector.broadcast %mul3A_207 : i32 to vector<16xi32>
            %add3A_209 = arith.addi %add3A_208, %iota3A : vector<16xi32>
            %lt3A_210 = vector.broadcast %min3A : i32 to vector<16xi32>
            %lt3A_211 = arith.cmpi slt, %add3A_209, %lt3A_210 : vector<16xi32>
            %jit3A_212 = arith.constant 0.000000e+00 : f32
            %broadcast_in_dim3A_213 = vector.broadcast %jit3A_212 : f32 to vector<16xf32>
            %select_n3A_214 = arith.select %lt3A_211, %get3A_205, %broadcast_in_dim3A_213 : vector<16xi1>, vector<16xf32>
            %broadcast_in_dim3A_215 = arith.constant 0 : i32
            %broadcast_in_dim3A_216 = vector.broadcast %broadcast_in_dim3A_215 : i32 to vector<16xi32>
            %lt3A_217 = arith.constant 0 : i32
            %lt3A_218 = vector.broadcast %lt3A_217 : i32 to vector<16xi32>
            %lt3A_219 = arith.cmpi slt, %broadcast_in_dim3A_216, %lt3A_218 : vector<16xi32>
            %add3A_220 = arith.constant 16 : i32
            %add3A_221 = vector.broadcast %add3A_220 : i32 to vector<16xi32>
            %add3A_222 = arith.addi %broadcast_in_dim3A_216, %add3A_221 : vector<16xi32>
            %select_n3A_223 = arith.select %lt3A_219, %add3A_222, %broadcast_in_dim3A_216 : vector<16xi1>, vector<16xi32>
            %reshape3A = vector.shape_cast %select_n3A_223 : vector<16xi32> to vector<16x1xi32>
            %gather3A = vector.shape_cast %reshape3A : vector<16x1xi32> to vector<16xi32>
            %gather3A_224 = tpu.dynamic_gather %get3A_201[%gather3A] in [0] : vector<16xf32>, vector<16xi32> -> vector<16xf32>
            %broadcast_in_dim3A_225 = arith.constant 0 : i32
            %broadcast_in_dim3A_226 = vector.broadcast %broadcast_in_dim3A_225 : i32 to vector<16xi32>
            %lt3A_227 = arith.constant 0 : i32
            %lt3A_228 = vector.broadcast %lt3A_227 : i32 to vector<16xi32>
            %lt3A_229 = arith.cmpi slt, %broadcast_in_dim3A_226, %lt3A_228 : vector<16xi32>
            %add3A_230 = arith.constant 16 : i32
            %add3A_231 = vector.broadcast %add3A_230 : i32 to vector<16xi32>
            %add3A_232 = arith.addi %broadcast_in_dim3A_226, %add3A_231 : vector<16xi32>
            %select_n3A_233 = arith.select %lt3A_229, %add3A_232, %broadcast_in_dim3A_226 : vector<16xi1>, vector<16xi32>
            %reshape3A_234 = vector.shape_cast %select_n3A_233 : vector<16xi32> to vector<16x1xi32>
            %gather3A_235 = vector.shape_cast %reshape3A_234 : vector<16x1xi32> to vector<16xi32>
            %gather3A_236 = tpu.dynamic_gather %get3A_203[%gather3A_235] in [0] : vector<16xi32>, vector<16xi32> -> vector<16xi32>
            %broadcast_in_dim3A_237 = arith.constant 0 : i32
            %broadcast_in_dim3A_238 = vector.broadcast %broadcast_in_dim3A_237 : i32 to vector<16xi32>
            %lt3A_239 = arith.constant 0 : i32
            %lt3A_240 = vector.broadcast %lt3A_239 : i32 to vector<16xi32>
            %lt3A_241 = arith.cmpi slt, %broadcast_in_dim3A_238, %lt3A_240 : vector<16xi32>
            %add3A_242 = arith.constant 16 : i32
            %add3A_243 = vector.broadcast %add3A_242 : i32 to vector<16xi32>
            %add3A_244 = arith.addi %broadcast_in_dim3A_238, %add3A_243 : vector<16xi32>
            %select_n3A_245 = arith.select %lt3A_241, %add3A_244, %broadcast_in_dim3A_238 : vector<16xi1>, vector<16xi32>
            %reshape3A_246 = vector.shape_cast %select_n3A_245 : vector<16xi32> to vector<16x1xi32>
            %gather3A_247 = vector.shape_cast %reshape3A_246 : vector<16x1xi32> to vector<16xi32>
            %gather3A_248 = tpu.dynamic_gather %select_n3A_214[%gather3A_247] in [0] : vector<16xf32>, vector<16xi32> -> vector<16xf32>
            %gt3A = arith.cmpf ogt, %gather3A_224, %get3A_161 : vector<16xf32>
            %eq3A = arith.cmpf oeq, %gather3A_224, %get3A_161 : vector<16xf32>
            %le3A = arith.cmpi sle, %gather3A_236, %get3A_163 : vector<16xi32>
            %and3A_249 = arith.andi %eq3A, %le3A : vector<16xi1>
            %or3A = arith.ori %gt3A, %and3A_249 : vector<16xi1>
            %jit3A_250 = arith.constant 0.000000e+00 : f32
            %broadcast_in_dim3A_251 = vector.broadcast %jit3A_250 : f32 to vector<16xf32>
            %select_n3A_252 = arith.select %or3A, %gather3A_248, %broadcast_in_dim3A_251 : vector<16xi1>, vector<16xf32>
            %add3A_253 = arith.addf %while3A_196, %select_n3A_252 : vector<16xf32>
            %broadcast_in_dim3A_254 = arith.constant 1 : i32
            %broadcast_in_dim3A_255 = vector.broadcast %broadcast_in_dim3A_254 : i32 to vector<16xi32>
            %lt3A_256 = arith.constant 0 : i32
            %lt3A_257 = vector.broadcast %lt3A_256 : i32 to vector<16xi32>
            %lt3A_258 = arith.cmpi slt, %broadcast_in_dim3A_255, %lt3A_257 : vector<16xi32>
            %add3A_259 = arith.constant 16 : i32
            %add3A_260 = vector.broadcast %add3A_259 : i32 to vector<16xi32>
            %add3A_261 = arith.addi %broadcast_in_dim3A_255, %add3A_260 : vector<16xi32>
            %select_n3A_262 = arith.select %lt3A_258, %add3A_261, %broadcast_in_dim3A_255 : vector<16xi1>, vector<16xi32>
            %reshape3A_263 = vector.shape_cast %select_n3A_262 : vector<16xi32> to vector<16x1xi32>
            %gather3A_264 = vector.shape_cast %reshape3A_263 : vector<16x1xi32> to vector<16xi32>
            %gather3A_265 = tpu.dynamic_gather %get3A_201[%gather3A_264] in [0] : vector<16xf32>, vector<16xi32> -> vector<16xf32>
            %broadcast_in_dim3A_266 = arith.constant 1 : i32
            %broadcast_in_dim3A_267 = vector.broadcast %broadcast_in_dim3A_266 : i32 to vector<16xi32>
            %lt3A_268 = arith.constant 0 : i32
            %lt3A_269 = vector.broadcast %lt3A_268 : i32 to vector<16xi32>
            %lt3A_270 = arith.cmpi slt, %broadcast_in_dim3A_267, %lt3A_269 : vector<16xi32>
            %add3A_271 = arith.constant 16 : i32
            %add3A_272 = vector.broadcast %add3A_271 : i32 to vector<16xi32>
            %add3A_273 = arith.addi %broadcast_in_dim3A_267, %add3A_272 : vector<16xi32>
            %select_n3A_274 = arith.select %lt3A_270, %add3A_273, %broadcast_in_dim3A_267 : vector<16xi1>, vector<16xi32>
            %reshape3A_275 = vector.shape_cast %select_n3A_274 : vector<16xi32> to vector<16x1xi32>
            %gather3A_276 = vector.shape_cast %reshape3A_275 : vector<16x1xi32> to vector<16xi32>
            %gather3A_277 = tpu.dynamic_gather %get3A_203[%gather3A_276] in [0] : vector<16xi32>, vector<16xi32> -> vector<16xi32>
            %broadcast_in_dim3A_278 = arith.constant 1 : i32
            %broadcast_in_dim3A_279 = vector.broadcast %broadcast_in_dim3A_278 : i32 to vector<16xi32>
            %lt3A_280 = arith.constant 0 : i32
            %lt3A_281 = vector.broadcast %lt3A_280 : i32 to vector<16xi32>
            %lt3A_282 = arith.cmpi slt, %broadcast_in_dim3A_279, %lt3A_281 : vector<16xi32>
            %add3A_283 = arith.constant 16 : i32
            %add3A_284 = vector.broadcast %add3A_283 : i32 to vector<16xi32>
            %add3A_285 = arith.addi %broadcast_in_dim3A_279, %add3A_284 : vector<16xi32>
            %select_n3A_286 = arith.select %lt3A_282, %add3A_285, %broadcast_in_dim3A_279 : vector<16xi1>, vector<16xi32>
            %reshape3A_287 = vector.shape_cast %select_n3A_286 : vector<16xi32> to vector<16x1xi32>
            %gather3A_288 = vector.shape_cast %reshape3A_287 : vector<16x1xi32> to vector<16xi32>
            %gather3A_289 = tpu.dynamic_gather %select_n3A_214[%gather3A_288] in [0] : vector<16xf32>, vector<16xi32> -> vector<16xf32>
            %gt3A_290 = arith.cmpf ogt, %gather3A_265, %get3A_161 : vector<16xf32>
            %eq3A_291 = arith.cmpf oeq, %gather3A_265, %get3A_161 : vector<16xf32>
            %le3A_292 = arith.cmpi sle, %gather3A_277, %get3A_163 : vector<16xi32>
            %and3A_293 = arith.andi %eq3A_291, %le3A_292 : vector<16xi1>
            %or3A_294 = arith.ori %gt3A_290, %and3A_293 : vector<16xi1>
            %jit3A_295 = arith.constant 0.000000e+00 : f32
            %broadcast_in_dim3A_296 = vector.broadcast %jit3A_295 : f32 to vector<16xf32>
            %select_n3A_297 = arith.select %or3A_294, %gather3A_289, %broadcast_in_dim3A_296 : vector<16xi1>, vector<16xf32>
            %add3A_298 = arith.addf %add3A_253, %select_n3A_297 : vector<16xf32>
            %broadcast_in_dim3A_299 = arith.constant 2 : i32
            %broadcast_in_dim3A_300 = vector.broadcast %broadcast_in_dim3A_299 : i32 to vector<16xi32>
            %lt3A_301 = arith.constant 0 : i32
            %lt3A_302 = vector.broadcast %lt3A_301 : i32 to vector<16xi32>
            %lt3A_303 = arith.cmpi slt, %broadcast_in_dim3A_300, %lt3A_302 : vector<16xi32>
            %add3A_304 = arith.constant 16 : i32
            %add3A_305 = vector.broadcast %add3A_304 : i32 to vector<16xi32>
            %add3A_306 = arith.addi %broadcast_in_dim3A_300, %add3A_305 : vector<16xi32>
            %select_n3A_307 = arith.select %lt3A_303, %add3A_306, %broadcast_in_dim3A_300 : vector<16xi1>, vector<16xi32>
            %reshape3A_308 = vector.shape_cast %select_n3A_307 : vector<16xi32> to vector<16x1xi32>
            %gather3A_309 = vector.shape_cast %reshape3A_308 : vector<16x1xi32> to vector<16xi32>
            %gather3A_310 = tpu.dynamic_gather %get3A_201[%gather3A_309] in [0] : vector<16xf32>, vector<16xi32> -> vector<16xf32>
            %broadcast_in_dim3A_311 = arith.constant 2 : i32
            %broadcast_in_dim3A_312 = vector.broadcast %broadcast_in_dim3A_311 : i32 to vector<16xi32>
            %lt3A_313 = arith.constant 0 : i32
            %lt3A_314 = vector.broadcast %lt3A_313 : i32 to vector<16xi32>
            %lt3A_315 = arith.cmpi slt, %broadcast_in_dim3A_312, %lt3A_314 : vector<16xi32>
            %add3A_316 = arith.constant 16 : i32
            %add3A_317 = vector.broadcast %add3A_316 : i32 to vector<16xi32>
            %add3A_318 = arith.addi %broadcast_in_dim3A_312, %add3A_317 : vector<16xi32>
            %select_n3A_319 = arith.select %lt3A_315, %add3A_318, %broadcast_in_dim3A_312 : vector<16xi1>, vector<16xi32>
            %reshape3A_320 = vector.shape_cast %select_n3A_319 : vector<16xi32> to vector<16x1xi32>
            %gather3A_321 = vector.shape_cast %reshape3A_320 : vector<16x1xi32> to vector<16xi32>
            %gather3A_322 = tpu.dynamic_gather %get3A_203[%gather3A_321] in [0] : vector<16xi32>, vector<16xi32> -> vector<16xi32>
            %broadcast_in_dim3A_323 = arith.constant 2 : i32
            %broadcast_in_dim3A_324 = vector.broadcast %broadcast_in_dim3A_323 : i32 to vector<16xi32>
            %lt3A_325 = arith.constant 0 : i32
            %lt3A_326 = vector.broadcast %lt3A_325 : i32 to vector<16xi32>
            %lt3A_327 = arith.cmpi slt, %broadcast_in_dim3A_324, %lt3A_326 : vector<16xi32>
            %add3A_328 = arith.constant 16 : i32
            %add3A_329 = vector.broadcast %add3A_328 : i32 to vector<16xi32>
            %add3A_330 = arith.addi %broadcast_in_dim3A_324, %add3A_329 : vector<16xi32>
            %select_n3A_331 = arith.select %lt3A_327, %add3A_330, %broadcast_in_dim3A_324 : vector<16xi1>, vector<16xi32>
            %reshape3A_332 = vector.shape_cast %select_n3A_331 : vector<16xi32> to vector<16x1xi32>
            %gather3A_333 = vector.shape_cast %reshape3A_332 : vector<16x1xi32> to vector<16xi32>
            %gather3A_334 = tpu.dynamic_gather %select_n3A_214[%gather3A_333] in [0] : vector<16xf32>, vector<16xi32> -> vector<16xf32>
            %gt3A_335 = arith.cmpf ogt, %gather3A_310, %get3A_161 : vector<16xf32>
            %eq3A_336 = arith.cmpf oeq, %gather3A_310, %get3A_161 : vector<16xf32>
            %le3A_337 = arith.cmpi sle, %gather3A_322, %get3A_163 : vector<16xi32>
            %and3A_338 = arith.andi %eq3A_336, %le3A_337 : vector<16xi1>
            %or3A_339 = arith.ori %gt3A_335, %and3A_338 : vector<16xi1>
            %jit3A_340 = arith.constant 0.000000e+00 : f32
            %broadcast_in_dim3A_341 = vector.broadcast %jit3A_340 : f32 to vector<16xf32>
            %select_n3A_342 = arith.select %or3A_339, %gather3A_334, %broadcast_in_dim3A_341 : vector<16xi1>, vector<16xf32>
            %add3A_343 = arith.addf %add3A_298, %select_n3A_342 : vector<16xf32>
            %broadcast_in_dim3A_344 = arith.constant 3 : i32
            %broadcast_in_dim3A_345 = vector.broadcast %broadcast_in_dim3A_344 : i32 to vector<16xi32>
            %lt3A_346 = arith.constant 0 : i32
            %lt3A_347 = vector.broadcast %lt3A_346 : i32 to vector<16xi32>
            %lt3A_348 = arith.cmpi slt, %broadcast_in_dim3A_345, %lt3A_347 : vector<16xi32>
            %add3A_349 = arith.constant 16 : i32
            %add3A_350 = vector.broadcast %add3A_349 : i32 to vector<16xi32>
            %add3A_351 = arith.addi %broadcast_in_dim3A_345, %add3A_350 : vector<16xi32>
            %select_n3A_352 = arith.select %lt3A_348, %add3A_351, %broadcast_in_dim3A_345 : vector<16xi1>, vector<16xi32>
            %reshape3A_353 = vector.shape_cast %select_n3A_352 : vector<16xi32> to vector<16x1xi32>
            %gather3A_354 = vector.shape_cast %reshape3A_353 : vector<16x1xi32> to vector<16xi32>
            %gather3A_355 = tpu.dynamic_gather %get3A_201[%gather3A_354] in [0] : vector<16xf32>, vector<16xi32> -> vector<16xf32>
            %broadcast_in_dim3A_356 = arith.constant 3 : i32
            %broadcast_in_dim3A_357 = vector.broadcast %broadcast_in_dim3A_356 : i32 to vector<16xi32>
            %lt3A_358 = arith.constant 0 : i32
            %lt3A_359 = vector.broadcast %lt3A_358 : i32 to vector<16xi32>
            %lt3A_360 = arith.cmpi slt, %broadcast_in_dim3A_357, %lt3A_359 : vector<16xi32>
            %add3A_361 = arith.constant 16 : i32
            %add3A_362 = vector.broadcast %add3A_361 : i32 to vector<16xi32>
            %add3A_363 = arith.addi %broadcast_in_dim3A_357, %add3A_362 : vector<16xi32>
            %select_n3A_364 = arith.select %lt3A_360, %add3A_363, %broadcast_in_dim3A_357 : vector<16xi1>, vector<16xi32>
            %reshape3A_365 = vector.shape_cast %select_n3A_364 : vector<16xi32> to vector<16x1xi32>
            %gather3A_366 = vector.shape_cast %reshape3A_365 : vector<16x1xi32> to vector<16xi32>
            %gather3A_367 = tpu.dynamic_gather %get3A_203[%gather3A_366] in [0] : vector<16xi32>, vector<16xi32> -> vector<16xi32>
            %broadcast_in_dim3A_368 = arith.constant 3 : i32
            %broadcast_in_dim3A_369 = vector.broadcast %broadcast_in_dim3A_368 : i32 to vector<16xi32>
            %lt3A_370 = arith.constant 0 : i32
            %lt3A_371 = vector.broadcast %lt3A_370 : i32 to vector<16xi32>
            %lt3A_372 = arith.cmpi slt, %broadcast_in_dim3A_369, %lt3A_371 : vector<16xi32>
            %add3A_373 = arith.constant 16 : i32
            %add3A_374 = vector.broadcast %add3A_373 : i32 to vector<16xi32>
            %add3A_375 = arith.addi %broadcast_in_dim3A_369, %add3A_374 : vector<16xi32>
            %select_n3A_376 = arith.select %lt3A_372, %add3A_375, %broadcast_in_dim3A_369 : vector<16xi1>, vector<16xi32>
            %reshape3A_377 = vector.shape_cast %select_n3A_376 : vector<16xi32> to vector<16x1xi32>
            %gather3A_378 = vector.shape_cast %reshape3A_377 : vector<16x1xi32> to vector<16xi32>
            %gather3A_379 = tpu.dynamic_gather %select_n3A_214[%gather3A_378] in [0] : vector<16xf32>, vector<16xi32> -> vector<16xf32>
            %gt3A_380 = arith.cmpf ogt, %gather3A_355, %get3A_161 : vector<16xf32>
            %eq3A_381 = arith.cmpf oeq, %gather3A_355, %get3A_161 : vector<16xf32>
            %le3A_382 = arith.cmpi sle, %gather3A_367, %get3A_163 : vector<16xi32>
            %and3A_383 = arith.andi %eq3A_381, %le3A_382 : vector<16xi1>
            %or3A_384 = arith.ori %gt3A_380, %and3A_383 : vector<16xi1>
            %jit3A_385 = arith.constant 0.000000e+00 : f32
            %broadcast_in_dim3A_386 = vector.broadcast %jit3A_385 : f32 to vector<16xf32>
            %select_n3A_387 = arith.select %or3A_384, %gather3A_379, %broadcast_in_dim3A_386 : vector<16xi1>, vector<16xf32>
            %add3A_388 = arith.addf %add3A_343, %select_n3A_387 : vector<16xf32>
            %broadcast_in_dim3A_389 = arith.constant 4 : i32
            %broadcast_in_dim3A_390 = vector.broadcast %broadcast_in_dim3A_389 : i32 to vector<16xi32>
            %lt3A_391 = arith.constant 0 : i32
            %lt3A_392 = vector.broadcast %lt3A_391 : i32 to vector<16xi32>
            %lt3A_393 = arith.cmpi slt, %broadcast_in_dim3A_390, %lt3A_392 : vector<16xi32>
            %add3A_394 = arith.constant 16 : i32
            %add3A_395 = vector.broadcast %add3A_394 : i32 to vector<16xi32>
            %add3A_396 = arith.addi %broadcast_in_dim3A_390, %add3A_395 : vector<16xi32>
            %select_n3A_397 = arith.select %lt3A_393, %add3A_396, %broadcast_in_dim3A_390 : vector<16xi1>, vector<16xi32>
            %reshape3A_398 = vector.shape_cast %select_n3A_397 : vector<16xi32> to vector<16x1xi32>
            %gather3A_399 = vector.shape_cast %reshape3A_398 : vector<16x1xi32> to vector<16xi32>
            %gather3A_400 = tpu.dynamic_gather %get3A_201[%gather3A_399] in [0] : vector<16xf32>, vector<16xi32> -> vector<16xf32>
            %broadcast_in_dim3A_401 = arith.constant 4 : i32
            %broadcast_in_dim3A_402 = vector.broadcast %broadcast_in_dim3A_401 : i32 to vector<16xi32>
            %lt3A_403 = arith.constant 0 : i32
            %lt3A_404 = vector.broadcast %lt3A_403 : i32 to vector<16xi32>
            %lt3A_405 = arith.cmpi slt, %broadcast_in_dim3A_402, %lt3A_404 : vector<16xi32>
            %add3A_406 = arith.constant 16 : i32
            %add3A_407 = vector.broadcast %add3A_406 : i32 to vector<16xi32>
            %add3A_408 = arith.addi %broadcast_in_dim3A_402, %add3A_407 : vector<16xi32>
            %select_n3A_409 = arith.select %lt3A_405, %add3A_408, %broadcast_in_dim3A_402 : vector<16xi1>, vector<16xi32>
            %reshape3A_410 = vector.shape_cast %select_n3A_409 : vector<16xi32> to vector<16x1xi32>
            %gather3A_411 = vector.shape_cast %reshape3A_410 : vector<16x1xi32> to vector<16xi32>
            %gather3A_412 = tpu.dynamic_gather %get3A_203[%gather3A_411] in [0] : vector<16xi32>, vector<16xi32> -> vector<16xi32>
            %broadcast_in_dim3A_413 = arith.constant 4 : i32
            %broadcast_in_dim3A_414 = vector.broadcast %broadcast_in_dim3A_413 : i32 to vector<16xi32>
            %lt3A_415 = arith.constant 0 : i32
            %lt3A_416 = vector.broadcast %lt3A_415 : i32 to vector<16xi32>
            %lt3A_417 = arith.cmpi slt, %broadcast_in_dim3A_414, %lt3A_416 : vector<16xi32>
            %add3A_418 = arith.constant 16 : i32
            %add3A_419 = vector.broadcast %add3A_418 : i32 to vector<16xi32>
            %add3A_420 = arith.addi %broadcast_in_dim3A_414, %add3A_419 : vector<16xi32>
            %select_n3A_421 = arith.select %lt3A_417, %add3A_420, %broadcast_in_dim3A_414 : vector<16xi1>, vector<16xi32>
            %reshape3A_422 = vector.shape_cast %select_n3A_421 : vector<16xi32> to vector<16x1xi32>
            %gather3A_423 = vector.shape_cast %reshape3A_422 : vector<16x1xi32> to vector<16xi32>
            %gather3A_424 = tpu.dynamic_gather %select_n3A_214[%gather3A_423] in [0] : vector<16xf32>, vector<16xi32> -> vector<16xf32>
            %gt3A_425 = arith.cmpf ogt, %gather3A_400, %get3A_161 : vector<16xf32>
            %eq3A_426 = arith.cmpf oeq, %gather3A_400, %get3A_161 : vector<16xf32>
            %le3A_427 = arith.cmpi sle, %gather3A_412, %get3A_163 : vector<16xi32>
            %and3A_428 = arith.andi %eq3A_426, %le3A_427 : vector<16xi1>
            %or3A_429 = arith.ori %gt3A_425, %and3A_428 : vector<16xi1>
            %jit3A_430 = arith.constant 0.000000e+00 : f32
            %broadcast_in_dim3A_431 = vector.broadcast %jit3A_430 : f32 to vector<16xf32>
            %select_n3A_432 = arith.select %or3A_429, %gather3A_424, %broadcast_in_dim3A_431 : vector<16xi1>, vector<16xf32>
            %add3A_433 = arith.addf %add3A_388, %select_n3A_432 : vector<16xf32>
            %broadcast_in_dim3A_434 = arith.constant 5 : i32
            %broadcast_in_dim3A_435 = vector.broadcast %broadcast_in_dim3A_434 : i32 to vector<16xi32>
            %lt3A_436 = arith.constant 0 : i32
            %lt3A_437 = vector.broadcast %lt3A_436 : i32 to vector<16xi32>
            %lt3A_438 = arith.cmpi slt, %broadcast_in_dim3A_435, %lt3A_437 : vector<16xi32>
            %add3A_439 = arith.constant 16 : i32
            %add3A_440 = vector.broadcast %add3A_439 : i32 to vector<16xi32>
            %add3A_441 = arith.addi %broadcast_in_dim3A_435, %add3A_440 : vector<16xi32>
            %select_n3A_442 = arith.select %lt3A_438, %add3A_441, %broadcast_in_dim3A_435 : vector<16xi1>, vector<16xi32>
            %reshape3A_443 = vector.shape_cast %select_n3A_442 : vector<16xi32> to vector<16x1xi32>
            %gather3A_444 = vector.shape_cast %reshape3A_443 : vector<16x1xi32> to vector<16xi32>
            %gather3A_445 = tpu.dynamic_gather %get3A_201[%gather3A_444] in [0] : vector<16xf32>, vector<16xi32> -> vector<16xf32>
            %broadcast_in_dim3A_446 = arith.constant 5 : i32
            %broadcast_in_dim3A_447 = vector.broadcast %broadcast_in_dim3A_446 : i32 to vector<16xi32>
            %lt3A_448 = arith.constant 0 : i32
            %lt3A_449 = vector.broadcast %lt3A_448 : i32 to vector<16xi32>
            %lt3A_450 = arith.cmpi slt, %broadcast_in_dim3A_447, %lt3A_449 : vector<16xi32>
            %add3A_451 = arith.constant 16 : i32
            %add3A_452 = vector.broadcast %add3A_451 : i32 to vector<16xi32>
            %add3A_453 = arith.addi %broadcast_in_dim3A_447, %add3A_452 : vector<16xi32>
            %select_n3A_454 = arith.select %lt3A_450, %add3A_453, %broadcast_in_dim3A_447 : vector<16xi1>, vector<16xi32>
            %reshape3A_455 = vector.shape_cast %select_n3A_454 : vector<16xi32> to vector<16x1xi32>
            %gather3A_456 = vector.shape_cast %reshape3A_455 : vector<16x1xi32> to vector<16xi32>
            %gather3A_457 = tpu.dynamic_gather %get3A_203[%gather3A_456] in [0] : vector<16xi32>, vector<16xi32> -> vector<16xi32>
            %broadcast_in_dim3A_458 = arith.constant 5 : i32
            %broadcast_in_dim3A_459 = vector.broadcast %broadcast_in_dim3A_458 : i32 to vector<16xi32>
            %lt3A_460 = arith.constant 0 : i32
            %lt3A_461 = vector.broadcast %lt3A_460 : i32 to vector<16xi32>
            %lt3A_462 = arith.cmpi slt, %broadcast_in_dim3A_459, %lt3A_461 : vector<16xi32>
            %add3A_463 = arith.constant 16 : i32
            %add3A_464 = vector.broadcast %add3A_463 : i32 to vector<16xi32>
            %add3A_465 = arith.addi %broadcast_in_dim3A_459, %add3A_464 : vector<16xi32>
            %select_n3A_466 = arith.select %lt3A_462, %add3A_465, %broadcast_in_dim3A_459 : vector<16xi1>, vector<16xi32>
            %reshape3A_467 = vector.shape_cast %select_n3A_466 : vector<16xi32> to vector<16x1xi32>
            %gather3A_468 = vector.shape_cast %reshape3A_467 : vector<16x1xi32> to vector<16xi32>
            %gather3A_469 = tpu.dynamic_gather %select_n3A_214[%gather3A_468] in [0] : vector<16xf32>, vector<16xi32> -> vector<16xf32>
            %gt3A_470 = arith.cmpf ogt, %gather3A_445, %get3A_161 : vector<16xf32>
            %eq3A_471 = arith.cmpf oeq, %gather3A_445, %get3A_161 : vector<16xf32>
            %le3A_472 = arith.cmpi sle, %gather3A_457, %get3A_163 : vector<16xi32>
            %and3A_473 = arith.andi %eq3A_471, %le3A_472 : vector<16xi1>
            %or3A_474 = arith.ori %gt3A_470, %and3A_473 : vector<16xi1>
            %jit3A_475 = arith.constant 0.000000e+00 : f32
            %broadcast_in_dim3A_476 = vector.broadcast %jit3A_475 : f32 to vector<16xf32>
            %select_n3A_477 = arith.select %or3A_474, %gather3A_469, %broadcast_in_dim3A_476 : vector<16xi1>, vector<16xf32>
            %add3A_478 = arith.addf %add3A_433, %select_n3A_477 : vector<16xf32>
            %broadcast_in_dim3A_479 = arith.constant 6 : i32
            %broadcast_in_dim3A_480 = vector.broadcast %broadcast_in_dim3A_479 : i32 to vector<16xi32>
            %lt3A_481 = arith.constant 0 : i32
            %lt3A_482 = vector.broadcast %lt3A_481 : i32 to vector<16xi32>
            %lt3A_483 = arith.cmpi slt, %broadcast_in_dim3A_480, %lt3A_482 : vector<16xi32>
            %add3A_484 = arith.constant 16 : i32
            %add3A_485 = vector.broadcast %add3A_484 : i32 to vector<16xi32>
            %add3A_486 = arith.addi %broadcast_in_dim3A_480, %add3A_485 : vector<16xi32>
            %select_n3A_487 = arith.select %lt3A_483, %add3A_486, %broadcast_in_dim3A_480 : vector<16xi1>, vector<16xi32>
            %reshape3A_488 = vector.shape_cast %select_n3A_487 : vector<16xi32> to vector<16x1xi32>
            %gather3A_489 = vector.shape_cast %reshape3A_488 : vector<16x1xi32> to vector<16xi32>
            %gather3A_490 = tpu.dynamic_gather %get3A_201[%gather3A_489] in [0] : vector<16xf32>, vector<16xi32> -> vector<16xf32>
            %broadcast_in_dim3A_491 = arith.constant 6 : i32
            %broadcast_in_dim3A_492 = vector.broadcast %broadcast_in_dim3A_491 : i32 to vector<16xi32>
            %lt3A_493 = arith.constant 0 : i32
            %lt3A_494 = vector.broadcast %lt3A_493 : i32 to vector<16xi32>
            %lt3A_495 = arith.cmpi slt, %broadcast_in_dim3A_492, %lt3A_494 : vector<16xi32>
            %add3A_496 = arith.constant 16 : i32
            %add3A_497 = vector.broadcast %add3A_496 : i32 to vector<16xi32>
            %add3A_498 = arith.addi %broadcast_in_dim3A_492, %add3A_497 : vector<16xi32>
            %select_n3A_499 = arith.select %lt3A_495, %add3A_498, %broadcast_in_dim3A_492 : vector<16xi1>, vector<16xi32>
            %reshape3A_500 = vector.shape_cast %select_n3A_499 : vector<16xi32> to vector<16x1xi32>
            %gather3A_501 = vector.shape_cast %reshape3A_500 : vector<16x1xi32> to vector<16xi32>
            %gather3A_502 = tpu.dynamic_gather %get3A_203[%gather3A_501] in [0] : vector<16xi32>, vector<16xi32> -> vector<16xi32>
            %broadcast_in_dim3A_503 = arith.constant 6 : i32
            %broadcast_in_dim3A_504 = vector.broadcast %broadcast_in_dim3A_503 : i32 to vector<16xi32>
            %lt3A_505 = arith.constant 0 : i32
            %lt3A_506 = vector.broadcast %lt3A_505 : i32 to vector<16xi32>
            %lt3A_507 = arith.cmpi slt, %broadcast_in_dim3A_504, %lt3A_506 : vector<16xi32>
            %add3A_508 = arith.constant 16 : i32
            %add3A_509 = vector.broadcast %add3A_508 : i32 to vector<16xi32>
            %add3A_510 = arith.addi %broadcast_in_dim3A_504, %add3A_509 : vector<16xi32>
            %select_n3A_511 = arith.select %lt3A_507, %add3A_510, %broadcast_in_dim3A_504 : vector<16xi1>, vector<16xi32>
            %reshape3A_512 = vector.shape_cast %select_n3A_511 : vector<16xi32> to vector<16x1xi32>
            %gather3A_513 = vector.shape_cast %reshape3A_512 : vector<16x1xi32> to vector<16xi32>
            %gather3A_514 = tpu.dynamic_gather %select_n3A_214[%gather3A_513] in [0] : vector<16xf32>, vector<16xi32> -> vector<16xf32>
            %gt3A_515 = arith.cmpf ogt, %gather3A_490, %get3A_161 : vector<16xf32>
            %eq3A_516 = arith.cmpf oeq, %gather3A_490, %get3A_161 : vector<16xf32>
            %le3A_517 = arith.cmpi sle, %gather3A_502, %get3A_163 : vector<16xi32>
            %and3A_518 = arith.andi %eq3A_516, %le3A_517 : vector<16xi1>
            %or3A_519 = arith.ori %gt3A_515, %and3A_518 : vector<16xi1>
            %jit3A_520 = arith.constant 0.000000e+00 : f32
            %broadcast_in_dim3A_521 = vector.broadcast %jit3A_520 : f32 to vector<16xf32>
            %select_n3A_522 = arith.select %or3A_519, %gather3A_514, %broadcast_in_dim3A_521 : vector<16xi1>, vector<16xf32>
            %add3A_523 = arith.addf %add3A_478, %select_n3A_522 : vector<16xf32>
            %broadcast_in_dim3A_524 = arith.constant 7 : i32
            %broadcast_in_dim3A_525 = vector.broadcast %broadcast_in_dim3A_524 : i32 to vector<16xi32>
            %lt3A_526 = arith.constant 0 : i32
            %lt3A_527 = vector.broadcast %lt3A_526 : i32 to vector<16xi32>
            %lt3A_528 = arith.cmpi slt, %broadcast_in_dim3A_525, %lt3A_527 : vector<16xi32>
            %add3A_529 = arith.constant 16 : i32
            %add3A_530 = vector.broadcast %add3A_529 : i32 to vector<16xi32>
            %add3A_531 = arith.addi %broadcast_in_dim3A_525, %add3A_530 : vector<16xi32>
            %select_n3A_532 = arith.select %lt3A_528, %add3A_531, %broadcast_in_dim3A_525 : vector<16xi1>, vector<16xi32>
            %reshape3A_533 = vector.shape_cast %select_n3A_532 : vector<16xi32> to vector<16x1xi32>
            %gather3A_534 = vector.shape_cast %reshape3A_533 : vector<16x1xi32> to vector<16xi32>
            %gather3A_535 = tpu.dynamic_gather %get3A_201[%gather3A_534] in [0] : vector<16xf32>, vector<16xi32> -> vector<16xf32>
            %broadcast_in_dim3A_536 = arith.constant 7 : i32
            %broadcast_in_dim3A_537 = vector.broadcast %broadcast_in_dim3A_536 : i32 to vector<16xi32>
            %lt3A_538 = arith.constant 0 : i32
            %lt3A_539 = vector.broadcast %lt3A_538 : i32 to vector<16xi32>
            %lt3A_540 = arith.cmpi slt, %broadcast_in_dim3A_537, %lt3A_539 : vector<16xi32>
            %add3A_541 = arith.constant 16 : i32
            %add3A_542 = vector.broadcast %add3A_541 : i32 to vector<16xi32>
            %add3A_543 = arith.addi %broadcast_in_dim3A_537, %add3A_542 : vector<16xi32>
            %select_n3A_544 = arith.select %lt3A_540, %add3A_543, %broadcast_in_dim3A_537 : vector<16xi1>, vector<16xi32>
            %reshape3A_545 = vector.shape_cast %select_n3A_544 : vector<16xi32> to vector<16x1xi32>
            %gather3A_546 = vector.shape_cast %reshape3A_545 : vector<16x1xi32> to vector<16xi32>
            %gather3A_547 = tpu.dynamic_gather %get3A_203[%gather3A_546] in [0] : vector<16xi32>, vector<16xi32> -> vector<16xi32>
            %broadcast_in_dim3A_548 = arith.constant 7 : i32
            %broadcast_in_dim3A_549 = vector.broadcast %broadcast_in_dim3A_548 : i32 to vector<16xi32>
            %lt3A_550 = arith.constant 0 : i32
            %lt3A_551 = vector.broadcast %lt3A_550 : i32 to vector<16xi32>
            %lt3A_552 = arith.cmpi slt, %broadcast_in_dim3A_549, %lt3A_551 : vector<16xi32>
            %add3A_553 = arith.constant 16 : i32
            %add3A_554 = vector.broadcast %add3A_553 : i32 to vector<16xi32>
            %add3A_555 = arith.addi %broadcast_in_dim3A_549, %add3A_554 : vector<16xi32>
            %select_n3A_556 = arith.select %lt3A_552, %add3A_555, %broadcast_in_dim3A_549 : vector<16xi1>, vector<16xi32>
            %reshape3A_557 = vector.shape_cast %select_n3A_556 : vector<16xi32> to vector<16x1xi32>
            %gather3A_558 = vector.shape_cast %reshape3A_557 : vector<16x1xi32> to vector<16xi32>
            %gather3A_559 = tpu.dynamic_gather %select_n3A_214[%gather3A_558] in [0] : vector<16xf32>, vector<16xi32> -> vector<16xf32>
            %gt3A_560 = arith.cmpf ogt, %gather3A_535, %get3A_161 : vector<16xf32>
            %eq3A_561 = arith.cmpf oeq, %gather3A_535, %get3A_161 : vector<16xf32>
            %le3A_562 = arith.cmpi sle, %gather3A_547, %get3A_163 : vector<16xi32>
            %and3A_563 = arith.andi %eq3A_561, %le3A_562 : vector<16xi1>
            %or3A_564 = arith.ori %gt3A_560, %and3A_563 : vector<16xi1>
            %jit3A_565 = arith.constant 0.000000e+00 : f32
            %broadcast_in_dim3A_566 = vector.broadcast %jit3A_565 : f32 to vector<16xf32>
            %select_n3A_567 = arith.select %or3A_564, %gather3A_559, %broadcast_in_dim3A_566 : vector<16xi1>, vector<16xf32>
            %add3A_568 = arith.addf %add3A_523, %select_n3A_567 : vector<16xf32>
            %broadcast_in_dim3A_569 = arith.constant 8 : i32
            %broadcast_in_dim3A_570 = vector.broadcast %broadcast_in_dim3A_569 : i32 to vector<16xi32>
            %lt3A_571 = arith.constant 0 : i32
            %lt3A_572 = vector.broadcast %lt3A_571 : i32 to vector<16xi32>
            %lt3A_573 = arith.cmpi slt, %broadcast_in_dim3A_570, %lt3A_572 : vector<16xi32>
            %add3A_574 = arith.constant 16 : i32
            %add3A_575 = vector.broadcast %add3A_574 : i32 to vector<16xi32>
            %add3A_576 = arith.addi %broadcast_in_dim3A_570, %add3A_575 : vector<16xi32>
            %select_n3A_577 = arith.select %lt3A_573, %add3A_576, %broadcast_in_dim3A_570 : vector<16xi1>, vector<16xi32>
            %reshape3A_578 = vector.shape_cast %select_n3A_577 : vector<16xi32> to vector<16x1xi32>
            %gather3A_579 = vector.shape_cast %reshape3A_578 : vector<16x1xi32> to vector<16xi32>
            %gather3A_580 = tpu.dynamic_gather %get3A_201[%gather3A_579] in [0] : vector<16xf32>, vector<16xi32> -> vector<16xf32>
            %broadcast_in_dim3A_581 = arith.constant 8 : i32
            %broadcast_in_dim3A_582 = vector.broadcast %broadcast_in_dim3A_581 : i32 to vector<16xi32>
            %lt3A_583 = arith.constant 0 : i32
            %lt3A_584 = vector.broadcast %lt3A_583 : i32 to vector<16xi32>
            %lt3A_585 = arith.cmpi slt, %broadcast_in_dim3A_582, %lt3A_584 : vector<16xi32>
            %add3A_586 = arith.constant 16 : i32
            %add3A_587 = vector.broadcast %add3A_586 : i32 to vector<16xi32>
            %add3A_588 = arith.addi %broadcast_in_dim3A_582, %add3A_587 : vector<16xi32>
            %select_n3A_589 = arith.select %lt3A_585, %add3A_588, %broadcast_in_dim3A_582 : vector<16xi1>, vector<16xi32>
            %reshape3A_590 = vector.shape_cast %select_n3A_589 : vector<16xi32> to vector<16x1xi32>
            %gather3A_591 = vector.shape_cast %reshape3A_590 : vector<16x1xi32> to vector<16xi32>
            %gather3A_592 = tpu.dynamic_gather %get3A_203[%gather3A_591] in [0] : vector<16xi32>, vector<16xi32> -> vector<16xi32>
            %broadcast_in_dim3A_593 = arith.constant 8 : i32
            %broadcast_in_dim3A_594 = vector.broadcast %broadcast_in_dim3A_593 : i32 to vector<16xi32>
            %lt3A_595 = arith.constant 0 : i32
            %lt3A_596 = vector.broadcast %lt3A_595 : i32 to vector<16xi32>
            %lt3A_597 = arith.cmpi slt, %broadcast_in_dim3A_594, %lt3A_596 : vector<16xi32>
            %add3A_598 = arith.constant 16 : i32
            %add3A_599 = vector.broadcast %add3A_598 : i32 to vector<16xi32>
            %add3A_600 = arith.addi %broadcast_in_dim3A_594, %add3A_599 : vector<16xi32>
            %select_n3A_601 = arith.select %lt3A_597, %add3A_600, %broadcast_in_dim3A_594 : vector<16xi1>, vector<16xi32>
            %reshape3A_602 = vector.shape_cast %select_n3A_601 : vector<16xi32> to vector<16x1xi32>
            %gather3A_603 = vector.shape_cast %reshape3A_602 : vector<16x1xi32> to vector<16xi32>
            %gather3A_604 = tpu.dynamic_gather %select_n3A_214[%gather3A_603] in [0] : vector<16xf32>, vector<16xi32> -> vector<16xf32>
            %gt3A_605 = arith.cmpf ogt, %gather3A_580, %get3A_161 : vector<16xf32>
            %eq3A_606 = arith.cmpf oeq, %gather3A_580, %get3A_161 : vector<16xf32>
            %le3A_607 = arith.cmpi sle, %gather3A_592, %get3A_163 : vector<16xi32>
            %and3A_608 = arith.andi %eq3A_606, %le3A_607 : vector<16xi1>
            %or3A_609 = arith.ori %gt3A_605, %and3A_608 : vector<16xi1>
            %jit3A_610 = arith.constant 0.000000e+00 : f32
            %broadcast_in_dim3A_611 = vector.broadcast %jit3A_610 : f32 to vector<16xf32>
            %select_n3A_612 = arith.select %or3A_609, %gather3A_604, %broadcast_in_dim3A_611 : vector<16xi1>, vector<16xf32>
            %add3A_613 = arith.addf %add3A_568, %select_n3A_612 : vector<16xf32>
            %broadcast_in_dim3A_614 = arith.constant 9 : i32
            %broadcast_in_dim3A_615 = vector.broadcast %broadcast_in_dim3A_614 : i32 to vector<16xi32>
            %lt3A_616 = arith.constant 0 : i32
            %lt3A_617 = vector.broadcast %lt3A_616 : i32 to vector<16xi32>
            %lt3A_618 = arith.cmpi slt, %broadcast_in_dim3A_615, %lt3A_617 : vector<16xi32>
            %add3A_619 = arith.constant 16 : i32
            %add3A_620 = vector.broadcast %add3A_619 : i32 to vector<16xi32>
            %add3A_621 = arith.addi %broadcast_in_dim3A_615, %add3A_620 : vector<16xi32>
            %select_n3A_622 = arith.select %lt3A_618, %add3A_621, %broadcast_in_dim3A_615 : vector<16xi1>, vector<16xi32>
            %reshape3A_623 = vector.shape_cast %select_n3A_622 : vector<16xi32> to vector<16x1xi32>
            %gather3A_624 = vector.shape_cast %reshape3A_623 : vector<16x1xi32> to vector<16xi32>
            %gather3A_625 = tpu.dynamic_gather %get3A_201[%gather3A_624] in [0] : vector<16xf32>, vector<16xi32> -> vector<16xf32>
            %broadcast_in_dim3A_626 = arith.constant 9 : i32
            %broadcast_in_dim3A_627 = vector.broadcast %broadcast_in_dim3A_626 : i32 to vector<16xi32>
            %lt3A_628 = arith.constant 0 : i32
            %lt3A_629 = vector.broadcast %lt3A_628 : i32 to vector<16xi32>
            %lt3A_630 = arith.cmpi slt, %broadcast_in_dim3A_627, %lt3A_629 : vector<16xi32>
            %add3A_631 = arith.constant 16 : i32
            %add3A_632 = vector.broadcast %add3A_631 : i32 to vector<16xi32>
            %add3A_633 = arith.addi %broadcast_in_dim3A_627, %add3A_632 : vector<16xi32>
            %select_n3A_634 = arith.select %lt3A_630, %add3A_633, %broadcast_in_dim3A_627 : vector<16xi1>, vector<16xi32>
            %reshape3A_635 = vector.shape_cast %select_n3A_634 : vector<16xi32> to vector<16x1xi32>
            %gather3A_636 = vector.shape_cast %reshape3A_635 : vector<16x1xi32> to vector<16xi32>
            %gather3A_637 = tpu.dynamic_gather %get3A_203[%gather3A_636] in [0] : vector<16xi32>, vector<16xi32> -> vector<16xi32>
            %broadcast_in_dim3A_638 = arith.constant 9 : i32
            %broadcast_in_dim3A_639 = vector.broadcast %broadcast_in_dim3A_638 : i32 to vector<16xi32>
            %lt3A_640 = arith.constant 0 : i32
            %lt3A_641 = vector.broadcast %lt3A_640 : i32 to vector<16xi32>
            %lt3A_642 = arith.cmpi slt, %broadcast_in_dim3A_639, %lt3A_641 : vector<16xi32>
            %add3A_643 = arith.constant 16 : i32
            %add3A_644 = vector.broadcast %add3A_643 : i32 to vector<16xi32>
            %add3A_645 = arith.addi %broadcast_in_dim3A_639, %add3A_644 : vector<16xi32>
            %select_n3A_646 = arith.select %lt3A_642, %add3A_645, %broadcast_in_dim3A_639 : vector<16xi1>, vector<16xi32>
            %reshape3A_647 = vector.shape_cast %select_n3A_646 : vector<16xi32> to vector<16x1xi32>
            %gather3A_648 = vector.shape_cast %reshape3A_647 : vector<16x1xi32> to vector<16xi32>
            %gather3A_649 = tpu.dynamic_gather %select_n3A_214[%gather3A_648] in [0] : vector<16xf32>, vector<16xi32> -> vector<16xf32>
            %gt3A_650 = arith.cmpf ogt, %gather3A_625, %get3A_161 : vector<16xf32>
            %eq3A_651 = arith.cmpf oeq, %gather3A_625, %get3A_161 : vector<16xf32>
            %le3A_652 = arith.cmpi sle, %gather3A_637, %get3A_163 : vector<16xi32>
            %and3A_653 = arith.andi %eq3A_651, %le3A_652 : vector<16xi1>
            %or3A_654 = arith.ori %gt3A_650, %and3A_653 : vector<16xi1>
            %jit3A_655 = arith.constant 0.000000e+00 : f32
            %broadcast_in_dim3A_656 = vector.broadcast %jit3A_655 : f32 to vector<16xf32>
            %select_n3A_657 = arith.select %or3A_654, %gather3A_649, %broadcast_in_dim3A_656 : vector<16xi1>, vector<16xf32>
            %add3A_658 = arith.addf %add3A_613, %select_n3A_657 : vector<16xf32>
            %broadcast_in_dim3A_659 = arith.constant 10 : i32
            %broadcast_in_dim3A_660 = vector.broadcast %broadcast_in_dim3A_659 : i32 to vector<16xi32>
            %lt3A_661 = arith.constant 0 : i32
            %lt3A_662 = vector.broadcast %lt3A_661 : i32 to vector<16xi32>
            %lt3A_663 = arith.cmpi slt, %broadcast_in_dim3A_660, %lt3A_662 : vector<16xi32>
            %add3A_664 = arith.constant 16 : i32
            %add3A_665 = vector.broadcast %add3A_664 : i32 to vector<16xi32>
            %add3A_666 = arith.addi %broadcast_in_dim3A_660, %add3A_665 : vector<16xi32>
            %select_n3A_667 = arith.select %lt3A_663, %add3A_666, %broadcast_in_dim3A_660 : vector<16xi1>, vector<16xi32>
            %reshape3A_668 = vector.shape_cast %select_n3A_667 : vector<16xi32> to vector<16x1xi32>
            %gather3A_669 = vector.shape_cast %reshape3A_668 : vector<16x1xi32> to vector<16xi32>
            %gather3A_670 = tpu.dynamic_gather %get3A_201[%gather3A_669] in [0] : vector<16xf32>, vector<16xi32> -> vector<16xf32>
            %broadcast_in_dim3A_671 = arith.constant 10 : i32
            %broadcast_in_dim3A_672 = vector.broadcast %broadcast_in_dim3A_671 : i32 to vector<16xi32>
            %lt3A_673 = arith.constant 0 : i32
            %lt3A_674 = vector.broadcast %lt3A_673 : i32 to vector<16xi32>
            %lt3A_675 = arith.cmpi slt, %broadcast_in_dim3A_672, %lt3A_674 : vector<16xi32>
            %add3A_676 = arith.constant 16 : i32
            %add3A_677 = vector.broadcast %add3A_676 : i32 to vector<16xi32>
            %add3A_678 = arith.addi %broadcast_in_dim3A_672, %add3A_677 : vector<16xi32>
            %select_n3A_679 = arith.select %lt3A_675, %add3A_678, %broadcast_in_dim3A_672 : vector<16xi1>, vector<16xi32>
            %reshape3A_680 = vector.shape_cast %select_n3A_679 : vector<16xi32> to vector<16x1xi32>
            %gather3A_681 = vector.shape_cast %reshape3A_680 : vector<16x1xi32> to vector<16xi32>
            %gather3A_682 = tpu.dynamic_gather %get3A_203[%gather3A_681] in [0] : vector<16xi32>, vector<16xi32> -> vector<16xi32>
            %broadcast_in_dim3A_683 = arith.constant 10 : i32
            %broadcast_in_dim3A_684 = vector.broadcast %broadcast_in_dim3A_683 : i32 to vector<16xi32>
            %lt3A_685 = arith.constant 0 : i32
            %lt3A_686 = vector.broadcast %lt3A_685 : i32 to vector<16xi32>
            %lt3A_687 = arith.cmpi slt, %broadcast_in_dim3A_684, %lt3A_686 : vector<16xi32>
            %add3A_688 = arith.constant 16 : i32
            %add3A_689 = vector.broadcast %add3A_688 : i32 to vector<16xi32>
            %add3A_690 = arith.addi %broadcast_in_dim3A_684, %add3A_689 : vector<16xi32>
            %select_n3A_691 = arith.select %lt3A_687, %add3A_690, %broadcast_in_dim3A_684 : vector<16xi1>, vector<16xi32>
            %reshape3A_692 = vector.shape_cast %select_n3A_691 : vector<16xi32> to vector<16x1xi32>
            %gather3A_693 = vector.shape_cast %reshape3A_692 : vector<16x1xi32> to vector<16xi32>
            %gather3A_694 = tpu.dynamic_gather %select_n3A_214[%gather3A_693] in [0] : vector<16xf32>, vector<16xi32> -> vector<16xf32>
            %gt3A_695 = arith.cmpf ogt, %gather3A_670, %get3A_161 : vector<16xf32>
            %eq3A_696 = arith.cmpf oeq, %gather3A_670, %get3A_161 : vector<16xf32>
            %le3A_697 = arith.cmpi sle, %gather3A_682, %get3A_163 : vector<16xi32>
            %and3A_698 = arith.andi %eq3A_696, %le3A_697 : vector<16xi1>
            %or3A_699 = arith.ori %gt3A_695, %and3A_698 : vector<16xi1>
            %jit3A_700 = arith.constant 0.000000e+00 : f32
            %broadcast_in_dim3A_701 = vector.broadcast %jit3A_700 : f32 to vector<16xf32>
            %select_n3A_702 = arith.select %or3A_699, %gather3A_694, %broadcast_in_dim3A_701 : vector<16xi1>, vector<16xf32>
            %add3A_703 = arith.addf %add3A_658, %select_n3A_702 : vector<16xf32>
            %broadcast_in_dim3A_704 = arith.constant 11 : i32
            %broadcast_in_dim3A_705 = vector.broadcast %broadcast_in_dim3A_704 : i32 to vector<16xi32>
            %lt3A_706 = arith.constant 0 : i32
            %lt3A_707 = vector.broadcast %lt3A_706 : i32 to vector<16xi32>
            %lt3A_708 = arith.cmpi slt, %broadcast_in_dim3A_705, %lt3A_707 : vector<16xi32>
            %add3A_709 = arith.constant 16 : i32
            %add3A_710 = vector.broadcast %add3A_709 : i32 to vector<16xi32>
            %add3A_711 = arith.addi %broadcast_in_dim3A_705, %add3A_710 : vector<16xi32>
            %select_n3A_712 = arith.select %lt3A_708, %add3A_711, %broadcast_in_dim3A_705 : vector<16xi1>, vector<16xi32>
            %reshape3A_713 = vector.shape_cast %select_n3A_712 : vector<16xi32> to vector<16x1xi32>
            %gather3A_714 = vector.shape_cast %reshape3A_713 : vector<16x1xi32> to vector<16xi32>
            %gather3A_715 = tpu.dynamic_gather %get3A_201[%gather3A_714] in [0] : vector<16xf32>, vector<16xi32> -> vector<16xf32>
            %broadcast_in_dim3A_716 = arith.constant 11 : i32
            %broadcast_in_dim3A_717 = vector.broadcast %broadcast_in_dim3A_716 : i32 to vector<16xi32>
            %lt3A_718 = arith.constant 0 : i32
            %lt3A_719 = vector.broadcast %lt3A_718 : i32 to vector<16xi32>
            %lt3A_720 = arith.cmpi slt, %broadcast_in_dim3A_717, %lt3A_719 : vector<16xi32>
            %add3A_721 = arith.constant 16 : i32
            %add3A_722 = vector.broadcast %add3A_721 : i32 to vector<16xi32>
            %add3A_723 = arith.addi %broadcast_in_dim3A_717, %add3A_722 : vector<16xi32>
            %select_n3A_724 = arith.select %lt3A_720, %add3A_723, %broadcast_in_dim3A_717 : vector<16xi1>, vector<16xi32>
            %reshape3A_725 = vector.shape_cast %select_n3A_724 : vector<16xi32> to vector<16x1xi32>
            %gather3A_726 = vector.shape_cast %reshape3A_725 : vector<16x1xi32> to vector<16xi32>
            %gather3A_727 = tpu.dynamic_gather %get3A_203[%gather3A_726] in [0] : vector<16xi32>, vector<16xi32> -> vector<16xi32>
            %broadcast_in_dim3A_728 = arith.constant 11 : i32
            %broadcast_in_dim3A_729 = vector.broadcast %broadcast_in_dim3A_728 : i32 to vector<16xi32>
            %lt3A_730 = arith.constant 0 : i32
            %lt3A_731 = vector.broadcast %lt3A_730 : i32 to vector<16xi32>
            %lt3A_732 = arith.cmpi slt, %broadcast_in_dim3A_729, %lt3A_731 : vector<16xi32>
            %add3A_733 = arith.constant 16 : i32
            %add3A_734 = vector.broadcast %add3A_733 : i32 to vector<16xi32>
            %add3A_735 = arith.addi %broadcast_in_dim3A_729, %add3A_734 : vector<16xi32>
            %select_n3A_736 = arith.select %lt3A_732, %add3A_735, %broadcast_in_dim3A_729 : vector<16xi1>, vector<16xi32>
            %reshape3A_737 = vector.shape_cast %select_n3A_736 : vector<16xi32> to vector<16x1xi32>
            %gather3A_738 = vector.shape_cast %reshape3A_737 : vector<16x1xi32> to vector<16xi32>
            %gather3A_739 = tpu.dynamic_gather %select_n3A_214[%gather3A_738] in [0] : vector<16xf32>, vector<16xi32> -> vector<16xf32>
            %gt3A_740 = arith.cmpf ogt, %gather3A_715, %get3A_161 : vector<16xf32>
            %eq3A_741 = arith.cmpf oeq, %gather3A_715, %get3A_161 : vector<16xf32>
            %le3A_742 = arith.cmpi sle, %gather3A_727, %get3A_163 : vector<16xi32>
            %and3A_743 = arith.andi %eq3A_741, %le3A_742 : vector<16xi1>
            %or3A_744 = arith.ori %gt3A_740, %and3A_743 : vector<16xi1>
            %jit3A_745 = arith.constant 0.000000e+00 : f32
            %broadcast_in_dim3A_746 = vector.broadcast %jit3A_745 : f32 to vector<16xf32>
            %select_n3A_747 = arith.select %or3A_744, %gather3A_739, %broadcast_in_dim3A_746 : vector<16xi1>, vector<16xf32>
            %add3A_748 = arith.addf %add3A_703, %select_n3A_747 : vector<16xf32>
            %broadcast_in_dim3A_749 = arith.constant 12 : i32
            %broadcast_in_dim3A_750 = vector.broadcast %broadcast_in_dim3A_749 : i32 to vector<16xi32>
            %lt3A_751 = arith.constant 0 : i32
            %lt3A_752 = vector.broadcast %lt3A_751 : i32 to vector<16xi32>
            %lt3A_753 = arith.cmpi slt, %broadcast_in_dim3A_750, %lt3A_752 : vector<16xi32>
            %add3A_754 = arith.constant 16 : i32
            %add3A_755 = vector.broadcast %add3A_754 : i32 to vector<16xi32>
            %add3A_756 = arith.addi %broadcast_in_dim3A_750, %add3A_755 : vector<16xi32>
            %select_n3A_757 = arith.select %lt3A_753, %add3A_756, %broadcast_in_dim3A_750 : vector<16xi1>, vector<16xi32>
            %reshape3A_758 = vector.shape_cast %select_n3A_757 : vector<16xi32> to vector<16x1xi32>
            %gather3A_759 = vector.shape_cast %reshape3A_758 : vector<16x1xi32> to vector<16xi32>
            %gather3A_760 = tpu.dynamic_gather %get3A_201[%gather3A_759] in [0] : vector<16xf32>, vector<16xi32> -> vector<16xf32>
            %broadcast_in_dim3A_761 = arith.constant 12 : i32
            %broadcast_in_dim3A_762 = vector.broadcast %broadcast_in_dim3A_761 : i32 to vector<16xi32>
            %lt3A_763 = arith.constant 0 : i32
            %lt3A_764 = vector.broadcast %lt3A_763 : i32 to vector<16xi32>
            %lt3A_765 = arith.cmpi slt, %broadcast_in_dim3A_762, %lt3A_764 : vector<16xi32>
            %add3A_766 = arith.constant 16 : i32
            %add3A_767 = vector.broadcast %add3A_766 : i32 to vector<16xi32>
            %add3A_768 = arith.addi %broadcast_in_dim3A_762, %add3A_767 : vector<16xi32>
            %select_n3A_769 = arith.select %lt3A_765, %add3A_768, %broadcast_in_dim3A_762 : vector<16xi1>, vector<16xi32>
            %reshape3A_770 = vector.shape_cast %select_n3A_769 : vector<16xi32> to vector<16x1xi32>
            %gather3A_771 = vector.shape_cast %reshape3A_770 : vector<16x1xi32> to vector<16xi32>
            %gather3A_772 = tpu.dynamic_gather %get3A_203[%gather3A_771] in [0] : vector<16xi32>, vector<16xi32> -> vector<16xi32>
            %broadcast_in_dim3A_773 = arith.constant 12 : i32
            %broadcast_in_dim3A_774 = vector.broadcast %broadcast_in_dim3A_773 : i32 to vector<16xi32>
            %lt3A_775 = arith.constant 0 : i32
            %lt3A_776 = vector.broadcast %lt3A_775 : i32 to vector<16xi32>
            %lt3A_777 = arith.cmpi slt, %broadcast_in_dim3A_774, %lt3A_776 : vector<16xi32>
            %add3A_778 = arith.constant 16 : i32
            %add3A_779 = vector.broadcast %add3A_778 : i32 to vector<16xi32>
            %add3A_780 = arith.addi %broadcast_in_dim3A_774, %add3A_779 : vector<16xi32>
            %select_n3A_781 = arith.select %lt3A_777, %add3A_780, %broadcast_in_dim3A_774 : vector<16xi1>, vector<16xi32>
            %reshape3A_782 = vector.shape_cast %select_n3A_781 : vector<16xi32> to vector<16x1xi32>
            %gather3A_783 = vector.shape_cast %reshape3A_782 : vector<16x1xi32> to vector<16xi32>
            %gather3A_784 = tpu.dynamic_gather %select_n3A_214[%gather3A_783] in [0] : vector<16xf32>, vector<16xi32> -> vector<16xf32>
            %gt3A_785 = arith.cmpf ogt, %gather3A_760, %get3A_161 : vector<16xf32>
            %eq3A_786 = arith.cmpf oeq, %gather3A_760, %get3A_161 : vector<16xf32>
            %le3A_787 = arith.cmpi sle, %gather3A_772, %get3A_163 : vector<16xi32>
            %and3A_788 = arith.andi %eq3A_786, %le3A_787 : vector<16xi1>
            %or3A_789 = arith.ori %gt3A_785, %and3A_788 : vector<16xi1>
            %jit3A_790 = arith.constant 0.000000e+00 : f32
            %broadcast_in_dim3A_791 = vector.broadcast %jit3A_790 : f32 to vector<16xf32>
            %select_n3A_792 = arith.select %or3A_789, %gather3A_784, %broadcast_in_dim3A_791 : vector<16xi1>, vector<16xf32>
            %add3A_793 = arith.addf %add3A_748, %select_n3A_792 : vector<16xf32>
            %broadcast_in_dim3A_794 = arith.constant 13 : i32
            %broadcast_in_dim3A_795 = vector.broadcast %broadcast_in_dim3A_794 : i32 to vector<16xi32>
            %lt3A_796 = arith.constant 0 : i32
            %lt3A_797 = vector.broadcast %lt3A_796 : i32 to vector<16xi32>
            %lt3A_798 = arith.cmpi slt, %broadcast_in_dim3A_795, %lt3A_797 : vector<16xi32>
            %add3A_799 = arith.constant 16 : i32
            %add3A_800 = vector.broadcast %add3A_799 : i32 to vector<16xi32>
            %add3A_801 = arith.addi %broadcast_in_dim3A_795, %add3A_800 : vector<16xi32>
            %select_n3A_802 = arith.select %lt3A_798, %add3A_801, %broadcast_in_dim3A_795 : vector<16xi1>, vector<16xi32>
            %reshape3A_803 = vector.shape_cast %select_n3A_802 : vector<16xi32> to vector<16x1xi32>
            %gather3A_804 = vector.shape_cast %reshape3A_803 : vector<16x1xi32> to vector<16xi32>
            %gather3A_805 = tpu.dynamic_gather %get3A_201[%gather3A_804] in [0] : vector<16xf32>, vector<16xi32> -> vector<16xf32>
            %broadcast_in_dim3A_806 = arith.constant 13 : i32
            %broadcast_in_dim3A_807 = vector.broadcast %broadcast_in_dim3A_806 : i32 to vector<16xi32>
            %lt3A_808 = arith.constant 0 : i32
            %lt3A_809 = vector.broadcast %lt3A_808 : i32 to vector<16xi32>
            %lt3A_810 = arith.cmpi slt, %broadcast_in_dim3A_807, %lt3A_809 : vector<16xi32>
            %add3A_811 = arith.constant 16 : i32
            %add3A_812 = vector.broadcast %add3A_811 : i32 to vector<16xi32>
            %add3A_813 = arith.addi %broadcast_in_dim3A_807, %add3A_812 : vector<16xi32>
            %select_n3A_814 = arith.select %lt3A_810, %add3A_813, %broadcast_in_dim3A_807 : vector<16xi1>, vector<16xi32>
            %reshape3A_815 = vector.shape_cast %select_n3A_814 : vector<16xi32> to vector<16x1xi32>
            %gather3A_816 = vector.shape_cast %reshape3A_815 : vector<16x1xi32> to vector<16xi32>
            %gather3A_817 = tpu.dynamic_gather %get3A_203[%gather3A_816] in [0] : vector<16xi32>, vector<16xi32> -> vector<16xi32>
            %broadcast_in_dim3A_818 = arith.constant 13 : i32
            %broadcast_in_dim3A_819 = vector.broadcast %broadcast_in_dim3A_818 : i32 to vector<16xi32>
            %lt3A_820 = arith.constant 0 : i32
            %lt3A_821 = vector.broadcast %lt3A_820 : i32 to vector<16xi32>
            %lt3A_822 = arith.cmpi slt, %broadcast_in_dim3A_819, %lt3A_821 : vector<16xi32>
            %add3A_823 = arith.constant 16 : i32
            %add3A_824 = vector.broadcast %add3A_823 : i32 to vector<16xi32>
            %add3A_825 = arith.addi %broadcast_in_dim3A_819, %add3A_824 : vector<16xi32>
            %select_n3A_826 = arith.select %lt3A_822, %add3A_825, %broadcast_in_dim3A_819 : vector<16xi1>, vector<16xi32>
            %reshape3A_827 = vector.shape_cast %select_n3A_826 : vector<16xi32> to vector<16x1xi32>
            %gather3A_828 = vector.shape_cast %reshape3A_827 : vector<16x1xi32> to vector<16xi32>
            %gather3A_829 = tpu.dynamic_gather %select_n3A_214[%gather3A_828] in [0] : vector<16xf32>, vector<16xi32> -> vector<16xf32>
            %gt3A_830 = arith.cmpf ogt, %gather3A_805, %get3A_161 : vector<16xf32>
            %eq3A_831 = arith.cmpf oeq, %gather3A_805, %get3A_161 : vector<16xf32>
            %le3A_832 = arith.cmpi sle, %gather3A_817, %get3A_163 : vector<16xi32>
            %and3A_833 = arith.andi %eq3A_831, %le3A_832 : vector<16xi1>
            %or3A_834 = arith.ori %gt3A_830, %and3A_833 : vector<16xi1>
            %jit3A_835 = arith.constant 0.000000e+00 : f32
            %broadcast_in_dim3A_836 = vector.broadcast %jit3A_835 : f32 to vector<16xf32>
            %select_n3A_837 = arith.select %or3A_834, %gather3A_829, %broadcast_in_dim3A_836 : vector<16xi1>, vector<16xf32>
            %add3A_838 = arith.addf %add3A_793, %select_n3A_837 : vector<16xf32>
            %broadcast_in_dim3A_839 = arith.constant 14 : i32
            %broadcast_in_dim3A_840 = vector.broadcast %broadcast_in_dim3A_839 : i32 to vector<16xi32>
            %lt3A_841 = arith.constant 0 : i32
            %lt3A_842 = vector.broadcast %lt3A_841 : i32 to vector<16xi32>
            %lt3A_843 = arith.cmpi slt, %broadcast_in_dim3A_840, %lt3A_842 : vector<16xi32>
            %add3A_844 = arith.constant 16 : i32
            %add3A_845 = vector.broadcast %add3A_844 : i32 to vector<16xi32>
            %add3A_846 = arith.addi %broadcast_in_dim3A_840, %add3A_845 : vector<16xi32>
            %select_n3A_847 = arith.select %lt3A_843, %add3A_846, %broadcast_in_dim3A_840 : vector<16xi1>, vector<16xi32>
            %reshape3A_848 = vector.shape_cast %select_n3A_847 : vector<16xi32> to vector<16x1xi32>
            %gather3A_849 = vector.shape_cast %reshape3A_848 : vector<16x1xi32> to vector<16xi32>
            %gather3A_850 = tpu.dynamic_gather %get3A_201[%gather3A_849] in [0] : vector<16xf32>, vector<16xi32> -> vector<16xf32>
            %broadcast_in_dim3A_851 = arith.constant 14 : i32
            %broadcast_in_dim3A_852 = vector.broadcast %broadcast_in_dim3A_851 : i32 to vector<16xi32>
            %lt3A_853 = arith.constant 0 : i32
            %lt3A_854 = vector.broadcast %lt3A_853 : i32 to vector<16xi32>
            %lt3A_855 = arith.cmpi slt, %broadcast_in_dim3A_852, %lt3A_854 : vector<16xi32>
            %add3A_856 = arith.constant 16 : i32
            %add3A_857 = vector.broadcast %add3A_856 : i32 to vector<16xi32>
            %add3A_858 = arith.addi %broadcast_in_dim3A_852, %add3A_857 : vector<16xi32>
            %select_n3A_859 = arith.select %lt3A_855, %add3A_858, %broadcast_in_dim3A_852 : vector<16xi1>, vector<16xi32>
            %reshape3A_860 = vector.shape_cast %select_n3A_859 : vector<16xi32> to vector<16x1xi32>
            %gather3A_861 = vector.shape_cast %reshape3A_860 : vector<16x1xi32> to vector<16xi32>
            %gather3A_862 = tpu.dynamic_gather %get3A_203[%gather3A_861] in [0] : vector<16xi32>, vector<16xi32> -> vector<16xi32>
            %broadcast_in_dim3A_863 = arith.constant 14 : i32
            %broadcast_in_dim3A_864 = vector.broadcast %broadcast_in_dim3A_863 : i32 to vector<16xi32>
            %lt3A_865 = arith.constant 0 : i32
            %lt3A_866 = vector.broadcast %lt3A_865 : i32 to vector<16xi32>
            %lt3A_867 = arith.cmpi slt, %broadcast_in_dim3A_864, %lt3A_866 : vector<16xi32>
            %add3A_868 = arith.constant 16 : i32
            %add3A_869 = vector.broadcast %add3A_868 : i32 to vector<16xi32>
            %add3A_870 = arith.addi %broadcast_in_dim3A_864, %add3A_869 : vector<16xi32>
            %select_n3A_871 = arith.select %lt3A_867, %add3A_870, %broadcast_in_dim3A_864 : vector<16xi1>, vector<16xi32>
            %reshape3A_872 = vector.shape_cast %select_n3A_871 : vector<16xi32> to vector<16x1xi32>
            %gather3A_873 = vector.shape_cast %reshape3A_872 : vector<16x1xi32> to vector<16xi32>
            %gather3A_874 = tpu.dynamic_gather %select_n3A_214[%gather3A_873] in [0] : vector<16xf32>, vector<16xi32> -> vector<16xf32>
            %gt3A_875 = arith.cmpf ogt, %gather3A_850, %get3A_161 : vector<16xf32>
            %eq3A_876 = arith.cmpf oeq, %gather3A_850, %get3A_161 : vector<16xf32>
            %le3A_877 = arith.cmpi sle, %gather3A_862, %get3A_163 : vector<16xi32>
            %and3A_878 = arith.andi %eq3A_876, %le3A_877 : vector<16xi1>
            %or3A_879 = arith.ori %gt3A_875, %and3A_878 : vector<16xi1>
            %jit3A_880 = arith.constant 0.000000e+00 : f32
            %broadcast_in_dim3A_881 = vector.broadcast %jit3A_880 : f32 to vector<16xf32>
            %select_n3A_882 = arith.select %or3A_879, %gather3A_874, %broadcast_in_dim3A_881 : vector<16xi1>, vector<16xf32>
            %add3A_883 = arith.addf %add3A_838, %select_n3A_882 : vector<16xf32>
            %broadcast_in_dim3A_884 = arith.constant 15 : i32
            %broadcast_in_dim3A_885 = vector.broadcast %broadcast_in_dim3A_884 : i32 to vector<16xi32>
            %lt3A_886 = arith.constant 0 : i32
            %lt3A_887 = vector.broadcast %lt3A_886 : i32 to vector<16xi32>
            %lt3A_888 = arith.cmpi slt, %broadcast_in_dim3A_885, %lt3A_887 : vector<16xi32>
            %add3A_889 = arith.constant 16 : i32
            %add3A_890 = vector.broadcast %add3A_889 : i32 to vector<16xi32>
            %add3A_891 = arith.addi %broadcast_in_dim3A_885, %add3A_890 : vector<16xi32>
            %select_n3A_892 = arith.select %lt3A_888, %add3A_891, %broadcast_in_dim3A_885 : vector<16xi1>, vector<16xi32>
            %reshape3A_893 = vector.shape_cast %select_n3A_892 : vector<16xi32> to vector<16x1xi32>
            %gather3A_894 = vector.shape_cast %reshape3A_893 : vector<16x1xi32> to vector<16xi32>
            %gather3A_895 = tpu.dynamic_gather %get3A_201[%gather3A_894] in [0] : vector<16xf32>, vector<16xi32> -> vector<16xf32>
            %broadcast_in_dim3A_896 = arith.constant 15 : i32
            %broadcast_in_dim3A_897 = vector.broadcast %broadcast_in_dim3A_896 : i32 to vector<16xi32>
            %lt3A_898 = arith.constant 0 : i32
            %lt3A_899 = vector.broadcast %lt3A_898 : i32 to vector<16xi32>
            %lt3A_900 = arith.cmpi slt, %broadcast_in_dim3A_897, %lt3A_899 : vector<16xi32>
            %add3A_901 = arith.constant 16 : i32
            %add3A_902 = vector.broadcast %add3A_901 : i32 to vector<16xi32>
            %add3A_903 = arith.addi %broadcast_in_dim3A_897, %add3A_902 : vector<16xi32>
            %select_n3A_904 = arith.select %lt3A_900, %add3A_903, %broadcast_in_dim3A_897 : vector<16xi1>, vector<16xi32>
            %reshape3A_905 = vector.shape_cast %select_n3A_904 : vector<16xi32> to vector<16x1xi32>
            %gather3A_906 = vector.shape_cast %reshape3A_905 : vector<16x1xi32> to vector<16xi32>
            %gather3A_907 = tpu.dynamic_gather %get3A_203[%gather3A_906] in [0] : vector<16xi32>, vector<16xi32> -> vector<16xi32>
            %broadcast_in_dim3A_908 = arith.constant 15 : i32
            %broadcast_in_dim3A_909 = vector.broadcast %broadcast_in_dim3A_908 : i32 to vector<16xi32>
            %lt3A_910 = arith.constant 0 : i32
            %lt3A_911 = vector.broadcast %lt3A_910 : i32 to vector<16xi32>
            %lt3A_912 = arith.cmpi slt, %broadcast_in_dim3A_909, %lt3A_911 : vector<16xi32>
            %add3A_913 = arith.constant 16 : i32
            %add3A_914 = vector.broadcast %add3A_913 : i32 to vector<16xi32>
            %add3A_915 = arith.addi %broadcast_in_dim3A_909, %add3A_914 : vector<16xi32>
            %select_n3A_916 = arith.select %lt3A_912, %add3A_915, %broadcast_in_dim3A_909 : vector<16xi1>, vector<16xi32>
            %reshape3A_917 = vector.shape_cast %select_n3A_916 : vector<16xi32> to vector<16x1xi32>
            %gather3A_918 = vector.shape_cast %reshape3A_917 : vector<16x1xi32> to vector<16xi32>
            %gather3A_919 = tpu.dynamic_gather %select_n3A_214[%gather3A_918] in [0] : vector<16xf32>, vector<16xi32> -> vector<16xf32>
            %gt3A_920 = arith.cmpf ogt, %gather3A_895, %get3A_161 : vector<16xf32>
            %eq3A_921 = arith.cmpf oeq, %gather3A_895, %get3A_161 : vector<16xf32>
            %le3A_922 = arith.cmpi sle, %gather3A_907, %get3A_163 : vector<16xi32>
            %and3A_923 = arith.andi %eq3A_921, %le3A_922 : vector<16xi1>
            %or3A_924 = arith.ori %gt3A_920, %and3A_923 : vector<16xi1>
            %jit3A_925 = arith.constant 0.000000e+00 : f32
            %broadcast_in_dim3A_926 = vector.broadcast %jit3A_925 : f32 to vector<16xf32>
            %select_n3A_927 = arith.select %or3A_924, %gather3A_919, %broadcast_in_dim3A_926 : vector<16xi1>, vector<16xf32>
            %add3A_928 = arith.addf %add3A_883, %select_n3A_927 : vector<16xf32>
            scf.yield %add3A_928 : vector<16xf32>
          }
          %get3A_183 = arith.index_cast %add3A_159 : i32 to index
          %get3A_184 = tpu.vector_load %arg11[%get3A_183] {strides = array<i32>} : memref<16640xf32, #tpu.memory_space<vmem>>, vector<16xf32>,
          %get3A_185 = arith.index_cast %add3A_159 : i32 to index
          %get3A_186 = tpu.vector_load %arg12[%get3A_185] {strides = array<i32>} : memref<16640xi32, #tpu.memory_space<vmem>>, vector<16xi32>,
          %add3A_187 = vector.broadcast %sub3A_139 : f32 to vector<16xf32>
          %add3A_188 = arith.addf %add3A_187, %while3A_182 : vector<16xf32>
          %select_n3A_189 = arith.select %and3A_169, %add3A_188, %get3A_184 : vector<16xi1>, vector<16xf32>
          %swap3A = arith.index_cast %add3A_159 : i32 to index
          %swap3A_190 = tpu.vector_load %arg11[%swap3A] {strides = array<i32>} : memref<16640xf32, #tpu.memory_space<vmem>>, vector<16xf32>,
          tpu.vector_store %arg11[%swap3A], %select_n3A_189 {strides = array<i32>} : memref<16640xf32, #tpu.memory_space<vmem>>, vector<16xf32>,
          %select_n3A_191 = arith.select %and3A_169, %get3A_163, %get3A_186 : vector<16xi1>, vector<16xi32>
          %swap3A_192 = arith.index_cast %add3A_159 : i32 to index
          %swap3A_193 = tpu.vector_load %arg12[%swap3A_192] {strides = array<i32>} : memref<16640xi32, #tpu.memory_space<vmem>>, vector<16xi32>,
          tpu.vector_store %arg12[%swap3A_192], %select_n3A_191 {strides = array<i32>} : memref<16640xi32, #tpu.memory_space<vmem>>, vector<16xi32>,
          %while3A_194 = arith.constant 0 : i32
          scf.yield %while3A_194 : i32
        }
        %while3A_150 = arith.constant 1 : i32
        %while3A_151 = scf.for %while3A_155 = %while3A_147 to %while3A_143 step %while3A_150 iter_args(%while3A_156 = %while3A_149) -> (i32)  : i32 {
          %mul3A_157 = arith.constant 16 : i32
          %mul3A_158 = arith.muli %while3A_155, %mul3A_157 : i32
          %add3A_159 = arith.addi %and3A_90, %mul3A_158 : i32
          %get3A_160 = arith.index_cast %add3A_159 : i32 to index
          %get3A_161 = tpu.vector_load %arg8[%get3A_160] {strides = array<i32>} : memref<16512xf32, #tpu.memory_space<vmem>>, vector<16xf32>,
          %get3A_162 = arith.index_cast %add3A_159 : i32 to index
          %get3A_163 = tpu.vector_load %arg10[%get3A_162] {strides = array<i32>} : memref<16512xi32, #tpu.memory_space<vmem>>, vector<16xi32>,
          %add3A_164 = vector.broadcast %add3A_159 : i32 to vector<16xi32>
          %add3A_165 = arith.addi %add3A_164, %iota3A : vector<16xi32>
          %ge3A = vector.broadcast %sub3A : i32 to vector<16xi32>
          %ge3A_166 = arith.cmpi sge, %add3A_165, %ge3A : vector<16xi32>
          %add3A_167 = arith.addi %sub3A, %min3A : i32
          %lt3A = vector.broadcast %add3A_167 : i32 to vector<16xi32>
          %lt3A_168 = arith.cmpi slt, %add3A_165, %lt3A : vector<16xi32>
          %and3A_169 = arith.andi %ge3A_166, %lt3A_168 : vector<16xi1>
          %broadcast_in_dim3A_170 = arith.constant 0.000000e+00 : f32
          %broadcast_in_dim3A_171 = vector.broadcast %broadcast_in_dim3A_170 : f32 to vector<16xf32>
          %while3A_172 = arith.constant 0 : i32
          %while3A_173 = arith.subi %select_n3A, %while3A_172 : i32
          %while3A_174 = arith.addi %while3A_172, %while3A_173 : i32
          %while3A_175 = arith.constant 1 : i32
          %while3A_176 = arith.divsi %while3A_173, %while3A_175 : i32
          %while3A_177 = arith.muli %while3A_176, %while3A_175 : i32
          %while3A_178 = arith.addi %while3A_172, %while3A_177 : i32
          %while3A_179 = arith.constant 1 : i32
          %while3A_180 = scf.for %while3A_195 = %while3A_172 to %while3A_178 step %while3A_179 iter_args(%while3A_196 = %broadcast_in_dim3A_171) -> (vector<16xf32>)  : i32 {
            %mul3A_197 = arith.constant 16 : i32
            %mul3A_198 = arith.muli %while3A_195, %mul3A_197 : i32
            %add3A_199 = arith.addi %sub3A, %mul3A_198 : i32
            %get3A_200 = arith.index_cast %add3A_199 : i32 to index
            %get3A_201 = tpu.vector_load %arg8[%get3A_200] {strides = array<i32>} : memref<16512xf32, #tpu.memory_space<vmem>>, vector<16xf32>,
            %get3A_202 = arith.index_cast %add3A_199 : i32 to index
            %get3A_203 = tpu.vector_load %arg10[%get3A_202] {strides = array<i32>} : memref<16512xi32, #tpu.memory_space<vmem>>, vector<16xi32>,
            %get3A_204 = arith.index_cast %add3A_199 : i32 to index
            %get3A_205 = tpu.vector_load %arg9[%get3A_204] {strides = array<i32>} : memref<16512xf32, #tpu.memory_space<vmem>>, vector<16xf32>,
            %mul3A_206 = arith.constant 16 : i32
            %mul3A_207 = arith.muli %while3A_195, %mul3A_206 : i32
            %add3A_208 = vector.broadcast %mul3A_207 : i32 to vector<16xi32>
            %add3A_209 = arith.addi %add3A_208, %iota3A : vector<16xi32>
            %lt3A_210 = vector.broadcast %min3A : i32 to vector<16xi32>
            %lt3A_211 = arith.cmpi slt, %add3A_209, %lt3A_210 : vector<16xi32>
            %jit3A_212 = arith.constant 0.000000e+00 : f32
            %broadcast_in_dim3A_213 = vector.broadcast %jit3A_212 : f32 to vector<16xf32>
            %select_n3A_214 = arith.select %lt3A_211, %get3A_205, %broadcast_in_dim3A_213 : vector<16xi1>, vector<16xf32>
            %broadcast_in_dim3A_215 = arith.constant 0 : i32
            %broadcast_in_dim3A_216 = vector.broadcast %broadcast_in_dim3A_215 : i32 to vector<16xi32>
            %lt3A_217 = arith.constant 0 : i32
            %lt3A_218 = vector.broadcast %lt3A_217 : i32 to vector<16xi32>
            %lt3A_219 = arith.cmpi slt, %broadcast_in_dim3A_216, %lt3A_218 : vector<16xi32>
            %add3A_220 = arith.constant 16 : i32
            %add3A_221 = vector.broadcast %add3A_220 : i32 to vector<16xi32>
            %add3A_222 = arith.addi %broadcast_in_dim3A_216, %add3A_221 : vector<16xi32>
            %select_n3A_223 = arith.select %lt3A_219, %add3A_222, %broadcast_in_dim3A_216 : vector<16xi1>, vector<16xi32>
            %reshape3A = vector.shape_cast %select_n3A_223 : vector<16xi32> to vector<16x1xi32>
            %gather3A = vector.shape_cast %reshape3A : vector<16x1xi32> to vector<16xi32>
            %gather3A_224 = tpu.dynamic_gather %get3A_201[%gather3A] in [0] : vector<16xf32>, vector<16xi32> -> vector<16xf32>
            %broadcast_in_dim3A_225 = arith.constant 0 : i32
            %broadcast_in_dim3A_226 = vector.broadcast %broadcast_in_dim3A_225 : i32 to vector<16xi32>
            %lt3A_227 = arith.constant 0 : i32
            %lt3A_228 = vector.broadcast %lt3A_227 : i32 to vector<16xi32>
            %lt3A_229 = arith.cmpi slt, %broadcast_in_dim3A_226, %lt3A_228 : vector<16xi32>
            %add3A_230 = arith.constant 16 : i32
            %add3A_231 = vector.broadcast %add3A_230 : i32 to vector<16xi32>
            %add3A_232 = arith.addi %broadcast_in_dim3A_226, %add3A_231 : vector<16xi32>
            %select_n3A_233 = arith.select %lt3A_229, %add3A_232, %broadcast_in_dim3A_226 : vector<16xi1>, vector<16xi32>
            %reshape3A_234 = vector.shape_cast %select_n3A_233 : vector<16xi32> to vector<16x1xi32>
            %gather3A_235 = vector.shape_cast %reshape3A_234 : vector<16x1xi32> to vector<16xi32>
            %gather3A_236 = tpu.dynamic_gather %get3A_203[%gather3A_235] in [0] : vector<16xi32>, vector<16xi32> -> vector<16xi32>
            %broadcast_in_dim3A_237 = arith.constant 0 : i32
            %broadcast_in_dim3A_238 = vector.broadcast %broadcast_in_dim3A_237 : i32 to vector<16xi32>
            %lt3A_239 = arith.constant 0 : i32
            %lt3A_240 = vector.broadcast %lt3A_239 : i32 to vector<16xi32>
            %lt3A_241 = arith.cmpi slt, %broadcast_in_dim3A_238, %lt3A_240 : vector<16xi32>
            %add3A_242 = arith.constant 16 : i32
            %add3A_243 = vector.broadcast %add3A_242 : i32 to vector<16xi32>
            %add3A_244 = arith.addi %broadcast_in_dim3A_238, %add3A_243 : vector<16xi32>
            %select_n3A_245 = arith.select %lt3A_241, %add3A_244, %broadcast_in_dim3A_238 : vector<16xi1>, vector<16xi32>
            %reshape3A_246 = vector.shape_cast %select_n3A_245 : vector<16xi32> to vector<16x1xi32>
            %gather3A_247 = vector.shape_cast %reshape3A_246 : vector<16x1xi32> to vector<16xi32>
            %gather3A_248 = tpu.dynamic_gather %select_n3A_214[%gather3A_247] in [0] : vector<16xf32>, vector<16xi32> -> vector<16xf32>
            %gt3A = arith.cmpf ogt, %gather3A_224, %get3A_161 : vector<16xf32>
            %eq3A = arith.cmpf oeq, %gather3A_224, %get3A_161 : vector<16xf32>
            %le3A = arith.cmpi sle, %gather3A_236, %get3A_163 : vector<16xi32>
            %and3A_249 = arith.andi %eq3A, %le3A : vector<16xi1>
            %or3A = arith.ori %gt3A, %and3A_249 : vector<16xi1>
            %jit3A_250 = arith.constant 0.000000e+00 : f32
            %broadcast_in_dim3A_251 = vector.broadcast %jit3A_250 : f32 to vector<16xf32>
            %select_n3A_252 = arith.select %or3A, %gather3A_248, %broadcast_in_dim3A_251 : vector<16xi1>, vector<16xf32>
            %add3A_253 = arith.addf %while3A_196, %select_n3A_252 : vector<16xf32>
            %broadcast_in_dim3A_254 = arith.constant 1 : i32
            %broadcast_in_dim3A_255 = vector.broadcast %broadcast_in_dim3A_254 : i32 to vector<16xi32>
            %lt3A_256 = arith.constant 0 : i32
            %lt3A_257 = vector.broadcast %lt3A_256 : i32 to vector<16xi32>
            %lt3A_258 = arith.cmpi slt, %broadcast_in_dim3A_255, %lt3A_257 : vector<16xi32>
            %add3A_259 = arith.constant 16 : i32
            %add3A_260 = vector.broadcast %add3A_259 : i32 to vector<16xi32>
            %add3A_261 = arith.addi %broadcast_in_dim3A_255, %add3A_260 : vector<16xi32>
            %select_n3A_262 = arith.select %lt3A_258, %add3A_261, %broadcast_in_dim3A_255 : vector<16xi1>, vector<16xi32>
            %reshape3A_263 = vector.shape_cast %select_n3A_262 : vector<16xi32> to vector<16x1xi32>
            %gather3A_264 = vector.shape_cast %reshape3A_263 : vector<16x1xi32> to vector<16xi32>
            %gather3A_265 = tpu.dynamic_gather %get3A_201[%gather3A_264] in [0] : vector<16xf32>, vector<16xi32> -> vector<16xf32>
            %broadcast_in_dim3A_266 = arith.constant 1 : i32
            %broadcast_in_dim3A_267 = vector.broadcast %broadcast_in_dim3A_266 : i32 to vector<16xi32>
            %lt3A_268 = arith.constant 0 : i32
            %lt3A_269 = vector.broadcast %lt3A_268 : i32 to vector<16xi32>
            %lt3A_270 = arith.cmpi slt, %broadcast_in_dim3A_267, %lt3A_269 : vector<16xi32>
            %add3A_271 = arith.constant 16 : i32
            %add3A_272 = vector.broadcast %add3A_271 : i32 to vector<16xi32>
            %add3A_273 = arith.addi %broadcast_in_dim3A_267, %add3A_272 : vector<16xi32>
            %select_n3A_274 = arith.select %lt3A_270, %add3A_273, %broadcast_in_dim3A_267 : vector<16xi1>, vector<16xi32>
            %reshape3A_275 = vector.shape_cast %select_n3A_274 : vector<16xi32> to vector<16x1xi32>
            %gather3A_276 = vector.shape_cast %reshape3A_275 : vector<16x1xi32> to vector<16xi32>
            %gather3A_277 = tpu.dynamic_gather %get3A_203[%gather3A_276] in [0] : vector<16xi32>, vector<16xi32> -> vector<16xi32>
            %broadcast_in_dim3A_278 = arith.constant 1 : i32
            %broadcast_in_dim3A_279 = vector.broadcast %broadcast_in_dim3A_278 : i32 to vector<16xi32>
            %lt3A_280 = arith.constant 0 : i32
            %lt3A_281 = vector.broadcast %lt3A_280 : i32 to vector<16xi32>
            %lt3A_282 = arith.cmpi slt, %broadcast_in_dim3A_279, %lt3A_281 : vector<16xi32>
            %add3A_283 = arith.constant 16 : i32
            %add3A_284 = vector.broadcast %add3A_283 : i32 to vector<16xi32>
            %add3A_285 = arith.addi %broadcast_in_dim3A_279, %add3A_284 : vector<16xi32>
            %select_n3A_286 = arith.select %lt3A_282, %add3A_285, %broadcast_in_dim3A_279 : vector<16xi1>, vector<16xi32>
            %reshape3A_287 = vector.shape_cast %select_n3A_286 : vector<16xi32> to vector<16x1xi32>
            %gather3A_288 = vector.shape_cast %reshape3A_287 : vector<16x1xi32> to vector<16xi32>
            %gather3A_289 = tpu.dynamic_gather %select_n3A_214[%gather3A_288] in [0] : vector<16xf32>, vector<16xi32> -> vector<16xf32>
            %gt3A_290 = arith.cmpf ogt, %gather3A_265, %get3A_161 : vector<16xf32>
            %eq3A_291 = arith.cmpf oeq, %gather3A_265, %get3A_161 : vector<16xf32>
            %le3A_292 = arith.cmpi sle, %gather3A_277, %get3A_163 : vector<16xi32>
            %and3A_293 = arith.andi %eq3A_291, %le3A_292 : vector<16xi1>
            %or3A_294 = arith.ori %gt3A_290, %and3A_293 : vector<16xi1>
            %jit3A_295 = arith.constant 0.000000e+00 : f32
            %broadcast_in_dim3A_296 = vector.broadcast %jit3A_295 : f32 to vector<16xf32>
            %select_n3A_297 = arith.select %or3A_294, %gather3A_289, %broadcast_in_dim3A_296 : vector<16xi1>, vector<16xf32>
            %add3A_298 = arith.addf %add3A_253, %select_n3A_297 : vector<16xf32>
            %broadcast_in_dim3A_299 = arith.constant 2 : i32
            %broadcast_in_dim3A_300 = vector.broadcast %broadcast_in_dim3A_299 : i32 to vector<16xi32>
            %lt3A_301 = arith.constant 0 : i32
            %lt3A_302 = vector.broadcast %lt3A_301 : i32 to vector<16xi32>
            %lt3A_303 = arith.cmpi slt, %broadcast_in_dim3A_300, %lt3A_302 : vector<16xi32>
            %add3A_304 = arith.constant 16 : i32
            %add3A_305 = vector.broadcast %add3A_304 : i32 to vector<16xi32>
            %add3A_306 = arith.addi %broadcast_in_dim3A_300, %add3A_305 : vector<16xi32>
            %select_n3A_307 = arith.select %lt3A_303, %add3A_306, %broadcast_in_dim3A_300 : vector<16xi1>, vector<16xi32>
            %reshape3A_308 = vector.shape_cast %select_n3A_307 : vector<16xi32> to vector<16x1xi32>
            %gather3A_309 = vector.shape_cast %reshape3A_308 : vector<16x1xi32> to vector<16xi32>
            %gather3A_310 = tpu.dynamic_gather %get3A_201[%gather3A_309] in [0] : vector<16xf32>, vector<16xi32> -> vector<16xf32>
            %broadcast_in_dim3A_311 = arith.constant 2 : i32
            %broadcast_in_dim3A_312 = vector.broadcast %broadcast_in_dim3A_311 : i32 to vector<16xi32>
            %lt3A_313 = arith.constant 0 : i32
            %lt3A_314 = vector.broadcast %lt3A_313 : i32 to vector<16xi32>
            %lt3A_315 = arith.cmpi slt, %broadcast_in_dim3A_312, %lt3A_314 : vector<16xi32>
            %add3A_316 = arith.constant 16 : i32
            %add3A_317 = vector.broadcast %add3A_316 : i32 to vector<16xi32>
            %add3A_318 = arith.addi %broadcast_in_dim3A_312, %add3A_317 : vector<16xi32>
            %select_n3A_319 = arith.select %lt3A_315, %add3A_318, %broadcast_in_dim3A_312 : vector<16xi1>, vector<16xi32>
            %reshape3A_320 = vector.shape_cast %select_n3A_319 : vector<16xi32> to vector<16x1xi32>
            %gather3A_321 = vector.shape_cast %reshape3A_320 : vector<16x1xi32> to vector<16xi32>
            %gather3A_322 = tpu.dynamic_gather %get3A_203[%gather3A_321] in [0] : vector<16xi32>, vector<16xi32> -> vector<16xi32>
            %broadcast_in_dim3A_323 = arith.constant 2 : i32
            %broadcast_in_dim3A_324 = vector.broadcast %broadcast_in_dim3A_323 : i32 to vector<16xi32>
            %lt3A_325 = arith.constant 0 : i32
            %lt3A_326 = vector.broadcast %lt3A_325 : i32 to vector<16xi32>
            %lt3A_327 = arith.cmpi slt, %broadcast_in_dim3A_324, %lt3A_326 : vector<16xi32>
            %add3A_328 = arith.constant 16 : i32
            %add3A_329 = vector.broadcast %add3A_328 : i32 to vector<16xi32>
            %add3A_330 = arith.addi %broadcast_in_dim3A_324, %add3A_329 : vector<16xi32>
            %select_n3A_331 = arith.select %lt3A_327, %add3A_330, %broadcast_in_dim3A_324 : vector<16xi1>, vector<16xi32>
            %reshape3A_332 = vector.shape_cast %select_n3A_331 : vector<16xi32> to vector<16x1xi32>
            %gather3A_333 = vector.shape_cast %reshape3A_332 : vector<16x1xi32> to vector<16xi32>
            %gather3A_334 = tpu.dynamic_gather %select_n3A_214[%gather3A_333] in [0] : vector<16xf32>, vector<16xi32> -> vector<16xf32>
            %gt3A_335 = arith.cmpf ogt, %gather3A_310, %get3A_161 : vector<16xf32>
            %eq3A_336 = arith.cmpf oeq, %gather3A_310, %get3A_161 : vector<16xf32>
            %le3A_337 = arith.cmpi sle, %gather3A_322, %get3A_163 : vector<16xi32>
            %and3A_338 = arith.andi %eq3A_336, %le3A_337 : vector<16xi1>
            %or3A_339 = arith.ori %gt3A_335, %and3A_338 : vector<16xi1>
            %jit3A_340 = arith.constant 0.000000e+00 : f32
            %broadcast_in_dim3A_341 = vector.broadcast %jit3A_340 : f32 to vector<16xf32>
            %select_n3A_342 = arith.select %or3A_339, %gather3A_334, %broadcast_in_dim3A_341 : vector<16xi1>, vector<16xf32>
            %add3A_343 = arith.addf %add3A_298, %select_n3A_342 : vector<16xf32>
            %broadcast_in_dim3A_344 = arith.constant 3 : i32
            %broadcast_in_dim3A_345 = vector.broadcast %broadcast_in_dim3A_344 : i32 to vector<16xi32>
            %lt3A_346 = arith.constant 0 : i32
            %lt3A_347 = vector.broadcast %lt3A_346 : i32 to vector<16xi32>
            %lt3A_348 = arith.cmpi slt, %broadcast_in_dim3A_345, %lt3A_347 : vector<16xi32>
            %add3A_349 = arith.constant 16 : i32
            %add3A_350 = vector.broadcast %add3A_349 : i32 to vector<16xi32>
            %add3A_351 = arith.addi %broadcast_in_dim3A_345, %add3A_350 : vector<16xi32>
            %select_n3A_352 = arith.select %lt3A_348, %add3A_351, %broadcast_in_dim3A_345 : vector<16xi1>, vector<16xi32>
            %reshape3A_353 = vector.shape_cast %select_n3A_352 : vector<16xi32> to vector<16x1xi32>
            %gather3A_354 = vector.shape_cast %reshape3A_353 : vector<16x1xi32> to vector<16xi32>
            %gather3A_355 = tpu.dynamic_gather %get3A_201[%gather3A_354] in [0] : vector<16xf32>, vector<16xi32> -> vector<16xf32>
            %broadcast_in_dim3A_356 = arith.constant 3 : i32
            %broadcast_in_dim3A_357 = vector.broadcast %broadcast_in_dim3A_356 : i32 to vector<16xi32>
            %lt3A_358 = arith.constant 0 : i32
            %lt3A_359 = vector.broadcast %lt3A_358 : i32 to vector<16xi32>
            %lt3A_360 = arith.cmpi slt, %broadcast_in_dim3A_357, %lt3A_359 : vector<16xi32>
            %add3A_361 = arith.constant 16 : i32
            %add3A_362 = vector.broadcast %add3A_361 : i32 to vector<16xi32>
            %add3A_363 = arith.addi %broadcast_in_dim3A_357, %add3A_362 : vector<16xi32>
            %select_n3A_364 = arith.select %lt3A_360, %add3A_363, %broadcast_in_dim3A_357 : vector<16xi1>, vector<16xi32>
            %reshape3A_365 = vector.shape_cast %select_n3A_364 : vector<16xi32> to vector<16x1xi32>
            %gather3A_366 = vector.shape_cast %reshape3A_365 : vector<16x1xi32> to vector<16xi32>
            %gather3A_367 = tpu.dynamic_gather %get3A_203[%gather3A_366] in [0] : vector<16xi32>, vector<16xi32> -> vector<16xi32>
            %broadcast_in_dim3A_368 = arith.constant 3 : i32
            %broadcast_in_dim3A_369 = vector.broadcast %broadcast_in_dim3A_368 : i32 to vector<16xi32>
            %lt3A_370 = arith.constant 0 : i32
            %lt3A_371 = vector.broadcast %lt3A_370 : i32 to vector<16xi32>
            %lt3A_372 = arith.cmpi slt, %broadcast_in_dim3A_369, %lt3A_371 : vector<16xi32>
            %add3A_373 = arith.constant 16 : i32
            %add3A_374 = vector.broadcast %add3A_373 : i32 to vector<16xi32>
            %add3A_375 = arith.addi %broadcast_in_dim3A_369, %add3A_374 : vector<16xi32>
            %select_n3A_376 = arith.select %lt3A_372, %add3A_375, %broadcast_in_dim3A_369 : vector<16xi1>, vector<16xi32>
            %reshape3A_377 = vector.shape_cast %select_n3A_376 : vector<16xi32> to vector<16x1xi32>
            %gather3A_378 = vector.shape_cast %reshape3A_377 : vector<16x1xi32> to vector<16xi32>
            %gather3A_379 = tpu.dynamic_gather %select_n3A_214[%gather3A_378] in [0] : vector<16xf32>, vector<16xi32> -> vector<16xf32>
            %gt3A_380 = arith.cmpf ogt, %gather3A_355, %get3A_161 : vector<16xf32>
            %eq3A_381 = arith.cmpf oeq, %gather3A_355, %get3A_161 : vector<16xf32>
            %le3A_382 = arith.cmpi sle, %gather3A_367, %get3A_163 : vector<16xi32>
            %and3A_383 = arith.andi %eq3A_381, %le3A_382 : vector<16xi1>
            %or3A_384 = arith.ori %gt3A_380, %and3A_383 : vector<16xi1>
            %jit3A_385 = arith.constant 0.000000e+00 : f32
            %broadcast_in_dim3A_386 = vector.broadcast %jit3A_385 : f32 to vector<16xf32>
            %select_n3A_387 = arith.select %or3A_384, %gather3A_379, %broadcast_in_dim3A_386 : vector<16xi1>, vector<16xf32>
            %add3A_388 = arith.addf %add3A_343, %select_n3A_387 : vector<16xf32>
            %broadcast_in_dim3A_389 = arith.constant 4 : i32
            %broadcast_in_dim3A_390 = vector.broadcast %broadcast_in_dim3A_389 : i32 to vector<16xi32>
            %lt3A_391 = arith.constant 0 : i32
            %lt3A_392 = vector.broadcast %lt3A_391 : i32 to vector<16xi32>
            %lt3A_393 = arith.cmpi slt, %broadcast_in_dim3A_390, %lt3A_392 : vector<16xi32>
            %add3A_394 = arith.constant 16 : i32
            %add3A_395 = vector.broadcast %add3A_394 : i32 to vector<16xi32>
            %add3A_396 = arith.addi %broadcast_in_dim3A_390, %add3A_395 : vector<16xi32>
            %select_n3A_397 = arith.select %lt3A_393, %add3A_396, %broadcast_in_dim3A_390 : vector<16xi1>, vector<16xi32>
            %reshape3A_398 = vector.shape_cast %select_n3A_397 : vector<16xi32> to vector<16x1xi32>
            %gather3A_399 = vector.shape_cast %reshape3A_398 : vector<16x1xi32> to vector<16xi32>
            %gather3A_400 = tpu.dynamic_gather %get3A_201[%gather3A_399] in [0] : vector<16xf32>, vector<16xi32> -> vector<16xf32>
            %broadcast_in_dim3A_401 = arith.constant 4 : i32
            %broadcast_in_dim3A_402 = vector.broadcast %broadcast_in_dim3A_401 : i32 to vector<16xi32>
            %lt3A_403 = arith.constant 0 : i32
            %lt3A_404 = vector.broadcast %lt3A_403 : i32 to vector<16xi32>
            %lt3A_405 = arith.cmpi slt, %broadcast_in_dim3A_402, %lt3A_404 : vector<16xi32>
            %add3A_406 = arith.constant 16 : i32
            %add3A_407 = vector.broadcast %add3A_406 : i32 to vector<16xi32>
            %add3A_408 = arith.addi %broadcast_in_dim3A_402, %add3A_407 : vector<16xi32>
            %select_n3A_409 = arith.select %lt3A_405, %add3A_408, %broadcast_in_dim3A_402 : vector<16xi1>, vector<16xi32>
            %reshape3A_410 = vector.shape_cast %select_n3A_409 : vector<16xi32> to vector<16x1xi32>
            %gather3A_411 = vector.shape_cast %reshape3A_410 : vector<16x1xi32> to vector<16xi32>
            %gather3A_412 = tpu.dynamic_gather %get3A_203[%gather3A_411] in [0] : vector<16xi32>, vector<16xi32> -> vector<16xi32>
            %broadcast_in_dim3A_413 = arith.constant 4 : i32
            %broadcast_in_dim3A_414 = vector.broadcast %broadcast_in_dim3A_413 : i32 to vector<16xi32>
            %lt3A_415 = arith.constant 0 : i32
            %lt3A_416 = vector.broadcast %lt3A_415 : i32 to vector<16xi32>
            %lt3A_417 = arith.cmpi slt, %broadcast_in_dim3A_414, %lt3A_416 : vector<16xi32>
            %add3A_418 = arith.constant 16 : i32
            %add3A_419 = vector.broadcast %add3A_418 : i32 to vector<16xi32>
            %add3A_420 = arith.addi %broadcast_in_dim3A_414, %add3A_419 : vector<16xi32>
            %select_n3A_421 = arith.select %lt3A_417, %add3A_420, %broadcast_in_dim3A_414 : vector<16xi1>, vector<16xi32>
            %reshape3A_422 = vector.shape_cast %select_n3A_421 : vector<16xi32> to vector<16x1xi32>
            %gather3A_423 = vector.shape_cast %reshape3A_422 : vector<16x1xi32> to vector<16xi32>
            %gather3A_424 = tpu.dynamic_gather %select_n3A_214[%gather3A_423] in [0] : vector<16xf32>, vector<16xi32> -> vector<16xf32>
            %gt3A_425 = arith.cmpf ogt, %gather3A_400, %get3A_161 : vector<16xf32>
            %eq3A_426 = arith.cmpf oeq, %gather3A_400, %get3A_161 : vector<16xf32>
            %le3A_427 = arith.cmpi sle, %gather3A_412, %get3A_163 : vector<16xi32>
            %and3A_428 = arith.andi %eq3A_426, %le3A_427 : vector<16xi1>
            %or3A_429 = arith.ori %gt3A_425, %and3A_428 : vector<16xi1>
            %jit3A_430 = arith.constant 0.000000e+00 : f32
            %broadcast_in_dim3A_431 = vector.broadcast %jit3A_430 : f32 to vector<16xf32>
            %select_n3A_432 = arith.select %or3A_429, %gather3A_424, %broadcast_in_dim3A_431 : vector<16xi1>, vector<16xf32>
            %add3A_433 = arith.addf %add3A_388, %select_n3A_432 : vector<16xf32>
            %broadcast_in_dim3A_434 = arith.constant 5 : i32
            %broadcast_in_dim3A_435 = vector.broadcast %broadcast_in_dim3A_434 : i32 to vector<16xi32>
            %lt3A_436 = arith.constant 0 : i32
            %lt3A_437 = vector.broadcast %lt3A_436 : i32 to vector<16xi32>
            %lt3A_438 = arith.cmpi slt, %broadcast_in_dim3A_435, %lt3A_437 : vector<16xi32>
            %add3A_439 = arith.constant 16 : i32
            %add3A_440 = vector.broadcast %add3A_439 : i32 to vector<16xi32>
            %add3A_441 = arith.addi %broadcast_in_dim3A_435, %add3A_440 : vector<16xi32>
            %select_n3A_442 = arith.select %lt3A_438, %add3A_441, %broadcast_in_dim3A_435 : vector<16xi1>, vector<16xi32>
            %reshape3A_443 = vector.shape_cast %select_n3A_442 : vector<16xi32> to vector<16x1xi32>
            %gather3A_444 = vector.shape_cast %reshape3A_443 : vector<16x1xi32> to vector<16xi32>
            %gather3A_445 = tpu.dynamic_gather %get3A_201[%gather3A_444] in [0] : vector<16xf32>, vector<16xi32> -> vector<16xf32>
            %broadcast_in_dim3A_446 = arith.constant 5 : i32
            %broadcast_in_dim3A_447 = vector.broadcast %broadcast_in_dim3A_446 : i32 to vector<16xi32>
            %lt3A_448 = arith.constant 0 : i32
            %lt3A_449 = vector.broadcast %lt3A_448 : i32 to vector<16xi32>
            %lt3A_450 = arith.cmpi slt, %broadcast_in_dim3A_447, %lt3A_449 : vector<16xi32>
            %add3A_451 = arith.constant 16 : i32
            %add3A_452 = vector.broadcast %add3A_451 : i32 to vector<16xi32>
            %add3A_453 = arith.addi %broadcast_in_dim3A_447, %add3A_452 : vector<16xi32>
            %select_n3A_454 = arith.select %lt3A_450, %add3A_453, %broadcast_in_dim3A_447 : vector<16xi1>, vector<16xi32>
            %reshape3A_455 = vector.shape_cast %select_n3A_454 : vector<16xi32> to vector<16x1xi32>
            %gather3A_456 = vector.shape_cast %reshape3A_455 : vector<16x1xi32> to vector<16xi32>
            %gather3A_457 = tpu.dynamic_gather %get3A_203[%gather3A_456] in [0] : vector<16xi32>, vector<16xi32> -> vector<16xi32>
            %broadcast_in_dim3A_458 = arith.constant 5 : i32
            %broadcast_in_dim3A_459 = vector.broadcast %broadcast_in_dim3A_458 : i32 to vector<16xi32>
            %lt3A_460 = arith.constant 0 : i32
            %lt3A_461 = vector.broadcast %lt3A_460 : i32 to vector<16xi32>
            %lt3A_462 = arith.cmpi slt, %broadcast_in_dim3A_459, %lt3A_461 : vector<16xi32>
            %add3A_463 = arith.constant 16 : i32
            %add3A_464 = vector.broadcast %add3A_463 : i32 to vector<16xi32>
            %add3A_465 = arith.addi %broadcast_in_dim3A_459, %add3A_464 : vector<16xi32>
            %select_n3A_466 = arith.select %lt3A_462, %add3A_465, %broadcast_in_dim3A_459 : vector<16xi1>, vector<16xi32>
            %reshape3A_467 = vector.shape_cast %select_n3A_466 : vector<16xi32> to vector<16x1xi32>
            %gather3A_468 = vector.shape_cast %reshape3A_467 : vector<16x1xi32> to vector<16xi32>
            %gather3A_469 = tpu.dynamic_gather %select_n3A_214[%gather3A_468] in [0] : vector<16xf32>, vector<16xi32> -> vector<16xf32>
            %gt3A_470 = arith.cmpf ogt, %gather3A_445, %get3A_161 : vector<16xf32>
            %eq3A_471 = arith.cmpf oeq, %gather3A_445, %get3A_161 : vector<16xf32>
            %le3A_472 = arith.cmpi sle, %gather3A_457, %get3A_163 : vector<16xi32>
            %and3A_473 = arith.andi %eq3A_471, %le3A_472 : vector<16xi1>
            %or3A_474 = arith.ori %gt3A_470, %and3A_473 : vector<16xi1>
            %jit3A_475 = arith.constant 0.000000e+00 : f32
            %broadcast_in_dim3A_476 = vector.broadcast %jit3A_475 : f32 to vector<16xf32>
            %select_n3A_477 = arith.select %or3A_474, %gather3A_469, %broadcast_in_dim3A_476 : vector<16xi1>, vector<16xf32>
            %add3A_478 = arith.addf %add3A_433, %select_n3A_477 : vector<16xf32>
            %broadcast_in_dim3A_479 = arith.constant 6 : i32
            %broadcast_in_dim3A_480 = vector.broadcast %broadcast_in_dim3A_479 : i32 to vector<16xi32>
            %lt3A_481 = arith.constant 0 : i32
            %lt3A_482 = vector.broadcast %lt3A_481 : i32 to vector<16xi32>
            %lt3A_483 = arith.cmpi slt, %broadcast_in_dim3A_480, %lt3A_482 : vector<16xi32>
            %add3A_484 = arith.constant 16 : i32
            %add3A_485 = vector.broadcast %add3A_484 : i32 to vector<16xi32>
            %add3A_486 = arith.addi %broadcast_in_dim3A_480, %add3A_485 : vector<16xi32>
            %select_n3A_487 = arith.select %lt3A_483, %add3A_486, %broadcast_in_dim3A_480 : vector<16xi1>, vector<16xi32>
            %reshape3A_488 = vector.shape_cast %select_n3A_487 : vector<16xi32> to vector<16x1xi32>
            %gather3A_489 = vector.shape_cast %reshape3A_488 : vector<16x1xi32> to vector<16xi32>
            %gather3A_490 = tpu.dynamic_gather %get3A_201[%gather3A_489] in [0] : vector<16xf32>, vector<16xi32> -> vector<16xf32>
            %broadcast_in_dim3A_491 = arith.constant 6 : i32
            %broadcast_in_dim3A_492 = vector.broadcast %broadcast_in_dim3A_491 : i32 to vector<16xi32>
            %lt3A_493 = arith.constant 0 : i32
            %lt3A_494 = vector.broadcast %lt3A_493 : i32 to vector<16xi32>
            %lt3A_495 = arith.cmpi slt, %broadcast_in_dim3A_492, %lt3A_494 : vector<16xi32>
            %add3A_496 = arith.constant 16 : i32
            %add3A_497 = vector.broadcast %add3A_496 : i32 to vector<16xi32>
            %add3A_498 = arith.addi %broadcast_in_dim3A_492, %add3A_497 : vector<16xi32>
            %select_n3A_499 = arith.select %lt3A_495, %add3A_498, %broadcast_in_dim3A_492 : vector<16xi1>, vector<16xi32>
            %reshape3A_500 = vector.shape_cast %select_n3A_499 : vector<16xi32> to vector<16x1xi32>
            %gather3A_501 = vector.shape_cast %reshape3A_500 : vector<16x1xi32> to vector<16xi32>
            %gather3A_502 = tpu.dynamic_gather %get3A_203[%gather3A_501] in [0] : vector<16xi32>, vector<16xi32> -> vector<16xi32>
            %broadcast_in_dim3A_503 = arith.constant 6 : i32
            %broadcast_in_dim3A_504 = vector.broadcast %broadcast_in_dim3A_503 : i32 to vector<16xi32>
            %lt3A_505 = arith.constant 0 : i32
            %lt3A_506 = vector.broadcast %lt3A_505 : i32 to vector<16xi32>
            %lt3A_507 = arith.cmpi slt, %broadcast_in_dim3A_504, %lt3A_506 : vector<16xi32>
            %add3A_508 = arith.constant 16 : i32
            %add3A_509 = vector.broadcast %add3A_508 : i32 to vector<16xi32>
            %add3A_510 = arith.addi %broadcast_in_dim3A_504, %add3A_509 : vector<16xi32>
            %select_n3A_511 = arith.select %lt3A_507, %add3A_510, %broadcast_in_dim3A_504 : vector<16xi1>, vector<16xi32>
            %reshape3A_512 = vector.shape_cast %select_n3A_511 : vector<16xi32> to vector<16x1xi32>
            %gather3A_513 = vector.shape_cast %reshape3A_512 : vector<16x1xi32> to vector<16xi32>
            %gather3A_514 = tpu.dynamic_gather %select_n3A_214[%gather3A_513] in [0] : vector<16xf32>, vector<16xi32> -> vector<16xf32>
            %gt3A_515 = arith.cmpf ogt, %gather3A_490, %get3A_161 : vector<16xf32>
            %eq3A_516 = arith.cmpf oeq, %gather3A_490, %get3A_161 : vector<16xf32>
            %le3A_517 = arith.cmpi sle, %gather3A_502, %get3A_163 : vector<16xi32>
            %and3A_518 = arith.andi %eq3A_516, %le3A_517 : vector<16xi1>
            %or3A_519 = arith.ori %gt3A_515, %and3A_518 : vector<16xi1>
            %jit3A_520 = arith.constant 0.000000e+00 : f32
            %broadcast_in_dim3A_521 = vector.broadcast %jit3A_520 : f32 to vector<16xf32>
            %select_n3A_522 = arith.select %or3A_519, %gather3A_514, %broadcast_in_dim3A_521 : vector<16xi1>, vector<16xf32>
            %add3A_523 = arith.addf %add3A_478, %select_n3A_522 : vector<16xf32>
            %broadcast_in_dim3A_524 = arith.constant 7 : i32
            %broadcast_in_dim3A_525 = vector.broadcast %broadcast_in_dim3A_524 : i32 to vector<16xi32>
            %lt3A_526 = arith.constant 0 : i32
            %lt3A_527 = vector.broadcast %lt3A_526 : i32 to vector<16xi32>
            %lt3A_528 = arith.cmpi slt, %broadcast_in_dim3A_525, %lt3A_527 : vector<16xi32>
            %add3A_529 = arith.constant 16 : i32
            %add3A_530 = vector.broadcast %add3A_529 : i32 to vector<16xi32>
            %add3A_531 = arith.addi %broadcast_in_dim3A_525, %add3A_530 : vector<16xi32>
            %select_n3A_532 = arith.select %lt3A_528, %add3A_531, %broadcast_in_dim3A_525 : vector<16xi1>, vector<16xi32>
            %reshape3A_533 = vector.shape_cast %select_n3A_532 : vector<16xi32> to vector<16x1xi32>
            %gather3A_534 = vector.shape_cast %reshape3A_533 : vector<16x1xi32> to vector<16xi32>
            %gather3A_535 = tpu.dynamic_gather %get3A_201[%gather3A_534] in [0] : vector<16xf32>, vector<16xi32> -> vector<16xf32>
            %broadcast_in_dim3A_536 = arith.constant 7 : i32
            %broadcast_in_dim3A_537 = vector.broadcast %broadcast_in_dim3A_536 : i32 to vector<16xi32>
            %lt3A_538 = arith.constant 0 : i32
            %lt3A_539 = vector.broadcast %lt3A_538 : i32 to vector<16xi32>
            %lt3A_540 = arith.cmpi slt, %broadcast_in_dim3A_537, %lt3A_539 : vector<16xi32>
            %add3A_541 = arith.constant 16 : i32
            %add3A_542 = vector.broadcast %add3A_541 : i32 to vector<16xi32>
            %add3A_543 = arith.addi %broadcast_in_dim3A_537, %add3A_542 : vector<16xi32>
            %select_n3A_544 = arith.select %lt3A_540, %add3A_543, %broadcast_in_dim3A_537 : vector<16xi1>, vector<16xi32>
            %reshape3A_545 = vector.shape_cast %select_n3A_544 : vector<16xi32> to vector<16x1xi32>
            %gather3A_546 = vector.shape_cast %reshape3A_545 : vector<16x1xi32> to vector<16xi32>
            %gather3A_547 = tpu.dynamic_gather %get3A_203[%gather3A_546] in [0] : vector<16xi32>, vector<16xi32> -> vector<16xi32>
            %broadcast_in_dim3A_548 = arith.constant 7 : i32
            %broadcast_in_dim3A_549 = vector.broadcast %broadcast_in_dim3A_548 : i32 to vector<16xi32>
            %lt3A_550 = arith.constant 0 : i32
            %lt3A_551 = vector.broadcast %lt3A_550 : i32 to vector<16xi32>
            %lt3A_552 = arith.cmpi slt, %broadcast_in_dim3A_549, %lt3A_551 : vector<16xi32>
            %add3A_553 = arith.constant 16 : i32
            %add3A_554 = vector.broadcast %add3A_553 : i32 to vector<16xi32>
            %add3A_555 = arith.addi %broadcast_in_dim3A_549, %add3A_554 : vector<16xi32>
            %select_n3A_556 = arith.select %lt3A_552, %add3A_555, %broadcast_in_dim3A_549 : vector<16xi1>, vector<16xi32>
            %reshape3A_557 = vector.shape_cast %select_n3A_556 : vector<16xi32> to vector<16x1xi32>
            %gather3A_558 = vector.shape_cast %reshape3A_557 : vector<16x1xi32> to vector<16xi32>
            %gather3A_559 = tpu.dynamic_gather %select_n3A_214[%gather3A_558] in [0] : vector<16xf32>, vector<16xi32> -> vector<16xf32>
            %gt3A_560 = arith.cmpf ogt, %gather3A_535, %get3A_161 : vector<16xf32>
            %eq3A_561 = arith.cmpf oeq, %gather3A_535, %get3A_161 : vector<16xf32>
            %le3A_562 = arith.cmpi sle, %gather3A_547, %get3A_163 : vector<16xi32>
            %and3A_563 = arith.andi %eq3A_561, %le3A_562 : vector<16xi1>
            %or3A_564 = arith.ori %gt3A_560, %and3A_563 : vector<16xi1>
            %jit3A_565 = arith.constant 0.000000e+00 : f32
            %broadcast_in_dim3A_566 = vector.broadcast %jit3A_565 : f32 to vector<16xf32>
            %select_n3A_567 = arith.select %or3A_564, %gather3A_559, %broadcast_in_dim3A_566 : vector<16xi1>, vector<16xf32>
            %add3A_568 = arith.addf %add3A_523, %select_n3A_567 : vector<16xf32>
            %broadcast_in_dim3A_569 = arith.constant 8 : i32
            %broadcast_in_dim3A_570 = vector.broadcast %broadcast_in_dim3A_569 : i32 to vector<16xi32>
            %lt3A_571 = arith.constant 0 : i32
            %lt3A_572 = vector.broadcast %lt3A_571 : i32 to vector<16xi32>
            %lt3A_573 = arith.cmpi slt, %broadcast_in_dim3A_570, %lt3A_572 : vector<16xi32>
            %add3A_574 = arith.constant 16 : i32
            %add3A_575 = vector.broadcast %add3A_574 : i32 to vector<16xi32>
            %add3A_576 = arith.addi %broadcast_in_dim3A_570, %add3A_575 : vector<16xi32>
            %select_n3A_577 = arith.select %lt3A_573, %add3A_576, %broadcast_in_dim3A_570 : vector<16xi1>, vector<16xi32>
            %reshape3A_578 = vector.shape_cast %select_n3A_577 : vector<16xi32> to vector<16x1xi32>
            %gather3A_579 = vector.shape_cast %reshape3A_578 : vector<16x1xi32> to vector<16xi32>
            %gather3A_580 = tpu.dynamic_gather %get3A_201[%gather3A_579] in [0] : vector<16xf32>, vector<16xi32> -> vector<16xf32>
            %broadcast_in_dim3A_581 = arith.constant 8 : i32
            %broadcast_in_dim3A_582 = vector.broadcast %broadcast_in_dim3A_581 : i32 to vector<16xi32>
            %lt3A_583 = arith.constant 0 : i32
            %lt3A_584 = vector.broadcast %lt3A_583 : i32 to vector<16xi32>
            %lt3A_585 = arith.cmpi slt, %broadcast_in_dim3A_582, %lt3A_584 : vector<16xi32>
            %add3A_586 = arith.constant 16 : i32
            %add3A_587 = vector.broadcast %add3A_586 : i32 to vector<16xi32>
            %add3A_588 = arith.addi %broadcast_in_dim3A_582, %add3A_587 : vector<16xi32>
            %select_n3A_589 = arith.select %lt3A_585, %add3A_588, %broadcast_in_dim3A_582 : vector<16xi1>, vector<16xi32>
            %reshape3A_590 = vector.shape_cast %select_n3A_589 : vector<16xi32> to vector<16x1xi32>
            %gather3A_591 = vector.shape_cast %reshape3A_590 : vector<16x1xi32> to vector<16xi32>
            %gather3A_592 = tpu.dynamic_gather %get3A_203[%gather3A_591] in [0] : vector<16xi32>, vector<16xi32> -> vector<16xi32>
            %broadcast_in_dim3A_593 = arith.constant 8 : i32
            %broadcast_in_dim3A_594 = vector.broadcast %broadcast_in_dim3A_593 : i32 to vector<16xi32>
            %lt3A_595 = arith.constant 0 : i32
            %lt3A_596 = vector.broadcast %lt3A_595 : i32 to vector<16xi32>
            %lt3A_597 = arith.cmpi slt, %broadcast_in_dim3A_594, %lt3A_596 : vector<16xi32>
            %add3A_598 = arith.constant 16 : i32
            %add3A_599 = vector.broadcast %add3A_598 : i32 to vector<16xi32>
            %add3A_600 = arith.addi %broadcast_in_dim3A_594, %add3A_599 : vector<16xi32>
            %select_n3A_601 = arith.select %lt3A_597, %add3A_600, %broadcast_in_dim3A_594 : vector<16xi1>, vector<16xi32>
            %reshape3A_602 = vector.shape_cast %select_n3A_601 : vector<16xi32> to vector<16x1xi32>
            %gather3A_603 = vector.shape_cast %reshape3A_602 : vector<16x1xi32> to vector<16xi32>
            %gather3A_604 = tpu.dynamic_gather %select_n3A_214[%gather3A_603] in [0] : vector<16xf32>, vector<16xi32> -> vector<16xf32>
            %gt3A_605 = arith.cmpf ogt, %gather3A_580, %get3A_161 : vector<16xf32>
            %eq3A_606 = arith.cmpf oeq, %gather3A_580, %get3A_161 : vector<16xf32>
            %le3A_607 = arith.cmpi sle, %gather3A_592, %get3A_163 : vector<16xi32>
            %and3A_608 = arith.andi %eq3A_606, %le3A_607 : vector<16xi1>
            %or3A_609 = arith.ori %gt3A_605, %and3A_608 : vector<16xi1>
            %jit3A_610 = arith.constant 0.000000e+00 : f32
            %broadcast_in_dim3A_611 = vector.broadcast %jit3A_610 : f32 to vector<16xf32>
            %select_n3A_612 = arith.select %or3A_609, %gather3A_604, %broadcast_in_dim3A_611 : vector<16xi1>, vector<16xf32>
            %add3A_613 = arith.addf %add3A_568, %select_n3A_612 : vector<16xf32>
            %broadcast_in_dim3A_614 = arith.constant 9 : i32
            %broadcast_in_dim3A_615 = vector.broadcast %broadcast_in_dim3A_614 : i32 to vector<16xi32>
            %lt3A_616 = arith.constant 0 : i32
            %lt3A_617 = vector.broadcast %lt3A_616 : i32 to vector<16xi32>
            %lt3A_618 = arith.cmpi slt, %broadcast_in_dim3A_615, %lt3A_617 : vector<16xi32>
            %add3A_619 = arith.constant 16 : i32
            %add3A_620 = vector.broadcast %add3A_619 : i32 to vector<16xi32>
            %add3A_621 = arith.addi %broadcast_in_dim3A_615, %add3A_620 : vector<16xi32>
            %select_n3A_622 = arith.select %lt3A_618, %add3A_621, %broadcast_in_dim3A_615 : vector<16xi1>, vector<16xi32>
            %reshape3A_623 = vector.shape_cast %select_n3A_622 : vector<16xi32> to vector<16x1xi32>
            %gather3A_624 = vector.shape_cast %reshape3A_623 : vector<16x1xi32> to vector<16xi32>
            %gather3A_625 = tpu.dynamic_gather %get3A_201[%gather3A_624] in [0] : vector<16xf32>, vector<16xi32> -> vector<16xf32>
            %broadcast_in_dim3A_626 = arith.constant 9 : i32
            %broadcast_in_dim3A_627 = vector.broadcast %broadcast_in_dim3A_626 : i32 to vector<16xi32>
            %lt3A_628 = arith.constant 0 : i32
            %lt3A_629 = vector.broadcast %lt3A_628 : i32 to vector<16xi32>
            %lt3A_630 = arith.cmpi slt, %broadcast_in_dim3A_627, %lt3A_629 : vector<16xi32>
            %add3A_631 = arith.constant 16 : i32
            %add3A_632 = vector.broadcast %add3A_631 : i32 to vector<16xi32>
            %add3A_633 = arith.addi %broadcast_in_dim3A_627, %add3A_632 : vector<16xi32>
            %select_n3A_634 = arith.select %lt3A_630, %add3A_633, %broadcast_in_dim3A_627 : vector<16xi1>, vector<16xi32>
            %reshape3A_635 = vector.shape_cast %select_n3A_634 : vector<16xi32> to vector<16x1xi32>
            %gather3A_636 = vector.shape_cast %reshape3A_635 : vector<16x1xi32> to vector<16xi32>
            %gather3A_637 = tpu.dynamic_gather %get3A_203[%gather3A_636] in [0] : vector<16xi32>, vector<16xi32> -> vector<16xi32>
            %broadcast_in_dim3A_638 = arith.constant 9 : i32
            %broadcast_in_dim3A_639 = vector.broadcast %broadcast_in_dim3A_638 : i32 to vector<16xi32>
            %lt3A_640 = arith.constant 0 : i32
            %lt3A_641 = vector.broadcast %lt3A_640 : i32 to vector<16xi32>
            %lt3A_642 = arith.cmpi slt, %broadcast_in_dim3A_639, %lt3A_641 : vector<16xi32>
            %add3A_643 = arith.constant 16 : i32
            %add3A_644 = vector.broadcast %add3A_643 : i32 to vector<16xi32>
            %add3A_645 = arith.addi %broadcast_in_dim3A_639, %add3A_644 : vector<16xi32>
            %select_n3A_646 = arith.select %lt3A_642, %add3A_645, %broadcast_in_dim3A_639 : vector<16xi1>, vector<16xi32>
            %reshape3A_647 = vector.shape_cast %select_n3A_646 : vector<16xi32> to vector<16x1xi32>
            %gather3A_648 = vector.shape_cast %reshape3A_647 : vector<16x1xi32> to vector<16xi32>
            %gather3A_649 = tpu.dynamic_gather %select_n3A_214[%gather3A_648] in [0] : vector<16xf32>, vector<16xi32> -> vector<16xf32>
            %gt3A_650 = arith.cmpf ogt, %gather3A_625, %get3A_161 : vector<16xf32>
            %eq3A_651 = arith.cmpf oeq, %gather3A_625, %get3A_161 : vector<16xf32>
            %le3A_652 = arith.cmpi sle, %gather3A_637, %get3A_163 : vector<16xi32>
            %and3A_653 = arith.andi %eq3A_651, %le3A_652 : vector<16xi1>
            %or3A_654 = arith.ori %gt3A_650, %and3A_653 : vector<16xi1>
            %jit3A_655 = arith.constant 0.000000e+00 : f32
            %broadcast_in_dim3A_656 = vector.broadcast %jit3A_655 : f32 to vector<16xf32>
            %select_n3A_657 = arith.select %or3A_654, %gather3A_649, %broadcast_in_dim3A_656 : vector<16xi1>, vector<16xf32>
            %add3A_658 = arith.addf %add3A_613, %select_n3A_657 : vector<16xf32>
            %broadcast_in_dim3A_659 = arith.constant 10 : i32
            %broadcast_in_dim3A_660 = vector.broadcast %broadcast_in_dim3A_659 : i32 to vector<16xi32>
            %lt3A_661 = arith.constant 0 : i32
            %lt3A_662 = vector.broadcast %lt3A_661 : i32 to vector<16xi32>
            %lt3A_663 = arith.cmpi slt, %broadcast_in_dim3A_660, %lt3A_662 : vector<16xi32>
            %add3A_664 = arith.constant 16 : i32
            %add3A_665 = vector.broadcast %add3A_664 : i32 to vector<16xi32>
            %add3A_666 = arith.addi %broadcast_in_dim3A_660, %add3A_665 : vector<16xi32>
            %select_n3A_667 = arith.select %lt3A_663, %add3A_666, %broadcast_in_dim3A_660 : vector<16xi1>, vector<16xi32>
            %reshape3A_668 = vector.shape_cast %select_n3A_667 : vector<16xi32> to vector<16x1xi32>
            %gather3A_669 = vector.shape_cast %reshape3A_668 : vector<16x1xi32> to vector<16xi32>
            %gather3A_670 = tpu.dynamic_gather %get3A_201[%gather3A_669] in [0] : vector<16xf32>, vector<16xi32> -> vector<16xf32>
            %broadcast_in_dim3A_671 = arith.constant 10 : i32
            %broadcast_in_dim3A_672 = vector.broadcast %broadcast_in_dim3A_671 : i32 to vector<16xi32>
            %lt3A_673 = arith.constant 0 : i32
            %lt3A_674 = vector.broadcast %lt3A_673 : i32 to vector<16xi32>
            %lt3A_675 = arith.cmpi slt, %broadcast_in_dim3A_672, %lt3A_674 : vector<16xi32>
            %add3A_676 = arith.constant 16 : i32
            %add3A_677 = vector.broadcast %add3A_676 : i32 to vector<16xi32>
            %add3A_678 = arith.addi %broadcast_in_dim3A_672, %add3A_677 : vector<16xi32>
            %select_n3A_679 = arith.select %lt3A_675, %add3A_678, %broadcast_in_dim3A_672 : vector<16xi1>, vector<16xi32>
            %reshape3A_680 = vector.shape_cast %select_n3A_679 : vector<16xi32> to vector<16x1xi32>
            %gather3A_681 = vector.shape_cast %reshape3A_680 : vector<16x1xi32> to vector<16xi32>
            %gather3A_682 = tpu.dynamic_gather %get3A_203[%gather3A_681] in [0] : vector<16xi32>, vector<16xi32> -> vector<16xi32>
            %broadcast_in_dim3A_683 = arith.constant 10 : i32
            %broadcast_in_dim3A_684 = vector.broadcast %broadcast_in_dim3A_683 : i32 to vector<16xi32>
            %lt3A_685 = arith.constant 0 : i32
            %lt3A_686 = vector.broadcast %lt3A_685 : i32 to vector<16xi32>
            %lt3A_687 = arith.cmpi slt, %broadcast_in_dim3A_684, %lt3A_686 : vector<16xi32>
            %add3A_688 = arith.constant 16 : i32
            %add3A_689 = vector.broadcast %add3A_688 : i32 to vector<16xi32>
            %add3A_690 = arith.addi %broadcast_in_dim3A_684, %add3A_689 : vector<16xi32>
            %select_n3A_691 = arith.select %lt3A_687, %add3A_690, %broadcast_in_dim3A_684 : vector<16xi1>, vector<16xi32>
            %reshape3A_692 = vector.shape_cast %select_n3A_691 : vector<16xi32> to vector<16x1xi32>
            %gather3A_693 = vector.shape_cast %reshape3A_692 : vector<16x1xi32> to vector<16xi32>
            %gather3A_694 = tpu.dynamic_gather %select_n3A_214[%gather3A_693] in [0] : vector<16xf32>, vector<16xi32> -> vector<16xf32>
            %gt3A_695 = arith.cmpf ogt, %gather3A_670, %get3A_161 : vector<16xf32>
            %eq3A_696 = arith.cmpf oeq, %gather3A_670, %get3A_161 : vector<16xf32>
            %le3A_697 = arith.cmpi sle, %gather3A_682, %get3A_163 : vector<16xi32>
            %and3A_698 = arith.andi %eq3A_696, %le3A_697 : vector<16xi1>
            %or3A_699 = arith.ori %gt3A_695, %and3A_698 : vector<16xi1>
            %jit3A_700 = arith.constant 0.000000e+00 : f32
            %broadcast_in_dim3A_701 = vector.broadcast %jit3A_700 : f32 to vector<16xf32>
            %select_n3A_702 = arith.select %or3A_699, %gather3A_694, %broadcast_in_dim3A_701 : vector<16xi1>, vector<16xf32>
            %add3A_703 = arith.addf %add3A_658, %select_n3A_702 : vector<16xf32>
            %broadcast_in_dim3A_704 = arith.constant 11 : i32
            %broadcast_in_dim3A_705 = vector.broadcast %broadcast_in_dim3A_704 : i32 to vector<16xi32>
            %lt3A_706 = arith.constant 0 : i32
            %lt3A_707 = vector.broadcast %lt3A_706 : i32 to vector<16xi32>
            %lt3A_708 = arith.cmpi slt, %broadcast_in_dim3A_705, %lt3A_707 : vector<16xi32>
            %add3A_709 = arith.constant 16 : i32
            %add3A_710 = vector.broadcast %add3A_709 : i32 to vector<16xi32>
            %add3A_711 = arith.addi %broadcast_in_dim3A_705, %add3A_710 : vector<16xi32>
            %select_n3A_712 = arith.select %lt3A_708, %add3A_711, %broadcast_in_dim3A_705 : vector<16xi1>, vector<16xi32>
            %reshape3A_713 = vector.shape_cast %select_n3A_712 : vector<16xi32> to vector<16x1xi32>
            %gather3A_714 = vector.shape_cast %reshape3A_713 : vector<16x1xi32> to vector<16xi32>
            %gather3A_715 = tpu.dynamic_gather %get3A_201[%gather3A_714] in [0] : vector<16xf32>, vector<16xi32> -> vector<16xf32>
            %broadcast_in_dim3A_716 = arith.constant 11 : i32
            %broadcast_in_dim3A_717 = vector.broadcast %broadcast_in_dim3A_716 : i32 to vector<16xi32>
            %lt3A_718 = arith.constant 0 : i32
            %lt3A_719 = vector.broadcast %lt3A_718 : i32 to vector<16xi32>
            %lt3A_720 = arith.cmpi slt, %broadcast_in_dim3A_717, %lt3A_719 : vector<16xi32>
            %add3A_721 = arith.constant 16 : i32
            %add3A_722 = vector.broadcast %add3A_721 : i32 to vector<16xi32>
            %add3A_723 = arith.addi %broadcast_in_dim3A_717, %add3A_722 : vector<16xi32>
            %select_n3A_724 = arith.select %lt3A_720, %add3A_723, %broadcast_in_dim3A_717 : vector<16xi1>, vector<16xi32>
            %reshape3A_725 = vector.shape_cast %select_n3A_724 : vector<16xi32> to vector<16x1xi32>
            %gather3A_726 = vector.shape_cast %reshape3A_725 : vector<16x1xi32> to vector<16xi32>
            %gather3A_727 = tpu.dynamic_gather %get3A_203[%gather3A_726] in [0] : vector<16xi32>, vector<16xi32> -> vector<16xi32>
            %broadcast_in_dim3A_728 = arith.constant 11 : i32
            %broadcast_in_dim3A_729 = vector.broadcast %broadcast_in_dim3A_728 : i32 to vector<16xi32>
            %lt3A_730 = arith.constant 0 : i32
            %lt3A_731 = vector.broadcast %lt3A_730 : i32 to vector<16xi32>
            %lt3A_732 = arith.cmpi slt, %broadcast_in_dim3A_729, %lt3A_731 : vector<16xi32>
            %add3A_733 = arith.constant 16 : i32
            %add3A_734 = vector.broadcast %add3A_733 : i32 to vector<16xi32>
            %add3A_735 = arith.addi %broadcast_in_dim3A_729, %add3A_734 : vector<16xi32>
            %select_n3A_736 = arith.select %lt3A_732, %add3A_735, %broadcast_in_dim3A_729 : vector<16xi1>, vector<16xi32>
            %reshape3A_737 = vector.shape_cast %select_n3A_736 : vector<16xi32> to vector<16x1xi32>
            %gather3A_738 = vector.shape_cast %reshape3A_737 : vector<16x1xi32> to vector<16xi32>
            %gather3A_739 = tpu.dynamic_gather %select_n3A_214[%gather3A_738] in [0] : vector<16xf32>, vector<16xi32> -> vector<16xf32>
            %gt3A_740 = arith.cmpf ogt, %gather3A_715, %get3A_161 : vector<16xf32>
            %eq3A_741 = arith.cmpf oeq, %gather3A_715, %get3A_161 : vector<16xf32>
            %le3A_742 = arith.cmpi sle, %gather3A_727, %get3A_163 : vector<16xi32>
            %and3A_743 = arith.andi %eq3A_741, %le3A_742 : vector<16xi1>
            %or3A_744 = arith.ori %gt3A_740, %and3A_743 : vector<16xi1>
            %jit3A_745 = arith.constant 0.000000e+00 : f32
            %broadcast_in_dim3A_746 = vector.broadcast %jit3A_745 : f32 to vector<16xf32>
            %select_n3A_747 = arith.select %or3A_744, %gather3A_739, %broadcast_in_dim3A_746 : vector<16xi1>, vector<16xf32>
            %add3A_748 = arith.addf %add3A_703, %select_n3A_747 : vector<16xf32>
            %broadcast_in_dim3A_749 = arith.constant 12 : i32
            %broadcast_in_dim3A_750 = vector.broadcast %broadcast_in_dim3A_749 : i32 to vector<16xi32>
            %lt3A_751 = arith.constant 0 : i32
            %lt3A_752 = vector.broadcast %lt3A_751 : i32 to vector<16xi32>
            %lt3A_753 = arith.cmpi slt, %broadcast_in_dim3A_750, %lt3A_752 : vector<16xi32>
            %add3A_754 = arith.constant 16 : i32
            %add3A_755 = vector.broadcast %add3A_754 : i32 to vector<16xi32>
            %add3A_756 = arith.addi %broadcast_in_dim3A_750, %add3A_755 : vector<16xi32>
            %select_n3A_757 = arith.select %lt3A_753, %add3A_756, %broadcast_in_dim3A_750 : vector<16xi1>, vector<16xi32>
            %reshape3A_758 = vector.shape_cast %select_n3A_757 : vector<16xi32> to vector<16x1xi32>
            %gather3A_759 = vector.shape_cast %reshape3A_758 : vector<16x1xi32> to vector<16xi32>
            %gather3A_760 = tpu.dynamic_gather %get3A_201[%gather3A_759] in [0] : vector<16xf32>, vector<16xi32> -> vector<16xf32>
            %broadcast_in_dim3A_761 = arith.constant 12 : i32
            %broadcast_in_dim3A_762 = vector.broadcast %broadcast_in_dim3A_761 : i32 to vector<16xi32>
            %lt3A_763 = arith.constant 0 : i32
            %lt3A_764 = vector.broadcast %lt3A_763 : i32 to vector<16xi32>
            %lt3A_765 = arith.cmpi slt, %broadcast_in_dim3A_762, %lt3A_764 : vector<16xi32>
            %add3A_766 = arith.constant 16 : i32
            %add3A_767 = vector.broadcast %add3A_766 : i32 to vector<16xi32>
            %add3A_768 = arith.addi %broadcast_in_dim3A_762, %add3A_767 : vector<16xi32>
            %select_n3A_769 = arith.select %lt3A_765, %add3A_768, %broadcast_in_dim3A_762 : vector<16xi1>, vector<16xi32>
            %reshape3A_770 = vector.shape_cast %select_n3A_769 : vector<16xi32> to vector<16x1xi32>
            %gather3A_771 = vector.shape_cast %reshape3A_770 : vector<16x1xi32> to vector<16xi32>
            %gather3A_772 = tpu.dynamic_gather %get3A_203[%gather3A_771] in [0] : vector<16xi32>, vector<16xi32> -> vector<16xi32>
            %broadcast_in_dim3A_773 = arith.constant 12 : i32
            %broadcast_in_dim3A_774 = vector.broadcast %broadcast_in_dim3A_773 : i32 to vector<16xi32>
            %lt3A_775 = arith.constant 0 : i32
            %lt3A_776 = vector.broadcast %lt3A_775 : i32 to vector<16xi32>
            %lt3A_777 = arith.cmpi slt, %broadcast_in_dim3A_774, %lt3A_776 : vector<16xi32>
            %add3A_778 = arith.constant 16 : i32
            %add3A_779 = vector.broadcast %add3A_778 : i32 to vector<16xi32>
            %add3A_780 = arith.addi %broadcast_in_dim3A_774, %add3A_779 : vector<16xi32>
            %select_n3A_781 = arith.select %lt3A_777, %add3A_780, %broadcast_in_dim3A_774 : vector<16xi1>, vector<16xi32>
            %reshape3A_782 = vector.shape_cast %select_n3A_781 : vector<16xi32> to vector<16x1xi32>
            %gather3A_783 = vector.shape_cast %reshape3A_782 : vector<16x1xi32> to vector<16xi32>
            %gather3A_784 = tpu.dynamic_gather %select_n3A_214[%gather3A_783] in [0] : vector<16xf32>, vector<16xi32> -> vector<16xf32>
            %gt3A_785 = arith.cmpf ogt, %gather3A_760, %get3A_161 : vector<16xf32>
            %eq3A_786 = arith.cmpf oeq, %gather3A_760, %get3A_161 : vector<16xf32>
            %le3A_787 = arith.cmpi sle, %gather3A_772, %get3A_163 : vector<16xi32>
            %and3A_788 = arith.andi %eq3A_786, %le3A_787 : vector<16xi1>
            %or3A_789 = arith.ori %gt3A_785, %and3A_788 : vector<16xi1>
            %jit3A_790 = arith.constant 0.000000e+00 : f32
            %broadcast_in_dim3A_791 = vector.broadcast %jit3A_790 : f32 to vector<16xf32>
            %select_n3A_792 = arith.select %or3A_789, %gather3A_784, %broadcast_in_dim3A_791 : vector<16xi1>, vector<16xf32>
            %add3A_793 = arith.addf %add3A_748, %select_n3A_792 : vector<16xf32>
            %broadcast_in_dim3A_794 = arith.constant 13 : i32
            %broadcast_in_dim3A_795 = vector.broadcast %broadcast_in_dim3A_794 : i32 to vector<16xi32>
            %lt3A_796 = arith.constant 0 : i32
            %lt3A_797 = vector.broadcast %lt3A_796 : i32 to vector<16xi32>
            %lt3A_798 = arith.cmpi slt, %broadcast_in_dim3A_795, %lt3A_797 : vector<16xi32>
            %add3A_799 = arith.constant 16 : i32
            %add3A_800 = vector.broadcast %add3A_799 : i32 to vector<16xi32>
            %add3A_801 = arith.addi %broadcast_in_dim3A_795, %add3A_800 : vector<16xi32>
            %select_n3A_802 = arith.select %lt3A_798, %add3A_801, %broadcast_in_dim3A_795 : vector<16xi1>, vector<16xi32>
            %reshape3A_803 = vector.shape_cast %select_n3A_802 : vector<16xi32> to vector<16x1xi32>
            %gather3A_804 = vector.shape_cast %reshape3A_803 : vector<16x1xi32> to vector<16xi32>
            %gather3A_805 = tpu.dynamic_gather %get3A_201[%gather3A_804] in [0] : vector<16xf32>, vector<16xi32> -> vector<16xf32>
            %broadcast_in_dim3A_806 = arith.constant 13 : i32
            %broadcast_in_dim3A_807 = vector.broadcast %broadcast_in_dim3A_806 : i32 to vector<16xi32>
            %lt3A_808 = arith.constant 0 : i32
            %lt3A_809 = vector.broadcast %lt3A_808 : i32 to vector<16xi32>
            %lt3A_810 = arith.cmpi slt, %broadcast_in_dim3A_807, %lt3A_809 : vector<16xi32>
            %add3A_811 = arith.constant 16 : i32
            %add3A_812 = vector.broadcast %add3A_811 : i32 to vector<16xi32>
            %add3A_813 = arith.addi %broadcast_in_dim3A_807, %add3A_812 : vector<16xi32>
            %select_n3A_814 = arith.select %lt3A_810, %add3A_813, %broadcast_in_dim3A_807 : vector<16xi1>, vector<16xi32>
            %reshape3A_815 = vector.shape_cast %select_n3A_814 : vector<16xi32> to vector<16x1xi32>
            %gather3A_816 = vector.shape_cast %reshape3A_815 : vector<16x1xi32> to vector<16xi32>
            %gather3A_817 = tpu.dynamic_gather %get3A_203[%gather3A_816] in [0] : vector<16xi32>, vector<16xi32> -> vector<16xi32>
            %broadcast_in_dim3A_818 = arith.constant 13 : i32
            %broadcast_in_dim3A_819 = vector.broadcast %broadcast_in_dim3A_818 : i32 to vector<16xi32>
            %lt3A_820 = arith.constant 0 : i32
            %lt3A_821 = vector.broadcast %lt3A_820 : i32 to vector<16xi32>
            %lt3A_822 = arith.cmpi slt, %broadcast_in_dim3A_819, %lt3A_821 : vector<16xi32>
            %add3A_823 = arith.constant 16 : i32
            %add3A_824 = vector.broadcast %add3A_823 : i32 to vector<16xi32>
            %add3A_825 = arith.addi %broadcast_in_dim3A_819, %add3A_824 : vector<16xi32>
            %select_n3A_826 = arith.select %lt3A_822, %add3A_825, %broadcast_in_dim3A_819 : vector<16xi1>, vector<16xi32>
            %reshape3A_827 = vector.shape_cast %select_n3A_826 : vector<16xi32> to vector<16x1xi32>
            %gather3A_828 = vector.shape_cast %reshape3A_827 : vector<16x1xi32> to vector<16xi32>
            %gather3A_829 = tpu.dynamic_gather %select_n3A_214[%gather3A_828] in [0] : vector<16xf32>, vector<16xi32> -> vector<16xf32>
            %gt3A_830 = arith.cmpf ogt, %gather3A_805, %get3A_161 : vector<16xf32>
            %eq3A_831 = arith.cmpf oeq, %gather3A_805, %get3A_161 : vector<16xf32>
            %le3A_832 = arith.cmpi sle, %gather3A_817, %get3A_163 : vector<16xi32>
            %and3A_833 = arith.andi %eq3A_831, %le3A_832 : vector<16xi1>
            %or3A_834 = arith.ori %gt3A_830, %and3A_833 : vector<16xi1>
            %jit3A_835 = arith.constant 0.000000e+00 : f32
            %broadcast_in_dim3A_836 = vector.broadcast %jit3A_835 : f32 to vector<16xf32>
            %select_n3A_837 = arith.select %or3A_834, %gather3A_829, %broadcast_in_dim3A_836 : vector<16xi1>, vector<16xf32>
            %add3A_838 = arith.addf %add3A_793, %select_n3A_837 : vector<16xf32>
            %broadcast_in_dim3A_839 = arith.constant 14 : i32
            %broadcast_in_dim3A_840 = vector.broadcast %broadcast_in_dim3A_839 : i32 to vector<16xi32>
            %lt3A_841 = arith.constant 0 : i32
            %lt3A_842 = vector.broadcast %lt3A_841 : i32 to vector<16xi32>
            %lt3A_843 = arith.cmpi slt, %broadcast_in_dim3A_840, %lt3A_842 : vector<16xi32>
            %add3A_844 = arith.constant 16 : i32
            %add3A_845 = vector.broadcast %add3A_844 : i32 to vector<16xi32>
            %add3A_846 = arith.addi %broadcast_in_dim3A_840, %add3A_845 : vector<16xi32>
            %select_n3A_847 = arith.select %lt3A_843, %add3A_846, %broadcast_in_dim3A_840 : vector<16xi1>, vector<16xi32>
            %reshape3A_848 = vector.shape_cast %select_n3A_847 : vector<16xi32> to vector<16x1xi32>
            %gather3A_849 = vector.shape_cast %reshape3A_848 : vector<16x1xi32> to vector<16xi32>
            %gather3A_850 = tpu.dynamic_gather %get3A_201[%gather3A_849] in [0] : vector<16xf32>, vector<16xi32> -> vector<16xf32>
            %broadcast_in_dim3A_851 = arith.constant 14 : i32
            %broadcast_in_dim3A_852 = vector.broadcast %broadcast_in_dim3A_851 : i32 to vector<16xi32>
            %lt3A_853 = arith.constant 0 : i32
            %lt3A_854 = vector.broadcast %lt3A_853 : i32 to vector<16xi32>
            %lt3A_855 = arith.cmpi slt, %broadcast_in_dim3A_852, %lt3A_854 : vector<16xi32>
            %add3A_856 = arith.constant 16 : i32
            %add3A_857 = vector.broadcast %add3A_856 : i32 to vector<16xi32>
            %add3A_858 = arith.addi %broadcast_in_dim3A_852, %add3A_857 : vector<16xi32>
            %select_n3A_859 = arith.select %lt3A_855, %add3A_858, %broadcast_in_dim3A_852 : vector<16xi1>, vector<16xi32>
            %reshape3A_860 = vector.shape_cast %select_n3A_859 : vector<16xi32> to vector<16x1xi32>
            %gather3A_861 = vector.shape_cast %reshape3A_860 : vector<16x1xi32> to vector<16xi32>
            %gather3A_862 = tpu.dynamic_gather %get3A_203[%gather3A_861] in [0] : vector<16xi32>, vector<16xi32> -> vector<16xi32>
            %broadcast_in_dim3A_863 = arith.constant 14 : i32
            %broadcast_in_dim3A_864 = vector.broadcast %broadcast_in_dim3A_863 : i32 to vector<16xi32>
            %lt3A_865 = arith.constant 0 : i32
            %lt3A_866 = vector.broadcast %lt3A_865 : i32 to vector<16xi32>
            %lt3A_867 = arith.cmpi slt, %broadcast_in_dim3A_864, %lt3A_866 : vector<16xi32>
            %add3A_868 = arith.constant 16 : i32
            %add3A_869 = vector.broadcast %add3A_868 : i32 to vector<16xi32>
            %add3A_870 = arith.addi %broadcast_in_dim3A_864, %add3A_869 : vector<16xi32>
            %select_n3A_871 = arith.select %lt3A_867, %add3A_870, %broadcast_in_dim3A_864 : vector<16xi1>, vector<16xi32>
            %reshape3A_872 = vector.shape_cast %select_n3A_871 : vector<16xi32> to vector<16x1xi32>
            %gather3A_873 = vector.shape_cast %reshape3A_872 : vector<16x1xi32> to vector<16xi32>
            %gather3A_874 = tpu.dynamic_gather %select_n3A_214[%gather3A_873] in [0] : vector<16xf32>, vector<16xi32> -> vector<16xf32>
            %gt3A_875 = arith.cmpf ogt, %gather3A_850, %get3A_161 : vector<16xf32>
            %eq3A_876 = arith.cmpf oeq, %gather3A_850, %get3A_161 : vector<16xf32>
            %le3A_877 = arith.cmpi sle, %gather3A_862, %get3A_163 : vector<16xi32>
            %and3A_878 = arith.andi %eq3A_876, %le3A_877 : vector<16xi1>
            %or3A_879 = arith.ori %gt3A_875, %and3A_878 : vector<16xi1>
            %jit3A_880 = arith.constant 0.000000e+00 : f32
            %broadcast_in_dim3A_881 = vector.broadcast %jit3A_880 : f32 to vector<16xf32>
            %select_n3A_882 = arith.select %or3A_879, %gather3A_874, %broadcast_in_dim3A_881 : vector<16xi1>, vector<16xf32>
            %add3A_883 = arith.addf %add3A_838, %select_n3A_882 : vector<16xf32>
            %broadcast_in_dim3A_884 = arith.constant 15 : i32
            %broadcast_in_dim3A_885 = vector.broadcast %broadcast_in_dim3A_884 : i32 to vector<16xi32>
            %lt3A_886 = arith.constant 0 : i32
            %lt3A_887 = vector.broadcast %lt3A_886 : i32 to vector<16xi32>
            %lt3A_888 = arith.cmpi slt, %broadcast_in_dim3A_885, %lt3A_887 : vector<16xi32>
            %add3A_889 = arith.constant 16 : i32
            %add3A_890 = vector.broadcast %add3A_889 : i32 to vector<16xi32>
            %add3A_891 = arith.addi %broadcast_in_dim3A_885, %add3A_890 : vector<16xi32>
            %select_n3A_892 = arith.select %lt3A_888, %add3A_891, %broadcast_in_dim3A_885 : vector<16xi1>, vector<16xi32>
            %reshape3A_893 = vector.shape_cast %select_n3A_892 : vector<16xi32> to vector<16x1xi32>
            %gather3A_894 = vector.shape_cast %reshape3A_893 : vector<16x1xi32> to vector<16xi32>
            %gather3A_895 = tpu.dynamic_gather %get3A_201[%gather3A_894] in [0] : vector<16xf32>, vector<16xi32> -> vector<16xf32>
            %broadcast_in_dim3A_896 = arith.constant 15 : i32
            %broadcast_in_dim3A_897 = vector.broadcast %broadcast_in_dim3A_896 : i32 to vector<16xi32>
            %lt3A_898 = arith.constant 0 : i32
            %lt3A_899 = vector.broadcast %lt3A_898 : i32 to vector<16xi32>
            %lt3A_900 = arith.cmpi slt, %broadcast_in_dim3A_897, %lt3A_899 : vector<16xi32>
            %add3A_901 = arith.constant 16 : i32
            %add3A_902 = vector.broadcast %add3A_901 : i32 to vector<16xi32>
            %add3A_903 = arith.addi %broadcast_in_dim3A_897, %add3A_902 : vector<16xi32>
            %select_n3A_904 = arith.select %lt3A_900, %add3A_903, %broadcast_in_dim3A_897 : vector<16xi1>, vector<16xi32>
            %reshape3A_905 = vector.shape_cast %select_n3A_904 : vector<16xi32> to vector<16x1xi32>
            %gather3A_906 = vector.shape_cast %reshape3A_905 : vector<16x1xi32> to vector<16xi32>
            %gather3A_907 = tpu.dynamic_gather %get3A_203[%gather3A_906] in [0] : vector<16xi32>, vector<16xi32> -> vector<16xi32>
            %broadcast_in_dim3A_908 = arith.constant 15 : i32
            %broadcast_in_dim3A_909 = vector.broadcast %broadcast_in_dim3A_908 : i32 to vector<16xi32>
            %lt3A_910 = arith.constant 0 : i32
            %lt3A_911 = vector.broadcast %lt3A_910 : i32 to vector<16xi32>
            %lt3A_912 = arith.cmpi slt, %broadcast_in_dim3A_909, %lt3A_911 : vector<16xi32>
            %add3A_913 = arith.constant 16 : i32
            %add3A_914 = vector.broadcast %add3A_913 : i32 to vector<16xi32>
            %add3A_915 = arith.addi %broadcast_in_dim3A_909, %add3A_914 : vector<16xi32>
            %select_n3A_916 = arith.select %lt3A_912, %add3A_915, %broadcast_in_dim3A_909 : vector<16xi1>, vector<16xi32>
            %reshape3A_917 = vector.shape_cast %select_n3A_916 : vector<16xi32> to vector<16x1xi32>
            %gather3A_918 = vector.shape_cast %reshape3A_917 : vector<16x1xi32> to vector<16xi32>
            %gather3A_919 = tpu.dynamic_gather %select_n3A_214[%gather3A_918] in [0] : vector<16xf32>, vector<16xi32> -> vector<16xf32>
            %gt3A_920 = arith.cmpf ogt, %gather3A_895, %get3A_161 : vector<16xf32>
            %eq3A_921 = arith.cmpf oeq, %gather3A_895, %get3A_161 : vector<16xf32>
            %le3A_922 = arith.cmpi sle, %gather3A_907, %get3A_163 : vector<16xi32>
            %and3A_923 = arith.andi %eq3A_921, %le3A_922 : vector<16xi1>
            %or3A_924 = arith.ori %gt3A_920, %and3A_923 : vector<16xi1>
            %jit3A_925 = arith.constant 0.000000e+00 : f32
            %broadcast_in_dim3A_926 = vector.broadcast %jit3A_925 : f32 to vector<16xf32>
            %select_n3A_927 = arith.select %or3A_924, %gather3A_919, %broadcast_in_dim3A_926 : vector<16xi1>, vector<16xf32>
            %add3A_928 = arith.addf %add3A_883, %select_n3A_927 : vector<16xf32>
            scf.yield %add3A_928 : vector<16xf32>
          }
          %while3A_181 = arith.constant 1 : i32
          %while3A_182 = scf.for %while3A_195 = %while3A_178 to %while3A_174 step %while3A_181 iter_args(%while3A_196 = %while3A_180) -> (vector<16xf32>)  : i32 {
            %mul3A_197 = arith.constant 16 : i32
            %mul3A_198 = arith.muli %while3A_195, %mul3A_197 : i32
            %add3A_199 = arith.addi %sub3A, %mul3A_198 : i32
            %get3A_200 = arith.index_cast %add3A_199 : i32 to index
            %get3A_201 = tpu.vector_load %arg8[%get3A_200] {strides = array<i32>} : memref<16512xf32, #tpu.memory_space<vmem>>, vector<16xf32>,
            %get3A_202 = arith.index_cast %add3A_199 : i32 to index
            %get3A_203 = tpu.vector_load %arg10[%get3A_202] {strides = array<i32>} : memref<16512xi32, #tpu.memory_space<vmem>>, vector<16xi32>,
            %get3A_204 = arith.index_cast %add3A_199 : i32 to index
            %get3A_205 = tpu.vector_load %arg9[%get3A_204] {strides = array<i32>} : memref<16512xf32, #tpu.memory_space<vmem>>, vector<16xf32>,
            %mul3A_206 = arith.constant 16 : i32
            %mul3A_207 = arith.muli %while3A_195, %mul3A_206 : i32
            %add3A_208 = vector.broadcast %mul3A_207 : i32 to vector<16xi32>
            %add3A_209 = arith.addi %add3A_208, %iota3A : vector<16xi32>
            %lt3A_210 = vector.broadcast %min3A : i32 to vector<16xi32>
            %lt3A_211 = arith.cmpi slt, %add3A_209, %lt3A_210 : vector<16xi32>
            %jit3A_212 = arith.constant 0.000000e+00 : f32
            %broadcast_in_dim3A_213 = vector.broadcast %jit3A_212 : f32 to vector<16xf32>
            %select_n3A_214 = arith.select %lt3A_211, %get3A_205, %broadcast_in_dim3A_213 : vector<16xi1>, vector<16xf32>
            %broadcast_in_dim3A_215 = arith.constant 0 : i32
            %broadcast_in_dim3A_216 = vector.broadcast %broadcast_in_dim3A_215 : i32 to vector<16xi32>
            %lt3A_217 = arith.constant 0 : i32
            %lt3A_218 = vector.broadcast %lt3A_217 : i32 to vector<16xi32>
            %lt3A_219 = arith.cmpi slt, %broadcast_in_dim3A_216, %lt3A_218 : vector<16xi32>
            %add3A_220 = arith.constant 16 : i32
            %add3A_221 = vector.broadcast %add3A_220 : i32 to vector<16xi32>
            %add3A_222 = arith.addi %broadcast_in_dim3A_216, %add3A_221 : vector<16xi32>
            %select_n3A_223 = arith.select %lt3A_219, %add3A_222, %broadcast_in_dim3A_216 : vector<16xi1>, vector<16xi32>
            %reshape3A = vector.shape_cast %select_n3A_223 : vector<16xi32> to vector<16x1xi32>
            %gather3A = vector.shape_cast %reshape3A : vector<16x1xi32> to vector<16xi32>
            %gather3A_224 = tpu.dynamic_gather %get3A_201[%gather3A] in [0] : vector<16xf32>, vector<16xi32> -> vector<16xf32>
            %broadcast_in_dim3A_225 = arith.constant 0 : i32
            %broadcast_in_dim3A_226 = vector.broadcast %broadcast_in_dim3A_225 : i32 to vector<16xi32>
            %lt3A_227 = arith.constant 0 : i32
            %lt3A_228 = vector.broadcast %lt3A_227 : i32 to vector<16xi32>
            %lt3A_229 = arith.cmpi slt, %broadcast_in_dim3A_226, %lt3A_228 : vector<16xi32>
            %add3A_230 = arith.constant 16 : i32
            %add3A_231 = vector.broadcast %add3A_230 : i32 to vector<16xi32>
            %add3A_232 = arith.addi %broadcast_in_dim3A_226, %add3A_231 : vector<16xi32>
            %select_n3A_233 = arith.select %lt3A_229, %add3A_232, %broadcast_in_dim3A_226 : vector<16xi1>, vector<16xi32>
            %reshape3A_234 = vector.shape_cast %select_n3A_233 : vector<16xi32> to vector<16x1xi32>
            %gather3A_235 = vector.shape_cast %reshape3A_234 : vector<16x1xi32> to vector<16xi32>
            %gather3A_236 = tpu.dynamic_gather %get3A_203[%gather3A_235] in [0] : vector<16xi32>, vector<16xi32> -> vector<16xi32>
            %broadcast_in_dim3A_237 = arith.constant 0 : i32
            %broadcast_in_dim3A_238 = vector.broadcast %broadcast_in_dim3A_237 : i32 to vector<16xi32>
            %lt3A_239 = arith.constant 0 : i32
            %lt3A_240 = vector.broadcast %lt3A_239 : i32 to vector<16xi32>
            %lt3A_241 = arith.cmpi slt, %broadcast_in_dim3A_238, %lt3A_240 : vector<16xi32>
            %add3A_242 = arith.constant 16 : i32
            %add3A_243 = vector.broadcast %add3A_242 : i32 to vector<16xi32>
            %add3A_244 = arith.addi %broadcast_in_dim3A_238, %add3A_243 : vector<16xi32>
            %select_n3A_245 = arith.select %lt3A_241, %add3A_244, %broadcast_in_dim3A_238 : vector<16xi1>, vector<16xi32>
            %reshape3A_246 = vector.shape_cast %select_n3A_245 : vector<16xi32> to vector<16x1xi32>
            %gather3A_247 = vector.shape_cast %reshape3A_246 : vector<16x1xi32> to vector<16xi32>
            %gather3A_248 = tpu.dynamic_gather %select_n3A_214[%gather3A_247] in [0] : vector<16xf32>, vector<16xi32> -> vector<16xf32>
            %gt3A = arith.cmpf ogt, %gather3A_224, %get3A_161 : vector<16xf32>
            %eq3A = arith.cmpf oeq, %gather3A_224, %get3A_161 : vector<16xf32>
            %le3A = arith.cmpi sle, %gather3A_236, %get3A_163 : vector<16xi32>
            %and3A_249 = arith.andi %eq3A, %le3A : vector<16xi1>
            %or3A = arith.ori %gt3A, %and3A_249 : vector<16xi1>
            %jit3A_250 = arith.constant 0.000000e+00 : f32
            %broadcast_in_dim3A_251 = vector.broadcast %jit3A_250 : f32 to vector<16xf32>
            %select_n3A_252 = arith.select %or3A, %gather3A_248, %broadcast_in_dim3A_251 : vector<16xi1>, vector<16xf32>
            %add3A_253 = arith.addf %while3A_196, %select_n3A_252 : vector<16xf32>
            %broadcast_in_dim3A_254 = arith.constant 1 : i32
            %broadcast_in_dim3A_255 = vector.broadcast %broadcast_in_dim3A_254 : i32 to vector<16xi32>
            %lt3A_256 = arith.constant 0 : i32
            %lt3A_257 = vector.broadcast %lt3A_256 : i32 to vector<16xi32>
            %lt3A_258 = arith.cmpi slt, %broadcast_in_dim3A_255, %lt3A_257 : vector<16xi32>
            %add3A_259 = arith.constant 16 : i32
            %add3A_260 = vector.broadcast %add3A_259 : i32 to vector<16xi32>
            %add3A_261 = arith.addi %broadcast_in_dim3A_255, %add3A_260 : vector<16xi32>
            %select_n3A_262 = arith.select %lt3A_258, %add3A_261, %broadcast_in_dim3A_255 : vector<16xi1>, vector<16xi32>
            %reshape3A_263 = vector.shape_cast %select_n3A_262 : vector<16xi32> to vector<16x1xi32>
            %gather3A_264 = vector.shape_cast %reshape3A_263 : vector<16x1xi32> to vector<16xi32>
            %gather3A_265 = tpu.dynamic_gather %get3A_201[%gather3A_264] in [0] : vector<16xf32>, vector<16xi32> -> vector<16xf32>
            %broadcast_in_dim3A_266 = arith.constant 1 : i32
            %broadcast_in_dim3A_267 = vector.broadcast %broadcast_in_dim3A_266 : i32 to vector<16xi32>
            %lt3A_268 = arith.constant 0 : i32
            %lt3A_269 = vector.broadcast %lt3A_268 : i32 to vector<16xi32>
            %lt3A_270 = arith.cmpi slt, %broadcast_in_dim3A_267, %lt3A_269 : vector<16xi32>
            %add3A_271 = arith.constant 16 : i32
            %add3A_272 = vector.broadcast %add3A_271 : i32 to vector<16xi32>
            %add3A_273 = arith.addi %broadcast_in_dim3A_267, %add3A_272 : vector<16xi32>
            %select_n3A_274 = arith.select %lt3A_270, %add3A_273, %broadcast_in_dim3A_267 : vector<16xi1>, vector<16xi32>
            %reshape3A_275 = vector.shape_cast %select_n3A_274 : vector<16xi32> to vector<16x1xi32>
            %gather3A_276 = vector.shape_cast %reshape3A_275 : vector<16x1xi32> to vector<16xi32>
            %gather3A_277 = tpu.dynamic_gather %get3A_203[%gather3A_276] in [0] : vector<16xi32>, vector<16xi32> -> vector<16xi32>
            %broadcast_in_dim3A_278 = arith.constant 1 : i32
            %broadcast_in_dim3A_279 = vector.broadcast %broadcast_in_dim3A_278 : i32 to vector<16xi32>
            %lt3A_280 = arith.constant 0 : i32
            %lt3A_281 = vector.broadcast %lt3A_280 : i32 to vector<16xi32>
            %lt3A_282 = arith.cmpi slt, %broadcast_in_dim3A_279, %lt3A_281 : vector<16xi32>
            %add3A_283 = arith.constant 16 : i32
            %add3A_284 = vector.broadcast %add3A_283 : i32 to vector<16xi32>
            %add3A_285 = arith.addi %broadcast_in_dim3A_279, %add3A_284 : vector<16xi32>
            %select_n3A_286 = arith.select %lt3A_282, %add3A_285, %broadcast_in_dim3A_279 : vector<16xi1>, vector<16xi32>
            %reshape3A_287 = vector.shape_cast %select_n3A_286 : vector<16xi32> to vector<16x1xi32>
            %gather3A_288 = vector.shape_cast %reshape3A_287 : vector<16x1xi32> to vector<16xi32>
            %gather3A_289 = tpu.dynamic_gather %select_n3A_214[%gather3A_288] in [0] : vector<16xf32>, vector<16xi32> -> vector<16xf32>
            %gt3A_290 = arith.cmpf ogt, %gather3A_265, %get3A_161 : vector<16xf32>
            %eq3A_291 = arith.cmpf oeq, %gather3A_265, %get3A_161 : vector<16xf32>
            %le3A_292 = arith.cmpi sle, %gather3A_277, %get3A_163 : vector<16xi32>
            %and3A_293 = arith.andi %eq3A_291, %le3A_292 : vector<16xi1>
            %or3A_294 = arith.ori %gt3A_290, %and3A_293 : vector<16xi1>
            %jit3A_295 = arith.constant 0.000000e+00 : f32
            %broadcast_in_dim3A_296 = vector.broadcast %jit3A_295 : f32 to vector<16xf32>
            %select_n3A_297 = arith.select %or3A_294, %gather3A_289, %broadcast_in_dim3A_296 : vector<16xi1>, vector<16xf32>
            %add3A_298 = arith.addf %add3A_253, %select_n3A_297 : vector<16xf32>
            %broadcast_in_dim3A_299 = arith.constant 2 : i32
            %broadcast_in_dim3A_300 = vector.broadcast %broadcast_in_dim3A_299 : i32 to vector<16xi32>
            %lt3A_301 = arith.constant 0 : i32
            %lt3A_302 = vector.broadcast %lt3A_301 : i32 to vector<16xi32>
            %lt3A_303 = arith.cmpi slt, %broadcast_in_dim3A_300, %lt3A_302 : vector<16xi32>
            %add3A_304 = arith.constant 16 : i32
            %add3A_305 = vector.broadcast %add3A_304 : i32 to vector<16xi32>
            %add3A_306 = arith.addi %broadcast_in_dim3A_300, %add3A_305 : vector<16xi32>
            %select_n3A_307 = arith.select %lt3A_303, %add3A_306, %broadcast_in_dim3A_300 : vector<16xi1>, vector<16xi32>
            %reshape3A_308 = vector.shape_cast %select_n3A_307 : vector<16xi32> to vector<16x1xi32>
            %gather3A_309 = vector.shape_cast %reshape3A_308 : vector<16x1xi32> to vector<16xi32>
            %gather3A_310 = tpu.dynamic_gather %get3A_201[%gather3A_309] in [0] : vector<16xf32>, vector<16xi32> -> vector<16xf32>
            %broadcast_in_dim3A_311 = arith.constant 2 : i32
            %broadcast_in_dim3A_312 = vector.broadcast %broadcast_in_dim3A_311 : i32 to vector<16xi32>
            %lt3A_313 = arith.constant 0 : i32
            %lt3A_314 = vector.broadcast %lt3A_313 : i32 to vector<16xi32>
            %lt3A_315 = arith.cmpi slt, %broadcast_in_dim3A_312, %lt3A_314 : vector<16xi32>
            %add3A_316 = arith.constant 16 : i32
            %add3A_317 = vector.broadcast %add3A_316 : i32 to vector<16xi32>
            %add3A_318 = arith.addi %broadcast_in_dim3A_312, %add3A_317 : vector<16xi32>
            %select_n3A_319 = arith.select %lt3A_315, %add3A_318, %broadcast_in_dim3A_312 : vector<16xi1>, vector<16xi32>
            %reshape3A_320 = vector.shape_cast %select_n3A_319 : vector<16xi32> to vector<16x1xi32>
            %gather3A_321 = vector.shape_cast %reshape3A_320 : vector<16x1xi32> to vector<16xi32>
            %gather3A_322 = tpu.dynamic_gather %get3A_203[%gather3A_321] in [0] : vector<16xi32>, vector<16xi32> -> vector<16xi32>
            %broadcast_in_dim3A_323 = arith.constant 2 : i32
            %broadcast_in_dim3A_324 = vector.broadcast %broadcast_in_dim3A_323 : i32 to vector<16xi32>
            %lt3A_325 = arith.constant 0 : i32
            %lt3A_326 = vector.broadcast %lt3A_325 : i32 to vector<16xi32>
            %lt3A_327 = arith.cmpi slt, %broadcast_in_dim3A_324, %lt3A_326 : vector<16xi32>
            %add3A_328 = arith.constant 16 : i32
            %add3A_329 = vector.broadcast %add3A_328 : i32 to vector<16xi32>
            %add3A_330 = arith.addi %broadcast_in_dim3A_324, %add3A_329 : vector<16xi32>
            %select_n3A_331 = arith.select %lt3A_327, %add3A_330, %broadcast_in_dim3A_324 : vector<16xi1>, vector<16xi32>
            %reshape3A_332 = vector.shape_cast %select_n3A_331 : vector<16xi32> to vector<16x1xi32>
            %gather3A_333 = vector.shape_cast %reshape3A_332 : vector<16x1xi32> to vector<16xi32>
            %gather3A_334 = tpu.dynamic_gather %select_n3A_214[%gather3A_333] in [0] : vector<16xf32>, vector<16xi32> -> vector<16xf32>
            %gt3A_335 = arith.cmpf ogt, %gather3A_310, %get3A_161 : vector<16xf32>
            %eq3A_336 = arith.cmpf oeq, %gather3A_310, %get3A_161 : vector<16xf32>
            %le3A_337 = arith.cmpi sle, %gather3A_322, %get3A_163 : vector<16xi32>
            %and3A_338 = arith.andi %eq3A_336, %le3A_337 : vector<16xi1>
            %or3A_339 = arith.ori %gt3A_335, %and3A_338 : vector<16xi1>
            %jit3A_340 = arith.constant 0.000000e+00 : f32
            %broadcast_in_dim3A_341 = vector.broadcast %jit3A_340 : f32 to vector<16xf32>
            %select_n3A_342 = arith.select %or3A_339, %gather3A_334, %broadcast_in_dim3A_341 : vector<16xi1>, vector<16xf32>
            %add3A_343 = arith.addf %add3A_298, %select_n3A_342 : vector<16xf32>
            %broadcast_in_dim3A_344 = arith.constant 3 : i32
            %broadcast_in_dim3A_345 = vector.broadcast %broadcast_in_dim3A_344 : i32 to vector<16xi32>
            %lt3A_346 = arith.constant 0 : i32
            %lt3A_347 = vector.broadcast %lt3A_346 : i32 to vector<16xi32>
            %lt3A_348 = arith.cmpi slt, %broadcast_in_dim3A_345, %lt3A_347 : vector<16xi32>
            %add3A_349 = arith.constant 16 : i32
            %add3A_350 = vector.broadcast %add3A_349 : i32 to vector<16xi32>
            %add3A_351 = arith.addi %broadcast_in_dim3A_345, %add3A_350 : vector<16xi32>
            %select_n3A_352 = arith.select %lt3A_348, %add3A_351, %broadcast_in_dim3A_345 : vector<16xi1>, vector<16xi32>
            %reshape3A_353 = vector.shape_cast %select_n3A_352 : vector<16xi32> to vector<16x1xi32>
            %gather3A_354 = vector.shape_cast %reshape3A_353 : vector<16x1xi32> to vector<16xi32>
            %gather3A_355 = tpu.dynamic_gather %get3A_201[%gather3A_354] in [0] : vector<16xf32>, vector<16xi32> -> vector<16xf32>
            %broadcast_in_dim3A_356 = arith.constant 3 : i32
            %broadcast_in_dim3A_357 = vector.broadcast %broadcast_in_dim3A_356 : i32 to vector<16xi32>
            %lt3A_358 = arith.constant 0 : i32
            %lt3A_359 = vector.broadcast %lt3A_358 : i32 to vector<16xi32>
            %lt3A_360 = arith.cmpi slt, %broadcast_in_dim3A_357, %lt3A_359 : vector<16xi32>
            %add3A_361 = arith.constant 16 : i32
            %add3A_362 = vector.broadcast %add3A_361 : i32 to vector<16xi32>
            %add3A_363 = arith.addi %broadcast_in_dim3A_357, %add3A_362 : vector<16xi32>
            %select_n3A_364 = arith.select %lt3A_360, %add3A_363, %broadcast_in_dim3A_357 : vector<16xi1>, vector<16xi32>
            %reshape3A_365 = vector.shape_cast %select_n3A_364 : vector<16xi32> to vector<16x1xi32>
            %gather3A_366 = vector.shape_cast %reshape3A_365 : vector<16x1xi32> to vector<16xi32>
            %gather3A_367 = tpu.dynamic_gather %get3A_203[%gather3A_366] in [0] : vector<16xi32>, vector<16xi32> -> vector<16xi32>
            %broadcast_in_dim3A_368 = arith.constant 3 : i32
            %broadcast_in_dim3A_369 = vector.broadcast %broadcast_in_dim3A_368 : i32 to vector<16xi32>
            %lt3A_370 = arith.constant 0 : i32
            %lt3A_371 = vector.broadcast %lt3A_370 : i32 to vector<16xi32>
            %lt3A_372 = arith.cmpi slt, %broadcast_in_dim3A_369, %lt3A_371 : vector<16xi32>
            %add3A_373 = arith.constant 16 : i32
            %add3A_374 = vector.broadcast %add3A_373 : i32 to vector<16xi32>
            %add3A_375 = arith.addi %broadcast_in_dim3A_369, %add3A_374 : vector<16xi32>
            %select_n3A_376 = arith.select %lt3A_372, %add3A_375, %broadcast_in_dim3A_369 : vector<16xi1>, vector<16xi32>
            %reshape3A_377 = vector.shape_cast %select_n3A_376 : vector<16xi32> to vector<16x1xi32>
            %gather3A_378 = vector.shape_cast %reshape3A_377 : vector<16x1xi32> to vector<16xi32>
            %gather3A_379 = tpu.dynamic_gather %select_n3A_214[%gather3A_378] in [0] : vector<16xf32>, vector<16xi32> -> vector<16xf32>
            %gt3A_380 = arith.cmpf ogt, %gather3A_355, %get3A_161 : vector<16xf32>
            %eq3A_381 = arith.cmpf oeq, %gather3A_355, %get3A_161 : vector<16xf32>
            %le3A_382 = arith.cmpi sle, %gather3A_367, %get3A_163 : vector<16xi32>
            %and3A_383 = arith.andi %eq3A_381, %le3A_382 : vector<16xi1>
            %or3A_384 = arith.ori %gt3A_380, %and3A_383 : vector<16xi1>
            %jit3A_385 = arith.constant 0.000000e+00 : f32
            %broadcast_in_dim3A_386 = vector.broadcast %jit3A_385 : f32 to vector<16xf32>
            %select_n3A_387 = arith.select %or3A_384, %gather3A_379, %broadcast_in_dim3A_386 : vector<16xi1>, vector<16xf32>
            %add3A_388 = arith.addf %add3A_343, %select_n3A_387 : vector<16xf32>
            %broadcast_in_dim3A_389 = arith.constant 4 : i32
            %broadcast_in_dim3A_390 = vector.broadcast %broadcast_in_dim3A_389 : i32 to vector<16xi32>
            %lt3A_391 = arith.constant 0 : i32
            %lt3A_392 = vector.broadcast %lt3A_391 : i32 to vector<16xi32>
            %lt3A_393 = arith.cmpi slt, %broadcast_in_dim3A_390, %lt3A_392 : vector<16xi32>
            %add3A_394 = arith.constant 16 : i32
            %add3A_395 = vector.broadcast %add3A_394 : i32 to vector<16xi32>
            %add3A_396 = arith.addi %broadcast_in_dim3A_390, %add3A_395 : vector<16xi32>
            %select_n3A_397 = arith.select %lt3A_393, %add3A_396, %broadcast_in_dim3A_390 : vector<16xi1>, vector<16xi32>
            %reshape3A_398 = vector.shape_cast %select_n3A_397 : vector<16xi32> to vector<16x1xi32>
            %gather3A_399 = vector.shape_cast %reshape3A_398 : vector<16x1xi32> to vector<16xi32>
            %gather3A_400 = tpu.dynamic_gather %get3A_201[%gather3A_399] in [0] : vector<16xf32>, vector<16xi32> -> vector<16xf32>
            %broadcast_in_dim3A_401 = arith.constant 4 : i32
            %broadcast_in_dim3A_402 = vector.broadcast %broadcast_in_dim3A_401 : i32 to vector<16xi32>
            %lt3A_403 = arith.constant 0 : i32
            %lt3A_404 = vector.broadcast %lt3A_403 : i32 to vector<16xi32>
            %lt3A_405 = arith.cmpi slt, %broadcast_in_dim3A_402, %lt3A_404 : vector<16xi32>
            %add3A_406 = arith.constant 16 : i32
            %add3A_407 = vector.broadcast %add3A_406 : i32 to vector<16xi32>
            %add3A_408 = arith.addi %broadcast_in_dim3A_402, %add3A_407 : vector<16xi32>
            %select_n3A_409 = arith.select %lt3A_405, %add3A_408, %broadcast_in_dim3A_402 : vector<16xi1>, vector<16xi32>
            %reshape3A_410 = vector.shape_cast %select_n3A_409 : vector<16xi32> to vector<16x1xi32>
            %gather3A_411 = vector.shape_cast %reshape3A_410 : vector<16x1xi32> to vector<16xi32>
            %gather3A_412 = tpu.dynamic_gather %get3A_203[%gather3A_411] in [0] : vector<16xi32>, vector<16xi32> -> vector<16xi32>
            %broadcast_in_dim3A_413 = arith.constant 4 : i32
            %broadcast_in_dim3A_414 = vector.broadcast %broadcast_in_dim3A_413 : i32 to vector<16xi32>
            %lt3A_415 = arith.constant 0 : i32
            %lt3A_416 = vector.broadcast %lt3A_415 : i32 to vector<16xi32>
            %lt3A_417 = arith.cmpi slt, %broadcast_in_dim3A_414, %lt3A_416 : vector<16xi32>
            %add3A_418 = arith.constant 16 : i32
            %add3A_419 = vector.broadcast %add3A_418 : i32 to vector<16xi32>
            %add3A_420 = arith.addi %broadcast_in_dim3A_414, %add3A_419 : vector<16xi32>
            %select_n3A_421 = arith.select %lt3A_417, %add3A_420, %broadcast_in_dim3A_414 : vector<16xi1>, vector<16xi32>
            %reshape3A_422 = vector.shape_cast %select_n3A_421 : vector<16xi32> to vector<16x1xi32>
            %gather3A_423 = vector.shape_cast %reshape3A_422 : vector<16x1xi32> to vector<16xi32>
            %gather3A_424 = tpu.dynamic_gather %select_n3A_214[%gather3A_423] in [0] : vector<16xf32>, vector<16xi32> -> vector<16xf32>
            %gt3A_425 = arith.cmpf ogt, %gather3A_400, %get3A_161 : vector<16xf32>
            %eq3A_426 = arith.cmpf oeq, %gather3A_400, %get3A_161 : vector<16xf32>
            %le3A_427 = arith.cmpi sle, %gather3A_412, %get3A_163 : vector<16xi32>
            %and3A_428 = arith.andi %eq3A_426, %le3A_427 : vector<16xi1>
            %or3A_429 = arith.ori %gt3A_425, %and3A_428 : vector<16xi1>
            %jit3A_430 = arith.constant 0.000000e+00 : f32
            %broadcast_in_dim3A_431 = vector.broadcast %jit3A_430 : f32 to vector<16xf32>
            %select_n3A_432 = arith.select %or3A_429, %gather3A_424, %broadcast_in_dim3A_431 : vector<16xi1>, vector<16xf32>
            %add3A_433 = arith.addf %add3A_388, %select_n3A_432 : vector<16xf32>
            %broadcast_in_dim3A_434 = arith.constant 5 : i32
            %broadcast_in_dim3A_435 = vector.broadcast %broadcast_in_dim3A_434 : i32 to vector<16xi32>
            %lt3A_436 = arith.constant 0 : i32
            %lt3A_437 = vector.broadcast %lt3A_436 : i32 to vector<16xi32>
            %lt3A_438 = arith.cmpi slt, %broadcast_in_dim3A_435, %lt3A_437 : vector<16xi32>
            %add3A_439 = arith.constant 16 : i32
            %add3A_440 = vector.broadcast %add3A_439 : i32 to vector<16xi32>
            %add3A_441 = arith.addi %broadcast_in_dim3A_435, %add3A_440 : vector<16xi32>
            %select_n3A_442 = arith.select %lt3A_438, %add3A_441, %broadcast_in_dim3A_435 : vector<16xi1>, vector<16xi32>
            %reshape3A_443 = vector.shape_cast %select_n3A_442 : vector<16xi32> to vector<16x1xi32>
            %gather3A_444 = vector.shape_cast %reshape3A_443 : vector<16x1xi32> to vector<16xi32>
            %gather3A_445 = tpu.dynamic_gather %get3A_201[%gather3A_444] in [0] : vector<16xf32>, vector<16xi32> -> vector<16xf32>
            %broadcast_in_dim3A_446 = arith.constant 5 : i32
            %broadcast_in_dim3A_447 = vector.broadcast %broadcast_in_dim3A_446 : i32 to vector<16xi32>
            %lt3A_448 = arith.constant 0 : i32
            %lt3A_449 = vector.broadcast %lt3A_448 : i32 to vector<16xi32>
            %lt3A_450 = arith.cmpi slt, %broadcast_in_dim3A_447, %lt3A_449 : vector<16xi32>
            %add3A_451 = arith.constant 16 : i32
            %add3A_452 = vector.broadcast %add3A_451 : i32 to vector<16xi32>
            %add3A_453 = arith.addi %broadcast_in_dim3A_447, %add3A_452 : vector<16xi32>
            %select_n3A_454 = arith.select %lt3A_450, %add3A_453, %broadcast_in_dim3A_447 : vector<16xi1>, vector<16xi32>
            %reshape3A_455 = vector.shape_cast %select_n3A_454 : vector<16xi32> to vector<16x1xi32>
            %gather3A_456 = vector.shape_cast %reshape3A_455 : vector<16x1xi32> to vector<16xi32>
            %gather3A_457 = tpu.dynamic_gather %get3A_203[%gather3A_456] in [0] : vector<16xi32>, vector<16xi32> -> vector<16xi32>
            %broadcast_in_dim3A_458 = arith.constant 5 : i32
            %broadcast_in_dim3A_459 = vector.broadcast %broadcast_in_dim3A_458 : i32 to vector<16xi32>
            %lt3A_460 = arith.constant 0 : i32
            %lt3A_461 = vector.broadcast %lt3A_460 : i32 to vector<16xi32>
            %lt3A_462 = arith.cmpi slt, %broadcast_in_dim3A_459, %lt3A_461 : vector<16xi32>
            %add3A_463 = arith.constant 16 : i32
            %add3A_464 = vector.broadcast %add3A_463 : i32 to vector<16xi32>
            %add3A_465 = arith.addi %broadcast_in_dim3A_459, %add3A_464 : vector<16xi32>
            %select_n3A_466 = arith.select %lt3A_462, %add3A_465, %broadcast_in_dim3A_459 : vector<16xi1>, vector<16xi32>
            %reshape3A_467 = vector.shape_cast %select_n3A_466 : vector<16xi32> to vector<16x1xi32>
            %gather3A_468 = vector.shape_cast %reshape3A_467 : vector<16x1xi32> to vector<16xi32>
            %gather3A_469 = tpu.dynamic_gather %select_n3A_214[%gather3A_468] in [0] : vector<16xf32>, vector<16xi32> -> vector<16xf32>
            %gt3A_470 = arith.cmpf ogt, %gather3A_445, %get3A_161 : vector<16xf32>
            %eq3A_471 = arith.cmpf oeq, %gather3A_445, %get3A_161 : vector<16xf32>
            %le3A_472 = arith.cmpi sle, %gather3A_457, %get3A_163 : vector<16xi32>
            %and3A_473 = arith.andi %eq3A_471, %le3A_472 : vector<16xi1>
            %or3A_474 = arith.ori %gt3A_470, %and3A_473 : vector<16xi1>
            %jit3A_475 = arith.constant 0.000000e+00 : f32
            %broadcast_in_dim3A_476 = vector.broadcast %jit3A_475 : f32 to vector<16xf32>
            %select_n3A_477 = arith.select %or3A_474, %gather3A_469, %broadcast_in_dim3A_476 : vector<16xi1>, vector<16xf32>
            %add3A_478 = arith.addf %add3A_433, %select_n3A_477 : vector<16xf32>
            %broadcast_in_dim3A_479 = arith.constant 6 : i32
            %broadcast_in_dim3A_480 = vector.broadcast %broadcast_in_dim3A_479 : i32 to vector<16xi32>
            %lt3A_481 = arith.constant 0 : i32
            %lt3A_482 = vector.broadcast %lt3A_481 : i32 to vector<16xi32>
            %lt3A_483 = arith.cmpi slt, %broadcast_in_dim3A_480, %lt3A_482 : vector<16xi32>
            %add3A_484 = arith.constant 16 : i32
            %add3A_485 = vector.broadcast %add3A_484 : i32 to vector<16xi32>
            %add3A_486 = arith.addi %broadcast_in_dim3A_480, %add3A_485 : vector<16xi32>
            %select_n3A_487 = arith.select %lt3A_483, %add3A_486, %broadcast_in_dim3A_480 : vector<16xi1>, vector<16xi32>
            %reshape3A_488 = vector.shape_cast %select_n3A_487 : vector<16xi32> to vector<16x1xi32>
            %gather3A_489 = vector.shape_cast %reshape3A_488 : vector<16x1xi32> to vector<16xi32>
            %gather3A_490 = tpu.dynamic_gather %get3A_201[%gather3A_489] in [0] : vector<16xf32>, vector<16xi32> -> vector<16xf32>
            %broadcast_in_dim3A_491 = arith.constant 6 : i32
            %broadcast_in_dim3A_492 = vector.broadcast %broadcast_in_dim3A_491 : i32 to vector<16xi32>
            %lt3A_493 = arith.constant 0 : i32
            %lt3A_494 = vector.broadcast %lt3A_493 : i32 to vector<16xi32>
            %lt3A_495 = arith.cmpi slt, %broadcast_in_dim3A_492, %lt3A_494 : vector<16xi32>
            %add3A_496 = arith.constant 16 : i32
            %add3A_497 = vector.broadcast %add3A_496 : i32 to vector<16xi32>
            %add3A_498 = arith.addi %broadcast_in_dim3A_492, %add3A_497 : vector<16xi32>
            %select_n3A_499 = arith.select %lt3A_495, %add3A_498, %broadcast_in_dim3A_492 : vector<16xi1>, vector<16xi32>
            %reshape3A_500 = vector.shape_cast %select_n3A_499 : vector<16xi32> to vector<16x1xi32>
            %gather3A_501 = vector.shape_cast %reshape3A_500 : vector<16x1xi32> to vector<16xi32>
            %gather3A_502 = tpu.dynamic_gather %get3A_203[%gather3A_501] in [0] : vector<16xi32>, vector<16xi32> -> vector<16xi32>
            %broadcast_in_dim3A_503 = arith.constant 6 : i32
            %broadcast_in_dim3A_504 = vector.broadcast %broadcast_in_dim3A_503 : i32 to vector<16xi32>
            %lt3A_505 = arith.constant 0 : i32
            %lt3A_506 = vector.broadcast %lt3A_505 : i32 to vector<16xi32>
            %lt3A_507 = arith.cmpi slt, %broadcast_in_dim3A_504, %lt3A_506 : vector<16xi32>
            %add3A_508 = arith.constant 16 : i32
            %add3A_509 = vector.broadcast %add3A_508 : i32 to vector<16xi32>
            %add3A_510 = arith.addi %broadcast_in_dim3A_504, %add3A_509 : vector<16xi32>
            %select_n3A_511 = arith.select %lt3A_507, %add3A_510, %broadcast_in_dim3A_504 : vector<16xi1>, vector<16xi32>
            %reshape3A_512 = vector.shape_cast %select_n3A_511 : vector<16xi32> to vector<16x1xi32>
            %gather3A_513 = vector.shape_cast %reshape3A_512 : vector<16x1xi32> to vector<16xi32>
            %gather3A_514 = tpu.dynamic_gather %select_n3A_214[%gather3A_513] in [0] : vector<16xf32>, vector<16xi32> -> vector<16xf32>
            %gt3A_515 = arith.cmpf ogt, %gather3A_490, %get3A_161 : vector<16xf32>
            %eq3A_516 = arith.cmpf oeq, %gather3A_490, %get3A_161 : vector<16xf32>
            %le3A_517 = arith.cmpi sle, %gather3A_502, %get3A_163 : vector<16xi32>
            %and3A_518 = arith.andi %eq3A_516, %le3A_517 : vector<16xi1>
            %or3A_519 = arith.ori %gt3A_515, %and3A_518 : vector<16xi1>
            %jit3A_520 = arith.constant 0.000000e+00 : f32
            %broadcast_in_dim3A_521 = vector.broadcast %jit3A_520 : f32 to vector<16xf32>
            %select_n3A_522 = arith.select %or3A_519, %gather3A_514, %broadcast_in_dim3A_521 : vector<16xi1>, vector<16xf32>
            %add3A_523 = arith.addf %add3A_478, %select_n3A_522 : vector<16xf32>
            %broadcast_in_dim3A_524 = arith.constant 7 : i32
            %broadcast_in_dim3A_525 = vector.broadcast %broadcast_in_dim3A_524 : i32 to vector<16xi32>
            %lt3A_526 = arith.constant 0 : i32
            %lt3A_527 = vector.broadcast %lt3A_526 : i32 to vector<16xi32>
            %lt3A_528 = arith.cmpi slt, %broadcast_in_dim3A_525, %lt3A_527 : vector<16xi32>
            %add3A_529 = arith.constant 16 : i32
            %add3A_530 = vector.broadcast %add3A_529 : i32 to vector<16xi32>
            %add3A_531 = arith.addi %broadcast_in_dim3A_525, %add3A_530 : vector<16xi32>
            %select_n3A_532 = arith.select %lt3A_528, %add3A_531, %broadcast_in_dim3A_525 : vector<16xi1>, vector<16xi32>
            %reshape3A_533 = vector.shape_cast %select_n3A_532 : vector<16xi32> to vector<16x1xi32>
            %gather3A_534 = vector.shape_cast %reshape3A_533 : vector<16x1xi32> to vector<16xi32>
            %gather3A_535 = tpu.dynamic_gather %get3A_201[%gather3A_534] in [0] : vector<16xf32>, vector<16xi32> -> vector<16xf32>
            %broadcast_in_dim3A_536 = arith.constant 7 : i32
            %broadcast_in_dim3A_537 = vector.broadcast %broadcast_in_dim3A_536 : i32 to vector<16xi32>
            %lt3A_538 = arith.constant 0 : i32
            %lt3A_539 = vector.broadcast %lt3A_538 : i32 to vector<16xi32>
            %lt3A_540 = arith.cmpi slt, %broadcast_in_dim3A_537, %lt3A_539 : vector<16xi32>
            %add3A_541 = arith.constant 16 : i32
            %add3A_542 = vector.broadcast %add3A_541 : i32 to vector<16xi32>
            %add3A_543 = arith.addi %broadcast_in_dim3A_537, %add3A_542 : vector<16xi32>
            %select_n3A_544 = arith.select %lt3A_540, %add3A_543, %broadcast_in_dim3A_537 : vector<16xi1>, vector<16xi32>
            %reshape3A_545 = vector.shape_cast %select_n3A_544 : vector<16xi32> to vector<16x1xi32>
            %gather3A_546 = vector.shape_cast %reshape3A_545 : vector<16x1xi32> to vector<16xi32>
            %gather3A_547 = tpu.dynamic_gather %get3A_203[%gather3A_546] in [0] : vector<16xi32>, vector<16xi32> -> vector<16xi32>
            %broadcast_in_dim3A_548 = arith.constant 7 : i32
            %broadcast_in_dim3A_549 = vector.broadcast %broadcast_in_dim3A_548 : i32 to vector<16xi32>
            %lt3A_550 = arith.constant 0 : i32
            %lt3A_551 = vector.broadcast %lt3A_550 : i32 to vector<16xi32>
            %lt3A_552 = arith.cmpi slt, %broadcast_in_dim3A_549, %lt3A_551 : vector<16xi32>
            %add3A_553 = arith.constant 16 : i32
            %add3A_554 = vector.broadcast %add3A_553 : i32 to vector<16xi32>
            %add3A_555 = arith.addi %broadcast_in_dim3A_549, %add3A_554 : vector<16xi32>
            %select_n3A_556 = arith.select %lt3A_552, %add3A_555, %broadcast_in_dim3A_549 : vector<16xi1>, vector<16xi32>
            %reshape3A_557 = vector.shape_cast %select_n3A_556 : vector<16xi32> to vector<16x1xi32>
            %gather3A_558 = vector.shape_cast %reshape3A_557 : vector<16x1xi32> to vector<16xi32>
            %gather3A_559 = tpu.dynamic_gather %select_n3A_214[%gather3A_558] in [0] : vector<16xf32>, vector<16xi32> -> vector<16xf32>
            %gt3A_560 = arith.cmpf ogt, %gather3A_535, %get3A_161 : vector<16xf32>
            %eq3A_561 = arith.cmpf oeq, %gather3A_535, %get3A_161 : vector<16xf32>
            %le3A_562 = arith.cmpi sle, %gather3A_547, %get3A_163 : vector<16xi32>
            %and3A_563 = arith.andi %eq3A_561, %le3A_562 : vector<16xi1>
            %or3A_564 = arith.ori %gt3A_560, %and3A_563 : vector<16xi1>
            %jit3A_565 = arith.constant 0.000000e+00 : f32
            %broadcast_in_dim3A_566 = vector.broadcast %jit3A_565 : f32 to vector<16xf32>
            %select_n3A_567 = arith.select %or3A_564, %gather3A_559, %broadcast_in_dim3A_566 : vector<16xi1>, vector<16xf32>
            %add3A_568 = arith.addf %add3A_523, %select_n3A_567 : vector<16xf32>
            %broadcast_in_dim3A_569 = arith.constant 8 : i32
            %broadcast_in_dim3A_570 = vector.broadcast %broadcast_in_dim3A_569 : i32 to vector<16xi32>
            %lt3A_571 = arith.constant 0 : i32
            %lt3A_572 = vector.broadcast %lt3A_571 : i32 to vector<16xi32>
            %lt3A_573 = arith.cmpi slt, %broadcast_in_dim3A_570, %lt3A_572 : vector<16xi32>
            %add3A_574 = arith.constant 16 : i32
            %add3A_575 = vector.broadcast %add3A_574 : i32 to vector<16xi32>
            %add3A_576 = arith.addi %broadcast_in_dim3A_570, %add3A_575 : vector<16xi32>
            %select_n3A_577 = arith.select %lt3A_573, %add3A_576, %broadcast_in_dim3A_570 : vector<16xi1>, vector<16xi32>
            %reshape3A_578 = vector.shape_cast %select_n3A_577 : vector<16xi32> to vector<16x1xi32>
            %gather3A_579 = vector.shape_cast %reshape3A_578 : vector<16x1xi32> to vector<16xi32>
            %gather3A_580 = tpu.dynamic_gather %get3A_201[%gather3A_579] in [0] : vector<16xf32>, vector<16xi32> -> vector<16xf32>
            %broadcast_in_dim3A_581 = arith.constant 8 : i32
            %broadcast_in_dim3A_582 = vector.broadcast %broadcast_in_dim3A_581 : i32 to vector<16xi32>
            %lt3A_583 = arith.constant 0 : i32
            %lt3A_584 = vector.broadcast %lt3A_583 : i32 to vector<16xi32>
            %lt3A_585 = arith.cmpi slt, %broadcast_in_dim3A_582, %lt3A_584 : vector<16xi32>
            %add3A_586 = arith.constant 16 : i32
            %add3A_587 = vector.broadcast %add3A_586 : i32 to vector<16xi32>
            %add3A_588 = arith.addi %broadcast_in_dim3A_582, %add3A_587 : vector<16xi32>
            %select_n3A_589 = arith.select %lt3A_585, %add3A_588, %broadcast_in_dim3A_582 : vector<16xi1>, vector<16xi32>
            %reshape3A_590 = vector.shape_cast %select_n3A_589 : vector<16xi32> to vector<16x1xi32>
            %gather3A_591 = vector.shape_cast %reshape3A_590 : vector<16x1xi32> to vector<16xi32>
            %gather3A_592 = tpu.dynamic_gather %get3A_203[%gather3A_591] in [0] : vector<16xi32>, vector<16xi32> -> vector<16xi32>
            %broadcast_in_dim3A_593 = arith.constant 8 : i32
            %broadcast_in_dim3A_594 = vector.broadcast %broadcast_in_dim3A_593 : i32 to vector<16xi32>
            %lt3A_595 = arith.constant 0 : i32
            %lt3A_596 = vector.broadcast %lt3A_595 : i32 to vector<16xi32>
            %lt3A_597 = arith.cmpi slt, %broadcast_in_dim3A_594, %lt3A_596 : vector<16xi32>
            %add3A_598 = arith.constant 16 : i32
            %add3A_599 = vector.broadcast %add3A_598 : i32 to vector<16xi32>
            %add3A_600 = arith.addi %broadcast_in_dim3A_594, %add3A_599 : vector<16xi32>
            %select_n3A_601 = arith.select %lt3A_597, %add3A_600, %broadcast_in_dim3A_594 : vector<16xi1>, vector<16xi32>
            %reshape3A_602 = vector.shape_cast %select_n3A_601 : vector<16xi32> to vector<16x1xi32>
            %gather3A_603 = vector.shape_cast %reshape3A_602 : vector<16x1xi32> to vector<16xi32>
            %gather3A_604 = tpu.dynamic_gather %select_n3A_214[%gather3A_603] in [0] : vector<16xf32>, vector<16xi32> -> vector<16xf32>
            %gt3A_605 = arith.cmpf ogt, %gather3A_580, %get3A_161 : vector<16xf32>
            %eq3A_606 = arith.cmpf oeq, %gather3A_580, %get3A_161 : vector<16xf32>
            %le3A_607 = arith.cmpi sle, %gather3A_592, %get3A_163 : vector<16xi32>
            %and3A_608 = arith.andi %eq3A_606, %le3A_607 : vector<16xi1>
            %or3A_609 = arith.ori %gt3A_605, %and3A_608 : vector<16xi1>
            %jit3A_610 = arith.constant 0.000000e+00 : f32
            %broadcast_in_dim3A_611 = vector.broadcast %jit3A_610 : f32 to vector<16xf32>
            %select_n3A_612 = arith.select %or3A_609, %gather3A_604, %broadcast_in_dim3A_611 : vector<16xi1>, vector<16xf32>
            %add3A_613 = arith.addf %add3A_568, %select_n3A_612 : vector<16xf32>
            %broadcast_in_dim3A_614 = arith.constant 9 : i32
            %broadcast_in_dim3A_615 = vector.broadcast %broadcast_in_dim3A_614 : i32 to vector<16xi32>
            %lt3A_616 = arith.constant 0 : i32
            %lt3A_617 = vector.broadcast %lt3A_616 : i32 to vector<16xi32>
            %lt3A_618 = arith.cmpi slt, %broadcast_in_dim3A_615, %lt3A_617 : vector<16xi32>
            %add3A_619 = arith.constant 16 : i32
            %add3A_620 = vector.broadcast %add3A_619 : i32 to vector<16xi32>
            %add3A_621 = arith.addi %broadcast_in_dim3A_615, %add3A_620 : vector<16xi32>
            %select_n3A_622 = arith.select %lt3A_618, %add3A_621, %broadcast_in_dim3A_615 : vector<16xi1>, vector<16xi32>
            %reshape3A_623 = vector.shape_cast %select_n3A_622 : vector<16xi32> to vector<16x1xi32>
            %gather3A_624 = vector.shape_cast %reshape3A_623 : vector<16x1xi32> to vector<16xi32>
            %gather3A_625 = tpu.dynamic_gather %get3A_201[%gather3A_624] in [0] : vector<16xf32>, vector<16xi32> -> vector<16xf32>
            %broadcast_in_dim3A_626 = arith.constant 9 : i32
            %broadcast_in_dim3A_627 = vector.broadcast %broadcast_in_dim3A_626 : i32 to vector<16xi32>
            %lt3A_628 = arith.constant 0 : i32
            %lt3A_629 = vector.broadcast %lt3A_628 : i32 to vector<16xi32>
            %lt3A_630 = arith.cmpi slt, %broadcast_in_dim3A_627, %lt3A_629 : vector<16xi32>
            %add3A_631 = arith.constant 16 : i32
            %add3A_632 = vector.broadcast %add3A_631 : i32 to vector<16xi32>
            %add3A_633 = arith.addi %broadcast_in_dim3A_627, %add3A_632 : vector<16xi32>
            %select_n3A_634 = arith.select %lt3A_630, %add3A_633, %broadcast_in_dim3A_627 : vector<16xi1>, vector<16xi32>
            %reshape3A_635 = vector.shape_cast %select_n3A_634 : vector<16xi32> to vector<16x1xi32>
            %gather3A_636 = vector.shape_cast %reshape3A_635 : vector<16x1xi32> to vector<16xi32>
            %gather3A_637 = tpu.dynamic_gather %get3A_203[%gather3A_636] in [0] : vector<16xi32>, vector<16xi32> -> vector<16xi32>
            %broadcast_in_dim3A_638 = arith.constant 9 : i32
            %broadcast_in_dim3A_639 = vector.broadcast %broadcast_in_dim3A_638 : i32 to vector<16xi32>
            %lt3A_640 = arith.constant 0 : i32
            %lt3A_641 = vector.broadcast %lt3A_640 : i32 to vector<16xi32>
            %lt3A_642 = arith.cmpi slt, %broadcast_in_dim3A_639, %lt3A_641 : vector<16xi32>
            %add3A_643 = arith.constant 16 : i32
            %add3A_644 = vector.broadcast %add3A_643 : i32 to vector<16xi32>
            %add3A_645 = arith.addi %broadcast_in_dim3A_639, %add3A_644 : vector<16xi32>
            %select_n3A_646 = arith.select %lt3A_642, %add3A_645, %broadcast_in_dim3A_639 : vector<16xi1>, vector<16xi32>
            %reshape3A_647 = vector.shape_cast %select_n3A_646 : vector<16xi32> to vector<16x1xi32>
            %gather3A_648 = vector.shape_cast %reshape3A_647 : vector<16x1xi32> to vector<16xi32>
            %gather3A_649 = tpu.dynamic_gather %select_n3A_214[%gather3A_648] in [0] : vector<16xf32>, vector<16xi32> -> vector<16xf32>
            %gt3A_650 = arith.cmpf ogt, %gather3A_625, %get3A_161 : vector<16xf32>
            %eq3A_651 = arith.cmpf oeq, %gather3A_625, %get3A_161 : vector<16xf32>
            %le3A_652 = arith.cmpi sle, %gather3A_637, %get3A_163 : vector<16xi32>
            %and3A_653 = arith.andi %eq3A_651, %le3A_652 : vector<16xi1>
            %or3A_654 = arith.ori %gt3A_650, %and3A_653 : vector<16xi1>
            %jit3A_655 = arith.constant 0.000000e+00 : f32
            %broadcast_in_dim3A_656 = vector.broadcast %jit3A_655 : f32 to vector<16xf32>
            %select_n3A_657 = arith.select %or3A_654, %gather3A_649, %broadcast_in_dim3A_656 : vector<16xi1>, vector<16xf32>
            %add3A_658 = arith.addf %add3A_613, %select_n3A_657 : vector<16xf32>
            %broadcast_in_dim3A_659 = arith.constant 10 : i32
            %broadcast_in_dim3A_660 = vector.broadcast %broadcast_in_dim3A_659 : i32 to vector<16xi32>
            %lt3A_661 = arith.constant 0 : i32
            %lt3A_662 = vector.broadcast %lt3A_661 : i32 to vector<16xi32>
            %lt3A_663 = arith.cmpi slt, %broadcast_in_dim3A_660, %lt3A_662 : vector<16xi32>
            %add3A_664 = arith.constant 16 : i32
            %add3A_665 = vector.broadcast %add3A_664 : i32 to vector<16xi32>
            %add3A_666 = arith.addi %broadcast_in_dim3A_660, %add3A_665 : vector<16xi32>
            %select_n3A_667 = arith.select %lt3A_663, %add3A_666, %broadcast_in_dim3A_660 : vector<16xi1>, vector<16xi32>
            %reshape3A_668 = vector.shape_cast %select_n3A_667 : vector<16xi32> to vector<16x1xi32>
            %gather3A_669 = vector.shape_cast %reshape3A_668 : vector<16x1xi32> to vector<16xi32>
            %gather3A_670 = tpu.dynamic_gather %get3A_201[%gather3A_669] in [0] : vector<16xf32>, vector<16xi32> -> vector<16xf32>
            %broadcast_in_dim3A_671 = arith.constant 10 : i32
            %broadcast_in_dim3A_672 = vector.broadcast %broadcast_in_dim3A_671 : i32 to vector<16xi32>
            %lt3A_673 = arith.constant 0 : i32
            %lt3A_674 = vector.broadcast %lt3A_673 : i32 to vector<16xi32>
            %lt3A_675 = arith.cmpi slt, %broadcast_in_dim3A_672, %lt3A_674 : vector<16xi32>
            %add3A_676 = arith.constant 16 : i32
            %add3A_677 = vector.broadcast %add3A_676 : i32 to vector<16xi32>
            %add3A_678 = arith.addi %broadcast_in_dim3A_672, %add3A_677 : vector<16xi32>
            %select_n3A_679 = arith.select %lt3A_675, %add3A_678, %broadcast_in_dim3A_672 : vector<16xi1>, vector<16xi32>
            %reshape3A_680 = vector.shape_cast %select_n3A_679 : vector<16xi32> to vector<16x1xi32>
            %gather3A_681 = vector.shape_cast %reshape3A_680 : vector<16x1xi32> to vector<16xi32>
            %gather3A_682 = tpu.dynamic_gather %get3A_203[%gather3A_681] in [0] : vector<16xi32>, vector<16xi32> -> vector<16xi32>
            %broadcast_in_dim3A_683 = arith.constant 10 : i32
            %broadcast_in_dim3A_684 = vector.broadcast %broadcast_in_dim3A_683 : i32 to vector<16xi32>
            %lt3A_685 = arith.constant 0 : i32
            %lt3A_686 = vector.broadcast %lt3A_685 : i32 to vector<16xi32>
            %lt3A_687 = arith.cmpi slt, %broadcast_in_dim3A_684, %lt3A_686 : vector<16xi32>
            %add3A_688 = arith.constant 16 : i32
            %add3A_689 = vector.broadcast %add3A_688 : i32 to vector<16xi32>
            %add3A_690 = arith.addi %broadcast_in_dim3A_684, %add3A_689 : vector<16xi32>
            %select_n3A_691 = arith.select %lt3A_687, %add3A_690, %broadcast_in_dim3A_684 : vector<16xi1>, vector<16xi32>
            %reshape3A_692 = vector.shape_cast %select_n3A_691 : vector<16xi32> to vector<16x1xi32>
            %gather3A_693 = vector.shape_cast %reshape3A_692 : vector<16x1xi32> to vector<16xi32>
            %gather3A_694 = tpu.dynamic_gather %select_n3A_214[%gather3A_693] in [0] : vector<16xf32>, vector<16xi32> -> vector<16xf32>
            %gt3A_695 = arith.cmpf ogt, %gather3A_670, %get3A_161 : vector<16xf32>
            %eq3A_696 = arith.cmpf oeq, %gather3A_670, %get3A_161 : vector<16xf32>
            %le3A_697 = arith.cmpi sle, %gather3A_682, %get3A_163 : vector<16xi32>
            %and3A_698 = arith.andi %eq3A_696, %le3A_697 : vector<16xi1>
            %or3A_699 = arith.ori %gt3A_695, %and3A_698 : vector<16xi1>
            %jit3A_700 = arith.constant 0.000000e+00 : f32
            %broadcast_in_dim3A_701 = vector.broadcast %jit3A_700 : f32 to vector<16xf32>
            %select_n3A_702 = arith.select %or3A_699, %gather3A_694, %broadcast_in_dim3A_701 : vector<16xi1>, vector<16xf32>
            %add3A_703 = arith.addf %add3A_658, %select_n3A_702 : vector<16xf32>
            %broadcast_in_dim3A_704 = arith.constant 11 : i32
            %broadcast_in_dim3A_705 = vector.broadcast %broadcast_in_dim3A_704 : i32 to vector<16xi32>
            %lt3A_706 = arith.constant 0 : i32
            %lt3A_707 = vector.broadcast %lt3A_706 : i32 to vector<16xi32>
            %lt3A_708 = arith.cmpi slt, %broadcast_in_dim3A_705, %lt3A_707 : vector<16xi32>
            %add3A_709 = arith.constant 16 : i32
            %add3A_710 = vector.broadcast %add3A_709 : i32 to vector<16xi32>
            %add3A_711 = arith.addi %broadcast_in_dim3A_705, %add3A_710 : vector<16xi32>
            %select_n3A_712 = arith.select %lt3A_708, %add3A_711, %broadcast_in_dim3A_705 : vector<16xi1>, vector<16xi32>
            %reshape3A_713 = vector.shape_cast %select_n3A_712 : vector<16xi32> to vector<16x1xi32>
            %gather3A_714 = vector.shape_cast %reshape3A_713 : vector<16x1xi32> to vector<16xi32>
            %gather3A_715 = tpu.dynamic_gather %get3A_201[%gather3A_714] in [0] : vector<16xf32>, vector<16xi32> -> vector<16xf32>
            %broadcast_in_dim3A_716 = arith.constant 11 : i32
            %broadcast_in_dim3A_717 = vector.broadcast %broadcast_in_dim3A_716 : i32 to vector<16xi32>
            %lt3A_718 = arith.constant 0 : i32
            %lt3A_719 = vector.broadcast %lt3A_718 : i32 to vector<16xi32>
            %lt3A_720 = arith.cmpi slt, %broadcast_in_dim3A_717, %lt3A_719 : vector<16xi32>
            %add3A_721 = arith.constant 16 : i32
            %add3A_722 = vector.broadcast %add3A_721 : i32 to vector<16xi32>
            %add3A_723 = arith.addi %broadcast_in_dim3A_717, %add3A_722 : vector<16xi32>
            %select_n3A_724 = arith.select %lt3A_720, %add3A_723, %broadcast_in_dim3A_717 : vector<16xi1>, vector<16xi32>
            %reshape3A_725 = vector.shape_cast %select_n3A_724 : vector<16xi32> to vector<16x1xi32>
            %gather3A_726 = vector.shape_cast %reshape3A_725 : vector<16x1xi32> to vector<16xi32>
            %gather3A_727 = tpu.dynamic_gather %get3A_203[%gather3A_726] in [0] : vector<16xi32>, vector<16xi32> -> vector<16xi32>
            %broadcast_in_dim3A_728 = arith.constant 11 : i32
            %broadcast_in_dim3A_729 = vector.broadcast %broadcast_in_dim3A_728 : i32 to vector<16xi32>
            %lt3A_730 = arith.constant 0 : i32
            %lt3A_731 = vector.broadcast %lt3A_730 : i32 to vector<16xi32>
            %lt3A_732 = arith.cmpi slt, %broadcast_in_dim3A_729, %lt3A_731 : vector<16xi32>
            %add3A_733 = arith.constant 16 : i32
            %add3A_734 = vector.broadcast %add3A_733 : i32 to vector<16xi32>
            %add3A_735 = arith.addi %broadcast_in_dim3A_729, %add3A_734 : vector<16xi32>
            %select_n3A_736 = arith.select %lt3A_732, %add3A_735, %broadcast_in_dim3A_729 : vector<16xi1>, vector<16xi32>
            %reshape3A_737 = vector.shape_cast %select_n3A_736 : vector<16xi32> to vector<16x1xi32>
            %gather3A_738 = vector.shape_cast %reshape3A_737 : vector<16x1xi32> to vector<16xi32>
            %gather3A_739 = tpu.dynamic_gather %select_n3A_214[%gather3A_738] in [0] : vector<16xf32>, vector<16xi32> -> vector<16xf32>
            %gt3A_740 = arith.cmpf ogt, %gather3A_715, %get3A_161 : vector<16xf32>
            %eq3A_741 = arith.cmpf oeq, %gather3A_715, %get3A_161 : vector<16xf32>
            %le3A_742 = arith.cmpi sle, %gather3A_727, %get3A_163 : vector<16xi32>
            %and3A_743 = arith.andi %eq3A_741, %le3A_742 : vector<16xi1>
            %or3A_744 = arith.ori %gt3A_740, %and3A_743 : vector<16xi1>
            %jit3A_745 = arith.constant 0.000000e+00 : f32
            %broadcast_in_dim3A_746 = vector.broadcast %jit3A_745 : f32 to vector<16xf32>
            %select_n3A_747 = arith.select %or3A_744, %gather3A_739, %broadcast_in_dim3A_746 : vector<16xi1>, vector<16xf32>
            %add3A_748 = arith.addf %add3A_703, %select_n3A_747 : vector<16xf32>
            %broadcast_in_dim3A_749 = arith.constant 12 : i32
            %broadcast_in_dim3A_750 = vector.broadcast %broadcast_in_dim3A_749 : i32 to vector<16xi32>
            %lt3A_751 = arith.constant 0 : i32
            %lt3A_752 = vector.broadcast %lt3A_751 : i32 to vector<16xi32>
            %lt3A_753 = arith.cmpi slt, %broadcast_in_dim3A_750, %lt3A_752 : vector<16xi32>
            %add3A_754 = arith.constant 16 : i32
            %add3A_755 = vector.broadcast %add3A_754 : i32 to vector<16xi32>
            %add3A_756 = arith.addi %broadcast_in_dim3A_750, %add3A_755 : vector<16xi32>
            %select_n3A_757 = arith.select %lt3A_753, %add3A_756, %broadcast_in_dim3A_750 : vector<16xi1>, vector<16xi32>
            %reshape3A_758 = vector.shape_cast %select_n3A_757 : vector<16xi32> to vector<16x1xi32>
            %gather3A_759 = vector.shape_cast %reshape3A_758 : vector<16x1xi32> to vector<16xi32>
            %gather3A_760 = tpu.dynamic_gather %get3A_201[%gather3A_759] in [0] : vector<16xf32>, vector<16xi32> -> vector<16xf32>
            %broadcast_in_dim3A_761 = arith.constant 12 : i32
            %broadcast_in_dim3A_762 = vector.broadcast %broadcast_in_dim3A_761 : i32 to vector<16xi32>
            %lt3A_763 = arith.constant 0 : i32
            %lt3A_764 = vector.broadcast %lt3A_763 : i32 to vector<16xi32>
            %lt3A_765 = arith.cmpi slt, %broadcast_in_dim3A_762, %lt3A_764 : vector<16xi32>
            %add3A_766 = arith.constant 16 : i32
            %add3A_767 = vector.broadcast %add3A_766 : i32 to vector<16xi32>
            %add3A_768 = arith.addi %broadcast_in_dim3A_762, %add3A_767 : vector<16xi32>
            %select_n3A_769 = arith.select %lt3A_765, %add3A_768, %broadcast_in_dim3A_762 : vector<16xi1>, vector<16xi32>
            %reshape3A_770 = vector.shape_cast %select_n3A_769 : vector<16xi32> to vector<16x1xi32>
            %gather3A_771 = vector.shape_cast %reshape3A_770 : vector<16x1xi32> to vector<16xi32>
            %gather3A_772 = tpu.dynamic_gather %get3A_203[%gather3A_771] in [0] : vector<16xi32>, vector<16xi32> -> vector<16xi32>
            %broadcast_in_dim3A_773 = arith.constant 12 : i32
            %broadcast_in_dim3A_774 = vector.broadcast %broadcast_in_dim3A_773 : i32 to vector<16xi32>
            %lt3A_775 = arith.constant 0 : i32
            %lt3A_776 = vector.broadcast %lt3A_775 : i32 to vector<16xi32>
            %lt3A_777 = arith.cmpi slt, %broadcast_in_dim3A_774, %lt3A_776 : vector<16xi32>
            %add3A_778 = arith.constant 16 : i32
            %add3A_779 = vector.broadcast %add3A_778 : i32 to vector<16xi32>
            %add3A_780 = arith.addi %broadcast_in_dim3A_774, %add3A_779 : vector<16xi32>
            %select_n3A_781 = arith.select %lt3A_777, %add3A_780, %broadcast_in_dim3A_774 : vector<16xi1>, vector<16xi32>
            %reshape3A_782 = vector.shape_cast %select_n3A_781 : vector<16xi32> to vector<16x1xi32>
            %gather3A_783 = vector.shape_cast %reshape3A_782 : vector<16x1xi32> to vector<16xi32>
            %gather3A_784 = tpu.dynamic_gather %select_n3A_214[%gather3A_783] in [0] : vector<16xf32>, vector<16xi32> -> vector<16xf32>
            %gt3A_785 = arith.cmpf ogt, %gather3A_760, %get3A_161 : vector<16xf32>
            %eq3A_786 = arith.cmpf oeq, %gather3A_760, %get3A_161 : vector<16xf32>
            %le3A_787 = arith.cmpi sle, %gather3A_772, %get3A_163 : vector<16xi32>
            %and3A_788 = arith.andi %eq3A_786, %le3A_787 : vector<16xi1>
            %or3A_789 = arith.ori %gt3A_785, %and3A_788 : vector<16xi1>
            %jit3A_790 = arith.constant 0.000000e+00 : f32
            %broadcast_in_dim3A_791 = vector.broadcast %jit3A_790 : f32 to vector<16xf32>
            %select_n3A_792 = arith.select %or3A_789, %gather3A_784, %broadcast_in_dim3A_791 : vector<16xi1>, vector<16xf32>
            %add3A_793 = arith.addf %add3A_748, %select_n3A_792 : vector<16xf32>
            %broadcast_in_dim3A_794 = arith.constant 13 : i32
            %broadcast_in_dim3A_795 = vector.broadcast %broadcast_in_dim3A_794 : i32 to vector<16xi32>
            %lt3A_796 = arith.constant 0 : i32
            %lt3A_797 = vector.broadcast %lt3A_796 : i32 to vector<16xi32>
            %lt3A_798 = arith.cmpi slt, %broadcast_in_dim3A_795, %lt3A_797 : vector<16xi32>
            %add3A_799 = arith.constant 16 : i32
            %add3A_800 = vector.broadcast %add3A_799 : i32 to vector<16xi32>
            %add3A_801 = arith.addi %broadcast_in_dim3A_795, %add3A_800 : vector<16xi32>
            %select_n3A_802 = arith.select %lt3A_798, %add3A_801, %broadcast_in_dim3A_795 : vector<16xi1>, vector<16xi32>
            %reshape3A_803 = vector.shape_cast %select_n3A_802 : vector<16xi32> to vector<16x1xi32>
            %gather3A_804 = vector.shape_cast %reshape3A_803 : vector<16x1xi32> to vector<16xi32>
            %gather3A_805 = tpu.dynamic_gather %get3A_201[%gather3A_804] in [0] : vector<16xf32>, vector<16xi32> -> vector<16xf32>
            %broadcast_in_dim3A_806 = arith.constant 13 : i32
            %broadcast_in_dim3A_807 = vector.broadcast %broadcast_in_dim3A_806 : i32 to vector<16xi32>
            %lt3A_808 = arith.constant 0 : i32
            %lt3A_809 = vector.broadcast %lt3A_808 : i32 to vector<16xi32>
            %lt3A_810 = arith.cmpi slt, %broadcast_in_dim3A_807, %lt3A_809 : vector<16xi32>
            %add3A_811 = arith.constant 16 : i32
            %add3A_812 = vector.broadcast %add3A_811 : i32 to vector<16xi32>
            %add3A_813 = arith.addi %broadcast_in_dim3A_807, %add3A_812 : vector<16xi32>
            %select_n3A_814 = arith.select %lt3A_810, %add3A_813, %broadcast_in_dim3A_807 : vector<16xi1>, vector<16xi32>
            %reshape3A_815 = vector.shape_cast %select_n3A_814 : vector<16xi32> to vector<16x1xi32>
            %gather3A_816 = vector.shape_cast %reshape3A_815 : vector<16x1xi32> to vector<16xi32>
            %gather3A_817 = tpu.dynamic_gather %get3A_203[%gather3A_816] in [0] : vector<16xi32>, vector<16xi32> -> vector<16xi32>
            %broadcast_in_dim3A_818 = arith.constant 13 : i32
            %broadcast_in_dim3A_819 = vector.broadcast %broadcast_in_dim3A_818 : i32 to vector<16xi32>
            %lt3A_820 = arith.constant 0 : i32
            %lt3A_821 = vector.broadcast %lt3A_820 : i32 to vector<16xi32>
            %lt3A_822 = arith.cmpi slt, %broadcast_in_dim3A_819, %lt3A_821 : vector<16xi32>
            %add3A_823 = arith.constant 16 : i32
            %add3A_824 = vector.broadcast %add3A_823 : i32 to vector<16xi32>
            %add3A_825 = arith.addi %broadcast_in_dim3A_819, %add3A_824 : vector<16xi32>
            %select_n3A_826 = arith.select %lt3A_822, %add3A_825, %broadcast_in_dim3A_819 : vector<16xi1>, vector<16xi32>
            %reshape3A_827 = vector.shape_cast %select_n3A_826 : vector<16xi32> to vector<16x1xi32>
            %gather3A_828 = vector.shape_cast %reshape3A_827 : vector<16x1xi32> to vector<16xi32>
            %gather3A_829 = tpu.dynamic_gather %select_n3A_214[%gather3A_828] in [0] : vector<16xf32>, vector<16xi32> -> vector<16xf32>
            %gt3A_830 = arith.cmpf ogt, %gather3A_805, %get3A_161 : vector<16xf32>
            %eq3A_831 = arith.cmpf oeq, %gather3A_805, %get3A_161 : vector<16xf32>
            %le3A_832 = arith.cmpi sle, %gather3A_817, %get3A_163 : vector<16xi32>
            %and3A_833 = arith.andi %eq3A_831, %le3A_832 : vector<16xi1>
            %or3A_834 = arith.ori %gt3A_830, %and3A_833 : vector<16xi1>
            %jit3A_835 = arith.constant 0.000000e+00 : f32
            %broadcast_in_dim3A_836 = vector.broadcast %jit3A_835 : f32 to vector<16xf32>
            %select_n3A_837 = arith.select %or3A_834, %gather3A_829, %broadcast_in_dim3A_836 : vector<16xi1>, vector<16xf32>
            %add3A_838 = arith.addf %add3A_793, %select_n3A_837 : vector<16xf32>
            %broadcast_in_dim3A_839 = arith.constant 14 : i32
            %broadcast_in_dim3A_840 = vector.broadcast %broadcast_in_dim3A_839 : i32 to vector<16xi32>
            %lt3A_841 = arith.constant 0 : i32
            %lt3A_842 = vector.broadcast %lt3A_841 : i32 to vector<16xi32>
            %lt3A_843 = arith.cmpi slt, %broadcast_in_dim3A_840, %lt3A_842 : vector<16xi32>
            %add3A_844 = arith.constant 16 : i32
            %add3A_845 = vector.broadcast %add3A_844 : i32 to vector<16xi32>
            %add3A_846 = arith.addi %broadcast_in_dim3A_840, %add3A_845 : vector<16xi32>
            %select_n3A_847 = arith.select %lt3A_843, %add3A_846, %broadcast_in_dim3A_840 : vector<16xi1>, vector<16xi32>
            %reshape3A_848 = vector.shape_cast %select_n3A_847 : vector<16xi32> to vector<16x1xi32>
            %gather3A_849 = vector.shape_cast %reshape3A_848 : vector<16x1xi32> to vector<16xi32>
            %gather3A_850 = tpu.dynamic_gather %get3A_201[%gather3A_849] in [0] : vector<16xf32>, vector<16xi32> -> vector<16xf32>
            %broadcast_in_dim3A_851 = arith.constant 14 : i32
            %broadcast_in_dim3A_852 = vector.broadcast %broadcast_in_dim3A_851 : i32 to vector<16xi32>
            %lt3A_853 = arith.constant 0 : i32
            %lt3A_854 = vector.broadcast %lt3A_853 : i32 to vector<16xi32>
            %lt3A_855 = arith.cmpi slt, %broadcast_in_dim3A_852, %lt3A_854 : vector<16xi32>
            %add3A_856 = arith.constant 16 : i32
            %add3A_857 = vector.broadcast %add3A_856 : i32 to vector<16xi32>
            %add3A_858 = arith.addi %broadcast_in_dim3A_852, %add3A_857 : vector<16xi32>
            %select_n3A_859 = arith.select %lt3A_855, %add3A_858, %broadcast_in_dim3A_852 : vector<16xi1>, vector<16xi32>
            %reshape3A_860 = vector.shape_cast %select_n3A_859 : vector<16xi32> to vector<16x1xi32>
            %gather3A_861 = vector.shape_cast %reshape3A_860 : vector<16x1xi32> to vector<16xi32>
            %gather3A_862 = tpu.dynamic_gather %get3A_203[%gather3A_861] in [0] : vector<16xi32>, vector<16xi32> -> vector<16xi32>
            %broadcast_in_dim3A_863 = arith.constant 14 : i32
            %broadcast_in_dim3A_864 = vector.broadcast %broadcast_in_dim3A_863 : i32 to vector<16xi32>
            %lt3A_865 = arith.constant 0 : i32
            %lt3A_866 = vector.broadcast %lt3A_865 : i32 to vector<16xi32>
            %lt3A_867 = arith.cmpi slt, %broadcast_in_dim3A_864, %lt3A_866 : vector<16xi32>
            %add3A_868 = arith.constant 16 : i32
            %add3A_869 = vector.broadcast %add3A_868 : i32 to vector<16xi32>
            %add3A_870 = arith.addi %broadcast_in_dim3A_864, %add3A_869 : vector<16xi32>
            %select_n3A_871 = arith.select %lt3A_867, %add3A_870, %broadcast_in_dim3A_864 : vector<16xi1>, vector<16xi32>
            %reshape3A_872 = vector.shape_cast %select_n3A_871 : vector<16xi32> to vector<16x1xi32>
            %gather3A_873 = vector.shape_cast %reshape3A_872 : vector<16x1xi32> to vector<16xi32>
            %gather3A_874 = tpu.dynamic_gather %select_n3A_214[%gather3A_873] in [0] : vector<16xf32>, vector<16xi32> -> vector<16xf32>
            %gt3A_875 = arith.cmpf ogt, %gather3A_850, %get3A_161 : vector<16xf32>
            %eq3A_876 = arith.cmpf oeq, %gather3A_850, %get3A_161 : vector<16xf32>
            %le3A_877 = arith.cmpi sle, %gather3A_862, %get3A_163 : vector<16xi32>
            %and3A_878 = arith.andi %eq3A_876, %le3A_877 : vector<16xi1>
            %or3A_879 = arith.ori %gt3A_875, %and3A_878 : vector<16xi1>
            %jit3A_880 = arith.constant 0.000000e+00 : f32
            %broadcast_in_dim3A_881 = vector.broadcast %jit3A_880 : f32 to vector<16xf32>
            %select_n3A_882 = arith.select %or3A_879, %gather3A_874, %broadcast_in_dim3A_881 : vector<16xi1>, vector<16xf32>
            %add3A_883 = arith.addf %add3A_838, %select_n3A_882 : vector<16xf32>
            %broadcast_in_dim3A_884 = arith.constant 15 : i32
            %broadcast_in_dim3A_885 = vector.broadcast %broadcast_in_dim3A_884 : i32 to vector<16xi32>
            %lt3A_886 = arith.constant 0 : i32
            %lt3A_887 = vector.broadcast %lt3A_886 : i32 to vector<16xi32>
            %lt3A_888 = arith.cmpi slt, %broadcast_in_dim3A_885, %lt3A_887 : vector<16xi32>
            %add3A_889 = arith.constant 16 : i32
            %add3A_890 = vector.broadcast %add3A_889 : i32 to vector<16xi32>
            %add3A_891 = arith.addi %broadcast_in_dim3A_885, %add3A_890 : vector<16xi32>
            %select_n3A_892 = arith.select %lt3A_888, %add3A_891, %broadcast_in_dim3A_885 : vector<16xi1>, vector<16xi32>
            %reshape3A_893 = vector.shape_cast %select_n3A_892 : vector<16xi32> to vector<16x1xi32>
            %gather3A_894 = vector.shape_cast %reshape3A_893 : vector<16x1xi32> to vector<16xi32>
            %gather3A_895 = tpu.dynamic_gather %get3A_201[%gather3A_894] in [0] : vector<16xf32>, vector<16xi32> -> vector<16xf32>
            %broadcast_in_dim3A_896 = arith.constant 15 : i32
            %broadcast_in_dim3A_897 = vector.broadcast %broadcast_in_dim3A_896 : i32 to vector<16xi32>
            %lt3A_898 = arith.constant 0 : i32
            %lt3A_899 = vector.broadcast %lt3A_898 : i32 to vector<16xi32>
            %lt3A_900 = arith.cmpi slt, %broadcast_in_dim3A_897, %lt3A_899 : vector<16xi32>
            %add3A_901 = arith.constant 16 : i32
            %add3A_902 = vector.broadcast %add3A_901 : i32 to vector<16xi32>
            %add3A_903 = arith.addi %broadcast_in_dim3A_897, %add3A_902 : vector<16xi32>
            %select_n3A_904 = arith.select %lt3A_900, %add3A_903, %broadcast_in_dim3A_897 : vector<16xi1>, vector<16xi32>
            %reshape3A_905 = vector.shape_cast %select_n3A_904 : vector<16xi32> to vector<16x1xi32>
            %gather3A_906 = vector.shape_cast %reshape3A_905 : vector<16x1xi32> to vector<16xi32>
            %gather3A_907 = tpu.dynamic_gather %get3A_203[%gather3A_906] in [0] : vector<16xi32>, vector<16xi32> -> vector<16xi32>
            %broadcast_in_dim3A_908 = arith.constant 15 : i32
            %broadcast_in_dim3A_909 = vector.broadcast %broadcast_in_dim3A_908 : i32 to vector<16xi32>
            %lt3A_910 = arith.constant 0 : i32
            %lt3A_911 = vector.broadcast %lt3A_910 : i32 to vector<16xi32>
            %lt3A_912 = arith.cmpi slt, %broadcast_in_dim3A_909, %lt3A_911 : vector<16xi32>
            %add3A_913 = arith.constant 16 : i32
            %add3A_914 = vector.broadcast %add3A_913 : i32 to vector<16xi32>
            %add3A_915 = arith.addi %broadcast_in_dim3A_909, %add3A_914 : vector<16xi32>
            %select_n3A_916 = arith.select %lt3A_912, %add3A_915, %broadcast_in_dim3A_909 : vector<16xi1>, vector<16xi32>
            %reshape3A_917 = vector.shape_cast %select_n3A_916 : vector<16xi32> to vector<16x1xi32>
            %gather3A_918 = vector.shape_cast %reshape3A_917 : vector<16x1xi32> to vector<16xi32>
            %gather3A_919 = tpu.dynamic_gather %select_n3A_214[%gather3A_918] in [0] : vector<16xf32>, vector<16xi32> -> vector<16xf32>
            %gt3A_920 = arith.cmpf ogt, %gather3A_895, %get3A_161 : vector<16xf32>
            %eq3A_921 = arith.cmpf oeq, %gather3A_895, %get3A_161 : vector<16xf32>
            %le3A_922 = arith.cmpi sle, %gather3A_907, %get3A_163 : vector<16xi32>
            %and3A_923 = arith.andi %eq3A_921, %le3A_922 : vector<16xi1>
            %or3A_924 = arith.ori %gt3A_920, %and3A_923 : vector<16xi1>
            %jit3A_925 = arith.constant 0.000000e+00 : f32
            %broadcast_in_dim3A_926 = vector.broadcast %jit3A_925 : f32 to vector<16xf32>
            %select_n3A_927 = arith.select %or3A_924, %gather3A_919, %broadcast_in_dim3A_926 : vector<16xi1>, vector<16xf32>
            %add3A_928 = arith.addf %add3A_883, %select_n3A_927 : vector<16xf32>
            scf.yield %add3A_928 : vector<16xf32>
          }
          %get3A_183 = arith.index_cast %add3A_159 : i32 to index
          %get3A_184 = tpu.vector_load %arg11[%get3A_183] {strides = array<i32>} : memref<16640xf32, #tpu.memory_space<vmem>>, vector<16xf32>,
          %get3A_185 = arith.index_cast %add3A_159 : i32 to index
          %get3A_186 = tpu.vector_load %arg12[%get3A_185] {strides = array<i32>} : memref<16640xi32, #tpu.memory_space<vmem>>, vector<16xi32>,
          %add3A_187 = vector.broadcast %sub3A_139 : f32 to vector<16xf32>
          %add3A_188 = arith.addf %add3A_187, %while3A_182 : vector<16xf32>
          %select_n3A_189 = arith.select %and3A_169, %add3A_188, %get3A_184 : vector<16xi1>, vector<16xf32>
          %swap3A = arith.index_cast %add3A_159 : i32 to index
          %swap3A_190 = tpu.vector_load %arg11[%swap3A] {strides = array<i32>} : memref<16640xf32, #tpu.memory_space<vmem>>, vector<16xf32>,
          tpu.vector_store %arg11[%swap3A], %select_n3A_189 {strides = array<i32>} : memref<16640xf32, #tpu.memory_space<vmem>>, vector<16xf32>,
          %select_n3A_191 = arith.select %and3A_169, %get3A_163, %get3A_186 : vector<16xi1>, vector<16xi32>
          %swap3A_192 = arith.index_cast %add3A_159 : i32 to index
          %swap3A_193 = tpu.vector_load %arg12[%swap3A_192] {strides = array<i32>} : memref<16640xi32, #tpu.memory_space<vmem>>, vector<16xi32>,
          tpu.vector_store %arg12[%swap3A_192], %select_n3A_191 {strides = array<i32>} : memref<16640xi32, #tpu.memory_space<vmem>>, vector<16xi32>,
          %while3A_194 = arith.constant 0 : i32
          scf.yield %while3A_194 : i32
        }
        %add3A_152 = arith.constant 1 : i32
        %add3A_153 = arith.addi %while3A_48, %add3A_152 : i32
        %add3A_154 = arith.addf %while3A_49, %reduce_sum3A_137 : f32
        scf.yield %add3A_153, %add3A_154 : i32, f32
      }
      %dma_start3A = arith.constant 0 : i32
      %dma_start3A_44 = tpu.memref_slice %arg7[%dma_start3A] : memref<1065216xf32, #tpu.memory_space<hbm>> -> memref<1065216xf32, #tpu.memory_space<hbm>>
      tpu.enqueue_indirect_dma source(%arg11 : memref<16640xf32, #tpu.memory_space<vmem>>) target(%dma_start3A_44 : memref<1065216xf32, #tpu.memory_space<hbm>>) offsets(%arg12 : memref<16640xi32, #tpu.memory_space<vmem>>) semaphore(%arg16 : memref<!tpu.dma_semaphore, #tpu.memory_space<semaphore_mem>>)
      %dma_wait3A = arith.constant 0 : i32
      %dma_wait3A_45 = tpu.memref_slice %arg2[%dma_wait3A] : memref<1065216xf32, #tpu.memory_space<hbm>> -> memref<16640xf32, #tpu.memory_space<hbm>>
      %dma_wait3A_46 = arith.constant 0 : i32
      %dma_wait3A_47 = tpu.memref_slice %arg2[%dma_wait3A_46] : memref<1065216xf32, #tpu.memory_space<hbm>> -> memref<16640xf32, #tpu.memory_space<hbm>>
      tpu.wait_dma2 semaphore(%arg16 : memref<!tpu.dma_semaphore, #tpu.memory_space<semaphore_mem>>) src(%dma_wait3A_47 : memref<16640xf32, #tpu.memory_space<hbm>>) dst(%arg13 : memref<16640xf32, #tpu.memory_space<vmem>>)
      scf.yield %while3A_43#0, %while3A_43#1 : i32, f32
    }
    return
  }
}

module attributes {stable_mosaic.version = 14 : i64} {
  func.func @_p6_body(%arg0: i32, %arg1: memref<64x2048xf32, #tpu.memory_space<vmem>>, %arg2: memref<64x2048xf32, #tpu.memory_space<vmem>>, %arg3: memref<64x2048xf32, #tpu.memory_space<vmem>>, %arg4: memref<1x1xf32, #tpu.memory_space<vmem>>, %arg5: memref<1x1xf32, #tpu.memory_space<vmem>>, %arg6: memref<1x1xf32, #tpu.memory_space<vmem>>) attributes {dimension_semantics = [#tpu.dimension_semantics<arbitrary>], iteration_bounds = array<i64: 8>, scalar_prefetch = 0 : i64, scratch_operands = 0 : i64, tpu.core_type = #tpu.core_type<tc>, window_params = [{transform_indices = @transform_0, window_bounds = array<i64: 64, 2048>}, {transform_indices = @transform_1, window_bounds = array<i64: 64, 2048>}, {transform_indices = @transform_2, window_bounds = array<i64: 64, 2048>}, {pipeline_mode = #tpu.pipeline_mode<synchronous>, transform_indices = @transform_3, window_bounds = array<i64: 1, 1>}, {pipeline_mode = #tpu.pipeline_mode<synchronous>, transform_indices = @transform_4, window_bounds = array<i64: 1, 1>}, {pipeline_mode = #tpu.pipeline_mode<synchronous>, transform_indices = @transform_5, window_bounds = array<i64: 1, 1>}]} {
    %get3A = arith.constant 0 : index
    %get3A_0 = arith.constant 0 : index
    %get3A_1 = vector.load %arg1[%get3A, %get3A_0] : memref<64x2048xf32, #tpu.memory_space<vmem>>, vector<64x2048xf32>
    %get3A_2 = arith.constant 0 : index
    %get3A_3 = arith.constant 0 : index
    %get3A_4 = vector.load %arg2[%get3A_2, %get3A_3] : memref<64x2048xf32, #tpu.memory_space<vmem>>, vector<64x2048xf32>
    %get3A_5 = arith.constant 0 : index
    %get3A_6 = arith.constant 0 : index
    %get3A_7 = vector.load %arg3[%get3A_5, %get3A_6] : memref<64x2048xf32, #tpu.memory_space<vmem>>, vector<64x2048xf32>
    %add3A = arith.constant 1.000000e-07 : f32
    %add3A_8 = vector.broadcast %add3A : f32 to vector<64x2048xf32>
    %add3A_9 = arith.addf %get3A_7, %add3A_8 : vector<64x2048xf32>
    %log3A = math.log %add3A_9 : vector<64x2048xf32>
    %sub3A = arith.subf %get3A_1, %log3A : vector<64x2048xf32>
    %mul3A = arith.mulf %get3A_4, %sub3A : vector<64x2048xf32>
    %reduce_sum3A = vector.shape_cast %mul3A : vector<64x2048xf32> to vector<1x64x2048xf32>
    %reduce_sum3A_10 = arith.constant dense<0.000000e+00> : vector<1xf32>
    %reduce_sum3A_11 = vector.multi_reduction <add>, %reduce_sum3A, %reduce_sum3A_10 [1, 2] : vector<1x64x2048xf32> to vector<1xf32>
    %reduce_sum3A_12 = vector.shape_cast %reduce_sum3A_11 : vector<1xf32> to vector<1x1x1xf32>
    %reduce_sum3A_13 = vector.extract %reduce_sum3A_12[0, 0, 0] : f32 from vector<1x1x1xf32>
    %reduce_sum3A_14 = vector.shape_cast %get3A_4 : vector<64x2048xf32> to vector<1x64x2048xf32>
    %reduce_sum3A_15 = arith.constant dense<0.000000e+00> : vector<1xf32>
    %reduce_sum3A_16 = vector.multi_reduction <add>, %reduce_sum3A_14, %reduce_sum3A_15 [1, 2] : vector<1x64x2048xf32> to vector<1xf32>
    %reduce_sum3A_17 = vector.shape_cast %reduce_sum3A_16 : vector<1xf32> to vector<1x1x1xf32>
    %reduce_sum3A_18 = vector.extract %reduce_sum3A_17[0, 0, 0] : f32 from vector<1x1x1xf32>
    %eq3A = arith.constant 0 : i32
    %eq3A_19 = arith.cmpi eq, %arg0, %eq3A : i32
    %convert_element_type3A = arith.extui %eq3A_19 : i1 to i32
    %cond3A = arith.constant 0 : i32
    %cond3A_20 = arith.cmpi ne, %convert_element_type3A, %cond3A : i32
    scf.if %cond3A_20 {
      %reshape3A = vector.broadcast %reduce_sum3A_13 : f32 to vector<1x1xf32>
      %swap3A = arith.constant 0 : index
      %swap3A_30 = arith.constant 0 : index
      %swap3A_31 = vector.load %arg4[%swap3A, %swap3A_30] : memref<1x1xf32, #tpu.memory_space<vmem>>, vector<1x1xf32>
      tpu.vector_store %arg4[%swap3A, %swap3A_30], %reshape3A {strides = array<i32>} : memref<1x1xf32, #tpu.memory_space<vmem>>, vector<1x1xf32>,
      %reshape3A_32 = vector.broadcast %reduce_sum3A_18 : f32 to vector<1x1xf32>
      %swap3A_33 = arith.constant 0 : index
      %swap3A_34 = arith.constant 0 : index
      %swap3A_35 = vector.load %arg5[%swap3A_33, %swap3A_34] : memref<1x1xf32, #tpu.memory_space<vmem>>, vector<1x1xf32>
      tpu.vector_store %arg5[%swap3A_33, %swap3A_34], %reshape3A_32 {strides = array<i32>} : memref<1x1xf32, #tpu.memory_space<vmem>>, vector<1x1xf32>,
    } else {
    }
    %ne3A = arith.constant 0 : i32
    %ne3A_21 = arith.cmpi ne, %arg0, %ne3A : i32
    %convert_element_type3A_22 = arith.extui %ne3A_21 : i1 to i32
    %cond3A_23 = arith.constant 0 : i32
    %cond3A_24 = arith.cmpi ne, %convert_element_type3A_22, %cond3A_23 : i32
    scf.if %cond3A_24 {
      %get3A_30 = arith.constant 0 : index
      %get3A_31 = arith.constant 0 : index
      %get3A_32 = vector.load %arg4[%get3A_30, %get3A_31] : memref<1x1xf32, #tpu.memory_space<vmem>>, vector<1x1xf32>
      %reshape3A = vector.broadcast %reduce_sum3A_13 : f32 to vector<1x1xf32>
      %add3A_33 = arith.addf %get3A_32, %reshape3A : vector<1x1xf32>
      %swap3A = arith.constant 0 : index
      %swap3A_34 = arith.constant 0 : index
      %swap3A_35 = vector.load %arg4[%swap3A, %swap3A_34] : memref<1x1xf32, #tpu.memory_space<vmem>>, vector<1x1xf32>
      tpu.vector_store %arg4[%swap3A, %swap3A_34], %add3A_33 {strides = array<i32>} : memref<1x1xf32, #tpu.memory_space<vmem>>, vector<1x1xf32>,
      %get3A_36 = arith.constant 0 : index
      %get3A_37 = arith.constant 0 : index
      %get3A_38 = vector.load %arg5[%get3A_36, %get3A_37] : memref<1x1xf32, #tpu.memory_space<vmem>>, vector<1x1xf32>
      %reshape3A_39 = vector.broadcast %reduce_sum3A_18 : f32 to vector<1x1xf32>
      %add3A_40 = arith.addf %get3A_38, %reshape3A_39 : vector<1x1xf32>
      %swap3A_41 = arith.constant 0 : index
      %swap3A_42 = arith.constant 0 : index
      %swap3A_43 = vector.load %arg5[%swap3A_41, %swap3A_42] : memref<1x1xf32, #tpu.memory_space<vmem>>, vector<1x1xf32>
      tpu.vector_store %arg5[%swap3A_41, %swap3A_42], %add3A_40 {strides = array<i32>} : memref<1x1xf32, #tpu.memory_space<vmem>>, vector<1x1xf32>,
    } else {
    }
    %eq3A_25 = arith.constant 7 : i32
    %eq3A_26 = arith.cmpi eq, %arg0, %eq3A_25 : i32
    %convert_element_type3A_27 = arith.extui %eq3A_26 : i1 to i32
    %cond3A_28 = arith.constant 0 : i32
    %cond3A_29 = arith.cmpi ne, %convert_element_type3A_27, %cond3A_28 : i32
    scf.if %cond3A_29 {
      %get3A_30 = arith.constant 0 : index
      %get3A_31 = arith.constant 0 : index
      %get3A_32 = vector.load %arg4[%get3A_30, %get3A_31] : memref<1x1xf32, #tpu.memory_space<vmem>>, vector<1x1xf32>
      %neg3A = arith.constant 0.000000e+00 : f32
      %neg3A_33 = vector.broadcast %neg3A : f32 to vector<1x1xf32>
      %neg3A_34 = arith.subf %neg3A_33, %get3A_32 : vector<1x1xf32>
      %get3A_35 = arith.constant 0 : index
      %get3A_36 = arith.constant 0 : index
      %get3A_37 = vector.load %arg5[%get3A_35, %get3A_36] : memref<1x1xf32, #tpu.memory_space<vmem>>, vector<1x1xf32>
      %add3A_38 = arith.constant 1.000000e-07 : f32
      %add3A_39 = vector.broadcast %add3A_38 : f32 to vector<1x1xf32>
      %add3A_40 = arith.addf %get3A_37, %add3A_39 : vector<1x1xf32>
      %div3A = arith.divf %neg3A_34, %add3A_40 : vector<1x1xf32>
      %swap3A = arith.constant 0 : index
      %swap3A_41 = arith.constant 0 : index
      %swap3A_42 = vector.load %arg6[%swap3A, %swap3A_41] : memref<1x1xf32, #tpu.memory_space<vmem>>, vector<1x1xf32>
      tpu.vector_store %arg6[%swap3A, %swap3A_41], %div3A {strides = array<i32>} : memref<1x1xf32, #tpu.memory_space<vmem>>, vector<1x1xf32>,
    } else {
    }
    return
  }
  func.func @transform_0(%arg0: i32) -> (i32, i32) {
    %c0_i32 = arith.constant 0 : i32
    %c0_i32_0 = arith.constant 0 : i32
    return %arg0, %c0_i32 : i32, i32
  }
  func.func @transform_1(%arg0: i32) -> (i32, i32) {
    %c0_i32 = arith.constant 0 : i32
    %c0_i32_0 = arith.constant 0 : i32
    return %arg0, %c0_i32 : i32, i32
  }
  func.func @transform_2(%arg0: i32) -> (i32, i32) {
    %c0_i32 = arith.constant 0 : i32
    %c0_i32_0 = arith.constant 0 : i32
    return %arg0, %c0_i32 : i32, i32
  }
  func.func @transform_3(%arg0: i32) -> (i32, i32) {
    %c0_i32 = arith.constant 0 : i32
    %c0_i32_0 = arith.constant 0 : i32
    %c0_i32_1 = arith.constant 0 : i32
    return %c0_i32, %c0_i32_0 : i32, i32
  }
  func.func @transform_4(%arg0: i32) -> (i32, i32) {
    %c0_i32 = arith.constant 0 : i32
    %c0_i32_0 = arith.constant 0 : i32
    %c0_i32_1 = arith.constant 0 : i32
    return %c0_i32, %c0_i32_0 : i32, i32
  }
  func.func @transform_5(%arg0: i32) -> (i32, i32) {
    %c0_i32 = arith.constant 0 : i32
    %c0_i32_0 = arith.constant 0 : i32
    %c0_i32_1 = arith.constant 0 : i32
    return %c0_i32, %c0_i32_0 : i32, i32
  }
}

module attributes {stable_mosaic.version = 14 : i64} {
  func.func @_p2_body(%arg0: memref<32x32768xi32, #tpu.memory_space<vmem>>, %arg1: memref<32x32768xi32, #tpu.memory_space<vmem>>, %arg2: memref<1x32896xi32, #tpu.memory_space<vmem>>) attributes {dimension_semantics = [], scalar_prefetch = 0 : i64, scratch_operands = 0 : i64, tpu.core_type = #tpu.core_type<tc>} {
    %get3A = arith.constant 0 : index
    %get3A_0 = arith.constant 0 : index
    %get3A_1 = vector.load %arg0[%get3A, %get3A_0] : memref<32x32768xi32, #tpu.memory_space<vmem>>, vector<32x32768xi32>
    %convert_element_type3A = arith.sitofp %get3A_1 : vector<32x32768xi32> to vector<32x32768xf32>
    %slice3A = vector.extract_strided_slice %convert_element_type3A {offsets = [0, 0], sizes = [31, 32768], strides = [1, 1]} : vector<32x32768xf32> to vector<31x32768xf32>
    %broadcast_in_dim3A = arith.constant 0.000000e+00 : f32
    %broadcast_in_dim3A_2 = vector.broadcast %broadcast_in_dim3A : f32 to vector<1x32768xf32>
    %concatenate3A = tpu.concatenate %broadcast_in_dim3A_2, %slice3A in 0 : vector<1x32768xf32>, vector<31x32768xf32> -> vector<32x32768xf32>
    %add3A = arith.addf %convert_element_type3A, %concatenate3A : vector<32x32768xf32>
    %slice3A_3 = vector.extract_strided_slice %add3A {offsets = [0, 0], sizes = [30, 32768], strides = [1, 1]} : vector<32x32768xf32> to vector<30x32768xf32>
    %broadcast_in_dim3A_4 = arith.constant 0.000000e+00 : f32
    %broadcast_in_dim3A_5 = vector.broadcast %broadcast_in_dim3A_4 : f32 to vector<2x32768xf32>
    %concatenate3A_6 = tpu.concatenate %broadcast_in_dim3A_5, %slice3A_3 in 0 : vector<2x32768xf32>, vector<30x32768xf32> -> vector<32x32768xf32>
    %add3A_7 = arith.addf %add3A, %concatenate3A_6 : vector<32x32768xf32>
    %slice3A_8 = vector.extract_strided_slice %add3A_7 {offsets = [0, 0], sizes = [28, 32768], strides = [1, 1]} : vector<32x32768xf32> to vector<28x32768xf32>
    %broadcast_in_dim3A_9 = arith.constant 0.000000e+00 : f32
    %broadcast_in_dim3A_10 = vector.broadcast %broadcast_in_dim3A_9 : f32 to vector<4x32768xf32>
    %concatenate3A_11 = tpu.concatenate %broadcast_in_dim3A_10, %slice3A_8 in 0 : vector<4x32768xf32>, vector<28x32768xf32> -> vector<32x32768xf32>
    %add3A_12 = arith.addf %add3A_7, %concatenate3A_11 : vector<32x32768xf32>
    %slice3A_13 = vector.extract_strided_slice %add3A_12 {offsets = [0, 0], sizes = [24, 32768], strides = [1, 1]} : vector<32x32768xf32> to vector<24x32768xf32>
    %broadcast_in_dim3A_14 = arith.constant 0.000000e+00 : f32
    %broadcast_in_dim3A_15 = vector.broadcast %broadcast_in_dim3A_14 : f32 to vector<8x32768xf32>
    %concatenate3A_16 = tpu.concatenate %broadcast_in_dim3A_15, %slice3A_13 in 0 : vector<8x32768xf32>, vector<24x32768xf32> -> vector<32x32768xf32>
    %add3A_17 = arith.addf %add3A_12, %concatenate3A_16 : vector<32x32768xf32>
    %slice3A_18 = vector.extract_strided_slice %add3A_17 {offsets = [0, 0], sizes = [16, 32768], strides = [1, 1]} : vector<32x32768xf32> to vector<16x32768xf32>
    %broadcast_in_dim3A_19 = arith.constant 0.000000e+00 : f32
    %broadcast_in_dim3A_20 = vector.broadcast %broadcast_in_dim3A_19 : f32 to vector<16x32768xf32>
    %concatenate3A_21 = tpu.concatenate %broadcast_in_dim3A_20, %slice3A_18 in 0 : vector<16x32768xf32>, vector<16x32768xf32> -> vector<32x32768xf32>
    %add3A_22 = arith.addf %add3A_17, %concatenate3A_21 : vector<32x32768xf32>
    %sub3A = arith.subf %add3A_22, %convert_element_type3A : vector<32x32768xf32>
    %reduce_sum3A = arith.constant dense<0.000000e+00> : vector<32768xf32>
    %reduce_sum3A_23 = vector.multi_reduction <add>, %convert_element_type3A, %reduce_sum3A [0] : vector<32x32768xf32> to vector<32768xf32>
    %reshape3A = vector.shape_cast %reduce_sum3A_23 : vector<32768xf32> to vector<256x128xf32>
    %slice3A_24 = vector.extract_strided_slice %reshape3A {offsets = [0, 0], sizes = [256, 127], strides = [1, 1]} : vector<256x128xf32> to vector<256x127xf32>
    %broadcast_in_dim3A_25 = arith.constant 0.000000e+00 : f32
    %broadcast_in_dim3A_26 = vector.broadcast %broadcast_in_dim3A_25 : f32 to vector<256x1xf32>
    %concatenate3A_27 = tpu.concatenate %broadcast_in_dim3A_26, %slice3A_24 in 1 : vector<256x1xf32>, vector<256x127xf32> -> vector<256x128xf32>
    %add3A_28 = arith.addf %reshape3A, %concatenate3A_27 : vector<256x128xf32>
    %slice3A_29 = vector.extract_strided_slice %add3A_28 {offsets = [0, 0], sizes = [256, 126], strides = [1, 1]} : vector<256x128xf32> to vector<256x126xf32>
    %broadcast_in_dim3A_30 = arith.constant 0.000000e+00 : f32
    %broadcast_in_dim3A_31 = vector.broadcast %broadcast_in_dim3A_30 : f32 to vector<256x2xf32>
    %concatenate3A_32 = tpu.concatenate %broadcast_in_dim3A_31, %slice3A_29 in 1 : vector<256x2xf32>, vector<256x126xf32> -> vector<256x128xf32>
    %add3A_33 = arith.addf %add3A_28, %concatenate3A_32 : vector<256x128xf32>
    %slice3A_34 = vector.extract_strided_slice %add3A_33 {offsets = [0, 0], sizes = [256, 124], strides = [1, 1]} : vector<256x128xf32> to vector<256x124xf32>
    %broadcast_in_dim3A_35 = arith.constant 0.000000e+00 : f32
    %broadcast_in_dim3A_36 = vector.broadcast %broadcast_in_dim3A_35 : f32 to vector<256x4xf32>
    %concatenate3A_37 = tpu.concatenate %broadcast_in_dim3A_36, %slice3A_34 in 1 : vector<256x4xf32>, vector<256x124xf32> -> vector<256x128xf32>
    %add3A_38 = arith.addf %add3A_33, %concatenate3A_37 : vector<256x128xf32>
    %slice3A_39 = vector.extract_strided_slice %add3A_38 {offsets = [0, 0], sizes = [256, 120], strides = [1, 1]} : vector<256x128xf32> to vector<256x120xf32>
    %broadcast_in_dim3A_40 = arith.constant 0.000000e+00 : f32
    %broadcast_in_dim3A_41 = vector.broadcast %broadcast_in_dim3A_40 : f32 to vector<256x8xf32>
    %concatenate3A_42 = tpu.concatenate %broadcast_in_dim3A_41, %slice3A_39 in 1 : vector<256x8xf32>, vector<256x120xf32> -> vector<256x128xf32>
    %add3A_43 = arith.addf %add3A_38, %concatenate3A_42 : vector<256x128xf32>
    %slice3A_44 = vector.extract_strided_slice %add3A_43 {offsets = [0, 0], sizes = [256, 112], strides = [1, 1]} : vector<256x128xf32> to vector<256x112xf32>
    %broadcast_in_dim3A_45 = arith.constant 0.000000e+00 : f32
    %broadcast_in_dim3A_46 = vector.broadcast %broadcast_in_dim3A_45 : f32 to vector<256x16xf32>
    %concatenate3A_47 = tpu.concatenate %broadcast_in_dim3A_46, %slice3A_44 in 1 : vector<256x16xf32>, vector<256x112xf32> -> vector<256x128xf32>
    %add3A_48 = arith.addf %add3A_43, %concatenate3A_47 : vector<256x128xf32>
    %slice3A_49 = vector.extract_strided_slice %add3A_48 {offsets = [0, 0], sizes = [256, 96], strides = [1, 1]} : vector<256x128xf32> to vector<256x96xf32>
    %broadcast_in_dim3A_50 = arith.constant 0.000000e+00 : f32
    %broadcast_in_dim3A_51 = vector.broadcast %broadcast_in_dim3A_50 : f32 to vector<256x32xf32>
    %concatenate3A_52 = tpu.concatenate %broadcast_in_dim3A_51, %slice3A_49 in 1 : vector<256x32xf32>, vector<256x96xf32> -> vector<256x128xf32>
    %add3A_53 = arith.addf %add3A_48, %concatenate3A_52 : vector<256x128xf32>
    %slice3A_54 = vector.extract_strided_slice %add3A_53 {offsets = [0, 0], sizes = [256, 64], strides = [1, 1]} : vector<256x128xf32> to vector<256x64xf32>
    %broadcast_in_dim3A_55 = arith.constant 0.000000e+00 : f32
    %broadcast_in_dim3A_56 = vector.broadcast %broadcast_in_dim3A_55 : f32 to vector<256x64xf32>
    %concatenate3A_57 = tpu.concatenate %broadcast_in_dim3A_56, %slice3A_54 in 1 : vector<256x64xf32>, vector<256x64xf32> -> vector<256x128xf32>
    %add3A_58 = arith.addf %add3A_53, %concatenate3A_57 : vector<256x128xf32>
    %slice3A_59 = vector.extract_strided_slice %add3A_58 {offsets = [0, 127], sizes = [256, 1], strides = [1, 1]} : vector<256x128xf32> to vector<256x1xf32>
    %slice3A_60 = vector.extract_strided_slice %slice3A_59 {offsets = [0, 0], sizes = [255, 1], strides = [1, 1]} : vector<256x1xf32> to vector<255x1xf32>
    %broadcast_in_dim3A_61 = arith.constant 0.000000e+00 : f32
    %broadcast_in_dim3A_62 = vector.broadcast %broadcast_in_dim3A_61 : f32 to vector<1x1xf32>
    %concatenate3A_63 = tpu.concatenate %broadcast_in_dim3A_62, %slice3A_60 in 0 : vector<1x1xf32>, vector<255x1xf32> -> vector<256x1xf32>
    %add3A_64 = arith.addf %slice3A_59, %concatenate3A_63 : vector<256x1xf32>
    %slice3A_65 = vector.extract_strided_slice %add3A_64 {offsets = [0, 0], sizes = [254, 1], strides = [1, 1]} : vector<256x1xf32> to vector<254x1xf32>
    %broadcast_in_dim3A_66 = arith.constant 0.000000e+00 : f32
    %broadcast_in_dim3A_67 = vector.broadcast %broadcast_in_dim3A_66 : f32 to vector<2x1xf32>
    %concatenate3A_68 = tpu.concatenate %broadcast_in_dim3A_67, %slice3A_65 in 0 : vector<2x1xf32>, vector<254x1xf32> -> vector<256x1xf32>
    %add3A_69 = arith.addf %add3A_64, %concatenate3A_68 : vector<256x1xf32>
    %slice3A_70 = vector.extract_strided_slice %add3A_69 {offsets = [0, 0], sizes = [252, 1], strides = [1, 1]} : vector<256x1xf32> to vector<252x1xf32>
    %broadcast_in_dim3A_71 = arith.constant 0.000000e+00 : f32
    %broadcast_in_dim3A_72 = vector.broadcast %broadcast_in_dim3A_71 : f32 to vector<4x1xf32>
    %concatenate3A_73 = tpu.concatenate %broadcast_in_dim3A_72, %slice3A_70 in 0 : vector<4x1xf32>, vector<252x1xf32> -> vector<256x1xf32>
    %add3A_74 = arith.addf %add3A_69, %concatenate3A_73 : vector<256x1xf32>
    %slice3A_75 = vector.extract_strided_slice %add3A_74 {offsets = [0, 0], sizes = [248, 1], strides = [1, 1]} : vector<256x1xf32> to vector<248x1xf32>
    %broadcast_in_dim3A_76 = arith.constant 0.000000e+00 : f32
    %broadcast_in_dim3A_77 = vector.broadcast %broadcast_in_dim3A_76 : f32 to vector<8x1xf32>
    %concatenate3A_78 = tpu.concatenate %broadcast_in_dim3A_77, %slice3A_75 in 0 : vector<8x1xf32>, vector<248x1xf32> -> vector<256x1xf32>
    %add3A_79 = arith.addf %add3A_74, %concatenate3A_78 : vector<256x1xf32>
    %slice3A_80 = vector.extract_strided_slice %add3A_79 {offsets = [0, 0], sizes = [240, 1], strides = [1, 1]} : vector<256x1xf32> to vector<240x1xf32>
    %broadcast_in_dim3A_81 = arith.constant 0.000000e+00 : f32
    %broadcast_in_dim3A_82 = vector.broadcast %broadcast_in_dim3A_81 : f32 to vector<16x1xf32>
    %concatenate3A_83 = tpu.concatenate %broadcast_in_dim3A_82, %slice3A_80 in 0 : vector<16x1xf32>, vector<240x1xf32> -> vector<256x1xf32>
    %add3A_84 = arith.addf %add3A_79, %concatenate3A_83 : vector<256x1xf32>
    %slice3A_85 = vector.extract_strided_slice %add3A_84 {offsets = [0, 0], sizes = [224, 1], strides = [1, 1]} : vector<256x1xf32> to vector<224x1xf32>
    %broadcast_in_dim3A_86 = arith.constant 0.000000e+00 : f32
    %broadcast_in_dim3A_87 = vector.broadcast %broadcast_in_dim3A_86 : f32 to vector<32x1xf32>
    %concatenate3A_88 = tpu.concatenate %broadcast_in_dim3A_87, %slice3A_85 in 0 : vector<32x1xf32>, vector<224x1xf32> -> vector<256x1xf32>
    %add3A_89 = arith.addf %add3A_84, %concatenate3A_88 : vector<256x1xf32>
    %slice3A_90 = vector.extract_strided_slice %add3A_89 {offsets = [0, 0], sizes = [192, 1], strides = [1, 1]} : vector<256x1xf32> to vector<192x1xf32>
    %broadcast_in_dim3A_91 = arith.constant 0.000000e+00 : f32
    %broadcast_in_dim3A_92 = vector.broadcast %broadcast_in_dim3A_91 : f32 to vector<64x1xf32>
    %concatenate3A_93 = tpu.concatenate %broadcast_in_dim3A_92, %slice3A_90 in 0 : vector<64x1xf32>, vector<192x1xf32> -> vector<256x1xf32>
    %add3A_94 = arith.addf %add3A_89, %concatenate3A_93 : vector<256x1xf32>
    %slice3A_95 = vector.extract_strided_slice %add3A_94 {offsets = [0, 0], sizes = [128, 1], strides = [1, 1]} : vector<256x1xf32> to vector<128x1xf32>
    %broadcast_in_dim3A_96 = arith.constant 0.000000e+00 : f32
    %broadcast_in_dim3A_97 = vector.broadcast %broadcast_in_dim3A_96 : f32 to vector<128x1xf32>
    %concatenate3A_98 = tpu.concatenate %broadcast_in_dim3A_97, %slice3A_95 in 0 : vector<128x1xf32>, vector<128x1xf32> -> vector<256x1xf32>
    %add3A_99 = arith.addf %add3A_94, %concatenate3A_98 : vector<256x1xf32>
    %sub3A_100 = arith.subf %add3A_99, %slice3A_59 : vector<256x1xf32>
    %sub3A_101 = arith.subf %add3A_58, %reshape3A : vector<256x128xf32>
    %add3A_102 = vector.broadcast %sub3A_100 : vector<256x1xf32> to vector<256x128xf32>
    %add3A_103 = arith.addf %sub3A_101, %add3A_102 : vector<256x128xf32>
    %reshape3A_104 = vector.shape_cast %add3A_103 : vector<256x128xf32> to vector<1x32768xf32>
    %add3A_105 = vector.broadcast %reshape3A_104 : vector<1x32768xf32> to vector<32x32768xf32>
    %add3A_106 = arith.addf %add3A_105, %sub3A : vector<32x32768xf32>
    %convert_element_type3A_107 = arith.fptosi %add3A_106 : vector<32x32768xf32> to vector<32x32768xi32>
    %swap3A = arith.constant 0 : index
    %swap3A_108 = arith.constant 0 : index
    %swap3A_109 = vector.load %arg1[%swap3A, %swap3A_108] : memref<32x32768xi32, #tpu.memory_space<vmem>>, vector<32x32768xi32>
    tpu.vector_store %arg1[%swap3A, %swap3A_108], %convert_element_type3A_107 {strides = array<i32>} : memref<32x32768xi32, #tpu.memory_space<vmem>>, vector<32x32768xi32>,
    %convert_element_type3A_110 = arith.fptosi %reshape3A_104 : vector<1x32768xf32> to vector<1x32768xi32>
    %broadcast_in_dim3A_111 = arith.constant 1048576 : i32
    %broadcast_in_dim3A_112 = vector.broadcast %broadcast_in_dim3A_111 : i32 to vector<1x128xi32>
    %concatenate3A_113 = tpu.concatenate %convert_element_type3A_110, %broadcast_in_dim3A_112 in 1 : vector<1x32768xi32>, vector<1x128xi32> -> vector<1x32896xi32>
    %swap3A_114 = arith.constant 0 : index
    %swap3A_115 = arith.constant 0 : index
    %swap3A_116 = vector.load %arg2[%swap3A_114, %swap3A_115] : memref<1x32896xi32, #tpu.memory_space<vmem>>, vector<1x32896xi32>
    tpu.vector_store %arg2[%swap3A_114, %swap3A_115], %concatenate3A_113 {strides = array<i32>} : memref<1x32896xi32, #tpu.memory_space<vmem>>, vector<1x32896xi32>,
    return
  }
}

</mosaic_0001>

<sc_bundles>
// kernel: kernel.11.cloned.1.call-start
scs
__scs_entry_jumppad:
0x0: {  	(pc) =	sbr.rel $0x88, $3  }
0x1: {  	(tag) =	ssettag $0x0;
	lr =	simm.s32 $0x1  }
0x2: {  	[smem:$0x3F9E] =	sst lr;
	_ =	strace $0xD0000000  }
0x3: {  	_ = 	snop  }
0x4: {  	_ = 	snop  }
0x5: {  	_ = 	snop  }
0x6: {  	_ = 	snop  }
0x7: {  	_ = 	snop  }
__scs_overlays_trampoline_lowered:
0x8: {  	[smem:$0x3FAD] =	sst s0  }
0x9: {  	[smem:$0x3FAE] =	sst s1  }
0xa: {  	[smem:$0x3FAF] =	sst s2  }
0xb: {  	[smem:$0x3FB0] =	sst s3  }
0xc: {  	[smem:$0x3FB1] =	sst s4  }
0xd: {  	[smem:$0x3FB2] =	sst s5  }
0xe: {  	[smem:$0x3FB3] =	sst s6  }
0xf: {  	[smem:$0x3FB4] =	sst s7  }
0x10: {  	[smem:$0x3FB5] =	sst s8  }
0x11: {  	[smem:$0x3FB6] =	sst s9;
	s0 =	simm.s32 @!p0 $0x0  }
0x12: {  	s1 =	sld [smem:$0x3F9C];
	s0 =	simm.s32 @p0 $0x1  }
0x13: {  	[smem:$0x3FB7] =	sst s0;
	s0 =	simm.s32 @!p1 $0x0  }
0x14: {  	s2 =	sld [smem:$0x3F9B];
	s0 =	simm.s32 @p1 $0x1  }
0x15: {  	[smem:$0x3FB8] =	sst s0;
	s0 =	simm.s32 @!p2 $0x0  }
0x16: {  	s3 =	sld [smem:$0x3FDB];
	s0 =	simm.s32 @p2 $0x1  }
0x17: {  	s4 =	simm.s32 $0x1BF5;
	[smem:$0x3FBA] =	sst s0  }
0x18: {  	s0 =	sld [smem:$0x3F9D];
	_ =	swait.ge [sflag:s4], $0x0  }
0x19: {  	s7 =	sld [smem:$0x3F9E]  }
0x1a: {  	s8 =	sadd.s32 $0xFFFFE003, lr  }
0x1b: {  	s9 =	sadd.s32 $0xFFFFFEF7, lr;
	s5 =	simm.s32 $0xFFFFFFFF;
	p2 =	slt.u32 s8, $0xFFFFF086  }
0x1c: {  	p1 =	slt.u32 s9, $0xF7A;
	s5 =	simm.s32 @!p2 $0x0  }
0x1d: {  	s5 =	simm.s32 @p1 $0x1;
	p0 =	seq.s32 s7, s2  }
0x1e: {  	s7 =	smul.u32 @!p0 $0xF7A, s2;
	p2 =	seq.s32 @!p0 s5, $0x0  }
0x1f: {  	s9 =	smul.u32 $0xF7A, s1;
	s8 =	simm.s32 @!p0 $0x1BF5;
	p2 =	por !p2, p0  }
0x20: {  	[sflag:s8] =	ssyncset.s32 @!p0 $0xFFFFF086;
	s6 =	sadd.s32 @!p0 s3, s7;
	s7 =	simm.s32 @!p0 $0x108  }
0x21: {  	s3 =	sadd.s32 s3, s9;
	s6 =	sadd.s32 @!p0 $0x88, s6;
	s7 =	simm.s32 @p2 $0x1082  }
0x22: {  	[simem:s7], [sflag:s8] =	dma.local @!p0 [hbm:s6], $0xF7A  }
0x23: {  	s9 =	sor.u32 $0xD0000000, s2;
	s6 =	simm.s32 $0x108;
	_ =	swait.ge @!p0 [sflag:s8], $0x0  }
0x24: {  	s3 =	sadd.s32 $0x88, s3;
	s6 =	simm.s32 @!p1 $0x1082;
	[sflag:s4] =	ssyncset.s32 $0xFFFFF086  }
0x25: {  	[simem:s6], [sflag:s4] =	dma.local [hbm:s3], $0xF7A  }
0x26: {  	[smem:$0x3F9E] =	sst s1;
	(tag) =	ssettag s2;
	_ =	strace s9  }
0x27: {  	s1 =	sld [smem:$0x3FAE]  }
0x28: {  	s2 =	sld [smem:$0x3FAF]  }
0x29: {  	s4 =	sld [smem:$0x3FB1]  }
0x2a: {  	p0 =	seq.s32 s5, $0x0;
	s5 =	sld [smem:$0x3FB2]  }
0x2b: {  	s6 =	sld [smem:$0x3FB3]  }
0x2c: {  	s7 =	sld [smem:$0x3FB4]  }
0x2d: {  	s3 =	simm.s32 $0x108;
	s8 =	sld [smem:$0x3FB5]  }
0x2e: {  	s3 =	simm.s32 @!p0 $0x1082;
	s9 =	sld [smem:$0x3FB6]  }
0x2f: {  	lr =	sadd.s32 s0, s3;
	s0 =	sld [smem:$0x3FAD]  }
0x30: {  	s3 =	sld [smem:$0x3FB0]  }
0x31: {  	[smem:$0x3FB9] =	sst s10  }
0x32: {  	s10 =	sld [smem:$0x3FB7];
	_ =	sdelay $0x3  }
0x33: {  	p0 =	seq.s32 s10, $0x1;
	s10 =	sld [smem:$0x3FB9];
	_ =	sdelay $0x3  }
0x34: {  	[smem:$0x3FB9] =	sst s10  }
0x35: {  	s10 =	sld [smem:$0x3FB8];
	_ =	sdelay $0x3  }
0x36: {  	p1 =	seq.s32 s10, $0x1;
	s10 =	sld [smem:$0x3FB9];
	_ =	sdelay $0x3  }
0x37: {  	[smem:$0x3FB9] =	sst s10  }
0x38: {  	s10 =	sld [smem:$0x3FBA]  }
0x39: {  	_ = 	snop;
	(pc) =	sbr.ind lr, $3  }
0x3a: {  	_ = 	snop  }
0x3b: {  	_ = 	snop  }
0x3c: {  	p2 =	seq.s32 s10, $0x1;
	s10 =	sld [smem:$0x3FB9]  }
0x3d: {  	_ =	shalt  }
0x3e: {  	_ =	shalt  }
0x3f: {  	_ =	shalt  }
0x40: {  	_ =	shalt  }
0x41: {  	_ =	shalt  }
0x42: {  	_ =	shalt  }
0x43: {  	_ =	shalt  }
0x44: {  	_ =	shalt  }
0x45: {  	_ =	shalt  }
0x46: {  	_ =	shalt  }
0x47: {  	_ =	shalt  }
0x48: {  	_ =	shalt  }
0x49: {  	_ =	shalt  }
0x4a: {  	_ =	shalt  }
0x4b: {  	_ =	shalt  }
0x4c: {  	_ =	shalt  }
0x4d: {  	_ =	shalt  }
0x4e: {  	_ =	shalt  }
0x4f: {  	_ =	shalt  }
0x50: {  	_ =	shalt  }
0x51: {  	_ =	shalt  }
0x52: {  	_ =	shalt  }
0x53: {  	_ =	shalt  }
0x54: {  	_ =	shalt  }
0x55: {  	_ =	shalt  }
0x56: {  	_ =	shalt  }
0x57: {  	_ =	shalt  }
0x58: {  	_ =	shalt  }
0x59: {  	_ =	shalt  }
0x5a: {  	_ =	shalt  }
0x5b: {  	_ =	shalt  }
0x5c: {  	_ =	shalt  }
0x5d: {  	_ =	shalt  }
0x5e: {  	_ =	shalt  }
0x5f: {  	_ =	shalt  }
0x60: {  	_ =	shalt  }
0x61: {  	_ =	shalt  }
0x62: {  	_ =	shalt  }
0x63: {  	_ =	shalt  }
0x64: {  	_ =	shalt  }
0x65: {  	_ =	shalt  }
0x66: {  	_ =	shalt  }
0x67: {  	_ =	shalt  }
0x68: {  	_ =	shalt  }
0x69: {  	_ =	shalt  }
0x6a: {  	_ =	shalt  }
0x6b: {  	_ =	shalt  }
0x6c: {  	_ =	shalt  }
0x6d: {  	_ =	shalt  }
0x6e: {  	_ =	shalt  }
0x6f: {  	_ =	shalt  }
0x70: {  	_ =	shalt  }
0x71: {  	_ =	shalt  }
0x72: {  	_ =	shalt  }
0x73: {  	_ =	shalt  }
0x74: {  	_ =	shalt  }
0x75: {  	_ =	shalt  }
0x76: {  	_ =	shalt  }
0x77: {  	_ =	shalt  }
0x78: {  	_ =	shalt  }
0x79: {  	_ =	shalt  }
0x7a: {  	_ =	shalt  }
0x7b: {  	_ =	shalt  }
0x7c: {  	_ =	shalt  }
0x7d: {  	_ =	shalt  }
0x7e: {  	_ =	shalt  }
0x7f: {  	_ =	shalt  }
0x80: {  	_ =	shalt  }
0x81: {  	_ =	shalt  }
0x82: {  	_ =	shalt  }
0x83: {  	_ =	shalt  }
0x84: {  	_ =	shalt  }
0x85: {  	_ =	shalt  }
0x86: {  	_ =	shalt  }
0x87: {  	_ =	shalt  }
.Lfunc_end0:
.L_simem_size_0:
called_computation.1_lowered:
.L_overlay_start_0:
0x88: {  	s2 =	sld [smem:$0x3FD9]  }
0x89: {  	s3 =	sld [smem:$0x3FFE];
	_ =	sdelay $0x1  }
0x8a: {  	s1 =	srdreg.scid  }
0x8b: {  	s0 =	sand.u32 $0x1, s1  }
0x8c: {  	s17 =	sshll.u32 s0, $0xA;
	s2 =	sadd.s32 s3, s2  }
0x8d: {  	s2 =	sadd.s32 s2, s17  }
0x8e: {  	[smem:$0x3FC5] =	sst s2  }
0x8f: {  	_ = 	snop  }
0x90: {  	s2 =	sld [smem:$0x3FC9]  }
0x91: {  	s18 =	sld [smem:$0x3FC8];
	(tm) =	ssettm $0x1  }
0x92: {  	s4 =	sld [smem:$0x3FFB];
	_ =	sdelay $0x3  }
0x93: {  	_ =	strace s4  }
0x94: {  	s4 =	sld [smem:$0x3FFC];
	_ =	sdelay $0x3  }
0x95: {  	_ =	strace s4  }
0x96: {  	s4 =	sld [smem:$0x3FFD];
	_ =	sdelay $0x3  }
0x97: {  	_ =	strace s4  }
0x98: {  	_ =	strace $0x8FFFFFFF  }
0x99: {  	s19 =	sld [smem:$0x3FDB];
	_ =	sdelay $0x1  }
0x9a: {  	s5 =	simm.s32 $_scs_section_size  }
0x9b: {  	s6 =	simm.s32 $_size__tile_overlayer_lowered;
	s7 =	simm.s32 $_tile_overlayer_lowered  }
0x9c: {  	s22 =	simm.s32 $0x1BFF;
	s21 =	sshll.u32 s7, $0x1;
	s4 =	sadd.s32 s5, s19  }
0x9d: {  	s8 =	simm.s32 $0x0;
	s20 =	sshll.u32 s6, $0x1;
	s6 =	sadd.s32 s21, s4  }
0x9e: {  	[timem:s8], [sflag:s22] =	dma.local [hbm:s6], s20  }
0x9f: {  	_ =	swait.ge [sflag:s22], s20  }
0xa0: {  	s5 =	ssub.s32 $0x0, s20;
	[sflag:s22] =	ssyncset.done $0x0  }
0xa1: {  	[sflag:s22] =	ssyncadd.s32 s5;
	_ =	sdelay $0x1  }
0xa2: {  	s23 =	simm.s32 $0x1B8B  }
0xa3: {  	_ =	swait.ge [sflag:s23], $0x1  }
0xa4: {  	[sflag:s23] =	ssyncset.done $0x0  }
0xa5: {  	s25 =	simm.s32 $0x1B8E;
	s24 =	sld [smem:$0x3FFE];
	[sflag:s23] =	ssyncadd.s32 $0xFFFFFFFF  }
0xa6: {  	s26 =	simm.s32 $execute0_lowered;
	[smem:$0x3FD2] =	sst s25  }
0xa7: {  	s6 =	sshll.u32 s26, $0x1;
	_ =	strace $0x80000049;
	[dreg:$0x1] =	wrdreg $0xFFFFFFFF  }
0xa8: {  	s28 =	simm.s32 $_size_execute0_lowered;
	s4 =	sadd.s32 s4, s6;
	[dreg:$0x0] =	wrdreg $0x0  }
0xa9: {  	s6 =	sshll.u32 s28, $0x1;
	[dreg:$0x2] =	wrdreg s4  }
0xaa: {  	[dreg:$0x3] =	wrdreg s6  }
0xab: {  	[dreg:$0x4] =	wrdreg $0xC0  }
0xac: {  	_ =	task [dreg:s8], $0x5FFFF  }
0xad: {  	[dreg:$0x1] =	wrdreg $0xFFFFFFFF  }
0xae: {  	[dreg:$0x0] =	wrdreg $0x60  }
0xaf: {  	[dreg:$0x2] =	wrdreg s18  }
0xb0: {  	[dreg:$0x3] =	wrdreg s2  }
0xb1: {  	[dreg:$0x4] =	wrdreg s24  }
0xb2: {  	[dreg:$0x5] =	wrdreg $0x9  }
0xb3: {  	_ =	task.clear_ibuf [dreg:s8], $0x6FFFF;
	_ =	strace $0x90000049  }
0xb4: {  	s29 =	simm.s32 $0x9;
	_ =	strace $0x8000004B  }
0xb5: {  	_ =	swait.ge [sflag:s29], $0x1  }
0xb6: {  	[sflag:s29] =	ssyncadd.s32 $0xFFFFFFFF  }
0xb7: {  	_ =	strace $0x9000004B  }
0xb8: {  	_ =	sfence  }
0xb9: {  	s30 =	sld [smem:$0x0];
	_ =	sdelay $0x2  }
0xba: {  	s31 =	sshll.u32 s1, $0xD;
	s1 =	sshrl.u32 s1, $0x2  }
0xbb: {  	s3 =	sand.u32 $0x4000, s31;
	s1 =	sadd.s32 s1, s30  }
0xbc: {  	s0 =	sor.u32 s3, s0;
	s1 =	sshll.u32 s1, $0x11  }
0xbd: {  	s0 =	sor.u32 s1, s0  }
0xbe: {  	s0 =	sadd.s32 $0x8F2B, s0  }
0xbf: {  	[sflag:s0] =	ssyncadd.remote.s32 $0x1  }
0xc0: {  	_ =	sfence.sel $0xFFFF  }
0xc1: {  	[dreg:$0x0] =	wrdreg $0xFFFFFFFF;
	(pc) =	sbr.abs _section_cstart, $3  }
0xc2: {  	[dreg:$0x1] =	wrdreg $0xFFFFFFFF  }
0xc3: {  	_ =	task.clear_ibuf [dreg:s8], $0x2FFFF;
	_ =	strace $0x9FFFFFFF  }
0xc4: {  	(tm) =	ssettm $0x7FFFFFFF  }
0xc5: {  	_ =	shalt  }
tec
execute0_lowered:
.L_overlay_start_1:
0x0: {  	(tag) =	ssettag $0x1  }
0x1: {  	s1 =	rddreg [dreg:$0x0]  }
0x2: {  	s2 =	srdreg.scid;
	s3 =	rddreg [dreg:$0x1]  }
0x3: {  	s0 =	stileid.u32;
	s8 =	rddreg [dreg:$0x2];
	s5 =	simm.s32 $0x0  }
0x4: {  	s14 =	simm.s32 $0x1000;
	s15 =	simm.s32 $0x2;
	s16 =	simm.s32 $0x800  }
0x5: {  	s17 =	simm.s32 $0x9000;
	s18 =	simm.s32 $0x9800;
	s19 =	simm.s32 $0xA000  }
0x6: {  	s20 =	simm.s32 $0xA800;
	s21 =	simm.s32 $0x1;
	s10 =	sand.u32 $0x1, s2  }
0x7: {  	s30 =	sshll.u32 s0, $0x1;
	[smem:$0x7FF] =	sst s5;
	s7 =	sadd.s32 $0x44200, s8  }
0x8: {  	s31 =	sshll.u32 s0, $0x10;
	s2 =	sor.u32 s10, s30;
	s9 =	ssub.s32 $0x2, s10  }
0x9: {  	s13 =	sshll.u32 s10, $0xF;
	s4 =	sshll.u32 s2, $0xF;
	s6 =	sshll.u32 s2, $0x7  }
0xa: {  	s2 =	rddreg [dreg:$0x3];
	s12 =	sshrl.u32 s9, $0x1;
	s6 =	sor.u32 s6, s4  }
0xb: {  	_ =	strace $0x8000004A;
	s12 =	ssub.s32 s9, s12;
	s6 =	sand.u32 $0xC0380, s6  }
0xc: {  	s10 =	smax.u32 s12, $0x1;
	s12 =	simm.s32 $0x80;
	s6 =	sshrl.u32 s6, $0x3  }
0xd: {  	s11 =	sadd.s32 s6, s8;
	s6 =	sadd.s32 $0x23800, s8;
	s8 =	sadd.s32 $0x64C00, s8  }
0xe: {  	v0 =	vlaneseq.u32;
	s9 =	sadd.s32 $0x2600, s11;
	s11 =	sor.u32 s13, s31;
	s13 =	simm.s32 $0x400  }
.LBB2_1:
0xf: {  	[tilespmem:s14], [sflag:$0x2] =	stream.strided.gather [hbm4b:s9+s12], $0x8000, s13, s12, $0x38;
	[tilespmem:$0xB000] =	vst v63  }
0x10: {  	_ =	swait.ge [sflag:s15], $0x8000  }
0x11: {  	[sflag:s15] =	ssyncset.done $0x0  }
0x12: {  	s22 =	smov.u32 s11;
	s23 =	simm.s32 $0x0;
	[sflag:s15] =	ssyncadd.s32 $0xFFFF8000  }
.LBB2_2:
0x13: {  	s24 =	sshll.u32 s23, $0xB  }
0x14: {  	s24 =	sadd.s32 s4, s24  }
0x15: {  	s24 =	sshrl.u32 s24, $0x3  }
0x16: {  	s26 =	simm.s32 $0x0;
	s25 =	sadd.s32 s1, s24  }
0x17: {  	[tilespmem:s26], [sflag:$0x2] =	stream.linear.gather [hbm4b:s25+s26], $0x800, $0x38;
	[tilespmem:$0xB000] =	vst v63  }
0x18: {  	_ =	swait.ge [sflag:s15], $0x800  }
0x19: {  	[sflag:s15] =	ssyncset.done $0x0  }
0x1a: {  	s24 =	sadd.s32 s3, s24;
	[sflag:s15] =	ssyncadd.s32 $0xFFFFF800  }
0x1b: {  	[tilespmem:s16], [sflag:$0x2] =	stream.linear.gather [hbm4b:s24+s26], $0x800, $0x38;
	[tilespmem:$0xB000] =	vst v63  }
0x1c: {  	_ =	swait.ge [sflag:s15], $0x800  }
0x1d: {  	[sflag:s15] =	ssyncset.done $0x0  }
0x1e: {  	s24 =	simm.s32 $0x0;
	[sflag:s15] =	ssyncadd.s32 $0xFFFFF800  }
0x1f: {  	v1 =	vld [tilespmem:s24+$0x0];
	_ =	sdelay $0x4  }
0x20: {  	v2 =	vmul.f32 $3.276800000e+04, v1;
	_ =	sdelay $0x1  }
0x21: {  	v2 =	vtrunc.f32 v2  }
0x22: {  	v3 =	vcvt.f32.s32 v2;
	_ =	sdelay $0x1  }
0x23: {  	(xrf1) =	vunique.msk.u32 $0xffff, v3;
	_ =	sdelay $0x5  }
0x24: {  	v2 =	vld [tilespmem:s24+$0x800];
	_ =	sdelay $0x4  }
0x25: {  	v6 =	vmul.f32 $1.442695020e+00, v2;
	_ =	sdelay $0x1  }
0x26: {  	(erf) = vpow2.f32 v6  }
0x27: {  	v4 =	vld.idx.msk [tilespmem:v3+s14+$0x0], $0xffff;
	_, v5, vm0 =	vpop (xrf1);
	_ =	sdelay $0x4  }
0x28: {  	v2 =	vadd.s32 v4, v5  }
0x29: {  	s28 =	simm.s32 $0x10;
	s25 =	smov.u32 s22;
	s26 =	simm.s32 $0x80;
	[tilespmem:v3+s14+$0x0] =	vst.idx.msk vm0, v2;
	v3 =	vor.u32 s22, v0  }
.LBB2_3:
0x2a: {  	p0 =	sne.s32 s26, $0x1FC0  }
0x2b: {  	v4 =	vld [tilespmem:s28+$0x0];
	[tilespmem:s24+$0xA800] =	vst v3;
	s25 =	sadd.s32 $0x10, s25;
	v3 =	vpop (erf);
	s29 =	smov.u32 s26;
	s26 =	sadd.s32 $0x40, s26  }
0x2c: {  	v2 =	vadd.s32 $0xFFFFFFFF, v2;
	[tilespmem:s24+$0xA000] =	vst v3  }
0x2d: {  	[tilespmem:s24+$0x9000] =	vst v2  }
0x2e: {  	[tilespmem:s24+$0x9800] =	vst v1;
	s24 =	smov.u32 s28;
	_ =	sdelay $0x1  }
0x2f: {  	v2 =	vmul.f32 $3.276800000e+04, v4;
	v1 =	vmov v4;
	_ =	sdelay $0x1  }
0x30: {  	v2 =	vtrunc.f32 v2  }
0x31: {  	v3 =	vcvt.f32.s32 v2;
	_ =	sdelay $0x1  }
0x32: {  	(xrf1) =	vunique.msk.u32 $0xffff, v3;
	_ =	sdelay $0x4  }
0x33: {  	v2 =	vld [tilespmem:s24+$0x800];
	_ =	sdelay $0x4  }
0x34: {  	v2 =	vmul.f32 $1.442695020e+00, v2;
	_ =	sdelay $0x1  }
0x35: {  	(erf) = vpow2.f32 v2  }
0x36: {  	v2 =	vld.idx.msk [tilespmem:v3+s14+$0x0], $0xffff  }
0x37: {  	_, v4, vm0 =	vpop (xrf1);
	_ =	sdelay $0x1  }
.Ltmp0:
0x38: {  	(pc) =	sbr.rel @p0 .LBB2_3-.Ltmp0, $3  }
0x39: {  	_ =	sdelay $0x1  }
0x3a: {  	v2 =	vadd.s32 v2, v4  }
0x3b: {  	s28 =	sshra.s32 s29, $0x2;
	[tilespmem:v3+s14+$0x0] =	vst.idx.msk vm0, v2;
	v3 =	vor.u32 s25, v0  }
0x3c: {  	v4 =	vld [tilespmem:s28+$0x0];
	_ =	sdelay $0x4  }
0x3d: {  	v5 =	vmul.f32 $3.276800000e+04, v4;
	_ =	sdelay $0x1  }
0x3e: {  	v5 =	vtrunc.f32 v5  }
0x3f: {  	v5 =	vcvt.f32.s32 v5;
	_ =	sdelay $0x1  }
0x40: {  	(xrf1) =	vunique.msk.u32 $0xffff, v5;
	_ =	sdelay $0x2  }
0x41: {  	[tilespmem:s24+$0xA800] =	vst v3  }
0x42: {  	v3 =	vpop (erf);
	[tilespmem:s24+$0x9800] =	vst v1  }
0x43: {  	v2 =	vadd.s32 $0xFFFFFFFF, v2;
	[tilespmem:s24+$0xA000] =	vst v3  }
0x44: {  	[tilespmem:s24+$0x9000] =	vst v2  }
0x45: {  	v1 =	vld [tilespmem:s28+$0x800];
	_ =	sdelay $0x4  }
0x46: {  	v1 =	vmul.f32 $1.442695020e+00, v1;
	_ =	sdelay $0x1  }
0x47: {  	(erf) = vpow2.f32 v1;
	v1 =	vld.idx.msk [tilespmem:v5+s14+$0x0], $0xffff;
	_, v2, vm0 =	vpop (xrf1);
	_ =	sdelay $0x4  }
0x48: {  	s31 =	sadd.s32 $0x10, s25;
	v1 =	vadd.s32 v1, v2  }
0x49: {  	v2 =	vor.u32 s31, v0;
	[tilespmem:v5+s14+$0x0] =	vst.idx.msk vm0, v1  }
0x4a: {  	v1 =	vadd.s32 $0xFFFFFFFF, v1;
	[tilespmem:s28+$0xA800] =	vst v2  }
0x4b: {  	[tilespmem:s28+$0x9000] =	vst v1  }
0x4c: {  	v2 =	vpop (erf);
	[tilespmem:s28+$0x9800] =	vst v4  }
0x4d: {  	s23 =	sadd.s32 $0x1, s23;
	[tilespmem:s28+$0xA000] =	vst v2  }
0x4e: {  	[hbm4b:s6+s16] =	stream.indirect.scatter [tilespmem:s18], [sflag:$0x1], $0x1, s17, s16, $0xb8;
	[tilespmem:$0xB000] =	vst v63  }
0x4f: {  	p0 =	sne.s32 s23, $0x10  }
0x50: {  	[hbm4b:s7+s16] =	stream.indirect.scatter [tilespmem:s19], [sflag:$0x1], $0x1, s17, s16, $0xb8;
	[tilespmem:$0xB000] =	vst v63  }
.Ltmp1:
0x51: {  	_ = 	snop;
	(pc) =	sbr.rel @p0 .LBB2_2-.Ltmp1, $4  }
0x52: {  	[hbm4b:s8+s16] =	stream.indirect.scatter [tilespmem:s20], [sflag:$0x1], $0x1, s17, s16, $0xb8;
	[tilespmem:$0xB000] =	vst v63  }
0x53: {  	_ =	swait.ge [sflag:s21], $0x1800  }
0x54: {  	[sflag:s21] =	ssyncset.done $0x0  }
0x55: {  	s22 =	sadd.s32 $0x800, s22;
	[sflag:s21] =	ssyncadd.s32 $0xFFFFE800  }
0x56: {  	s5 =	sadd.s32 $0x1, s5  }
0x57: {  	p0 =	sne.s32 s5, s10  }
.Ltmp2:
0x58: {  	_ = 	snop;
	(pc) =	sbr.rel @p0 .LBB2_1-.Ltmp2, $1  }
0x59: {  	_ =	sdelay $0x3  }
0x5a: {  	_ =	sfence.sel $0x180000  }
0x5b: {  	[bflag:$0x0] =	sbarrier.arrive $0xFFFF  }
0x5c: {  	p0 =	sne.s32 s0, $0x0;
	_ =	strace $0x9000004A  }
0x5d: {  	s0 =	sadd.s32 @!p0 $0x100000, s2;
	[bflag:$0x2] =	sbarrier.arrive $0xFFFF  }
0x5e: {  	[sflag:s0] =	ssyncadd.tile.s32 @!p0 $0x1;
	_ =	shalt  }
.Lfunc_end2:
_tile_overlayer_lowered:
.L_overlay_start_2:
0x5f: {  	(tag) =	ssettag $0x2  }
0x60: {  	s0 =	rddreg [dreg:$0x0];
	s2 =	stileid.u32  }
0x61: {  	s1 =	rddreg [dreg:$0x1];
	p0 =	sne.s32 s2, $0x0  }
0x62: {  	s3 =	rddreg [dreg:$0x2];
	[bflag:$0x3] =	sbarrier.arrive $0xFFFF;
	s2 =	simm.s32 @!p0 $0x1C02  }
0x63: {  	[timem:s3], [sflag:s2] =	dma.local @!p0 [hbm:s0], s1  }
0x64: {  	s0 =	simm.s32 @!p0 $0x2  }
0x65: {  	_ =	swait.ge @!p0 [sflag:s0], s1  }
0x66: {  	s1 =	ssub.s32 @!p0 $0x0, s1;
	[sflag:s0] =	ssyncset.done @!p0 $0x0  }
0x67: {  	[sflag:s0] =	ssyncadd.s32 @!p0 s1  }
0x68: {  	[bflag:$0x3] =	sbarrier.arrive $0xFFFF  }
0x69: {  	_ =	shalt  }

// kernel: kernel.14.cloned.1.call-start
scs
__scs_entry_jumppad:
0x0: {  	(pc) =	sbr.rel $0x88, $3  }
0x1: {  	(tag) =	ssettag $0x0;
	lr =	simm.s32 $0x1  }
0x2: {  	[smem:$0x3F9E] =	sst lr;
	_ =	strace $0xD0000000  }
0x3: {  	_ = 	snop  }
0x4: {  	_ = 	snop  }
0x5: {  	_ = 	snop  }
0x6: {  	_ = 	snop  }
0x7: {  	_ = 	snop  }
__scs_overlays_trampoline_lowered:
0x8: {  	[smem:$0x3FAD] =	sst s0  }
0x9: {  	[smem:$0x3FAE] =	sst s1  }
0xa: {  	[smem:$0x3FAF] =	sst s2  }
0xb: {  	[smem:$0x3FB0] =	sst s3  }
0xc: {  	[smem:$0x3FB1] =	sst s4  }
0xd: {  	[smem:$0x3FB2] =	sst s5  }
0xe: {  	[smem:$0x3FB3] =	sst s6  }
0xf: {  	[smem:$0x3FB4] =	sst s7  }
0x10: {  	[smem:$0x3FB5] =	sst s8  }
0x11: {  	[smem:$0x3FB6] =	sst s9;
	s0 =	simm.s32 @!p0 $0x0  }
0x12: {  	s1 =	sld [smem:$0x3F9C];
	s0 =	simm.s32 @p0 $0x1  }
0x13: {  	[smem:$0x3FB7] =	sst s0;
	s0 =	simm.s32 @!p1 $0x0  }
0x14: {  	s2 =	sld [smem:$0x3F9B];
	s0 =	simm.s32 @p1 $0x1  }
0x15: {  	[smem:$0x3FB8] =	sst s0;
	s0 =	simm.s32 @!p2 $0x0  }
0x16: {  	s3 =	sld [smem:$0x3FDB];
	s0 =	simm.s32 @p2 $0x1  }
0x17: {  	s4 =	simm.s32 $0x1BF5;
	[smem:$0x3FBA] =	sst s0  }
0x18: {  	s0 =	sld [smem:$0x3F9D];
	_ =	swait.ge [sflag:s4], $0x0  }
0x19: {  	s7 =	sld [smem:$0x3F9E]  }
0x1a: {  	s8 =	sadd.s32 $0xFFFFE003, lr  }
0x1b: {  	s9 =	sadd.s32 $0xFFFFFEF7, lr;
	s5 =	simm.s32 $0xFFFFFFFF;
	p2 =	slt.u32 s8, $0xFFFFF086  }
0x1c: {  	p1 =	slt.u32 s9, $0xF7A;
	s5 =	simm.s32 @!p2 $0x0  }
0x1d: {  	s5 =	simm.s32 @p1 $0x1;
	p0 =	seq.s32 s7, s2  }
0x1e: {  	s7 =	smul.u32 @!p0 $0xF7A, s2;
	p2 =	seq.s32 @!p0 s5, $0x0  }
0x1f: {  	s9 =	smul.u32 $0xF7A, s1;
	s8 =	simm.s32 @!p0 $0x1BF5;
	p2 =	por !p2, p0  }
0x20: {  	[sflag:s8] =	ssyncset.s32 @!p0 $0xFFFFF086;
	s6 =	sadd.s32 @!p0 s3, s7;
	s7 =	simm.s32 @!p0 $0x108  }
0x21: {  	s3 =	sadd.s32 s3, s9;
	s6 =	sadd.s32 @!p0 $0x88, s6;
	s7 =	simm.s32 @p2 $0x1082  }
0x22: {  	[simem:s7], [sflag:s8] =	dma.local @!p0 [hbm:s6], $0xF7A  }
0x23: {  	s9 =	sor.u32 $0xD0000000, s2;
	s6 =	simm.s32 $0x108;
	_ =	swait.ge @!p0 [sflag:s8], $0x0  }
0x24: {  	s3 =	sadd.s32 $0x88, s3;
	s6 =	simm.s32 @!p1 $0x1082;
	[sflag:s4] =	ssyncset.s32 $0xFFFFF086  }
0x25: {  	[simem:s6], [sflag:s4] =	dma.local [hbm:s3], $0xF7A  }
0x26: {  	[smem:$0x3F9E] =	sst s1;
	(tag) =	ssettag s2;
	_ =	strace s9  }
0x27: {  	s1 =	sld [smem:$0x3FAE]  }
0x28: {  	s2 =	sld [smem:$0x3FAF]  }
0x29: {  	s4 =	sld [smem:$0x3FB1]  }
0x2a: {  	p0 =	seq.s32 s5, $0x0;
	s5 =	sld [smem:$0x3FB2]  }
0x2b: {  	s6 =	sld [smem:$0x3FB3]  }
0x2c: {  	s7 =	sld [smem:$0x3FB4]  }
0x2d: {  	s3 =	simm.s32 $0x108;
	s8 =	sld [smem:$0x3FB5]  }
0x2e: {  	s3 =	simm.s32 @!p0 $0x1082;
	s9 =	sld [smem:$0x3FB6]  }
0x2f: {  	lr =	sadd.s32 s0, s3;
	s0 =	sld [smem:$0x3FAD]  }
0x30: {  	s3 =	sld [smem:$0x3FB0]  }
0x31: {  	[smem:$0x3FB9] =	sst s10  }
0x32: {  	s10 =	sld [smem:$0x3FB7];
	_ =	sdelay $0x3  }
0x33: {  	p0 =	seq.s32 s10, $0x1;
	s10 =	sld [smem:$0x3FB9];
	_ =	sdelay $0x3  }
0x34: {  	[smem:$0x3FB9] =	sst s10  }
0x35: {  	s10 =	sld [smem:$0x3FB8];
	_ =	sdelay $0x3  }
0x36: {  	p1 =	seq.s32 s10, $0x1;
	s10 =	sld [smem:$0x3FB9];
	_ =	sdelay $0x3  }
0x37: {  	[smem:$0x3FB9] =	sst s10  }
0x38: {  	s10 =	sld [smem:$0x3FBA]  }
0x39: {  	_ = 	snop;
	(pc) =	sbr.ind lr, $3  }
0x3a: {  	_ = 	snop  }
0x3b: {  	_ = 	snop  }
0x3c: {  	p2 =	seq.s32 s10, $0x1;
	s10 =	sld [smem:$0x3FB9]  }
0x3d: {  	_ =	shalt  }
0x3e: {  	_ =	shalt  }
0x3f: {  	_ =	shalt  }
0x40: {  	_ =	shalt  }
0x41: {  	_ =	shalt  }
0x42: {  	_ =	shalt  }
0x43: {  	_ =	shalt  }
0x44: {  	_ =	shalt  }
0x45: {  	_ =	shalt  }
0x46: {  	_ =	shalt  }
0x47: {  	_ =	shalt  }
0x48: {  	_ =	shalt  }
0x49: {  	_ =	shalt  }
0x4a: {  	_ =	shalt  }
0x4b: {  	_ =	shalt  }
0x4c: {  	_ =	shalt  }
0x4d: {  	_ =	shalt  }
0x4e: {  	_ =	shalt  }
0x4f: {  	_ =	shalt  }
0x50: {  	_ =	shalt  }
0x51: {  	_ =	shalt  }
0x52: {  	_ =	shalt  }
0x53: {  	_ =	shalt  }
0x54: {  	_ =	shalt  }
0x55: {  	_ =	shalt  }
0x56: {  	_ =	shalt  }
0x57: {  	_ =	shalt  }
0x58: {  	_ =	shalt  }
0x59: {  	_ =	shalt  }
0x5a: {  	_ =	shalt  }
0x5b: {  	_ =	shalt  }
0x5c: {  	_ =	shalt  }
0x5d: {  	_ =	shalt  }
0x5e: {  	_ =	shalt  }
0x5f: {  	_ =	shalt  }
0x60: {  	_ =	shalt  }
0x61: {  	_ =	shalt  }
0x62: {  	_ =	shalt  }
0x63: {  	_ =	shalt  }
0x64: {  	_ =	shalt  }
0x65: {  	_ =	shalt  }
0x66: {  	_ =	shalt  }
0x67: {  	_ =	shalt  }
0x68: {  	_ =	shalt  }
0x69: {  	_ =	shalt  }
0x6a: {  	_ =	shalt  }
0x6b: {  	_ =	shalt  }
0x6c: {  	_ =	shalt  }
0x6d: {  	_ =	shalt  }
0x6e: {  	_ =	shalt  }
0x6f: {  	_ =	shalt  }
0x70: {  	_ =	shalt  }
0x71: {  	_ =	shalt  }
0x72: {  	_ =	shalt  }
0x73: {  	_ =	shalt  }
0x74: {  	_ =	shalt  }
0x75: {  	_ =	shalt  }
0x76: {  	_ =	shalt  }
0x77: {  	_ =	shalt  }
0x78: {  	_ =	shalt  }
0x79: {  	_ =	shalt  }
0x7a: {  	_ =	shalt  }
0x7b: {  	_ =	shalt  }
0x7c: {  	_ =	shalt  }
0x7d: {  	_ =	shalt  }
0x7e: {  	_ =	shalt  }
0x7f: {  	_ =	shalt  }
0x80: {  	_ =	shalt  }
0x81: {  	_ =	shalt  }
0x82: {  	_ =	shalt  }
0x83: {  	_ =	shalt  }
0x84: {  	_ =	shalt  }
0x85: {  	_ =	shalt  }
0x86: {  	_ =	shalt  }
0x87: {  	_ =	shalt  }
.Lfunc_end0:
.L_simem_size_0:
called_computation.2_lowered:
.L_overlay_start_0:
0x88: {  	s2 =	sld [smem:$0x3FD9]  }
0x89: {  	s3 =	sld [smem:$0x3FFE];
	_ =	sdelay $0x1  }
0x8a: {  	s1 =	srdreg.scid  }
0x8b: {  	s0 =	sand.u32 $0x1, s1  }
0x8c: {  	s16 =	sshll.u32 s0, $0xA;
	s2 =	sadd.s32 s3, s2  }
0x8d: {  	s2 =	sadd.s32 s2, s16  }
0x8e: {  	[smem:$0x3FC5] =	sst s2  }
0x8f: {  	_ = 	snop  }
0x90: {  	(tm) =	ssettm $0x1  }
0x91: {  	s17 =	sld [smem:$0x3FFB];
	_ =	sdelay $0x3  }
0x92: {  	_ =	strace s17  }
0x93: {  	s2 =	sld [smem:$0x3FFC];
	_ =	sdelay $0x3  }
0x94: {  	_ =	strace s2  }
0x95: {  	s2 =	sld [smem:$0x3FFD];
	_ =	sdelay $0x3  }
0x96: {  	_ =	strace s2  }
0x97: {  	_ =	strace $0x8FFFFFFF  }
0x98: {  	s18 =	sld [smem:$0x3FDB];
	_ =	sdelay $0x1  }
0x99: {  	s19 =	simm.s32 $_scs_section_size  }
0x9a: {  	s4 =	simm.s32 $_size__tile_overlayer_lowered;
	s5 =	simm.s32 $_tile_overlayer_lowered  }
0x9b: {  	s22 =	simm.s32 $0x1BFF;
	s21 =	sshll.u32 s5, $0x1;
	s2 =	sadd.s32 s19, s18  }
0x9c: {  	s6 =	simm.s32 $0x0;
	s20 =	sshll.u32 s4, $0x1;
	s4 =	sadd.s32 s21, s2  }
0x9d: {  	[timem:s6], [sflag:s22] =	dma.local [hbm:s4], s20  }
0x9e: {  	_ =	swait.ge [sflag:s22], s20  }
0x9f: {  	s3 =	ssub.s32 $0x0, s20;
	[sflag:s22] =	ssyncset.done $0x0  }
0xa0: {  	[sflag:s22] =	ssyncadd.s32 s3;
	_ =	sdelay $0x1  }
0xa1: {  	s23 =	simm.s32 $0x1B8B  }
0xa2: {  	_ =	swait.ge [sflag:s23], $0x1  }
0xa3: {  	[sflag:s23] =	ssyncset.done $0x0  }
0xa4: {  	s25 =	simm.s32 $0x1B8E;
	s24 =	sld [smem:$0x3FFE];
	[sflag:s23] =	ssyncadd.s32 $0xFFFFFFFF  }
0xa5: {  	s26 =	simm.s32 $execute0_lowered;
	[smem:$0x3FD2] =	sst s25  }
0xa6: {  	s4 =	sshll.u32 s26, $0x1;
	_ =	strace $0x8000004C;
	[dreg:$0x1] =	wrdreg $0xFFFFFFFF  }
0xa7: {  	s28 =	simm.s32 $_size_execute0_lowered;
	s2 =	sadd.s32 s2, s4;
	[dreg:$0x0] =	wrdreg $0x0  }
0xa8: {  	s4 =	sshll.u32 s28, $0x1;
	[dreg:$0x2] =	wrdreg s2  }
0xa9: {  	[dreg:$0x3] =	wrdreg s4  }
0xaa: {  	[dreg:$0x4] =	wrdreg $0xC0  }
0xab: {  	_ =	task [dreg:s6], $0x5FFFF  }
0xac: {  	[dreg:$0x1] =	wrdreg $0xFFFFFFFF  }
0xad: {  	[dreg:$0x0] =	wrdreg $0x60  }
0xae: {  	[dreg:$0x2] =	wrdreg s24  }
0xaf: {  	[dreg:$0x3] =	wrdreg $0x9  }
0xb0: {  	_ =	task.clear_ibuf [dreg:s6], $0x4FFFF;
	_ =	strace $0x9000004C  }
0xb1: {  	s29 =	simm.s32 $0x9;
	_ =	strace $0x8000004E  }
0xb2: {  	_ =	swait.ge [sflag:s29], $0x1  }
0xb3: {  	[sflag:s29] =	ssyncadd.s32 $0xFFFFFFFF  }
0xb4: {  	_ =	strace $0x9000004E  }
0xb5: {  	_ =	sfence  }
0xb6: {  	s30 =	sld [smem:$0x0];
	_ =	sdelay $0x2  }
0xb7: {  	s31 =	sshll.u32 s1, $0xD;
	s1 =	sshrl.u32 s1, $0x2  }
0xb8: {  	s3 =	sand.u32 $0x4000, s31;
	s1 =	sadd.s32 s1, s30  }
0xb9: {  	s0 =	sor.u32 s3, s0;
	s1 =	sshll.u32 s1, $0x11  }
0xba: {  	s0 =	sor.u32 s1, s0  }
0xbb: {  	s0 =	sadd.s32 $0x8F2B, s0  }
0xbc: {  	[sflag:s0] =	ssyncadd.remote.s32 $0x1  }
0xbd: {  	_ =	sfence.sel $0xFFFF  }
0xbe: {  	[dreg:$0x0] =	wrdreg $0xFFFFFFFF;
	(pc) =	sbr.abs _section_cstart, $3  }
0xbf: {  	[dreg:$0x1] =	wrdreg $0xFFFFFFFF  }
0xc0: {  	_ =	task.clear_ibuf [dreg:s6], $0x2FFFF;
	_ =	strace $0x9FFFFFFF  }
0xc1: {  	(tm) =	ssettm $0x7FFFFFFF  }
tec
execute0_lowered:
.L_overlay_start_1:
0x0: {  	(tag) =	ssettag $0x1  }
0x1: {  	s4 =	rddreg [dreg:$0x0]  }
0x2: {  	s0 =	rddreg [dreg:$0x1];
	s2 =	simm.s32 $0x0;
	s3 =	srdreg.scid  }
0x3: {  	s1 =	stileid.u32;
	s9 =	simm.s32 $0x1;
	s10 =	simm.s32 $0x900  }
0x4: {  	s11 =	simm.s32 $0x800;
	s12 =	simm.s32 $0x0;
	[smem:$0x7FF] =	sst s2  }
0x5: {  	s5 =	sand.u32 $0x1, s3;
	s6 =	sshll.u32 s1, $0x1;
	s3 =	sadd.s32 $0x44200, s4  }
.Ltmp0:
0x6: {  	_ =	strace $0x8000004D;
	s6 =	sor.u32 s5, s6;
	(pc) =	sbr.rel .LBB2_1-.Ltmp0, $4  }
0x7: {  	s5 =	ssub.s32 $0x2, s5;
	s7 =	sshll.u32 s6, $0x7;
	s6 =	sshll.u32 s6, $0x4  }
0x8: {  	s8 =	sshrl.u32 s5, $0x1;
	s7 =	sadd.s32 s7, s4;
	s6 =	sadd.s32 s6, s4  }
0x9: {  	s8 =	ssub.s32 s5, s8;
	s4 =	sadd.s32 $0x22600, s7;
	s5 =	sadd.s32 $0x22680, s7  }
0xa: {  	v0 =	vlaneseq.u32;
	s6 =	sadd.s32 $0x2600, s6;
	s7 =	smax.u32 s8, $0x1;
	s8 =	simm.s32 $0x880  }
.LBB2_2:
0xb: {  	v2 =	vimm.f32 $0.0e+00  }
.LBB2_7:
0xc: {  	s12 =	sadd.s32 $0x1, s12  }
0xd: {  	p0 =	sne.s32 s12, s7  }
.Ltmp1:
0xe: {  	[tilespmem:$0x800] =	vst v2;
	(pc) =	sbr.rel @!p0 .LBB2_8-.Ltmp1, $4  }
0xf: {  	[hbm4b:s6+s2] =	stream.linear.scatter [tilespmem:s11], [sflag:$0x1], $0x80, $0x38;
	[tilespmem:$0x980] =	vst v63  }
0x10: {  	_ =	swait.ge [sflag:s9], $0x80  }
0x11: {  	[sflag:s9] =	ssyncset.done $0x0  }
0x12: {  	[sflag:s9] =	ssyncadd.s32 $0xFFFFFF80  }
.LBB2_1:
0x13: {  	[tilespmem:s8], [sflag:$0x1] =	stream.linear.gather [hbm4b:s4+s2], $0x80, $0x38;
	[tilespmem:$0x980] =	vst v63  }
0x14: {  	_ =	swait.ge [sflag:s9], $0x80  }
0x15: {  	[sflag:s9] =	ssyncset.done $0x0  }
0x16: {  	[sflag:s9] =	ssyncadd.s32 $0xFFFFFF80  }
0x17: {  	[tilespmem:s10], [sflag:$0x1] =	stream.linear.gather [hbm4b:s5+s2], $0x80, $0x38;
	[tilespmem:$0x980] =	vst v63  }
0x18: {  	_ =	swait.ge [sflag:s9], $0x80  }
0x19: {  	[sflag:s9] =	ssyncset.done $0x0  }
0x1a: {  	[sflag:s9] =	ssyncadd.s32 $0xFFFFFF80  }
0x1b: {  	v1 =	vld [tilespmem:$0x880]  }
0x1c: {  	v2 =	vld [tilespmem:$0x900];
	_ =	sdelay $0x3  }
0x1d: {  	(v2sf) =	vpush v1, $0x0  }
0x1e: {  	(v2sf) =	vpush v2, $0x0;
	_ =	sdelay $0xd  }
0x1f: {  	s13 =	spop (v2sf)  }
0x20: {  	s14 =	spop (v2sf);
	s13 =	sand.u32 $0xFFFFFFF0, s13  }
0x21: {  	s14 =	ssub.s32 s14, s13  }
0x22: {  	s14 =	sadd.s32 $0x7FF, s14  }
0x23: {  	s15 =	sand.u32 $0x7FF, s14  }
0x24: {  	s31 =	sshra.s32 s14, $0x1F;
	p1 =	slt.s32 s14, $0x1;
	p0 =	sne.s32 s15, $0x0  }
0x25: {  	s15 =	sshrl.u32 s31, $0x15;
	p0 =	por !p1, !p0  }
0x26: {  	s14 =	sadd.s32 s15, s14;
	s15 =	simm.s32 $0x1;
	p0 =	por !p0, !p0  }
0x27: {  	s14 =	sshra.s32 s14, $0xB;
	s15 =	simm.s32 @!p0 $0x0  }
0x28: {  	s14 =	ssub.s32 s14, s15  }
0x29: {  	p0 =	slt.s32 s14, $0x1  }
.Ltmp2:
0x2a: {  	_ = 	snop;
	(pc) =	sbr.rel @p0 .LBB2_2-.Ltmp2, $1  }
0x2b: {  	_ =	sdelay $0x3  }
0x2c: {  	v1 =	vbroadcast v1, $0x0;
	v3 =	vbroadcast v2, $0x0;
	s15 =	simm.s32 $0x0;
	v2 =	vimm.f32 $0.0e+00;
	s16 =	smov.u32 s13;
	s17 =	simm.s32 $0x0  }
.LBB2_4:
0x2d: {  	s18 =	sshll.u32 s17, $0xB  }
0x2e: {  	s18 =	sadd.s32 s13, s18  }
0x2f: {  	s18 =	sshrl.u32 s18, $0x3  }
0x30: {  	s18 =	sadd.s32 s3, s18  }
0x31: {  	[tilespmem:s15], [sflag:$0x1] =	stream.linear.gather [hbm4b:s18+s15], $0x800, $0x38;
	[tilespmem:$0x980] =	vst v63  }
0x32: {  	_ =	swait.ge [sflag:s9], $0x800  }
0x33: {  	[sflag:s9] =	ssyncset.done $0x0  }
0x34: {  	v4 =	vor.u32 s16, v0;
	s19 =	simm.s32 $0x0;
	[sflag:s9] =	ssyncadd.s32 $0xFFFFF800  }
0x35: {  	vm0 =	vge.s32 v4, v1;
	vm1 =	vlt.s32 v4, v3;
	v4 =	vld [tilespmem:s19+$0x0];
	_ =	sdelay $0x3  }
0x36: {  	vm0 =	vmand vm0, vm1;
	s18 =	simm.s32 $0x40;
	s19 =	smov.u32 s16  }
.LBB2_5:
0x37: {  	s20 =	sshra.s32 s18, $0x2;
	p0 =	sne.s32 s18, $0x1FC0;
	s18 =	sadd.s32 $0x40, s18;
	v5 =	vnsel vm0, $0x0, v4  }
.Ltmp3:
0x38: {  	v4 =	vld [tilespmem:s20+$0x0];
	v2 =	vadd.f32 v5, v2;
	(pc) =	sbr.rel @p0 .LBB2_5-.Ltmp3, $4  }
0x39: {  	s19 =	sadd.s32 $0x10, s19  }
0x3a: {  	v5 =	vor.u32 s19, v0  }
0x3b: {  	vm0 =	vge.s32 v5, v1;
	vm1 =	vlt.s32 v5, v3  }
0x3c: {  	vm0 =	vmand vm0, vm1  }
0x3d: {  	s17 =	sadd.s32 $0x1, s17  }
0x3e: {  	p0 =	sne.s32 s17, s14  }
.Ltmp4:
0x3f: {  	_ = 	snop;
	(pc) =	sbr.rel @p0 .LBB2_4-.Ltmp4, $4  }
.Ltmp5:
0x40: {  	_ = 	snop;
	(pc) =	sbr.rel @!p0 .LBB2_7-.Ltmp5, $4  }
0x41: {  	_ = 	snop  }
0x42: {  	v4 =	vnsel vm0, $0x0, v4  }
0x43: {  	s16 =	sadd.s32 $0x800, s16;
	v2 =	vadd.f32 v4, v2  }
0x44: {  	_ = 	snop  }
.LBB2_8:
0x45: {  	_ =	sfence.sel $0x180000  }
0x46: {  	[bflag:$0x0] =	sbarrier.arrive $0xFFFF  }
0x47: {  	p0 =	sne.s32 s1, $0x0;
	_ =	strace $0x9000004D  }
0x48: {  	s0 =	sadd.s32 @!p0 $0x100000, s0;
	[bflag:$0x2] =	sbarrier.arrive $0xFFFF  }
0x49: {  	[sflag:s0] =	ssyncadd.tile.s32 @!p0 $0x1;
	_ =	shalt  }
.Lfunc_end2:
_tile_overlayer_lowered:
.L_overlay_start_2:
0x4a: {  	(tag) =	ssettag $0x2  }
0x4b: {  	s0 =	rddreg [dreg:$0x0];
	s2 =	stileid.u32  }
0x4c: {  	s1 =	rddreg [dreg:$0x1];
	p0 =	sne.s32 s2, $0x0  }
0x4d: {  	s3 =	rddreg [dreg:$0x2];
	[bflag:$0x3] =	sbarrier.arrive $0xFFFF;
	s2 =	simm.s32 @!p0 $0x1C01  }
0x4e: {  	[timem:s3], [sflag:s2] =	dma.local @!p0 [hbm:s0], s1  }
0x4f: {  	s0 =	simm.s32 @!p0 $0x1  }
0x50: {  	_ =	swait.ge @!p0 [sflag:s0], s1  }
0x51: {  	s1 =	ssub.s32 @!p0 $0x0, s1;
	[sflag:s0] =	ssyncset.done @!p0 $0x0  }
0x52: {  	[sflag:s0] =	ssyncadd.s32 @!p0 s1  }
0x53: {  	[bflag:$0x3] =	sbarrier.arrive $0xFFFF  }
0x54: {  	_ =	shalt  }

// kernel: kernel.17.cloned.1.call-start
scs
__scs_entry_jumppad:
0x0: {  	(pc) =	sbr.rel $0x88, $3  }
0x1: {  	(tag) =	ssettag $0x0;
	lr =	simm.s32 $0x1  }
0x2: {  	[smem:$0x3F9E] =	sst lr;
	_ =	strace $0xD0000000  }
0x3: {  	_ = 	snop  }
0x4: {  	_ = 	snop  }
0x5: {  	_ = 	snop  }
0x6: {  	_ = 	snop  }
0x7: {  	_ = 	snop  }
__scs_overlays_trampoline_lowered:
0x8: {  	[smem:$0x3FAD] =	sst s0  }
0x9: {  	[smem:$0x3FAE] =	sst s1  }
0xa: {  	[smem:$0x3FAF] =	sst s2  }
0xb: {  	[smem:$0x3FB0] =	sst s3  }
0xc: {  	[smem:$0x3FB1] =	sst s4  }
0xd: {  	[smem:$0x3FB2] =	sst s5  }
0xe: {  	[smem:$0x3FB3] =	sst s6  }
0xf: {  	[smem:$0x3FB4] =	sst s7  }
0x10: {  	[smem:$0x3FB5] =	sst s8  }
0x11: {  	[smem:$0x3FB6] =	sst s9;
	s0 =	simm.s32 @!p0 $0x0  }
0x12: {  	s1 =	sld [smem:$0x3F9C];
	s0 =	simm.s32 @p0 $0x1  }
0x13: {  	[smem:$0x3FB7] =	sst s0;
	s0 =	simm.s32 @!p1 $0x0  }
0x14: {  	s2 =	sld [smem:$0x3F9B];
	s0 =	simm.s32 @p1 $0x1  }
0x15: {  	[smem:$0x3FB8] =	sst s0;
	s0 =	simm.s32 @!p2 $0x0  }
0x16: {  	s3 =	sld [smem:$0x3FDB];
	s0 =	simm.s32 @p2 $0x1  }
0x17: {  	s4 =	simm.s32 $0x1BF5;
	[smem:$0x3FBA] =	sst s0  }
0x18: {  	s0 =	sld [smem:$0x3F9D];
	_ =	swait.ge [sflag:s4], $0x0  }
0x19: {  	s7 =	sld [smem:$0x3F9E]  }
0x1a: {  	s8 =	sadd.s32 $0xFFFFE003, lr  }
0x1b: {  	s9 =	sadd.s32 $0xFFFFFEF7, lr;
	s5 =	simm.s32 $0xFFFFFFFF;
	p2 =	slt.u32 s8, $0xFFFFF086  }
0x1c: {  	p1 =	slt.u32 s9, $0xF7A;
	s5 =	simm.s32 @!p2 $0x0  }
0x1d: {  	s5 =	simm.s32 @p1 $0x1;
	p0 =	seq.s32 s7, s2  }
0x1e: {  	s7 =	smul.u32 @!p0 $0xF7A, s2;
	p2 =	seq.s32 @!p0 s5, $0x0  }
0x1f: {  	s9 =	smul.u32 $0xF7A, s1;
	s8 =	simm.s32 @!p0 $0x1BF5;
	p2 =	por !p2, p0  }
0x20: {  	[sflag:s8] =	ssyncset.s32 @!p0 $0xFFFFF086;
	s6 =	sadd.s32 @!p0 s3, s7;
	s7 =	simm.s32 @!p0 $0x108  }
0x21: {  	s3 =	sadd.s32 s3, s9;
	s6 =	sadd.s32 @!p0 $0x88, s6;
	s7 =	simm.s32 @p2 $0x1082  }
0x22: {  	[simem:s7], [sflag:s8] =	dma.local @!p0 [hbm:s6], $0xF7A  }
0x23: {  	s9 =	sor.u32 $0xD0000000, s2;
	s6 =	simm.s32 $0x108;
	_ =	swait.ge @!p0 [sflag:s8], $0x0  }
0x24: {  	s3 =	sadd.s32 $0x88, s3;
	s6 =	simm.s32 @!p1 $0x1082;
	[sflag:s4] =	ssyncset.s32 $0xFFFFF086  }
0x25: {  	[simem:s6], [sflag:s4] =	dma.local [hbm:s3], $0xF7A  }
0x26: {  	[smem:$0x3F9E] =	sst s1;
	(tag) =	ssettag s2;
	_ =	strace s9  }
0x27: {  	s1 =	sld [smem:$0x3FAE]  }
0x28: {  	s2 =	sld [smem:$0x3FAF]  }
0x29: {  	s4 =	sld [smem:$0x3FB1]  }
0x2a: {  	p0 =	seq.s32 s5, $0x0;
	s5 =	sld [smem:$0x3FB2]  }
0x2b: {  	s6 =	sld [smem:$0x3FB3]  }
0x2c: {  	s7 =	sld [smem:$0x3FB4]  }
0x2d: {  	s3 =	simm.s32 $0x108;
	s8 =	sld [smem:$0x3FB5]  }
0x2e: {  	s3 =	simm.s32 @!p0 $0x1082;
	s9 =	sld [smem:$0x3FB6]  }
0x2f: {  	lr =	sadd.s32 s0, s3;
	s0 =	sld [smem:$0x3FAD]  }
0x30: {  	s3 =	sld [smem:$0x3FB0]  }
0x31: {  	[smem:$0x3FB9] =	sst s10  }
0x32: {  	s10 =	sld [smem:$0x3FB7];
	_ =	sdelay $0x3  }
0x33: {  	p0 =	seq.s32 s10, $0x1;
	s10 =	sld [smem:$0x3FB9];
	_ =	sdelay $0x3  }
0x34: {  	[smem:$0x3FB9] =	sst s10  }
0x35: {  	s10 =	sld [smem:$0x3FB8];
	_ =	sdelay $0x3  }
0x36: {  	p1 =	seq.s32 s10, $0x1;
	s10 =	sld [smem:$0x3FB9];
	_ =	sdelay $0x3  }
0x37: {  	[smem:$0x3FB9] =	sst s10  }
0x38: {  	s10 =	sld [smem:$0x3FBA]  }
0x39: {  	_ = 	snop;
	(pc) =	sbr.ind lr, $3  }
0x3a: {  	_ = 	snop  }
0x3b: {  	_ = 	snop  }
0x3c: {  	p2 =	seq.s32 s10, $0x1;
	s10 =	sld [smem:$0x3FB9]  }
0x3d: {  	_ =	shalt  }
0x3e: {  	_ =	shalt  }
0x3f: {  	_ =	shalt  }
0x40: {  	_ =	shalt  }
0x41: {  	_ =	shalt  }
0x42: {  	_ =	shalt  }
0x43: {  	_ =	shalt  }
0x44: {  	_ =	shalt  }
0x45: {  	_ =	shalt  }
0x46: {  	_ =	shalt  }
0x47: {  	_ =	shalt  }
0x48: {  	_ =	shalt  }
0x49: {  	_ =	shalt  }
0x4a: {  	_ =	shalt  }
0x4b: {  	_ =	shalt  }
0x4c: {  	_ =	shalt  }
0x4d: {  	_ =	shalt  }
0x4e: {  	_ =	shalt  }
0x4f: {  	_ =	shalt  }
0x50: {  	_ =	shalt  }
0x51: {  	_ =	shalt  }
0x52: {  	_ =	shalt  }
0x53: {  	_ =	shalt  }
0x54: {  	_ =	shalt  }
0x55: {  	_ =	shalt  }
0x56: {  	_ =	shalt  }
0x57: {  	_ =	shalt  }
0x58: {  	_ =	shalt  }
0x59: {  	_ =	shalt  }
0x5a: {  	_ =	shalt  }
0x5b: {  	_ =	shalt  }
0x5c: {  	_ =	shalt  }
0x5d: {  	_ =	shalt  }
0x5e: {  	_ =	shalt  }
0x5f: {  	_ =	shalt  }
0x60: {  	_ =	shalt  }
0x61: {  	_ =	shalt  }
0x62: {  	_ =	shalt  }
0x63: {  	_ =	shalt  }
0x64: {  	_ =	shalt  }
0x65: {  	_ =	shalt  }
0x66: {  	_ =	shalt  }
0x67: {  	_ =	shalt  }
0x68: {  	_ =	shalt  }
0x69: {  	_ =	shalt  }
0x6a: {  	_ =	shalt  }
0x6b: {  	_ =	shalt  }
0x6c: {  	_ =	shalt  }
0x6d: {  	_ =	shalt  }
0x6e: {  	_ =	shalt  }
0x6f: {  	_ =	shalt  }
0x70: {  	_ =	shalt  }
0x71: {  	_ =	shalt  }
0x72: {  	_ =	shalt  }
0x73: {  	_ =	shalt  }
0x74: {  	_ =	shalt  }
0x75: {  	_ =	shalt  }
0x76: {  	_ =	shalt  }
0x77: {  	_ =	shalt  }
0x78: {  	_ =	shalt  }
0x79: {  	_ =	shalt  }
0x7a: {  	_ =	shalt  }
0x7b: {  	_ =	shalt  }
0x7c: {  	_ =	shalt  }
0x7d: {  	_ =	shalt  }
0x7e: {  	_ =	shalt  }
0x7f: {  	_ =	shalt  }
0x80: {  	_ =	shalt  }
0x81: {  	_ =	shalt  }
0x82: {  	_ =	shalt  }
0x83: {  	_ =	shalt  }
0x84: {  	_ =	shalt  }
0x85: {  	_ =	shalt  }
0x86: {  	_ =	shalt  }
0x87: {  	_ =	shalt  }
.Lfunc_end0:
.L_simem_size_0:
called_computation.3_lowered:
.L_overlay_start_0:
0x88: {  	s2 =	sld [smem:$0x3FD9]  }
0x89: {  	s3 =	sld [smem:$0x3FFE];
	_ =	sdelay $0x1  }
0x8a: {  	s1 =	srdreg.scid  }
0x8b: {  	s0 =	sand.u32 $0x1, s1  }
0x8c: {  	s16 =	sshll.u32 s0, $0xA;
	s2 =	sadd.s32 s3, s2  }
0x8d: {  	s2 =	sadd.s32 s2, s16  }
0x8e: {  	[smem:$0x3FC5] =	sst s2  }
0x8f: {  	_ = 	snop  }
0x90: {  	(tm) =	ssettm $0x1  }
0x91: {  	s17 =	sld [smem:$0x3FFB];
	_ =	sdelay $0x3  }
0x92: {  	_ =	strace s17  }
0x93: {  	s2 =	sld [smem:$0x3FFC];
	_ =	sdelay $0x3  }
0x94: {  	_ =	strace s2  }
0x95: {  	s2 =	sld [smem:$0x3FFD];
	_ =	sdelay $0x3  }
0x96: {  	_ =	strace s2  }
0x97: {  	_ =	strace $0x8FFFFFFF  }
0x98: {  	s18 =	sld [smem:$0x3FDB];
	_ =	sdelay $0x1  }
0x99: {  	s19 =	simm.s32 $_scs_section_size  }
0x9a: {  	s4 =	simm.s32 $_size__tile_overlayer_lowered;
	s5 =	simm.s32 $_tile_overlayer_lowered  }
0x9b: {  	s22 =	simm.s32 $0x1BFF;
	s21 =	sshll.u32 s5, $0x1;
	s2 =	sadd.s32 s19, s18  }
0x9c: {  	s6 =	simm.s32 $0x0;
	s20 =	sshll.u32 s4, $0x1;
	s4 =	sadd.s32 s21, s2  }
0x9d: {  	[timem:s6], [sflag:s22] =	dma.local [hbm:s4], s20  }
0x9e: {  	_ =	swait.ge [sflag:s22], s20  }
0x9f: {  	s3 =	ssub.s32 $0x0, s20;
	[sflag:s22] =	ssyncset.done $0x0  }
0xa0: {  	[sflag:s22] =	ssyncadd.s32 s3;
	_ =	sdelay $0x1  }
0xa1: {  	s23 =	simm.s32 $0x1B8B  }
0xa2: {  	_ =	swait.ge [sflag:s23], $0x1  }
0xa3: {  	[sflag:s23] =	ssyncset.done $0x0  }
0xa4: {  	s25 =	simm.s32 $0x1B8E;
	s24 =	sld [smem:$0x3FFE];
	[sflag:s23] =	ssyncadd.s32 $0xFFFFFFFF  }
0xa5: {  	s26 =	simm.s32 $execute0_lowered;
	[smem:$0x3FD2] =	sst s25  }
0xa6: {  	s4 =	sshll.u32 s26, $0x1;
	_ =	strace $0x8000004F;
	[dreg:$0x1] =	wrdreg $0xFFFFFFFF  }
0xa7: {  	s28 =	simm.s32 $_size_execute0_lowered;
	s2 =	sadd.s32 s2, s4;
	[dreg:$0x0] =	wrdreg $0x0  }
0xa8: {  	s4 =	sshll.u32 s28, $0x1;
	[dreg:$0x2] =	wrdreg s2  }
0xa9: {  	[dreg:$0x3] =	wrdreg s4  }
0xaa: {  	[dreg:$0x4] =	wrdreg $0xC0  }
0xab: {  	_ =	task [dreg:s6], $0x5FFFF  }
0xac: {  	[dreg:$0x1] =	wrdreg $0xFFFFFFFF  }
0xad: {  	[dreg:$0x0] =	wrdreg $0x60  }
0xae: {  	[dreg:$0x2] =	wrdreg s24  }
0xaf: {  	[dreg:$0x3] =	wrdreg $0x9  }
0xb0: {  	_ =	task.clear_ibuf [dreg:s6], $0x4FFFF;
	_ =	strace $0x9000004F  }
0xb1: {  	s29 =	simm.s32 $0x9;
	_ =	strace $0x80000051  }
0xb2: {  	_ =	swait.ge [sflag:s29], $0x1  }
0xb3: {  	[sflag:s29] =	ssyncadd.s32 $0xFFFFFFFF  }
0xb4: {  	_ =	strace $0x90000051  }
0xb5: {  	_ =	sfence  }
0xb6: {  	s30 =	sld [smem:$0x0];
	_ =	sdelay $0x2  }
0xb7: {  	s31 =	sshll.u32 s1, $0xD;
	s1 =	sshrl.u32 s1, $0x2  }
0xb8: {  	s3 =	sand.u32 $0x4000, s31;
	s1 =	sadd.s32 s1, s30  }
0xb9: {  	s0 =	sor.u32 s3, s0;
	s1 =	sshll.u32 s1, $0x11  }
0xba: {  	s0 =	sor.u32 s1, s0  }
0xbb: {  	s0 =	sadd.s32 $0x8F2B, s0  }
0xbc: {  	[sflag:s0] =	ssyncadd.remote.s32 $0x1  }
0xbd: {  	_ =	sfence.sel $0xFFFF  }
0xbe: {  	[dreg:$0x0] =	wrdreg $0xFFFFFFFF;
	(pc) =	sbr.abs _section_cstart, $3  }
0xbf: {  	[dreg:$0x1] =	wrdreg $0xFFFFFFFF  }
0xc0: {  	_ =	task.clear_ibuf [dreg:s6], $0x2FFFF;
	_ =	strace $0x9FFFFFFF  }
0xc1: {  	(tm) =	ssettm $0x7FFFFFFF  }
tec
execute0_lowered:
.L_overlay_start_1:
0x0: {  	(tag) =	ssettag $0x1  }
0x1: {  	s0 =	rddreg [dreg:$0x0]  }
0x2: {  	s3 =	simm.s32 $0x0;
	s1 =	srdreg.scid;
	s2 =	stileid.u32  }
0x3: {  	s12 =	simm.s32 $0x2;
	s15 =	simm.s32 $0x1;
	s16 =	simm.s32 $0x4100  }
0x4: {  	s17 =	simm.s32 $0x10280;
	s18 =	simm.s32 $0xC180;
	s22 =	simm.s32 $0x0  }
0x5: {  	[smem:$0x7FF] =	sst s3;
	s1 =	sand.u32 $0x1, s1;
	s2 =	sshll.u32 s2, $0x1  }
0x6: {  	s3 =	sadd.s32 $0x23800, s0;
	s5 =	sadd.s32 $0x44200, s0;
	s6 =	sadd.s32 $0x64C00, s0  }
0x7: {  	v0 =	vlaneseq.u32;
	v1 =	vimm.s32 $0x0;
	s8 =	sadd.s32 $0x2600, s0;
	_ =	strace $0x80000050;
	s7 =	sor.u32 s1, s2  }
.Ltmp0:
0x8: {  	v2 =	vimm.s32 $0x1;
	v3 =	vimm.s32 $0x2;
	v4 =	vimm.s32 $0x3;
	s1 =	ssub.s32 $0x2, s1;
	s2 =	sshll.u32 s7, $0x7;
	(pc) =	sbr.rel .LBB2_1-.Ltmp0, $4  }
0x9: {  	v5 =	vimm.s32 $0x4;
	v6 =	vimm.s32 $0x5;
	v7 =	vimm.s32 $0x6;
	[dreg:$0x3] =	wrdreg s8;
	s4 =	sshrl.u32 s1, $0x1;
	s2 =	sadd.s32 s2, s0  }
0xa: {  	v8 =	vimm.s32 $0x7;
	v9 =	vimm.s32 $0x8;
	v10 =	vimm.s32 $0x9;
	[dreg:$0x2] =	wrdreg s7;
	s30 =	ssub.s32 s1, s4;
	s31 =	sadd.s32 $0x22600, s2  }
0xb: {  	v11 =	vimm.s32 $0xA;
	v12 =	vimm.s32 $0xB;
	v13 =	vimm.s32 $0xC;
	s8 =	sadd.s32 $0x85600, s0;
	s0 =	smax.u32 s30, $0x1;
	[dreg:$0x4] =	wrdreg s31  }
0xc: {  	v14 =	vimm.s32 $0xD;
	v15 =	vimm.s32 $0xE;
	v16 =	vimm.s32 $0xF;
	p0 =	seq.s32 s7, $0x0;
	s4 =	simm.s32 $0x0;
	[dreg:$0x5] =	wrdreg s0  }
.LBB2_23:
0xd: {  	s4 =	rddreg [dreg:$0x6]  }
0xe: {  	s0 =	rddreg [dreg:$0x5];
	s4 =	sadd.s32 $0x1, s4  }
0xf: {  	p1 =	sne.s32 s4, s0  }
.Ltmp1:
0x10: {  	_ = 	snop;
	(pc) =	sbr.rel @!p1 .LBB2_24-.Ltmp1, $1  }
0x11: {  	_ =	sdelay $0x3  }
.LBB2_1:
0x12: {  	s1 =	simm.s32 $0x0;
	s0 =	rddreg [dreg:$0x4];
	s2 =	simm.s32 $0x15380  }
0x13: {  	[tilespmem:s2], [sflag:$0x2] =	stream.linear.gather [hbm4b:s0+s1], $0x480, $0x38;
	[tilespmem:$0x15800] =	vst v63  }
0x14: {  	_ =	swait.ge [sflag:s12], $0x480  }
0x15: {  	s0 =	simm.s32 $0x14380;
	[sflag:s12] =	ssyncset.done $0x0  }
.Ltmp2:
0x16: {  	s31 =	rddreg [dreg:$0x3];
	[sflag:s12] =	ssyncadd.s32 $0xFFFFFB80;
	(pc) =	sbr.rel @p0 .LBB2_5-.Ltmp2, $4  }
0x17: {  	[tilespmem:s0], [sflag:$0x2] =	stream.linear.gather [hbm4b:s31+s1], $0x1000, $0x38;
	[tilespmem:$0x15800] =	vst v63  }
0x18: {  	_ =	swait.ge [sflag:s12], $0x1000  }
0x19: {  	[sflag:s12] =	ssyncset.done $0x0  }
0x1a: {  	v17 =	vimm.f32 $0.0e+00;
	[dreg:$0x6] =	wrdreg s4;
	[sflag:s12] =	ssyncadd.s32 $0xFFFFF000  }
0x1b: {  	s1 =	rddreg [dreg:$0x2]  }
0x1c: {  	p1 =	sne.s32 s1, $0x1  }
.Ltmp3:
0x1d: {  	_ = 	snop;
	(pc) =	sbr.rel @!p1 .LBB2_4-.Ltmp3, $2  }
0x1e: {  	_ =	sdelay $0x2  }
0x1f: {  	v18 =	vld [tilespmem:s0+$0x0];
	s1 =	sadd.s32 $0xFFFFFFFF, s1  }
.LBB2_3:
0x20: {  	p1 =	sne.s32 s1, $0x1  }
.Ltmp4:
0x21: {  	_ = 	snop;
	(pc) =	sbr.rel @p1 .LBB2_3-.Ltmp4, $3  }
0x22: {  	_ =	sdelay $0x1  }
0x23: {  	s1 =	sadd.s32 $0xFFFFFFFF, s1;
	s0 =	sadd.s32 $0x80, s0;
	v17 =	vadd.f32 v18, v17  }
0x24: {  	v18 =	vld [tilespmem:s0+$0x0]  }
.LBB2_4:
0x25: {  	_ =	sdelay $0x3  }
0x26: {  	v17 =	vadd.f32 v18, v17  }
.LBB2_5:
0x27: {  	v18 =	vld [tilespmem:$0x14380];
	_ =	sdelay $0x1  }
0x28: {  	v19 =	vld [tilespmem:$0x14400];
	_ =	sdelay $0x1  }
0x29: {  	v20 =	vld [tilespmem:$0x14480]  }
0x2a: {  	v18 =	vadd.f32 $0.0e+00, v18  }
0x2b: {  	v21 =	vld [tilespmem:$0x14500]  }
0x2c: {  	v18 =	vadd.f32 v19, v18  }
0x2d: {  	v19 =	vld [tilespmem:$0x14580]  }
0x2e: {  	v18 =	vadd.f32 v20, v18  }
0x2f: {  	v46 =	vld [tilespmem:$0x14600]  }
0x30: {  	v18 =	vadd.f32 v21, v18  }
0x31: {  	v47 =	vld [tilespmem:$0x14680]  }
0x32: {  	v18 =	vadd.f32 v19, v18  }
0x33: {  	v19 =	vld [tilespmem:$0x14700]  }
0x34: {  	v18 =	vadd.f32 v46, v18  }
0x35: {  	v48 =	vld [tilespmem:$0x14780]  }
0x36: {  	v18 =	vadd.f32 v47, v18  }
0x37: {  	v49 =	vld [tilespmem:$0x14800]  }
0x38: {  	v18 =	vadd.f32 v19, v18  }
0x39: {  	v19 =	vld [tilespmem:$0x14880]  }
0x3a: {  	v18 =	vadd.f32 v48, v18  }
0x3b: {  	v50 =	vld [tilespmem:$0x14900]  }
0x3c: {  	v18 =	vadd.f32 v49, v18  }
0x3d: {  	v51 =	vld [tilespmem:$0x14980]  }
0x3e: {  	v18 =	vadd.f32 v19, v18  }
0x3f: {  	v19 =	vld [tilespmem:$0x14A00]  }
0x40: {  	v18 =	vadd.f32 v50, v18  }
0x41: {  	v52 =	vld [tilespmem:$0x14A80]  }
0x42: {  	v18 =	vadd.f32 v51, v18  }
0x43: {  	v53 =	vld [tilespmem:$0x14B00]  }
0x44: {  	v18 =	vadd.f32 v19, v18  }
0x45: {  	v19 =	vld [tilespmem:$0x14B80]  }
0x46: {  	v18 =	vadd.f32 v52, v18  }
0x47: {  	v54 =	vld [tilespmem:$0x14C00]  }
0x48: {  	v18 =	vadd.f32 v53, v18  }
0x49: {  	v55 =	vld [tilespmem:$0x14C80]  }
0x4a: {  	v18 =	vadd.f32 v19, v18  }
0x4b: {  	v19 =	vld [tilespmem:$0x14D00]  }
0x4c: {  	v18 =	vadd.f32 v54, v18  }
0x4d: {  	v56 =	vld [tilespmem:$0x14D80]  }
0x4e: {  	v18 =	vadd.f32 v55, v18  }
0x4f: {  	v57 =	vld [tilespmem:$0x14E00]  }
0x50: {  	v18 =	vadd.f32 v19, v18  }
0x51: {  	v19 =	vld [tilespmem:$0x14E80]  }
0x52: {  	v18 =	vadd.f32 v56, v18  }
0x53: {  	v58 =	vld [tilespmem:$0x14F00]  }
0x54: {  	v18 =	vadd.f32 v57, v18  }
0x55: {  	v59 =	vld [tilespmem:$0x14F80]  }
0x56: {  	v18 =	vadd.f32 v19, v18  }
0x57: {  	v19 =	vld [tilespmem:$0x15000]  }
0x58: {  	v18 =	vadd.f32 v58, v18  }
0x59: {  	v60 =	vld [tilespmem:$0x15080]  }
0x5a: {  	v18 =	vadd.f32 v59, v18  }
0x5b: {  	v61 =	vld [tilespmem:$0x15100]  }
0x5c: {  	v18 =	vadd.f32 v19, v18  }
0x5d: {  	v19 =	vld [tilespmem:$0x15180]  }
0x5e: {  	v18 =	vadd.f32 v60, v18  }
0x5f: {  	v62 =	vld [tilespmem:$0x15200]  }
0x60: {  	v18 =	vadd.f32 v61, v18  }
0x61: {  	v63 =	vld [tilespmem:$0x15280]  }
0x62: {  	v18 =	vadd.f32 v19, v18  }
0x63: {  	v19 =	vld [tilespmem:$0x15300]  }
0x64: {  	v18 =	vadd.f32 v62, v18;
	_ =	sdelay $0x1  }
0x65: {  	v18 =	vadd.f32 v63, v18;
	_ =	sdelay $0x1  }
0x66: {  	v18 =	vadd.f32 v19, v18  }
0x67: {  	(xrf2) =	vadd.scan.msk.f32 $0xffff, v17  }
0x68: {  	(xrf2) =	vadd.scan.msk.f32 $0xffff, v18;
	_ =	sdelay $0x8  }
0x69: {  	v17, _, _ =	vpop (xrf2)  }
0x6a: {  	(v2sf) =	vpush v17, $0xF;
	v17, _, _ =	vpop (xrf2)  }
0x6b: {  	(v2sf) =	vpush v17, $0xF;
	_ =	sdelay $0xa  }
.Ltmp5:
0x6c: {  	_ = 	snop;
	(pc) =	sbr.rel .LBB2_6-.Ltmp5, $3  }
0x6d: {  	_ =	sdelay $0x1  }
0x6e: {  	s20 =	spop (v2sf)  }
0x6f: {  	s24 =	simm.s32 $0x0;
	s21 =	spop (v2sf)  }
.LBB2_22:
0x70: {  	p1 =	slt.s32 s24, $0x400  }
.Ltmp6:
0x71: {  	_ = 	snop;
	(pc) =	sbr.rel @!p1 .LBB2_23-.Ltmp6, $4  }
0x72: {  	[hbm4b:s8+s16] =	stream.indirect.scatter [tilespmem:s18], [sflag:$0x1], $0x1, s17, s16, $0xb8;
	[tilespmem:$0x15800] =	vst v63  }
0x73: {  	_ =	swait.ge [sflag:s15], $0x4100  }
0x74: {  	[sflag:s15] =	ssyncset.done $0x0  }
0x75: {  	[sflag:s15] =	ssyncadd.s32 $0xFFFFBF00  }
.LBB2_6:
0x76: {  	v17 =	vld [tilespmem:s24+$0x15380];
	_ =	sdelay $0x4  }
0x77: {  	(v2sf) =	vpush v17, $0x0;
	_ =	sdelay $0xe  }
0x78: {  	s0 =	spop (v2sf)  }
0x79: {  	s23 =	sand.u32 $0xFFFFFFF0, s0  }
0x7a: {  	s1 =	sshrl.u32 s23, $0x3  }
0x7b: {  	s2 =	sadd.s32 s3, s1  }
0x7c: {  	[tilespmem:s22], [sflag:$0x2] =	stream.linear.gather [hbm4b:s2+s22], $0x4080, $0x38;
	[tilespmem:$0x15800] =	vst v63  }
0x7d: {  	_ =	swait.ge [sflag:s12], $0x4080  }
0x7e: {  	[sflag:s12] =	ssyncset.done $0x0  }
0x7f: {  	s4 =	simm.s32 $0x4080;
	s30 =	sadd.s32 s5, s1;
	[sflag:s12] =	ssyncadd.s32 $0xFFFFBF80  }
0x80: {  	[tilespmem:s4], [sflag:$0x2] =	stream.linear.gather [hbm4b:s30+s22], $0x4080, $0x38;
	[tilespmem:$0x15800] =	vst v63  }
0x81: {  	_ =	swait.ge [sflag:s12], $0x4080  }
0x82: {  	[sflag:s12] =	ssyncset.done $0x0  }
0x83: {  	s31 =	simm.s32 $0x8100;
	s1 =	sadd.s32 s6, s1;
	[sflag:s12] =	ssyncadd.s32 $0xFFFFBF80  }
0x84: {  	[tilespmem:s31], [sflag:$0x2] =	stream.linear.gather [hbm4b:s1+s22], $0x4080, $0x38;
	[tilespmem:$0x15800] =	vst v63  }
0x85: {  	v17 =	vor.u32 s22, v0;
	_ =	swait.ge [sflag:s12], $0x4080  }
0x86: {  	v17 =	vand.u32 $0x3FFF, v17;
	[sflag:s12] =	ssyncset.done $0x0  }
0x87: {  	v17 =	vadd.s32 $0x100010, v17;
	s1 =	simm.s32 $0x10280;
	[sflag:s12] =	ssyncadd.s32 $0xFFFFBF80  }
0x88: {  	s2 =	simm.s32 $0x10;
	[tilespmem:s1+$0x0] =	vst v17  }
.LBB2_7:
0x89: {  	p1 =	seq.s32 s2, $0x40F0  }
.Ltmp7:
0x8a: {  	_ = 	snop;
	(pc) =	sbr.rel @!p1 .LBB2_7-.Ltmp7, $4  }
0x8b: {  	v17 =	vor.u32 s2, v0  }
0x8c: {  	v17 =	vand.u32 $0x3FFF, v17  }
0x8d: {  	s1 =	sadd.s32 $0x10, s1;
	v17 =	vadd.s32 $0x100010, v17  }
0x8e: {  	s2 =	sadd.s32 $0x10, s2;
	[tilespmem:s1+$0x0] =	vst v17  }
0x8f: {  	v17 =	vld [tilespmem:s24+$0x15381];
	_ =	sdelay $0x4  }
0x90: {  	(v2sf) =	vpush v17, $0x0;
	_ =	sdelay $0xa  }
.Ltmp8:
0x91: {  	s0 =	sshll.u32 s0, $0x2;
	(pc) =	sbr.rel .LBB2_10-.Ltmp8, $4  }
0x92: {  	s0 =	sand.u32 $0xFFFFFFC0, s0  }
0x93: {  	s0 =	ssub.s32 $0x0, s0  }
0x94: {  	s7 =	sadd.s32 $0x1, s24;
	s25 =	sshra.s32 s0, $0x2  }
0x95: {  	s26 =	sadd.s32 $0x8100, s25;
	s28 =	sadd.s32 $0x4080, s25;
	s1 =	spop (v2sf)  }
.LBB2_9:
0x96: {  	v17 =	vld [tilespmem:s24+$0x15381];
	_ =	sdelay $0x4  }
0x97: {  	(v2sf) =	vpush v17, $0x0;
	_ =	sdelay $0xe  }
0x98: {  	s1 =	spop (v2sf)  }
0x99: {  	p1 =	sgt.s32 s24, $0x3FF;
	s0 =	ssub.s32 s1, s23  }
0x9a: {  	p2 =	sgt.s32 @!p1 s0, $0x4020  }
0x9b: {  	p1 =	por p1, p2  }
.Ltmp9:
0x9c: {  	_ = 	snop;
	(pc) =	sbr.rel @p1 .LBB2_22-.Ltmp9, $2  }
0x9d: {  	_ =	sdelay $0x2  }
0x9e: {  	s7 =	sadd.s32 $0x1, s24  }
.LBB2_10:
0x9f: {  	v17 =	vld [tilespmem:s24+$0x15380];
	_ =	sdelay $0x4  }
0xa0: {  	(v2sf) =	vpush v17, $0x0;
	_ =	sdelay $0xe  }
0xa1: {  	s2 =	spop (v2sf)  }
0xa2: {  	s0 =	ssub.s32 s2, s23  }
0xa3: {  	s4 =	ssub.s32 s1, s2;
	s1 =	ssub.s32 $0x4020, s0  }
0xa4: {  	p1 =	slt.s32 s4, s1  }
0xa5: {  	s1 =	smov.u32 @p1 s4  }
0xa6: {  	s4 =	sadd.s32 $0xF, s1  }
0xa7: {  	s9 =	sand.u32 $0xF, s4  }
0xa8: {  	s10 =	sshra.s32 s4, $0x1F;
	p6 =	slt.s32 s4, $0x1;
	p2 =	sne.s32 s9, $0x0  }
0xa9: {  	s31 =	sshrl.u32 s10, $0x1C;
	p1 =	por !p6, !p2  }
0xaa: {  	s10 =	simm.s32 $0x1;
	s9 =	sadd.s32 s31, s4;
	p1 =	por !p1, !p1  }
0xab: {  	s9 =	sshra.s32 s9, $0x4;
	s10 =	simm.s32 @!p1 $0x0  }
0xac: {  	s29 =	ssub.s32 s9, s10  }
0xad: {  	p1 =	slt.s32 s29, $0x1  }
.Ltmp10:
0xae: {  	_ = 	snop;
	(pc) =	sbr.rel @p1 .LBB2_11-.Ltmp10, $2  }
0xaf: {  	_ =	sdelay $0x2  }
0xb0: {  	s24 =	smov.u32 s7;
	v17 =	vmov s1  }
0xb1: {  	s10 =	sadd.s32 $0x4080, s0  }
0xb2: {  	p2 =	sne.s32 s29, $0x1;
	v19 =	vld [tilespmem:s10+$0x0]  }
.Ltmp11:
0xb3: {  	_ = 	snop;
	(pc) =	sbr.rel @!p2 .LBB2_14-.Ltmp11, $4  }
0xb4: {  	s7 =	simm.s32 $0x0  }
0xb5: {  	v18 =	vor.u32 s7, v0  }
0xb6: {  	vm0 =	vlt.s32 v18, v17  }
0xb7: {  	s9 =	sadd.s32 $0xFFFFFFFF, s29;
	s10 =	sadd.s32 $0x10, s10;
	v18 =	vimm.f32 $0.0e+00;
	v19 =	vnsel vm0, $0x0, v19  }
.LBB2_13:
0xb8: {  	v20 =	vld [tilespmem:s10+$0x0];
	p2 =	sne.s32 s9, $0x1;
	s9 =	sadd.s32 $0xFFFFFFFF, s9;
	v18 =	vadd.f32 v19, v18  }
.Ltmp12:
0xb9: {  	(pc) =	sbr.rel @p2 .LBB2_13-.Ltmp12, $4  }
0xba: {  	s7 =	sadd.s32 $0x10, s7  }
0xbb: {  	v19 =	vor.u32 s7, v0  }
0xbc: {  	vm0 =	vlt.s32 v19, v17  }
0xbd: {  	s10 =	sadd.s32 $0x10, s10;
	v19 =	vnsel vm0, $0x0, v20  }
.LBB2_14:
.Ltmp13:
0xbe: {  	(pc) =	sbr.rel .LBB2_15-.Ltmp13, $2  }
0xbf: {  	_ =	sdelay $0x2  }
0xc0: {  	v18 =	vadd.f32 v19, v18  }
.LBB2_11:
0xc1: {  	v18 =	vimm.f32 $0.0e+00  }
.LBB2_15:
0xc2: {  	_ = 	snop  }
0xc3: {  	(xrf2) =	vadd.scan.msk.f32 $0xffff, v18;
	_ =	sdelay $0x9  }
0xc4: {  	v18, _, _ =	vpop (xrf2)  }
0xc5: {  	(v2sf) =	vpush v18, $0xF;
	_ =	sdelay $0x2  }
0xc6: {  	s7 =	sand.u32 $0xF, s2  }
0xc7: {  	s4 =	sadd.s32 s7, s4  }
0xc8: {  	s7 =	sand.u32 $0xF, s4  }
0xc9: {  	s19 =	sshra.s32 s4, $0x1F;
	p3 =	slt.s32 s4, $0x1;
	p2 =	sne.s32 s7, $0x0  }
0xca: {  	s7 =	sshrl.u32 s19, $0x1C;
	p2 =	por !p3, !p2  }
0xcb: {  	s4 =	sadd.s32 s7, s4;
	s7 =	simm.s32 $0x1;
	p2 =	por !p2, !p2  }
0xcc: {  	s4 =	sshra.s32 s4, $0x4;
	s7 =	simm.s32 @!p2 $0x0  }
0xcd: {  	s30 =	ssub.s32 s4, s7  }
0xce: {  	p2 =	slt.s32 s30, $0x1  }
.Ltmp14:
0xcf: {  	_ = 	snop;
	(pc) =	sbr.rel @p2 .LBB2_9-.Ltmp14, $3  }
0xd0: {  	_ =	sdelay $0x1  }
0xd1: {  	s31 =	spop (v2sf)  }
0xd2: {  	s20 =	sadd.f32 s31, s20  }
.Ltmp15:
0xd3: {  	(pc) =	sbr.rel .LBB2_17-.Ltmp15, $4  }
0xd4: {  	s2 =	sshll.u32 s2, $0x2  }
0xd5: {  	s7 =	sadd.s32 s0, s1;
	s4 =	ssub.f32 s21, s20;
	s2 =	sshra.s32 s2, $0x2  }
0xd6: {  	s31 =	sand.u32 $0xFFFFFFF0, s0;
	v18 =	vmov s0;
	v19 =	vmov s7;
	s7 =	simm.s32 $0x0;
	s0 =	sadd.s32 s2, s25  }
0xd7: {  	v21 =	vmov s31;
	s1 =	sadd.s32 s2, s26;
	s13 =	sadd.s32 s2, s28;
	s2 =	simm.s32 $0x0;
	v20 =	vmov s4  }
.LBB2_20:
0xd8: {  	v27 =	vadd.f32 v36, v32;
	_ =	sdelay $0x1  }
0xd9: {  	v26 =	vadd.f32 v26, v27;
	_ =	sdelay $0x1  }
0xda: {  	v26 =	vadd.f32 v37, v26  }
0xdb: {  	vm0 =	vmand vm2, vm0;
	vm10 =	vgt.f32 v25, v23  }
0xdc: {  	vm0 =	vmor vm10, vm0;
	v25 =	vadd.f32 v39, v26  }
0xdd: {  	v26 =	vnsel vm0, $0x0, v31  }
0xde: {  	v24 =	vperm.xlane v24, v14;
	v25 =	vadd.f32 v26, v25;
	_ =	sdelay $0x1  }
0xdf: {  	vm11 =	veq.f32 v24, v23;
	v25 =	vadd.f32 v34, v25  }
0xe0: {  	vm12 =	vgt.f32 v24, v23;
	vm0 =	vmand vm11, vm1  }
0xe1: {  	vm0 =	vmor vm12, vm0;
	v24 =	vadd.f32 v35, v25  }
0xe2: {  	v25 =	vnsel vm0, $0x0, v33  }
0xe3: {  	vm13 =	veq.f32 v28, v23;
	vm14 =	vle.s32 v40, v22;
	v24 =	vadd.f32 v25, v24  }
0xe4: {  	vm15 =	vgt.f32 v28, v23;
	v23 =	vnsel vm3, $0x0, v38;
	vm0 =	vmand vm13, vm14  }
0xe5: {  	vm0 =	vmor vm15, vm0;
	v23 =	vadd.f32 v23, v24  }
0xe6: {  	v24 =	vnsel vm0, $0x0, v29  }
0xe7: {  	v27 =	vadd.f32 v24, v23  }
.LBB2_21:
0xe8: {  	v23 =	vld [tilespmem:s9+$0xC180]  }
0xe9: {  	v24 =	vld [tilespmem:s9+$0x10280];
	s7 =	sadd.s32 $0x1, s7  }
0xea: {  	v25 =	vor.u32 s9, v0;
	p2 =	seq.s32 s7, s30  }
.Ltmp16:
0xeb: {  	vm0 =	vge.s32 v25, v18;
	vm1 =	vlt.s32 v25, v19;
	v63 =	vadd.f32 v27, v20;
	(pc) =	sbr.rel @p2 .LBB2_9-.Ltmp16, $4  }
0xec: {  	vm0 =	vmand vm0, vm1  }
0xed: {  	v23 =	vsel vm0, v63, v23  }
0xee: {  	v22 =	vsel vm0, v22, v24;
	[tilespmem:s9+$0xC180] =	vst v23  }
0xef: {  	[tilespmem:s9+$0x10280] =	vst v22  }
.LBB2_17:
0xf0: {  	_ =	sdelay $0x2  }
0xf1: {  	s4 =	sshll.u32 s7, $0x4  }
.Ltmp17:
0xf2: {  	v22 =	vld.idx.msk [tilespmem:v21+s4+$0x8100 ss:$0x1], $0xffff;
	(pc) =	sbr.rel @p1 .LBB2_21-.Ltmp17, $2  }
0xf3: {  	_ =	sdelay $0x2  }
0xf4: {  	v27 =	vimm.f32 $0.0e+00;
	s9 =	sadd.s32 s31, s4  }
0xf5: {  	v28 =	vld [tilespmem:s1+$0x0];
	_ =	sdelay $0x1  }
0xf6: {  	v24 =	vld [tilespmem:s0+$0x0];
	_ =	sdelay $0x1  }
0xf7: {  	v26 =	vld [tilespmem:s13+$0x0]  }
0xf8: {  	v25 =	vperm.xlane v28, v1  }
0xf9: {  	v30 =	vor.u32 s2, v0;
	v29 =	vperm.xlane v28, v13;
	v31 =	vperm.xlane v28, v2  }
0xfa: {  	vm1 =	vlt.s32 v30, v17;
	v32 =	vperm.xlane v28, v15;
	v30 =	vperm.xlane v24, v1  }
0xfb: {  	v33 =	vperm.xlane v24, v7;
	v35 =	vperm.xlane v24, v15  }
0xfc: {  	v34 =	vperm.xlane v28, v6;
	v41 =	vnsel vm1, $0x0, v26;
	v26 =	vperm.xlane v28, v11  }
0xfd: {  	v36 =	vperm.xlane v28, v9;
	v37 =	vperm.xlane v24, v9  }
0xfe: {  	v40 =	vperm.xlane v28, v10;
	v44 =	vperm.xlane v28, v8  }
0xff: {  	v45 =	vperm.xlane v24, v6;
	v46 =	vperm.xlane v24, v10  }
0x100: {  	v53 =	vperm.xlane v24, v8;
	v58 =	vperm.xlane v24, v5  }
0x101: {  	v59 =	vperm.xlane v28, v14;
	v62 =	vperm.xlane v24, v12  }
0x102: {  	v63 =	vperm.xlane v28, v12;
	v47 =	vperm.xlane v24, v13  }
0x103: {  	v38 =	vperm.xlane v41, v8;
	v39 =	vperm.xlane v41, v4  }
0x104: {  	v23 =	vld [tilespmem:s9+$0x0];
	v42 =	vperm.xlane v41, v5;
	v43 =	vperm.xlane v41, v6  }
0x105: {  	v52 =	vperm.xlane v41, v9;
	v54 =	vperm.xlane v41, v10  }
0x106: {  	v55 =	vperm.xlane v41, v7;
	v56 =	vperm.xlane v41, v1  }
0x107: {  	v60 =	vperm.xlane v41, v12;
	v61 =	vperm.xlane v41, v13  }
0x108: {  	vm0 =	vle.s32 v25, v22;
	v25 =	vperm.xlane v24, v2;
	vm2 =	vle.s32 v31, v22  }
0x109: {  	v31 =	vperm.xlane v28, v4;
	vm6 =	vgt.f32 v30, v23;
	vm7 =	veq.f32 v30, v23  }
0x10a: {  	v30 =	vperm.xlane v41, v3;
	vm14 =	veq.f32 v45, v23;
	vm8 =	vle.s32 v34, v22  }
0x10b: {  	vm9 =	vgt.f32 v45, v23;
	vm10 =	veq.f32 v33, v23;
	vm11 =	vgt.f32 v33, v23  }
0x10c: {  	vm12 =	vle.s32 v44, v22;
	v33 =	vperm.xlane v41, v14;
	vm0 =	vmand vm7, vm0  }
0x10d: {  	vm8 =	vmand vm14, vm8;
	vm7 =	vle.s32 v40, v22;
	vm14 =	vle.s32 v63, v22  }
0x10e: {  	v40 =	vperm.xlane v28, v16;
	vm3 =	veq.f32 v25, v23;
	vm5 =	vgt.f32 v25, v23  }
0x10f: {  	v25 =	vperm.xlane v24, v3;
	vm8 =	vmor vm9, vm8;
	vm1 =	vmand vm3, vm2  }
0x110: {  	vm1 =	vmor vm5, vm1;
	vm5 =	vle.s32 v31, v22;
	v31 =	vperm.xlane v28, v3  }
0x111: {  	vm2 =	vmor vm6, vm0;
	vm0 =	vle.s32 v26, v22;
	v26 =	vperm.xlane v28, v5  }
0x112: {  	v43 =	vnsel vm8, $0x0, v43;
	vm13 =	vle.s32 v31, v22;
	v31 =	vperm.xlane v28, v7  }
0x113: {  	vm4 =	veq.f32 v25, v23;
	vm3 =	vgt.f32 v25, v23;
	v25 =	vperm.xlane v24, v11  }
0x114: {  	vm6 =	vmand vm4, vm13;
	vm13 =	vle.s32 v36, v22;
	vm15 =	vle.s32 v31, v22  }
0x115: {  	v31 =	vperm.xlane v24, v4;
	vm3 =	vmor vm3, vm6;
	vm6 =	veq.f32 v53, v23  }
0x116: {  	vm9 =	vmand vm10, vm15;
	vm10 =	vle.s32 v26, v22;
	v30 =	vnsel vm3, $0x0, v30  }
0x117: {  	vm3 =	vgt.f32 v46, v23;
	vm15 =	vgt.f32 v62, v23;
	vm8 =	veq.f32 v31, v23  }
0x118: {  	vm4 =	vgt.f32 v31, v23;
	v31 =	vperm.xlane v41, v2;
	vm8 =	vmand vm8, vm5  }
0x119: {  	vm5 =	vmand vm6, vm12;
	vm6 =	veq.f32 v37, v23;
	vm12 =	vgt.f32 v53, v23  }
0x11a: {  	vm12 =	vmor vm12, vm5;
	vm5 =	vmand vm6, vm13;
	vm6 =	vgt.f32 v37, v23  }
0x11b: {  	v57 =	vnsel vm1, $0x0, v31;
	v31 =	vnsel vm2, $0x0, v56;
	vm2 =	vmor vm11, vm9  }
0x11c: {  	vm11 =	veq.f32 v58, v23;
	vm4 =	vmor vm4, vm8;
	vm13 =	veq.f32 v62, v23  }
0x11d: {  	v26 =	vnsel vm12, $0x0, v38;
	vm12 =	veq.f32 v46, v23;
	v27 =	vadd.f32 v31, v27  }
0x11e: {  	v31 =	vperm.xlane v41, v11;
	v36 =	vnsel vm2, $0x0, v55;
	vm2 =	vmand vm11, vm10  }
0x11f: {  	vm8 =	vmand vm13, vm14;
	v28 =	vnsel vm4, $0x0, v39;
	v38 =	vperm.xlane v41, v15  }
0x120: {  	vm4 =	veq.f32 v35, v23;
	vm13 =	vle.s32 v29, v22;
	v27 =	vadd.f32 v57, v27  }
0x121: {  	vm14 =	vgt.f32 v35, v23;
	v29 =	vperm.xlane v41, v16;
	vm1 =	vmand vm12, vm7  }
0x122: {  	vm12 =	vgt.f32 v58, v23;
	vm7 =	vmor vm15, vm8;
	v27 =	vadd.f32 v30, v27  }
0x123: {  	vm15 =	vle.s32 v32, v22;
	vm3 =	vmor vm3, vm1;
	vm1 =	vle.s32 v59, v22  }
0x124: {  	p2 =	sne.s32 s29, $0x1;
	vm2 =	vmor vm12, vm2;
	vm12 =	veq.f32 v47, v23;
	v27 =	vadd.f32 v28, v27  }
.Ltmp18:
0x125: {  	v34 =	vnsel vm7, $0x0, v60;
	vm4 =	vmand vm4, vm15;
	v30 =	vnsel vm2, $0x0, v42;
	(pc) =	sbr.rel @!p2 .LBB2_20-.Ltmp18, $4  }
0x126: {  	v39 =	vnsel vm3, $0x0, v54;
	vm3 =	vmor vm14, vm4;
	v27 =	vadd.f32 v30, v27  }
0x127: {  	vm2 =	vmor vm6, vm5;
	vm5 =	vgt.f32 v47, v23;
	vm6 =	vmand vm12, vm13  }
0x128: {  	s10 =	sadd.s32 $0xFFFFFFFF, s29;
	s4 =	sadd.s32 $0x10, s0;
	vm5 =	vmor vm5, vm6;
	v28 =	vperm.xlane v24, v16;
	v32 =	vadd.f32 v43, v27  }
0x129: {  	s19 =	sadd.s32 $0x10, s1;
	s11 =	smov.u32 s13;
	s14 =	simm.s32 $0x0;
	v37 =	vnsel vm2, $0x0, v52;
	vm2 =	veq.f32 v25, v23;
	v35 =	vnsel vm5, $0x0, v61  }
.LBB2_19:
0x12a: {  	v27 =	vld [tilespmem:s19+$0x0];
	p2 =	sne.s32 s10, $0x1;
	vm0 =	vmand vm2, vm0;
	vm2 =	veq.f32 v28, v23;
	vm4 =	vle.s32 v40, v22;
	s11 =	sadd.s32 $0x10, s11;
	s14 =	sadd.s32 $0x10, s14  }
0x12b: {  	s10 =	sadd.s32 $0xFFFFFFFF, s10;
	v30 =	vperm.xlane v24, v14;
	v24 =	vld [tilespmem:s4+$0x0];
	vm2 =	vmand vm2, vm4  }
0x12c: {  	v36 =	vadd.f32 v36, v32;
	vm4 =	vgt.f32 v28, v23  }
0x12d: {  	vm5 =	vgt.f32 v25, v23;
	vm6 =	veq.f32 v30, v23;
	vm2 =	vmor vm4, vm2;
	v32 =	vld [tilespmem:s11+$0x0]  }
0x12e: {  	v38 =	vnsel vm3, $0x0, v38;
	vm1 =	vmand vm6, vm1;
	v40 =	vnsel vm2, $0x0, v29  }
0x12f: {  	vm2 =	vmor vm5, vm0;
	v25 =	vperm.xlane v27, v1;
	v28 =	vperm.xlane v27, v13  }
0x130: {  	v41 =	vor.u32 s14, v0;
	vm3 =	vgt.f32 v30, v23;
	v42 =	vperm.xlane v27, v2  }
0x131: {  	v29 =	vperm.xlane v27, v15;
	vm0 =	vle.s32 v25, v22;
	v25 =	vperm.xlane v24, v2  }
0x132: {  	vm4 =	vlt.s32 v41, v17;
	v31 =	vnsel vm2, $0x0, v31;
	vm5 =	vle.s32 v42, v22  }
0x133: {  	vm1 =	vmor vm3, vm1;
	v41 =	vperm.xlane v24, v1;
	vm2 =	veq.f32 v25, v23  }
0x134: {  	v33 =	vnsel vm1, $0x0, v33;
	vm6 =	vgt.f32 v25, v23;
	v25 =	vperm.xlane v27, v4  }
0x135: {  	v42 =	vperm.xlane v24, v7;
	v30 =	vnsel vm4, $0x0, v32;
	v32 =	vperm.xlane v24, v15  }
0x136: {  	v26 =	vadd.f32 v26, v36;
	v43 =	vperm.xlane v27, v6;
	v44 =	vperm.xlane v27, v11  }
0x137: {  	v45 =	vperm.xlane v27, v9;
	v36 =	vperm.xlane v24, v3;
	vm7 =	vgt.f32 v41, v23  }
0x138: {  	v26 =	vadd.f32 v37, v26;
	vm8 =	veq.f32 v41, v23;
	vm1 =	vmand vm2, vm5  }
0x139: {  	vm4 =	veq.f32 v36, v23;
	v41 =	vperm.xlane v24, v9;
	v37 =	vperm.xlane v30, v3  }
0x13a: {  	v26 =	vadd.f32 v39, v26;
	vm3 =	vgt.f32 v36, v23;
	v36 =	vperm.xlane v30, v8  }
0x13b: {  	v46 =	vperm.xlane v27, v10;
	v39 =	vperm.xlane v30, v4;
	vm1 =	vmor vm6, vm1  }
0x13c: {  	v26 =	vadd.f32 v31, v26;
	vm0 =	vmand vm8, vm0;
	v47 =	vperm.xlane v30, v5  }
0x13d: {  	v31 =	vperm.xlane v30, v6;
	vm5 =	vle.s32 v25, v22;
	v25 =	vperm.xlane v24, v11  }
0x13e: {  	v48 =	vperm.xlane v27, v3;
	vm2 =	vmor vm7, vm0;
	v26 =	vadd.f32 v34, v26  }
0x13f: {  	v49 =	vperm.xlane v24, v10;
	v34 =	vperm.xlane v27, v8;
	vm0 =	vle.s32 v44, v22  }
0x140: {  	vm7 =	vle.s32 v48, v22;
	v44 =	vperm.xlane v24, v6;
	v26 =	vadd.f32 v35, v26  }
0x141: {  	vm8 =	veq.f32 v42, v23;
	v48 =	vperm.xlane v27, v7;
	v35 =	vperm.xlane v27, v5  }
0x142: {  	vm9 =	vle.s32 v43, v22;
	vm6 =	veq.f32 v44, v23;
	v26 =	vadd.f32 v33, v26  }
0x143: {  	vm10 =	vgt.f32 v44, v23;
	vm9 =	vmand vm6, vm9;
	vm6 =	vle.s32 v46, v22  }
0x144: {  	vm11 =	vle.s32 v48, v22;
	vm9 =	vmor vm10, vm9;
	v26 =	vadd.f32 v38, v26  }
0x145: {  	v33 =	vperm.xlane v24, v4;
	vm10 =	vgt.f32 v42, v23;
	v43 =	vnsel vm9, $0x0, v31  }
0x146: {  	vm11 =	vmand vm8, vm11;
	v38 =	vperm.xlane v30, v9;
	v31 =	vadd.f32 v40, v26  }
0x147: {  	vm7 =	vmand vm4, vm7;
	vm8 =	veq.f32 v33, v23;
	v26 =	vperm.xlane v24, v8  }
0x148: {  	v42 =	vperm.xlane v30, v10;
	vm9 =	vle.s32 v35, v22;
	vm4 =	vgt.f32 v33, v23  }
0x149: {  	vm3 =	vmor vm3, vm7;
	vm12 =	vle.s32 v34, v22;
	vm7 =	veq.f32 v26, v23  }
0x14a: {  	vm8 =	vmand vm8, vm5;
	vm5 =	vmand vm7, vm12;
	vm7 =	veq.f32 v41, v23  }
0x14b: {  	vm13 =	vle.s32 v45, v22;
	v33 =	vperm.xlane v30, v7;
	vm12 =	vgt.f32 v26, v23  }
0x14c: {  	v34 =	vperm.xlane v30, v2;
	vm12 =	vmor vm12, vm5;
	vm5 =	vmand vm7, vm13  }
0x14d: {  	v35 =	vperm.xlane v30, v1;
	vm7 =	vgt.f32 v41, v23;
	v26 =	vnsel vm12, $0x0, v36  }
0x14e: {  	v37 =	vnsel vm3, $0x0, v37;
	vm3 =	vgt.f32 v49, v23;
	vm12 =	veq.f32 v49, v23  }
0x14f: {  	v34 =	vnsel vm1, $0x0, v34;
	v40 =	vperm.xlane v24, v5;
	vm1 =	vmand vm12, vm6  }
0x150: {  	v35 =	vnsel vm2, $0x0, v35;
	vm2 =	vmor vm10, vm11;
	v41 =	vperm.xlane v27, v14  }
0x151: {  	v35 =	vadd.f32 v35, v31;
	v31 =	vperm.xlane v30, v11;
	vm3 =	vmor vm3, vm1  }
0x152: {  	v36 =	vnsel vm2, $0x0, v33;
	vm6 =	veq.f32 v40, v23;
	vm1 =	vle.s32 v41, v22  }
0x153: {  	v44 =	vperm.xlane v30, v13;
	vm2 =	vmand vm6, vm9;
	v41 =	vperm.xlane v30, v12  }
0x154: {  	v45 =	vperm.xlane v27, v12;
	vm6 =	vgt.f32 v40, v23;
	v40 =	vperm.xlane v24, v12  }
0x155: {  	v46 =	vperm.xlane v24, v13;
	vm4 =	vmor vm4, vm8;
	v33 =	vperm.xlane v30, v14  }
0x156: {  	v34 =	vadd.f32 v34, v35;
	vm9 =	vle.s32 v45, v22;
	vm8 =	veq.f32 v40, v23  }
0x157: {  	vm2 =	vmor vm6, vm2;
	vm6 =	vgt.f32 v40, v23;
	vm8 =	vmand vm8, vm9  }
0x158: {  	v34 =	vadd.f32 v37, v34;
	vm6 =	vmor vm6, vm8;
	vm8 =	veq.f32 v46, v23  }
0x159: {  	v35 =	vnsel vm2, $0x0, v47;
	vm2 =	vmor vm7, vm5;
	v40 =	vperm.xlane v27, v16  }
0x15a: {  	v27 =	vnsel vm4, $0x0, v39;
	v37 =	vnsel vm2, $0x0, v38;
	vm2 =	veq.f32 v25, v23  }
0x15b: {  	vm4 =	veq.f32 v32, v23;
	v27 =	vadd.f32 v27, v34;
	v38 =	vperm.xlane v30, v15  }
.Ltmp19:
0x15c: {  	vm5 =	vgt.f32 v46, v23;
	vm7 =	vle.s32 v28, v22;
	v28 =	vperm.xlane v24, v16;
	(pc) =	sbr.rel @p2 .LBB2_19-.Ltmp19, $4  }
0x15d: {  	v27 =	vadd.f32 v35, v27;
	v34 =	vnsel vm6, $0x0, v41;
	vm6 =	vmand vm8, vm7  }
0x15e: {  	vm7 =	vle.s32 v29, v22;
	vm5 =	vmor vm5, vm6;
	vm6 =	vgt.f32 v32, v23  }
0x15f: {  	vm4 =	vmand vm4, vm7;
	v32 =	vadd.f32 v43, v27;
	v35 =	vnsel vm5, $0x0, v44  }
0x160: {  	s19 =	sadd.s32 $0x10, s19;
	s4 =	sadd.s32 $0x10, s4;
	v39 =	vnsel vm3, $0x0, v42;
	v29 =	vperm.xlane v30, v16;
	vm3 =	vmor vm6, vm4  }
.Ltmp20:
0x161: {  	_ = 	snop;
	(pc) =	sbr.rel .LBB2_20-.Ltmp20, $1  }
0x162: {  	_ =	sdelay $0x3  }
.LBB2_24:
0x163: {  	_ =	sfence.sel $0x180000  }
0x164: {  	[bflag:$0x0] =	sbarrier.arrive $0xFFFF  }
0x165: {  	_ =	strace $0x90000050  }
0x166: {  	s0 =	stileid.u32;
	[bflag:$0x2] =	sbarrier.arrive $0xFFFF  }
0x167: {  	p0 =	sne.s32 s0, $0x0;
	s0 =	rddreg [dreg:$0x1]  }
0x168: {  	s0 =	sadd.s32 @!p0 $0x100000, s0  }
0x169: {  	[sflag:s0] =	ssyncadd.tile.s32 @!p0 $0x1;
	_ =	shalt  }
.Lfunc_end2:
_tile_overlayer_lowered:
.L_overlay_start_2:
0x16a: {  	(tag) =	ssettag $0x2  }
0x16b: {  	s0 =	rddreg [dreg:$0x0];
	s2 =	stileid.u32  }
0x16c: {  	s1 =	rddreg [dreg:$0x1];
	p0 =	sne.s32 s2, $0x0  }
0x16d: {  	s3 =	rddreg [dreg:$0x2];
	[bflag:$0x3] =	sbarrier.arrive $0xFFFF;
	s2 =	simm.s32 @!p0 $0x1C02  }
0x16e: {  	[timem:s3], [sflag:s2] =	dma.local @!p0 [hbm:s0], s1  }
0x16f: {  	s0 =	simm.s32 @!p0 $0x2  }
0x170: {  	_ =	swait.ge @!p0 [sflag:s0], s1  }
0x171: {  	s1 =	ssub.s32 @!p0 $0x0, s1;
	[sflag:s0] =	ssyncset.done @!p0 $0x0  }
0x172: {  	[sflag:s0] =	ssyncadd.s32 @!p0 s1  }
0x173: {  	[bflag:$0x3] =	sbarrier.arrive $0xFFFF  }
0x174: {  	_ =	shalt  }

// kernel: kernel.8.cloned.1.call-start
scs
__scs_entry_jumppad:
0x0: {  	(pc) =	sbr.rel $0x88, $3  }
0x1: {  	(tag) =	ssettag $0x0;
	lr =	simm.s32 $0x1  }
0x2: {  	[smem:$0x3F9E] =	sst lr;
	_ =	strace $0xD0000000  }
0x3: {  	_ = 	snop  }
0x4: {  	_ = 	snop  }
0x5: {  	_ = 	snop  }
0x6: {  	_ = 	snop  }
0x7: {  	_ = 	snop  }
__scs_overlays_trampoline_lowered:
0x8: {  	[smem:$0x3FAD] =	sst s0  }
0x9: {  	[smem:$0x3FAE] =	sst s1  }
0xa: {  	[smem:$0x3FAF] =	sst s2  }
0xb: {  	[smem:$0x3FB0] =	sst s3  }
0xc: {  	[smem:$0x3FB1] =	sst s4  }
0xd: {  	[smem:$0x3FB2] =	sst s5  }
0xe: {  	[smem:$0x3FB3] =	sst s6  }
0xf: {  	[smem:$0x3FB4] =	sst s7  }
0x10: {  	[smem:$0x3FB5] =	sst s8  }
0x11: {  	[smem:$0x3FB6] =	sst s9;
	s0 =	simm.s32 @!p0 $0x0  }
0x12: {  	s1 =	sld [smem:$0x3F9C];
	s0 =	simm.s32 @p0 $0x1  }
0x13: {  	[smem:$0x3FB7] =	sst s0;
	s0 =	simm.s32 @!p1 $0x0  }
0x14: {  	s2 =	sld [smem:$0x3F9B];
	s0 =	simm.s32 @p1 $0x1  }
0x15: {  	[smem:$0x3FB8] =	sst s0;
	s0 =	simm.s32 @!p2 $0x0  }
0x16: {  	s3 =	sld [smem:$0x3FDB];
	s0 =	simm.s32 @p2 $0x1  }
0x17: {  	s4 =	simm.s32 $0x1BF5;
	[smem:$0x3FBA] =	sst s0  }
0x18: {  	s0 =	sld [smem:$0x3F9D];
	_ =	swait.ge [sflag:s4], $0x0  }
0x19: {  	s7 =	sld [smem:$0x3F9E]  }
0x1a: {  	s8 =	sadd.s32 $0xFFFFE003, lr  }
0x1b: {  	s9 =	sadd.s32 $0xFFFFFEF7, lr;
	s5 =	simm.s32 $0xFFFFFFFF;
	p2 =	slt.u32 s8, $0xFFFFF086  }
0x1c: {  	p1 =	slt.u32 s9, $0xF7A;
	s5 =	simm.s32 @!p2 $0x0  }
0x1d: {  	s5 =	simm.s32 @p1 $0x1;
	p0 =	seq.s32 s7, s2  }
0x1e: {  	s7 =	smul.u32 @!p0 $0xF7A, s2;
	p2 =	seq.s32 @!p0 s5, $0x0  }
0x1f: {  	s9 =	smul.u32 $0xF7A, s1;
	s8 =	simm.s32 @!p0 $0x1BF5;
	p2 =	por !p2, p0  }
0x20: {  	[sflag:s8] =	ssyncset.s32 @!p0 $0xFFFFF086;
	s6 =	sadd.s32 @!p0 s3, s7;
	s7 =	simm.s32 @!p0 $0x108  }
0x21: {  	s3 =	sadd.s32 s3, s9;
	s6 =	sadd.s32 @!p0 $0x88, s6;
	s7 =	simm.s32 @p2 $0x1082  }
0x22: {  	[simem:s7], [sflag:s8] =	dma.local @!p0 [hbm:s6], $0xF7A  }
0x23: {  	s9 =	sor.u32 $0xD0000000, s2;
	s6 =	simm.s32 $0x108;
	_ =	swait.ge @!p0 [sflag:s8], $0x0  }
0x24: {  	s3 =	sadd.s32 $0x88, s3;
	s6 =	simm.s32 @!p1 $0x1082;
	[sflag:s4] =	ssyncset.s32 $0xFFFFF086  }
0x25: {  	[simem:s6], [sflag:s4] =	dma.local [hbm:s3], $0xF7A  }
0x26: {  	[smem:$0x3F9E] =	sst s1;
	(tag) =	ssettag s2;
	_ =	strace s9  }
0x27: {  	s1 =	sld [smem:$0x3FAE]  }
0x28: {  	s2 =	sld [smem:$0x3FAF]  }
0x29: {  	s4 =	sld [smem:$0x3FB1]  }
0x2a: {  	p0 =	seq.s32 s5, $0x0;
	s5 =	sld [smem:$0x3FB2]  }
0x2b: {  	s6 =	sld [smem:$0x3FB3]  }
0x2c: {  	s7 =	sld [smem:$0x3FB4]  }
0x2d: {  	s3 =	simm.s32 $0x108;
	s8 =	sld [smem:$0x3FB5]  }
0x2e: {  	s3 =	simm.s32 @!p0 $0x1082;
	s9 =	sld [smem:$0x3FB6]  }
0x2f: {  	lr =	sadd.s32 s0, s3;
	s0 =	sld [smem:$0x3FAD]  }
0x30: {  	s3 =	sld [smem:$0x3FB0]  }
0x31: {  	[smem:$0x3FB9] =	sst s10  }
0x32: {  	s10 =	sld [smem:$0x3FB7];
	_ =	sdelay $0x3  }
0x33: {  	p0 =	seq.s32 s10, $0x1;
	s10 =	sld [smem:$0x3FB9];
	_ =	sdelay $0x3  }
0x34: {  	[smem:$0x3FB9] =	sst s10  }
0x35: {  	s10 =	sld [smem:$0x3FB8];
	_ =	sdelay $0x3  }
0x36: {  	p1 =	seq.s32 s10, $0x1;
	s10 =	sld [smem:$0x3FB9];
	_ =	sdelay $0x3  }
0x37: {  	[smem:$0x3FB9] =	sst s10  }
0x38: {  	s10 =	sld [smem:$0x3FBA]  }
0x39: {  	_ = 	snop;
	(pc) =	sbr.ind lr, $3  }
0x3a: {  	_ = 	snop  }
0x3b: {  	_ = 	snop  }
0x3c: {  	p2 =	seq.s32 s10, $0x1;
	s10 =	sld [smem:$0x3FB9]  }
0x3d: {  	_ =	shalt  }
0x3e: {  	_ =	shalt  }
0x3f: {  	_ =	shalt  }
0x40: {  	_ =	shalt  }
0x41: {  	_ =	shalt  }
0x42: {  	_ =	shalt  }
0x43: {  	_ =	shalt  }
0x44: {  	_ =	shalt  }
0x45: {  	_ =	shalt  }
0x46: {  	_ =	shalt  }
0x47: {  	_ =	shalt  }
0x48: {  	_ =	shalt  }
0x49: {  	_ =	shalt  }
0x4a: {  	_ =	shalt  }
0x4b: {  	_ =	shalt  }
0x4c: {  	_ =	shalt  }
0x4d: {  	_ =	shalt  }
0x4e: {  	_ =	shalt  }
0x4f: {  	_ =	shalt  }
0x50: {  	_ =	shalt  }
0x51: {  	_ =	shalt  }
0x52: {  	_ =	shalt  }
0x53: {  	_ =	shalt  }
0x54: {  	_ =	shalt  }
0x55: {  	_ =	shalt  }
0x56: {  	_ =	shalt  }
0x57: {  	_ =	shalt  }
0x58: {  	_ =	shalt  }
0x59: {  	_ =	shalt  }
0x5a: {  	_ =	shalt  }
0x5b: {  	_ =	shalt  }
0x5c: {  	_ =	shalt  }
0x5d: {  	_ =	shalt  }
0x5e: {  	_ =	shalt  }
0x5f: {  	_ =	shalt  }
0x60: {  	_ =	shalt  }
0x61: {  	_ =	shalt  }
0x62: {  	_ =	shalt  }
0x63: {  	_ =	shalt  }
0x64: {  	_ =	shalt  }
0x65: {  	_ =	shalt  }
0x66: {  	_ =	shalt  }
0x67: {  	_ =	shalt  }
0x68: {  	_ =	shalt  }
0x69: {  	_ =	shalt  }
0x6a: {  	_ =	shalt  }
0x6b: {  	_ =	shalt  }
0x6c: {  	_ =	shalt  }
0x6d: {  	_ =	shalt  }
0x6e: {  	_ =	shalt  }
0x6f: {  	_ =	shalt  }
0x70: {  	_ =	shalt  }
0x71: {  	_ =	shalt  }
0x72: {  	_ =	shalt  }
0x73: {  	_ =	shalt  }
0x74: {  	_ =	shalt  }
0x75: {  	_ =	shalt  }
0x76: {  	_ =	shalt  }
0x77: {  	_ =	shalt  }
0x78: {  	_ =	shalt  }
0x79: {  	_ =	shalt  }
0x7a: {  	_ =	shalt  }
0x7b: {  	_ =	shalt  }
0x7c: {  	_ =	shalt  }
0x7d: {  	_ =	shalt  }
0x7e: {  	_ =	shalt  }
0x7f: {  	_ =	shalt  }
0x80: {  	_ =	shalt  }
0x81: {  	_ =	shalt  }
0x82: {  	_ =	shalt  }
0x83: {  	_ =	shalt  }
0x84: {  	_ =	shalt  }
0x85: {  	_ =	shalt  }
0x86: {  	_ =	shalt  }
0x87: {  	_ =	shalt  }
.Lfunc_end0:
.L_simem_size_0:
called_computation_lowered:
.L_overlay_start_0:
0x88: {  	s2 =	sld [smem:$0x3FD9]  }
0x89: {  	s3 =	sld [smem:$0x3FFE];
	_ =	sdelay $0x1  }
0x8a: {  	s1 =	srdreg.scid  }
0x8b: {  	s0 =	sand.u32 $0x1, s1  }
0x8c: {  	s17 =	sshll.u32 s0, $0xA;
	s2 =	sadd.s32 s3, s2  }
0x8d: {  	s2 =	sadd.s32 s2, s17  }
0x8e: {  	[smem:$0x3FC5] =	sst s2  }
0x8f: {  	_ = 	snop  }
0x90: {  	s2 =	sld [smem:$0x3FC8];
	(tm) =	ssettm $0x1  }
0x91: {  	s18 =	sld [smem:$0x3FFB];
	_ =	sdelay $0x3  }
0x92: {  	_ =	strace s18  }
0x93: {  	s3 =	sld [smem:$0x3FFC];
	_ =	sdelay $0x3  }
0x94: {  	_ =	strace s3  }
0x95: {  	s3 =	sld [smem:$0x3FFD];
	_ =	sdelay $0x3  }
0x96: {  	_ =	strace s3  }
0x97: {  	_ =	strace $0x8FFFFFFF  }
0x98: {  	s19 =	sld [smem:$0x3FDB];
	_ =	sdelay $0x1  }
0x99: {  	s4 =	simm.s32 $_scs_section_size  }
0x9a: {  	s5 =	simm.s32 $_size__tile_overlayer_lowered;
	s6 =	simm.s32 $_tile_overlayer_lowered  }
0x9b: {  	s22 =	simm.s32 $0x1BFF;
	s21 =	sshll.u32 s6, $0x1;
	s3 =	sadd.s32 s4, s19  }
0x9c: {  	s7 =	simm.s32 $0x0;
	s20 =	sshll.u32 s5, $0x1;
	s5 =	sadd.s32 s21, s3  }
0x9d: {  	[timem:s7], [sflag:s22] =	dma.local [hbm:s5], s20  }
0x9e: {  	_ =	swait.ge [sflag:s22], s20  }
0x9f: {  	s4 =	ssub.s32 $0x0, s20;
	[sflag:s22] =	ssyncset.done $0x0  }
0xa0: {  	[sflag:s22] =	ssyncadd.s32 s4;
	_ =	sdelay $0x1  }
0xa1: {  	s23 =	simm.s32 $0x1B8B  }
0xa2: {  	_ =	swait.ge [sflag:s23], $0x1  }
0xa3: {  	[sflag:s23] =	ssyncset.done $0x0  }
0xa4: {  	s25 =	simm.s32 $0x1B8E;
	s24 =	sld [smem:$0x3FFE];
	[sflag:s23] =	ssyncadd.s32 $0xFFFFFFFF  }
0xa5: {  	s26 =	simm.s32 $execute0_lowered;
	[smem:$0x3FD2] =	sst s25  }
0xa6: {  	s5 =	sshll.u32 s26, $0x1;
	_ =	strace $0x80000046;
	[dreg:$0x1] =	wrdreg $0xFFFFFFFF  }
0xa7: {  	s28 =	simm.s32 $_size_execute0_lowered;
	s3 =	sadd.s32 s3, s5;
	[dreg:$0x0] =	wrdreg $0x0  }
0xa8: {  	s5 =	sshll.u32 s28, $0x1;
	[dreg:$0x2] =	wrdreg s3  }
0xa9: {  	[dreg:$0x3] =	wrdreg s5  }
0xaa: {  	[dreg:$0x4] =	wrdreg $0xC0  }
0xab: {  	_ =	task [dreg:s7], $0x5FFFF  }
0xac: {  	[dreg:$0x1] =	wrdreg $0xFFFFFFFF  }
0xad: {  	[dreg:$0x0] =	wrdreg $0x60  }
0xae: {  	[dreg:$0x2] =	wrdreg s2  }
0xaf: {  	[dreg:$0x3] =	wrdreg s24  }
0xb0: {  	[dreg:$0x4] =	wrdreg $0x9  }
0xb1: {  	_ =	task.clear_ibuf [dreg:s7], $0x5FFFF;
	_ =	strace $0x90000046  }
0xb2: {  	s29 =	simm.s32 $0x9;
	_ =	strace $0x80000048  }
0xb3: {  	_ =	swait.ge [sflag:s29], $0x1  }
0xb4: {  	[sflag:s29] =	ssyncadd.s32 $0xFFFFFFFF  }
0xb5: {  	_ =	strace $0x90000048  }
0xb6: {  	_ =	sfence  }
0xb7: {  	s30 =	sld [smem:$0x0];
	_ =	sdelay $0x2  }
0xb8: {  	s31 =	sshll.u32 s1, $0xD;
	s1 =	sshrl.u32 s1, $0x2  }
0xb9: {  	s3 =	sand.u32 $0x4000, s31;
	s1 =	sadd.s32 s1, s30  }
0xba: {  	s0 =	sor.u32 s3, s0;
	s1 =	sshll.u32 s1, $0x11  }
0xbb: {  	s0 =	sor.u32 s1, s0  }
0xbc: {  	s0 =	sadd.s32 $0x8F2B, s0  }
0xbd: {  	[sflag:s0] =	ssyncadd.remote.s32 $0x1  }
0xbe: {  	_ =	sfence.sel $0xFFFF  }
0xbf: {  	[dreg:$0x0] =	wrdreg $0xFFFFFFFF;
	(pc) =	sbr.abs _section_cstart, $3  }
0xc0: {  	[dreg:$0x1] =	wrdreg $0xFFFFFFFF  }
0xc1: {  	_ =	task.clear_ibuf [dreg:s7], $0x2FFFF;
	_ =	strace $0x9FFFFFFF  }
0xc2: {  	(tm) =	ssettm $0x7FFFFFFF  }
0xc3: {  	_ =	shalt  }
tec
execute0_lowered:
.L_overlay_start_1:
0x0: {  	(tag) =	ssettag $0x1  }
0x1: {  	s3 =	rddreg [dreg:$0x0]  }
0x2: {  	s4 =	rddreg [dreg:$0x1]  }
0x3: {  	s0 =	rddreg [dreg:$0x2];
	s2 =	simm.s32 $0x0  }
0x4: {  	s1 =	stileid.u32;
	s5 =	srdreg.scid;
	s9 =	simm.s32 $0x400  }
0x5: {  	[smem:$0x7FF] =	sst s2;
	s6 =	sshll.u32 s1, $0xD;
	s5 =	sand.u32 $0x1, s5  }
0x6: {  	s7 =	sshll.u32 s1, $0x1;
	_ =	strace $0x80000047;
	s6 =	sand.u32 $0x18000, s6  }
0x7: {  	s7 =	sor.u32 s5, s7;
	s5 =	ssub.s32 $0x2, s5;
	s4 =	sadd.s32 s6, s4  }
0x8: {  	s31 =	sshll.u32 s7, $0x4;
	s8 =	sshrl.u32 s5, $0x1;
	s7 =	sshll.u32 s7, $0xC  }
0x9: {  	s6 =	sand.u32 $0x70, s31;
	s5 =	ssub.s32 s5, s8;
	s3 =	sadd.s32 s3, s7  }
0xa: {  	s7 =	simm.s32 $0x800;
	s8 =	simm.s32 $0x80;
	s4 =	sadd.s32 s6, s4  }
0xb: {  	v0 =	vimm.s32 $0x0;
	s5 =	smax.u32 s5, $0x1;
	s6 =	simm.s32 $0x1;
	s4 =	sadd.s32 $0x2600, s4  }
.LBB2_1:
0xc: {  	s10 =	simm.s32 $0x40;
	s11 =	simm.s32 $0x0  }
.LBB2_2:
0xd: {  	p0 =	sne.s32 s10, $0x1FFC0;
	[tilespmem:s11+$0x800] =	vst v0;
	s11 =	smov.u32 s10;
	s10 =	sadd.s32 $0x40, s10  }
.Ltmp0:
0xe: {  	(pc) =	sbr.rel @p0 .LBB2_2-.Ltmp0, $2  }
0xf: {  	_ =	sdelay $0x2  }
0x10: {  	s11 =	sshra.s32 s11, $0x2  }
0x11: {  	[tilespmem:s11+$0x800] =	vst v0;
	s10 =	simm.s32 $0x0;
	s11 =	simm.s32 $0x0  }
.LBB2_4:
0x12: {  	s12 =	sshll.u32 s11, $0x8  }
0x13: {  	s12 =	sadd.s32 s12, s3  }
0x14: {  	[tilespmem:s10], [sflag:$0x1] =	stream.linear.gather [hbm4b:s12+s10], $0x800, $0x38;
	[tilespmem:$0x8800] =	vst v63  }
0x15: {  	_ =	swait.ge [sflag:s6], $0x800  }
0x16: {  	[sflag:s6] =	ssyncset.done $0x0  }
0x17: {  	s13 =	simm.s32 $0x0;
	s12 =	simm.s32 $0x40;
	[sflag:s6] =	ssyncadd.s32 $0xFFFFF800  }
.LBB2_5:
0x18: {  	p0 =	sne.s32 s12, $0x1FC0;
	v1 =	vld [tilespmem:s13+$0x0];
	_ =	sdelay $0x4  }
0x19: {  	v1 =	vmul.f32 $3.276800000e+04, v1;
	_ =	sdelay $0x1  }
0x1a: {  	v1 =	vtrunc.f32 v1  }
0x1b: {  	v1 =	vcvt.f32.s32 v1;
	_ =	sdelay $0x1  }
0x1c: {  	(xrf1) =	vunique.msk.u32 $0xffff, v1;
	_ =	sdelay $0xc  }
0x1d: {  	v2 =	vld.idx.msk [tilespmem:v1+s7+$0x0], $0xffff  }
0x1e: {  	_, v3, vm0 =	vpop (xrf1);
	_ =	sdelay $0x1  }
.Ltmp1:
0x1f: {  	(pc) =	sbr.rel @p0 .LBB2_5-.Ltmp1, $3  }
0x20: {  	_ =	sdelay $0x1  }
0x21: {  	v2 =	vadd.s32 v2, v3  }
0x22: {  	s13 =	sshra.s32 s12, $0x2;
	s12 =	sadd.s32 $0x40, s12;
	[tilespmem:v1+s7+$0x0] =	vst.idx.msk vm0, v2  }
0x23: {  	v1 =	vld [tilespmem:s13+$0x0];
	_ =	sdelay $0x4  }
0x24: {  	v1 =	vmul.f32 $3.276800000e+04, v1;
	_ =	sdelay $0x1  }
0x25: {  	v1 =	vtrunc.f32 v1  }
0x26: {  	v1 =	vcvt.f32.s32 v1;
	_ =	sdelay $0x1  }
0x27: {  	(xrf1) =	vunique.msk.u32 $0xffff, v1;
	_ =	sdelay $0xd  }
0x28: {  	s11 =	sadd.s32 $0x1, s11;
	v2 =	vld.idx.msk [tilespmem:v1+s7+$0x0], $0xffff;
	_, v3, vm0 =	vpop (xrf1)  }
0x29: {  	p0 =	sne.s32 s11, $0x10  }
.Ltmp2:
0x2a: {  	_ = 	snop;
	(pc) =	sbr.rel @p0 .LBB2_4-.Ltmp2, $3  }
0x2b: {  	_ =	sdelay $0x1  }
0x2c: {  	v2 =	vadd.s32 v2, v3  }
0x2d: {  	[tilespmem:v1+s7+$0x0] =	vst.idx.msk vm0, v2  }
0x2e: {  	s2 =	sadd.s32 $0x1, s2  }
0x2f: {  	p0 =	sne.s32 s2, s5  }
.Ltmp3:
0x30: {  	_ = 	snop;
	(pc) =	sbr.rel @p0 .LBB2_1-.Ltmp3, $4  }
0x31: {  	[hbm4b:s4+s8] =	stream.strided.scatter [tilespmem:s7], [sflag:$0x1], $0x8000, s9, s8, $0x38;
	[tilespmem:$0x8800] =	vst v63  }
0x32: {  	_ =	swait.ge [sflag:s6], $0x8000  }
0x33: {  	[sflag:s6] =	ssyncset.done $0x0  }
0x34: {  	[sflag:s6] =	ssyncadd.s32 $0xFFFF8000  }
0x35: {  	_ =	sfence.sel $0x180000  }
0x36: {  	[bflag:$0x0] =	sbarrier.arrive $0xFFFF  }
0x37: {  	p0 =	sne.s32 s1, $0x0;
	_ =	strace $0x90000047  }
0x38: {  	s0 =	sadd.s32 @!p0 $0x100000, s0;
	[bflag:$0x2] =	sbarrier.arrive $0xFFFF  }
0x39: {  	[sflag:s0] =	ssyncadd.tile.s32 @!p0 $0x1;
	_ =	shalt  }
.Lfunc_end2:
_tile_overlayer_lowered:
.L_overlay_start_2:
0x3a: {  	(tag) =	ssettag $0x2  }
0x3b: {  	s0 =	rddreg [dreg:$0x0];
	s2 =	stileid.u32  }
0x3c: {  	s1 =	rddreg [dreg:$0x1];
	p0 =	sne.s32 s2, $0x0  }
0x3d: {  	s3 =	rddreg [dreg:$0x2];
	[bflag:$0x3] =	sbarrier.arrive $0xFFFF;
	s2 =	simm.s32 @!p0 $0x1C01  }
0x3e: {  	[timem:s3], [sflag:s2] =	dma.local @!p0 [hbm:s0], s1  }
0x3f: {  	s0 =	simm.s32 @!p0 $0x1  }
0x40: {  	_ =	swait.ge @!p0 [sflag:s0], s1  }
0x41: {  	s1 =	ssub.s32 @!p0 $0x0, s1;
	[sflag:s0] =	ssyncset.done @!p0 $0x0  }
0x42: {  	[sflag:s0] =	ssyncadd.s32 @!p0 s1  }
0x43: {  	[bflag:$0x3] =	sbarrier.arrive $0xFFFF  }
0x44: {  	_ =	shalt  }

</sc_bundles>
